<compile_context>
chip_gen: v7x
topology: tpu7x:2x2x1
jax: 0.10.2.dev20260603
libtpu: 0.0.44.dev20260713+nightly
codegen_flags: <defaults>
</compile_context>

<pallas_src>
import functools

import jax
import jax.numpy as jnp
from jax import lax
from jax.experimental import pallas as pl
from jax.experimental.pallas import tpu as pltpu
from jax.experimental.pallas import tpu_sc as plsc

D = 64
B, L = 4096, 200
N = B * L
NC, NS = 2, 16
NW = NC * NS
W = 200
WPAD = 208
NBLK = N // (NW * W)
NIDX = 8
NSTR = 4

V_OFF, V_TT, V_PT, V_POS2 = 4, 8, 32, 32
V_SCRIM, V_START = 128, 128
VG1 = V_OFF * V_TT * V_PT * V_POS2
VG2 = V_SCRIM * V_START


def _build_tables_body(t_off, t_tt, t_pt, t_pos2, t_scrim, t_start, g1, g2):
    a = t_off[...].reshape(V_OFF, 1, D) + t_tt[...].reshape(1, V_TT, D)
    a = a.reshape(V_OFF * V_TT, D)
    bb = t_pt[...].reshape(V_PT, 1, D) + t_pos2[...].reshape(1, V_POS2, D)
    bb = bb.reshape(V_PT * V_POS2, D)
    g1[:, 0:D] = (a.reshape(V_OFF * V_TT, 1, D)
                  + bb.reshape(1, V_PT * V_POS2, D)).reshape(VG1, D)
    g2[:, 0:D] = (t_scrim[...].reshape(V_SCRIM, 1, D)
                  + t_start[...].reshape(1, V_START, D)).reshape(VG2, D)


_build_tables = pl.pallas_call(
    _build_tables_body,
    out_shape=[jax.ShapeDtypeStruct((VG1, 2 * D), jnp.float32),
               jax.ShapeDtypeStruct((VG2, 2 * D), jnp.float32)],
)

VOC_BIG = 1000000

_mesh = plsc.VectorSubcoreMesh(core_axis_name="c", subcore_axis_name="s")


@functools.partial(
    pl.kernel,
    mesh=_mesh,
    out_type=jax.ShapeDtypeStruct((N, 2 * D), jnp.float32),
    scratch_types=(
        [pltpu.VMEM((NIDX, WPAD), jnp.int32) for _ in range(2)]
        + [pltpu.VMEM((W, D), jnp.float32) for _ in range(2 * (NSTR - 1))]
        + [pltpu.VMEM((W, D), jnp.float32) for _ in range(2)]
        + [pltpu.SemaphoreType.DMA] * 6
    ),
    compiler_params=pltpu.CompilerParams(use_tc_tiling_on_sc=False),
)
def _sc_embed4(i0, i1, i2, i3, i4, i5, i6, i7,
               big_hbm, pos_hbm, g1_hbm, g2_hbm, out_hbm,
               idx0, idx1, b01, b02, b03, b11, b12, b13,
               ob0, ob1, si0, si1, sg0, sg1, so0, so1):
    idx_hbm = (i0, i1, i2, i3, i4, i5, i6, i7)
    idx_v = (idx0, idx1)
    outb = (ob0, ob1)
    bufs = ((ob0, b01, b02, b03), (ob1, b11, b12, b13))
    sem_idx = (si0, si1)
    sem_g = (sg0, sg1)
    sem_out = (so0, so1)

    wid = lax.axis_index("s") * NC + lax.axis_index("c")
    g0 = wid * NBLK
    tables = (big_hbm, pos_hbm, g1_hbm, g2_hbm)

    def fire_idx(j, s):
        for t in range(NIDX):
            pltpu.async_copy(idx_hbm[t].at[pl.ds((g0 + j) * W, W)],
                             idx_v[s].at[t, pl.ds(0, W)], sem_idx[s])

    def wait_idx(j, s):
        for t in range(NIDX):
            pltpu.make_async_copy(idx_hbm[t].at[pl.ds((g0 + j) * W, W)],
                                  idx_v[s].at[t, pl.ds(0, W)],
                                  sem_idx[s]).wait()

    def fuse(s):
        iv = idx_v[s]
        for k in range(0, WPAD, 16):
            sl = pl.ds(k, 16)
            r2 = iv[2, sl]
            r3 = iv[3, sl]
            r4 = iv[4, sl]
            r5 = iv[5, sl]
            r6 = iv[6, sl]
            r7 = iv[7, sl]
            iv[2, sl] = (((r5 * V_TT + r6) * V_PT + r7) * V_POS2 + r2) * 2
            iv[3, sl] = (r3 * V_START + r4) * 2

    def fire_gathers(s):
        for t in range(NSTR):
            pltpu.async_copy(tables[t].at[idx_v[s].at[t, pl.ds(0, W)]],
                             bufs[s][t], sem_g[s])

    def wait_gathers(s):
        for t in range(NSTR):
            pltpu.make_async_copy(tables[t].at[idx_v[s].at[t, pl.ds(0, W)]],
                                  bufs[s][t], sem_g[s]).wait()

    def adds(s):
        ob, b1, b2, b3 = bufs[s]

        @pl.loop(0, W)
        def _(r):
            for c in range(0, D, 16):
                sl = pl.ds(c, 16)
                ob[r, sl] = ob[r, sl] + b1[r, sl] + b2[r, sl] + b3[r, sl]

    def fire_out(j, s):
        pltpu.async_copy(outb[s],
                         out_hbm.at[pl.ds((g0 + j) * W, W), pl.ds(0, D)],
                         sem_out[s])

    def wait_out(j, s):
        pltpu.make_async_copy(outb[s],
                              out_hbm.at[pl.ds((g0 + j) * W, W), pl.ds(0, D)],
                              sem_out[s]).wait()

    fire_idx(0, 0)
    fire_idx(1, 1)
    wait_idx(0, 0)
    fuse(0)
    fire_gathers(0)

    @pl.loop(0, NBLK, step=2)
    def _outer(jj):
        for s in (0, 1):
            j = jj + s
            o = s ^ 1

            @pl.when(j >= 1)
            def _():
                wait_out(j - 1, o)

            @pl.when(j + 1 < NBLK)
            def _():
                wait_idx(j + 1, o)
                fuse(o)
                fire_gathers(o)

            wait_gathers(s)
            adds(s)
            fire_out(j, s)

            @pl.when(j + 2 < NBLK)
            def _():
                fire_idx(j + 2, s)

    wait_out(NBLK - 1, 1)


def kernel(input_ids, pos_ids, position_ids, scrim_ids, start_ids, OffDef,
           token_type_ids, PlayType, T_input_ids, T_pos_ids, T_position_ids,
           T_scrim_ids, T_start_ids, T_OffDef, T_token_type_ids, T_PlayType):
    idxs = [
        x.astype(jnp.int32).reshape(-1)
        for x in (input_ids, pos_ids, position_ids, scrim_ids, start_ids,
                  OffDef, token_type_ids, PlayType)
    ]
    g1, g2 = _build_tables(T_OffDef, T_token_type_ids, T_PlayType,
                           T_position_ids, T_scrim_ids, T_start_ids)
    big = T_input_ids
    out = _sc_embed4(*idxs, big, T_pos_ids,
                     g1.reshape(2 * VG1, D), g2.reshape(2 * VG2, D))
    return out.reshape(B, L, 2 * D)[:, :, :D]

# --- scband reference (transcript-rebuilt; emitter-appended) ---
"""Pipeline reference for scband-embedding-87153476370457 (READ-ONLY COPY).

The authoritative reference and input builder live on the scoring server;
editing this copy changes nothing except your own understanding.
"""

import jax, jax.numpy as jnp
import numpy as np

EMBED_DIM = 64
B, L = 4096, 200
VOCABS = {
    'input_ids': 1000000,
    'pos_ids': 512,
    'position_ids': 32,
    'scrim_ids': 128,
    'start_ids': 128,
    'OffDef': 4,
    'token_type_ids': 8,
    'PlayType': 32,
}

def setup_inputs(seed: int = 0) -> dict:
    key = jax.random.key(seed)
    inp = {}
    i = 0
    for name, vocab in VOCABS.items():
        inp[name] = jax.random.randint(jax.random.fold_in(key, i), (B, L), 0, vocab, dtype=jnp.int64 if jax.config.jax_enable_x64 else jnp.int32)
        i += 1
    # embedding tables (keras Embedding default uniform init)
    for name, vocab in VOCABS.items():
        inp['T_' + name] = jax.random.uniform(jax.random.fold_in(key, i), (vocab, EMBED_DIM), dtype=jnp.float32, minval=-0.05, maxval=0.05)
        i += 1
    return inp

def reference(input_ids, pos_ids, position_ids, scrim_ids, start_ids, OffDef, token_type_ids, PlayType,
              T_input_ids, T_pos_ids, T_position_ids, T_scrim_ids, T_start_ids, T_OffDef, T_token_type_ids, T_PlayType):
    input_embed = jnp.take(T_input_ids, input_ids, axis=0)
    positional_embed = jnp.take(T_pos_ids, pos_ids, axis=0)
    position_embed = jnp.take(T_position_ids, position_ids, axis=0)
    scrim_embed = jnp.take(T_scrim_ids, scrim_ids, axis=0)
    start_embed = jnp.take(T_start_ids, start_ids, axis=0)
    type_embed = jnp.take(T_token_type_ids, token_type_ids, axis=0)
    offdef_embed = jnp.take(T_OffDef, OffDef, axis=0)
    playtype_embed = jnp.take(T_PlayType, PlayType, axis=0)
    embed = input_embed + positional_embed + position_embed + scrim_embed + start_embed + type_embed + offdef_embed + playtype_embed
    return embed

if __name__ == "__main__":
    import jax
    _d = setup_inputs()
    print(jax.jit(kernel)(*tuple(_d.values())))

</pallas_src>

<mosaic_0001>
#map = affine_map<(d0, d1) -> (0)>
#map1 = affine_map<(d0, d1) -> (0, 0)>
module attributes {stable_mosaic.version = 14 : i64} {
  func.func @_sc_embed4(%arg0: i32, %arg1: i32, %arg2: memref<819200xi32, #tpu.memory_space<hbm>>, %arg3: memref<819200xi32, #tpu.memory_space<hbm>>, %arg4: memref<819200xi32, #tpu.memory_space<hbm>>, %arg5: memref<819200xi32, #tpu.memory_space<hbm>>, %arg6: memref<819200xi32, #tpu.memory_space<hbm>>, %arg7: memref<819200xi32, #tpu.memory_space<hbm>>, %arg8: memref<819200xi32, #tpu.memory_space<hbm>>, %arg9: memref<819200xi32, #tpu.memory_space<hbm>>, %arg10: memref<1000000x64xf32, #tpu.memory_space<hbm>>, %arg11: memref<512x64xf32, #tpu.memory_space<hbm>>, %arg12: memref<65536x64xf32, #tpu.memory_space<hbm>>, %arg13: memref<32768x64xf32, #tpu.memory_space<hbm>>, %arg14: memref<819200x128xf32, #tpu.memory_space<hbm>>, %arg15: memref<8x208xi32, #tpu.memory_space<vmem>>, %arg16: memref<8x208xi32, #tpu.memory_space<vmem>>, %arg17: memref<200x64xf32, #tpu.memory_space<vmem>>, %arg18: memref<200x64xf32, #tpu.memory_space<vmem>>, %arg19: memref<200x64xf32, #tpu.memory_space<vmem>>, %arg20: memref<200x64xf32, #tpu.memory_space<vmem>>, %arg21: memref<200x64xf32, #tpu.memory_space<vmem>>, %arg22: memref<200x64xf32, #tpu.memory_space<vmem>>, %arg23: memref<200x64xf32, #tpu.memory_space<vmem>>, %arg24: memref<200x64xf32, #tpu.memory_space<vmem>>, %arg25: memref<!tpu.dma_semaphore, #tpu.memory_space<semaphore_mem>>, %arg26: memref<!tpu.dma_semaphore, #tpu.memory_space<semaphore_mem>>, %arg27: memref<!tpu.dma_semaphore, #tpu.memory_space<semaphore_mem>>, %arg28: memref<!tpu.dma_semaphore, #tpu.memory_space<semaphore_mem>>, %arg29: memref<!tpu.dma_semaphore, #tpu.memory_space<semaphore_mem>>, %arg30: memref<!tpu.dma_semaphore, #tpu.memory_space<semaphore_mem>>) attributes {dimension_semantics = [#tpu.dimension_semantics<core_parallel>, #tpu.dimension_semantics<subcore_parallel>], iteration_bounds = array<i64: 2, 16>, scalar_prefetch = 0 : i64, scratch_operands = 16 : i64, tpu.core_type = #tpu.core_type<sc_vector_subcore>, window_params = [{transform_indices = #map}, {transform_indices = #map}, {transform_indices = #map}, {transform_indices = #map}, {transform_indices = #map}, {transform_indices = #map}, {transform_indices = #map}, {transform_indices = #map}, {transform_indices = #map1}, {transform_indices = #map1}, {transform_indices = #map1}, {transform_indices = #map1}, {transform_indices = #map1}]} {
    %mul3A = arith.constant 2 : i32
    %mul3A_0 = arith.muli %arg1, %mul3A : i32
    %add3A = arith.addi %mul3A_0, %arg0 : i32
    %mul3A_1 = arith.constant 128 : i32
    %mul3A_2 = arith.muli %add3A, %mul3A_1 : i32
    %add3A_3 = arith.constant 0 : i32
    %add3A_4 = arith.addi %mul3A_2, %add3A_3 : i32
    %mul3A_5 = arith.constant 200 : i32
    %mul3A_6 = arith.muli %add3A_4, %mul3A_5 : i32
    %dma_start3A = arith.constant 0 : i32
    %dma_start3A_7 = arith.constant 0 : i32
    %dma_start3A_8 = tpu.memref_slice %arg15[%dma_start3A, %dma_start3A_7] : memref<8x208xi32, #tpu.memory_space<vmem>> -> memref<1x200xi32, #tpu.memory_space<vmem>>
    %dma_start3A_9 = tpu.memref_squeeze %dma_start3A_8 : memref<1x200xi32, #tpu.memory_space<vmem>> -> memref<200xi32, #tpu.memory_space<vmem>>
    %dma_start3A_10 = tpu.memref_slice %arg2[%mul3A_6] : memref<819200xi32, #tpu.memory_space<hbm>> -> memref<200xi32, #tpu.memory_space<hbm>>
    %dma_start3A_11 = arith.constant 0 : i32
    %dma_start3A_12 = tpu.memref_slice %arg15[%dma_start3A, %dma_start3A_11] : memref<8x208xi32, #tpu.memory_space<vmem>> -> memref<1x200xi32, #tpu.memory_space<vmem>>
    %dma_start3A_13 = tpu.memref_squeeze %dma_start3A_12 : memref<1x200xi32, #tpu.memory_space<vmem>> -> memref<200xi32, #tpu.memory_space<vmem>>
    %dma_start3A_14 = tpu.memref_slice %arg2[%mul3A_6] : memref<819200xi32, #tpu.memory_space<hbm>> -> memref<200xi32, #tpu.memory_space<hbm>>
    tpu.enqueue_dma source(%dma_start3A_14 : memref<200xi32, #tpu.memory_space<hbm>>) target(%dma_start3A_13 : memref<200xi32, #tpu.memory_space<vmem>>) target_semaphore(%arg25 : memref<!tpu.dma_semaphore, #tpu.memory_space<semaphore_mem>>)
    %add3A_15 = arith.constant 0 : i32
    %add3A_16 = arith.addi %mul3A_2, %add3A_15 : i32
    %mul3A_17 = arith.constant 200 : i32
    %mul3A_18 = arith.muli %add3A_16, %mul3A_17 : i32
    %dma_start3A_19 = arith.constant 1 : i32
    %dma_start3A_20 = arith.constant 0 : i32
    %dma_start3A_21 = tpu.memref_slice %arg15[%dma_start3A_19, %dma_start3A_20] : memref<8x208xi32, #tpu.memory_space<vmem>> -> memref<1x200xi32, #tpu.memory_space<vmem>>
    %dma_start3A_22 = tpu.memref_squeeze %dma_start3A_21 : memref<1x200xi32, #tpu.memory_space<vmem>> -> memref<200xi32, #tpu.memory_space<vmem>>
    %dma_start3A_23 = tpu.memref_slice %arg3[%mul3A_18] : memref<819200xi32, #tpu.memory_space<hbm>> -> memref<200xi32, #tpu.memory_space<hbm>>
    %dma_start3A_24 = arith.constant 0 : i32
    %dma_start3A_25 = tpu.memref_slice %arg15[%dma_start3A_19, %dma_start3A_24] : memref<8x208xi32, #tpu.memory_space<vmem>> -> memref<1x200xi32, #tpu.memory_space<vmem>>
    %dma_start3A_26 = tpu.memref_squeeze %dma_start3A_25 : memref<1x200xi32, #tpu.memory_space<vmem>> -> memref<200xi32, #tpu.memory_space<vmem>>
    %dma_start3A_27 = tpu.memref_slice %arg3[%mul3A_18] : memref<819200xi32, #tpu.memory_space<hbm>> -> memref<200xi32, #tpu.memory_space<hbm>>
    tpu.enqueue_dma source(%dma_start3A_27 : memref<200xi32, #tpu.memory_space<hbm>>) target(%dma_start3A_26 : memref<200xi32, #tpu.memory_space<vmem>>) target_semaphore(%arg25 : memref<!tpu.dma_semaphore, #tpu.memory_space<semaphore_mem>>)
    %add3A_28 = arith.constant 0 : i32
    %add3A_29 = arith.addi %mul3A_2, %add3A_28 : i32
    %mul3A_30 = arith.constant 200 : i32
    %mul3A_31 = arith.muli %add3A_29, %mul3A_30 : i32
    %dma_start3A_32 = arith.constant 2 : i32
    %dma_start3A_33 = arith.constant 0 : i32
    %dma_start3A_34 = tpu.memref_slice %arg15[%dma_start3A_32, %dma_start3A_33] : memref<8x208xi32, #tpu.memory_space<vmem>> -> memref<1x200xi32, #tpu.memory_space<vmem>>
    %dma_start3A_35 = tpu.memref_squeeze %dma_start3A_34 : memref<1x200xi32, #tpu.memory_space<vmem>> -> memref<200xi32, #tpu.memory_space<vmem>>
    %dma_start3A_36 = tpu.memref_slice %arg4[%mul3A_31] : memref<819200xi32, #tpu.memory_space<hbm>> -> memref<200xi32, #tpu.memory_space<hbm>>
    %dma_start3A_37 = arith.constant 0 : i32
    %dma_start3A_38 = tpu.memref_slice %arg15[%dma_start3A_32, %dma_start3A_37] : memref<8x208xi32, #tpu.memory_space<vmem>> -> memref<1x200xi32, #tpu.memory_space<vmem>>
    %dma_start3A_39 = tpu.memref_squeeze %dma_start3A_38 : memref<1x200xi32, #tpu.memory_space<vmem>> -> memref<200xi32, #tpu.memory_space<vmem>>
    %dma_start3A_40 = tpu.memref_slice %arg4[%mul3A_31] : memref<819200xi32, #tpu.memory_space<hbm>> -> memref<200xi32, #tpu.memory_space<hbm>>
    tpu.enqueue_dma source(%dma_start3A_40 : memref<200xi32, #tpu.memory_space<hbm>>) target(%dma_start3A_39 : memref<200xi32, #tpu.memory_space<vmem>>) target_semaphore(%arg25 : memref<!tpu.dma_semaphore, #tpu.memory_space<semaphore_mem>>)
    %add3A_41 = arith.constant 0 : i32
    %add3A_42 = arith.addi %mul3A_2, %add3A_41 : i32
    %mul3A_43 = arith.constant 200 : i32
    %mul3A_44 = arith.muli %add3A_42, %mul3A_43 : i32
    %dma_start3A_45 = arith.constant 3 : i32
    %dma_start3A_46 = arith.constant 0 : i32
    %dma_start3A_47 = tpu.memref_slice %arg15[%dma_start3A_45, %dma_start3A_46] : memref<8x208xi32, #tpu.memory_space<vmem>> -> memref<1x200xi32, #tpu.memory_space<vmem>>
    %dma_start3A_48 = tpu.memref_squeeze %dma_start3A_47 : memref<1x200xi32, #tpu.memory_space<vmem>> -> memref<200xi32, #tpu.memory_space<vmem>>
    %dma_start3A_49 = tpu.memref_slice %arg5[%mul3A_44] : memref<819200xi32, #tpu.memory_space<hbm>> -> memref<200xi32, #tpu.memory_space<hbm>>
    %dma_start3A_50 = arith.constant 0 : i32
    %dma_start3A_51 = tpu.memref_slice %arg15[%dma_start3A_45, %dma_start3A_50] : memref<8x208xi32, #tpu.memory_space<vmem>> -> memref<1x200xi32, #tpu.memory_space<vmem>>
    %dma_start3A_52 = tpu.memref_squeeze %dma_start3A_51 : memref<1x200xi32, #tpu.memory_space<vmem>> -> memref<200xi32, #tpu.memory_space<vmem>>
    %dma_start3A_53 = tpu.memref_slice %arg5[%mul3A_44] : memref<819200xi32, #tpu.memory_space<hbm>> -> memref<200xi32, #tpu.memory_space<hbm>>
    tpu.enqueue_dma source(%dma_start3A_53 : memref<200xi32, #tpu.memory_space<hbm>>) target(%dma_start3A_52 : memref<200xi32, #tpu.memory_space<vmem>>) target_semaphore(%arg25 : memref<!tpu.dma_semaphore, #tpu.memory_space<semaphore_mem>>)
    %add3A_54 = arith.constant 0 : i32
    %add3A_55 = arith.addi %mul3A_2, %add3A_54 : i32
    %mul3A_56 = arith.constant 200 : i32
    %mul3A_57 = arith.muli %add3A_55, %mul3A_56 : i32
    %dma_start3A_58 = arith.constant 4 : i32
    %dma_start3A_59 = arith.constant 0 : i32
    %dma_start3A_60 = tpu.memref_slice %arg15[%dma_start3A_58, %dma_start3A_59] : memref<8x208xi32, #tpu.memory_space<vmem>> -> memref<1x200xi32, #tpu.memory_space<vmem>>
    %dma_start3A_61 = tpu.memref_squeeze %dma_start3A_60 : memref<1x200xi32, #tpu.memory_space<vmem>> -> memref<200xi32, #tpu.memory_space<vmem>>
    %dma_start3A_62 = tpu.memref_slice %arg6[%mul3A_57] : memref<819200xi32, #tpu.memory_space<hbm>> -> memref<200xi32, #tpu.memory_space<hbm>>
    %dma_start3A_63 = arith.constant 0 : i32
    %dma_start3A_64 = tpu.memref_slice %arg15[%dma_start3A_58, %dma_start3A_63] : memref<8x208xi32, #tpu.memory_space<vmem>> -> memref<1x200xi32, #tpu.memory_space<vmem>>
    %dma_start3A_65 = tpu.memref_squeeze %dma_start3A_64 : memref<1x200xi32, #tpu.memory_space<vmem>> -> memref<200xi32, #tpu.memory_space<vmem>>
    %dma_start3A_66 = tpu.memref_slice %arg6[%mul3A_57] : memref<819200xi32, #tpu.memory_space<hbm>> -> memref<200xi32, #tpu.memory_space<hbm>>
    tpu.enqueue_dma source(%dma_start3A_66 : memref<200xi32, #tpu.memory_space<hbm>>) target(%dma_start3A_65 : memref<200xi32, #tpu.memory_space<vmem>>) target_semaphore(%arg25 : memref<!tpu.dma_semaphore, #tpu.memory_space<semaphore_mem>>)
    %add3A_67 = arith.constant 0 : i32
    %add3A_68 = arith.addi %mul3A_2, %add3A_67 : i32
    %mul3A_69 = arith.constant 200 : i32
    %mul3A_70 = arith.muli %add3A_68, %mul3A_69 : i32
    %dma_start3A_71 = arith.constant 5 : i32
    %dma_start3A_72 = arith.constant 0 : i32
    %dma_start3A_73 = tpu.memref_slice %arg15[%dma_start3A_71, %dma_start3A_72] : memref<8x208xi32, #tpu.memory_space<vmem>> -> memref<1x200xi32, #tpu.memory_space<vmem>>
    %dma_start3A_74 = tpu.memref_squeeze %dma_start3A_73 : memref<1x200xi32, #tpu.memory_space<vmem>> -> memref<200xi32, #tpu.memory_space<vmem>>
    %dma_start3A_75 = tpu.memref_slice %arg7[%mul3A_70] : memref<819200xi32, #tpu.memory_space<hbm>> -> memref<200xi32, #tpu.memory_space<hbm>>
    %dma_start3A_76 = arith.constant 0 : i32
    %dma_start3A_77 = tpu.memref_slice %arg15[%dma_start3A_71, %dma_start3A_76] : memref<8x208xi32, #tpu.memory_space<vmem>> -> memref<1x200xi32, #tpu.memory_space<vmem>>
    %dma_start3A_78 = tpu.memref_squeeze %dma_start3A_77 : memref<1x200xi32, #tpu.memory_space<vmem>> -> memref<200xi32, #tpu.memory_space<vmem>>
    %dma_start3A_79 = tpu.memref_slice %arg7[%mul3A_70] : memref<819200xi32, #tpu.memory_space<hbm>> -> memref<200xi32, #tpu.memory_space<hbm>>
    tpu.enqueue_dma source(%dma_start3A_79 : memref<200xi32, #tpu.memory_space<hbm>>) target(%dma_start3A_78 : memref<200xi32, #tpu.memory_space<vmem>>) target_semaphore(%arg25 : memref<!tpu.dma_semaphore, #tpu.memory_space<semaphore_mem>>)
    %add3A_80 = arith.constant 0 : i32
    %add3A_81 = arith.addi %mul3A_2, %add3A_80 : i32
    %mul3A_82 = arith.constant 200 : i32
    %mul3A_83 = arith.muli %add3A_81, %mul3A_82 : i32
    %dma_start3A_84 = arith.constant 6 : i32
    %dma_start3A_85 = arith.constant 0 : i32
    %dma_start3A_86 = tpu.memref_slice %arg15[%dma_start3A_84, %dma_start3A_85] : memref<8x208xi32, #tpu.memory_space<vmem>> -> memref<1x200xi32, #tpu.memory_space<vmem>>
    %dma_start3A_87 = tpu.memref_squeeze %dma_start3A_86 : memref<1x200xi32, #tpu.memory_space<vmem>> -> memref<200xi32, #tpu.memory_space<vmem>>
    %dma_start3A_88 = tpu.memref_slice %arg8[%mul3A_83] : memref<819200xi32, #tpu.memory_space<hbm>> -> memref<200xi32, #tpu.memory_space<hbm>>
    %dma_start3A_89 = arith.constant 0 : i32
    %dma_start3A_90 = tpu.memref_slice %arg15[%dma_start3A_84, %dma_start3A_89] : memref<8x208xi32, #tpu.memory_space<vmem>> -> memref<1x200xi32, #tpu.memory_space<vmem>>
    %dma_start3A_91 = tpu.memref_squeeze %dma_start3A_90 : memref<1x200xi32, #tpu.memory_space<vmem>> -> memref<200xi32, #tpu.memory_space<vmem>>
    %dma_start3A_92 = tpu.memref_slice %arg8[%mul3A_83] : memref<819200xi32, #tpu.memory_space<hbm>> -> memref<200xi32, #tpu.memory_space<hbm>>
    tpu.enqueue_dma source(%dma_start3A_92 : memref<200xi32, #tpu.memory_space<hbm>>) target(%dma_start3A_91 : memref<200xi32, #tpu.memory_space<vmem>>) target_semaphore(%arg25 : memref<!tpu.dma_semaphore, #tpu.memory_space<semaphore_mem>>)
    %add3A_93 = arith.constant 0 : i32
    %add3A_94 = arith.addi %mul3A_2, %add3A_93 : i32
    %mul3A_95 = arith.constant 200 : i32
    %mul3A_96 = arith.muli %add3A_94, %mul3A_95 : i32
    %dma_start3A_97 = arith.constant 7 : i32
    %dma_start3A_98 = arith.constant 0 : i32
    %dma_start3A_99 = tpu.memref_slice %arg15[%dma_start3A_97, %dma_start3A_98] : memref<8x208xi32, #tpu.memory_space<vmem>> -> memref<1x200xi32, #tpu.memory_space<vmem>>
    %dma_start3A_100 = tpu.memref_squeeze %dma_start3A_99 : memref<1x200xi32, #tpu.memory_space<vmem>> -> memref<200xi32, #tpu.memory_space<vmem>>
    %dma_start3A_101 = tpu.memref_slice %arg9[%mul3A_96] : memref<819200xi32, #tpu.memory_space<hbm>> -> memref<200xi32, #tpu.memory_space<hbm>>
    %dma_start3A_102 = arith.constant 0 : i32
    %dma_start3A_103 = tpu.memref_slice %arg15[%dma_start3A_97, %dma_start3A_102] : memref<8x208xi32, #tpu.memory_space<vmem>> -> memref<1x200xi32, #tpu.memory_space<vmem>>
    %dma_start3A_104 = tpu.memref_squeeze %dma_start3A_103 : memref<1x200xi32, #tpu.memory_space<vmem>> -> memref<200xi32, #tpu.memory_space<vmem>>
    %dma_start3A_105 = tpu.memref_slice %arg9[%mul3A_96] : memref<819200xi32, #tpu.memory_space<hbm>> -> memref<200xi32, #tpu.memory_space<hbm>>
    tpu.enqueue_dma source(%dma_start3A_105 : memref<200xi32, #tpu.memory_space<hbm>>) target(%dma_start3A_104 : memref<200xi32, #tpu.memory_space<vmem>>) target_semaphore(%arg25 : memref<!tpu.dma_semaphore, #tpu.memory_space<semaphore_mem>>)
    %add3A_106 = arith.constant 1 : i32
    %add3A_107 = arith.addi %mul3A_2, %add3A_106 : i32
    %mul3A_108 = arith.constant 200 : i32
    %mul3A_109 = arith.muli %add3A_107, %mul3A_108 : i32
    %dma_start3A_110 = arith.constant 0 : i32
    %dma_start3A_111 = arith.constant 0 : i32
    %dma_start3A_112 = tpu.memref_slice %arg16[%dma_start3A_110, %dma_start3A_111] : memref<8x208xi32, #tpu.memory_space<vmem>> -> memref<1x200xi32, #tpu.memory_space<vmem>>
    %dma_start3A_113 = tpu.memref_squeeze %dma_start3A_112 : memref<1x200xi32, #tpu.memory_space<vmem>> -> memref<200xi32, #tpu.memory_space<vmem>>
    %dma_start3A_114 = tpu.memref_slice %arg2[%mul3A_109] : memref<819200xi32, #tpu.memory_space<hbm>> -> memref<200xi32, #tpu.memory_space<hbm>>
    %dma_start3A_115 = arith.constant 0 : i32
    %dma_start3A_116 = tpu.memref_slice %arg16[%dma_start3A_110, %dma_start3A_115] : memref<8x208xi32, #tpu.memory_space<vmem>> -> memref<1x200xi32, #tpu.memory_space<vmem>>
    %dma_start3A_117 = tpu.memref_squeeze %dma_start3A_116 : memref<1x200xi32, #tpu.memory_space<vmem>> -> memref<200xi32, #tpu.memory_space<vmem>>
    %dma_start3A_118 = tpu.memref_slice %arg2[%mul3A_109] : memref<819200xi32, #tpu.memory_space<hbm>> -> memref<200xi32, #tpu.memory_space<hbm>>
    tpu.enqueue_dma source(%dma_start3A_118 : memref<200xi32, #tpu.memory_space<hbm>>) target(%dma_start3A_117 : memref<200xi32, #tpu.memory_space<vmem>>) target_semaphore(%arg26 : memref<!tpu.dma_semaphore, #tpu.memory_space<semaphore_mem>>)
    %add3A_119 = arith.constant 1 : i32
    %add3A_120 = arith.addi %mul3A_2, %add3A_119 : i32
    %mul3A_121 = arith.constant 200 : i32
    %mul3A_122 = arith.muli %add3A_120, %mul3A_121 : i32
    %dma_start3A_123 = arith.constant 1 : i32
    %dma_start3A_124 = arith.constant 0 : i32
    %dma_start3A_125 = tpu.memref_slice %arg16[%dma_start3A_123, %dma_start3A_124] : memref<8x208xi32, #tpu.memory_space<vmem>> -> memref<1x200xi32, #tpu.memory_space<vmem>>
    %dma_start3A_126 = tpu.memref_squeeze %dma_start3A_125 : memref<1x200xi32, #tpu.memory_space<vmem>> -> memref<200xi32, #tpu.memory_space<vmem>>
    %dma_start3A_127 = tpu.memref_slice %arg3[%mul3A_122] : memref<819200xi32, #tpu.memory_space<hbm>> -> memref<200xi32, #tpu.memory_space<hbm>>
    %dma_start3A_128 = arith.constant 0 : i32
    %dma_start3A_129 = tpu.memref_slice %arg16[%dma_start3A_123, %dma_start3A_128] : memref<8x208xi32, #tpu.memory_space<vmem>> -> memref<1x200xi32, #tpu.memory_space<vmem>>
    %dma_start3A_130 = tpu.memref_squeeze %dma_start3A_129 : memref<1x200xi32, #tpu.memory_space<vmem>> -> memref<200xi32, #tpu.memory_space<vmem>>
    %dma_start3A_131 = tpu.memref_slice %arg3[%mul3A_122] : memref<819200xi32, #tpu.memory_space<hbm>> -> memref<200xi32, #tpu.memory_space<hbm>>
    tpu.enqueue_dma source(%dma_start3A_131 : memref<200xi32, #tpu.memory_space<hbm>>) target(%dma_start3A_130 : memref<200xi32, #tpu.memory_space<vmem>>) target_semaphore(%arg26 : memref<!tpu.dma_semaphore, #tpu.memory_space<semaphore_mem>>)
    %add3A_132 = arith.constant 1 : i32
    %add3A_133 = arith.addi %mul3A_2, %add3A_132 : i32
    %mul3A_134 = arith.constant 200 : i32
    %mul3A_135 = arith.muli %add3A_133, %mul3A_134 : i32
    %dma_start3A_136 = arith.constant 2 : i32
    %dma_start3A_137 = arith.constant 0 : i32
    %dma_start3A_138 = tpu.memref_slice %arg16[%dma_start3A_136, %dma_start3A_137] : memref<8x208xi32, #tpu.memory_space<vmem>> -> memref<1x200xi32, #tpu.memory_space<vmem>>
    %dma_start3A_139 = tpu.memref_squeeze %dma_start3A_138 : memref<1x200xi32, #tpu.memory_space<vmem>> -> memref<200xi32, #tpu.memory_space<vmem>>
    %dma_start3A_140 = tpu.memref_slice %arg4[%mul3A_135] : memref<819200xi32, #tpu.memory_space<hbm>> -> memref<200xi32, #tpu.memory_space<hbm>>
    %dma_start3A_141 = arith.constant 0 : i32
    %dma_start3A_142 = tpu.memref_slice %arg16[%dma_start3A_136, %dma_start3A_141] : memref<8x208xi32, #tpu.memory_space<vmem>> -> memref<1x200xi32, #tpu.memory_space<vmem>>
    %dma_start3A_143 = tpu.memref_squeeze %dma_start3A_142 : memref<1x200xi32, #tpu.memory_space<vmem>> -> memref<200xi32, #tpu.memory_space<vmem>>
    %dma_start3A_144 = tpu.memref_slice %arg4[%mul3A_135] : memref<819200xi32, #tpu.memory_space<hbm>> -> memref<200xi32, #tpu.memory_space<hbm>>
    tpu.enqueue_dma source(%dma_start3A_144 : memref<200xi32, #tpu.memory_space<hbm>>) target(%dma_start3A_143 : memref<200xi32, #tpu.memory_space<vmem>>) target_semaphore(%arg26 : memref<!tpu.dma_semaphore, #tpu.memory_space<semaphore_mem>>)
    %add3A_145 = arith.constant 1 : i32
    %add3A_146 = arith.addi %mul3A_2, %add3A_145 : i32
    %mul3A_147 = arith.constant 200 : i32
    %mul3A_148 = arith.muli %add3A_146, %mul3A_147 : i32
    %dma_start3A_149 = arith.constant 3 : i32
    %dma_start3A_150 = arith.constant 0 : i32
    %dma_start3A_151 = tpu.memref_slice %arg16[%dma_start3A_149, %dma_start3A_150] : memref<8x208xi32, #tpu.memory_space<vmem>> -> memref<1x200xi32, #tpu.memory_space<vmem>>
    %dma_start3A_152 = tpu.memref_squeeze %dma_start3A_151 : memref<1x200xi32, #tpu.memory_space<vmem>> -> memref<200xi32, #tpu.memory_space<vmem>>
    %dma_start3A_153 = tpu.memref_slice %arg5[%mul3A_148] : memref<819200xi32, #tpu.memory_space<hbm>> -> memref<200xi32, #tpu.memory_space<hbm>>
    %dma_start3A_154 = arith.constant 0 : i32
    %dma_start3A_155 = tpu.memref_slice %arg16[%dma_start3A_149, %dma_start3A_154] : memref<8x208xi32, #tpu.memory_space<vmem>> -> memref<1x200xi32, #tpu.memory_space<vmem>>
    %dma_start3A_156 = tpu.memref_squeeze %dma_start3A_155 : memref<1x200xi32, #tpu.memory_space<vmem>> -> memref<200xi32, #tpu.memory_space<vmem>>
    %dma_start3A_157 = tpu.memref_slice %arg5[%mul3A_148] : memref<819200xi32, #tpu.memory_space<hbm>> -> memref<200xi32, #tpu.memory_space<hbm>>
    tpu.enqueue_dma source(%dma_start3A_157 : memref<200xi32, #tpu.memory_space<hbm>>) target(%dma_start3A_156 : memref<200xi32, #tpu.memory_space<vmem>>) target_semaphore(%arg26 : memref<!tpu.dma_semaphore, #tpu.memory_space<semaphore_mem>>)
    %add3A_158 = arith.constant 1 : i32
    %add3A_159 = arith.addi %mul3A_2, %add3A_158 : i32
    %mul3A_160 = arith.constant 200 : i32
    %mul3A_161 = arith.muli %add3A_159, %mul3A_160 : i32
    %dma_start3A_162 = arith.constant 4 : i32
    %dma_start3A_163 = arith.constant 0 : i32
    %dma_start3A_164 = tpu.memref_slice %arg16[%dma_start3A_162, %dma_start3A_163] : memref<8x208xi32, #tpu.memory_space<vmem>> -> memref<1x200xi32, #tpu.memory_space<vmem>>
    %dma_start3A_165 = tpu.memref_squeeze %dma_start3A_164 : memref<1x200xi32, #tpu.memory_space<vmem>> -> memref<200xi32, #tpu.memory_space<vmem>>
    %dma_start3A_166 = tpu.memref_slice %arg6[%mul3A_161] : memref<819200xi32, #tpu.memory_space<hbm>> -> memref<200xi32, #tpu.memory_space<hbm>>
    %dma_start3A_167 = arith.constant 0 : i32
    %dma_start3A_168 = tpu.memref_slice %arg16[%dma_start3A_162, %dma_start3A_167] : memref<8x208xi32, #tpu.memory_space<vmem>> -> memref<1x200xi32, #tpu.memory_space<vmem>>
    %dma_start3A_169 = tpu.memref_squeeze %dma_start3A_168 : memref<1x200xi32, #tpu.memory_space<vmem>> -> memref<200xi32, #tpu.memory_space<vmem>>
    %dma_start3A_170 = tpu.memref_slice %arg6[%mul3A_161] : memref<819200xi32, #tpu.memory_space<hbm>> -> memref<200xi32, #tpu.memory_space<hbm>>
    tpu.enqueue_dma source(%dma_start3A_170 : memref<200xi32, #tpu.memory_space<hbm>>) target(%dma_start3A_169 : memref<200xi32, #tpu.memory_space<vmem>>) target_semaphore(%arg26 : memref<!tpu.dma_semaphore, #tpu.memory_space<semaphore_mem>>)
    %add3A_171 = arith.constant 1 : i32
    %add3A_172 = arith.addi %mul3A_2, %add3A_171 : i32
    %mul3A_173 = arith.constant 200 : i32
    %mul3A_174 = arith.muli %add3A_172, %mul3A_173 : i32
    %dma_start3A_175 = arith.constant 5 : i32
    %dma_start3A_176 = arith.constant 0 : i32
    %dma_start3A_177 = tpu.memref_slice %arg16[%dma_start3A_175, %dma_start3A_176] : memref<8x208xi32, #tpu.memory_space<vmem>> -> memref<1x200xi32, #tpu.memory_space<vmem>>
    %dma_start3A_178 = tpu.memref_squeeze %dma_start3A_177 : memref<1x200xi32, #tpu.memory_space<vmem>> -> memref<200xi32, #tpu.memory_space<vmem>>
    %dma_start3A_179 = tpu.memref_slice %arg7[%mul3A_174] : memref<819200xi32, #tpu.memory_space<hbm>> -> memref<200xi32, #tpu.memory_space<hbm>>
    %dma_start3A_180 = arith.constant 0 : i32
    %dma_start3A_181 = tpu.memref_slice %arg16[%dma_start3A_175, %dma_start3A_180] : memref<8x208xi32, #tpu.memory_space<vmem>> -> memref<1x200xi32, #tpu.memory_space<vmem>>
    %dma_start3A_182 = tpu.memref_squeeze %dma_start3A_181 : memref<1x200xi32, #tpu.memory_space<vmem>> -> memref<200xi32, #tpu.memory_space<vmem>>
    %dma_start3A_183 = tpu.memref_slice %arg7[%mul3A_174] : memref<819200xi32, #tpu.memory_space<hbm>> -> memref<200xi32, #tpu.memory_space<hbm>>
    tpu.enqueue_dma source(%dma_start3A_183 : memref<200xi32, #tpu.memory_space<hbm>>) target(%dma_start3A_182 : memref<200xi32, #tpu.memory_space<vmem>>) target_semaphore(%arg26 : memref<!tpu.dma_semaphore, #tpu.memory_space<semaphore_mem>>)
    %add3A_184 = arith.constant 1 : i32
    %add3A_185 = arith.addi %mul3A_2, %add3A_184 : i32
    %mul3A_186 = arith.constant 200 : i32
    %mul3A_187 = arith.muli %add3A_185, %mul3A_186 : i32
    %dma_start3A_188 = arith.constant 6 : i32
    %dma_start3A_189 = arith.constant 0 : i32
    %dma_start3A_190 = tpu.memref_slice %arg16[%dma_start3A_188, %dma_start3A_189] : memref<8x208xi32, #tpu.memory_space<vmem>> -> memref<1x200xi32, #tpu.memory_space<vmem>>
    %dma_start3A_191 = tpu.memref_squeeze %dma_start3A_190 : memref<1x200xi32, #tpu.memory_space<vmem>> -> memref<200xi32, #tpu.memory_space<vmem>>
    %dma_start3A_192 = tpu.memref_slice %arg8[%mul3A_187] : memref<819200xi32, #tpu.memory_space<hbm>> -> memref<200xi32, #tpu.memory_space<hbm>>
    %dma_start3A_193 = arith.constant 0 : i32
    %dma_start3A_194 = tpu.memref_slice %arg16[%dma_start3A_188, %dma_start3A_193] : memref<8x208xi32, #tpu.memory_space<vmem>> -> memref<1x200xi32, #tpu.memory_space<vmem>>
    %dma_start3A_195 = tpu.memref_squeeze %dma_start3A_194 : memref<1x200xi32, #tpu.memory_space<vmem>> -> memref<200xi32, #tpu.memory_space<vmem>>
    %dma_start3A_196 = tpu.memref_slice %arg8[%mul3A_187] : memref<819200xi32, #tpu.memory_space<hbm>> -> memref<200xi32, #tpu.memory_space<hbm>>
    tpu.enqueue_dma source(%dma_start3A_196 : memref<200xi32, #tpu.memory_space<hbm>>) target(%dma_start3A_195 : memref<200xi32, #tpu.memory_space<vmem>>) target_semaphore(%arg26 : memref<!tpu.dma_semaphore, #tpu.memory_space<semaphore_mem>>)
    %add3A_197 = arith.constant 1 : i32
    %add3A_198 = arith.addi %mul3A_2, %add3A_197 : i32
    %mul3A_199 = arith.constant 200 : i32
    %mul3A_200 = arith.muli %add3A_198, %mul3A_199 : i32
    %dma_start3A_201 = arith.constant 7 : i32
    %dma_start3A_202 = arith.constant 0 : i32
    %dma_start3A_203 = tpu.memref_slice %arg16[%dma_start3A_201, %dma_start3A_202] : memref<8x208xi32, #tpu.memory_space<vmem>> -> memref<1x200xi32, #tpu.memory_space<vmem>>
    %dma_start3A_204 = tpu.memref_squeeze %dma_start3A_203 : memref<1x200xi32, #tpu.memory_space<vmem>> -> memref<200xi32, #tpu.memory_space<vmem>>
    %dma_start3A_205 = tpu.memref_slice %arg9[%mul3A_200] : memref<819200xi32, #tpu.memory_space<hbm>> -> memref<200xi32, #tpu.memory_space<hbm>>
    %dma_start3A_206 = arith.constant 0 : i32
    %dma_start3A_207 = tpu.memref_slice %arg16[%dma_start3A_201, %dma_start3A_206] : memref<8x208xi32, #tpu.memory_space<vmem>> -> memref<1x200xi32, #tpu.memory_space<vmem>>
    %dma_start3A_208 = tpu.memref_squeeze %dma_start3A_207 : memref<1x200xi32, #tpu.memory_space<vmem>> -> memref<200xi32, #tpu.memory_space<vmem>>
    %dma_start3A_209 = tpu.memref_slice %arg9[%mul3A_200] : memref<819200xi32, #tpu.memory_space<hbm>> -> memref<200xi32, #tpu.memory_space<hbm>>
    tpu.enqueue_dma source(%dma_start3A_209 : memref<200xi32, #tpu.memory_space<hbm>>) target(%dma_start3A_208 : memref<200xi32, #tpu.memory_space<vmem>>) target_semaphore(%arg26 : memref<!tpu.dma_semaphore, #tpu.memory_space<semaphore_mem>>)
    %add3A_210 = arith.constant 0 : i32
    %add3A_211 = arith.addi %mul3A_2, %add3A_210 : i32
    %mul3A_212 = arith.constant 200 : i32
    %mul3A_213 = arith.muli %add3A_211, %mul3A_212 : i32
    %dma_wait3A = arith.constant 0 : i32
    %dma_wait3A_214 = arith.constant 0 : i32
    %dma_wait3A_215 = tpu.memref_slice %arg15[%dma_wait3A, %dma_wait3A_214] : memref<8x208xi32, #tpu.memory_space<vmem>> -> memref<1x200xi32, #tpu.memory_space<vmem>>
    %dma_wait3A_216 = tpu.memref_squeeze %dma_wait3A_215 : memref<1x200xi32, #tpu.memory_space<vmem>> -> memref<200xi32, #tpu.memory_space<vmem>>
    %dma_wait3A_217 = tpu.memref_slice %arg2[%mul3A_213] : memref<819200xi32, #tpu.memory_space<hbm>> -> memref<200xi32, #tpu.memory_space<hbm>>
    %dma_wait3A_218 = arith.constant 0 : i32
    %dma_wait3A_219 = tpu.memref_slice %arg15[%dma_wait3A, %dma_wait3A_218] : memref<8x208xi32, #tpu.memory_space<vmem>> -> memref<1x200xi32, #tpu.memory_space<vmem>>
    %dma_wait3A_220 = tpu.memref_squeeze %dma_wait3A_219 : memref<1x200xi32, #tpu.memory_space<vmem>> -> memref<200xi32, #tpu.memory_space<vmem>>
    %dma_wait3A_221 = tpu.memref_slice %arg2[%mul3A_213] : memref<819200xi32, #tpu.memory_space<hbm>> -> memref<200xi32, #tpu.memory_space<hbm>>
    tpu.wait_dma2 semaphore(%arg25 : memref<!tpu.dma_semaphore, #tpu.memory_space<semaphore_mem>>) src(%dma_wait3A_221 : memref<200xi32, #tpu.memory_space<hbm>>) dst(%dma_wait3A_220 : memref<200xi32, #tpu.memory_space<vmem>>)
    %add3A_222 = arith.constant 0 : i32
    %add3A_223 = arith.addi %mul3A_2, %add3A_222 : i32
    %mul3A_224 = arith.constant 200 : i32
    %mul3A_225 = arith.muli %add3A_223, %mul3A_224 : i32
    %dma_wait3A_226 = arith.constant 1 : i32
    %dma_wait3A_227 = arith.constant 0 : i32
    %dma_wait3A_228 = tpu.memref_slice %arg15[%dma_wait3A_226, %dma_wait3A_227] : memref<8x208xi32, #tpu.memory_space<vmem>> -> memref<1x200xi32, #tpu.memory_space<vmem>>
    %dma_wait3A_229 = tpu.memref_squeeze %dma_wait3A_228 : memref<1x200xi32, #tpu.memory_space<vmem>> -> memref<200xi32, #tpu.memory_space<vmem>>
    %dma_wait3A_230 = tpu.memref_slice %arg3[%mul3A_225] : memref<819200xi32, #tpu.memory_space<hbm>> -> memref<200xi32, #tpu.memory_space<hbm>>
    %dma_wait3A_231 = arith.constant 0 : i32
    %dma_wait3A_232 = tpu.memref_slice %arg15[%dma_wait3A_226, %dma_wait3A_231] : memref<8x208xi32, #tpu.memory_space<vmem>> -> memref<1x200xi32, #tpu.memory_space<vmem>>
    %dma_wait3A_233 = tpu.memref_squeeze %dma_wait3A_232 : memref<1x200xi32, #tpu.memory_space<vmem>> -> memref<200xi32, #tpu.memory_space<vmem>>
    %dma_wait3A_234 = tpu.memref_slice %arg3[%mul3A_225] : memref<819200xi32, #tpu.memory_space<hbm>> -> memref<200xi32, #tpu.memory_space<hbm>>
    tpu.wait_dma2 semaphore(%arg25 : memref<!tpu.dma_semaphore, #tpu.memory_space<semaphore_mem>>) src(%dma_wait3A_234 : memref<200xi32, #tpu.memory_space<hbm>>) dst(%dma_wait3A_233 : memref<200xi32, #tpu.memory_space<vmem>>)
    %add3A_235 = arith.constant 0 : i32
    %add3A_236 = arith.addi %mul3A_2, %add3A_235 : i32
    %mul3A_237 = arith.constant 200 : i32
    %mul3A_238 = arith.muli %add3A_236, %mul3A_237 : i32
    %dma_wait3A_239 = arith.constant 2 : i32
    %dma_wait3A_240 = arith.constant 0 : i32
    %dma_wait3A_241 = tpu.memref_slice %arg15[%dma_wait3A_239, %dma_wait3A_240] : memref<8x208xi32, #tpu.memory_space<vmem>> -> memref<1x200xi32, #tpu.memory_space<vmem>>
    %dma_wait3A_242 = tpu.memref_squeeze %dma_wait3A_241 : memref<1x200xi32, #tpu.memory_space<vmem>> -> memref<200xi32, #tpu.memory_space<vmem>>
    %dma_wait3A_243 = tpu.memref_slice %arg4[%mul3A_238] : memref<819200xi32, #tpu.memory_space<hbm>> -> memref<200xi32, #tpu.memory_space<hbm>>
    %dma_wait3A_244 = arith.constant 0 : i32
    %dma_wait3A_245 = tpu.memref_slice %arg15[%dma_wait3A_239, %dma_wait3A_244] : memref<8x208xi32, #tpu.memory_space<vmem>> -> memref<1x200xi32, #tpu.memory_space<vmem>>
    %dma_wait3A_246 = tpu.memref_squeeze %dma_wait3A_245 : memref<1x200xi32, #tpu.memory_space<vmem>> -> memref<200xi32, #tpu.memory_space<vmem>>
    %dma_wait3A_247 = tpu.memref_slice %arg4[%mul3A_238] : memref<819200xi32, #tpu.memory_space<hbm>> -> memref<200xi32, #tpu.memory_space<hbm>>
    tpu.wait_dma2 semaphore(%arg25 : memref<!tpu.dma_semaphore, #tpu.memory_space<semaphore_mem>>) src(%dma_wait3A_247 : memref<200xi32, #tpu.memory_space<hbm>>) dst(%dma_wait3A_246 : memref<200xi32, #tpu.memory_space<vmem>>)
    %add3A_248 = arith.constant 0 : i32
    %add3A_249 = arith.addi %mul3A_2, %add3A_248 : i32
    %mul3A_250 = arith.constant 200 : i32
    %mul3A_251 = arith.muli %add3A_249, %mul3A_250 : i32
    %dma_wait3A_252 = arith.constant 3 : i32
    %dma_wait3A_253 = arith.constant 0 : i32
    %dma_wait3A_254 = tpu.memref_slice %arg15[%dma_wait3A_252, %dma_wait3A_253] : memref<8x208xi32, #tpu.memory_space<vmem>> -> memref<1x200xi32, #tpu.memory_space<vmem>>
    %dma_wait3A_255 = tpu.memref_squeeze %dma_wait3A_254 : memref<1x200xi32, #tpu.memory_space<vmem>> -> memref<200xi32, #tpu.memory_space<vmem>>
    %dma_wait3A_256 = tpu.memref_slice %arg5[%mul3A_251] : memref<819200xi32, #tpu.memory_space<hbm>> -> memref<200xi32, #tpu.memory_space<hbm>>
    %dma_wait3A_257 = arith.constant 0 : i32
    %dma_wait3A_258 = tpu.memref_slice %arg15[%dma_wait3A_252, %dma_wait3A_257] : memref<8x208xi32, #tpu.memory_space<vmem>> -> memref<1x200xi32, #tpu.memory_space<vmem>>
    %dma_wait3A_259 = tpu.memref_squeeze %dma_wait3A_258 : memref<1x200xi32, #tpu.memory_space<vmem>> -> memref<200xi32, #tpu.memory_space<vmem>>
    %dma_wait3A_260 = tpu.memref_slice %arg5[%mul3A_251] : memref<819200xi32, #tpu.memory_space<hbm>> -> memref<200xi32, #tpu.memory_space<hbm>>
    tpu.wait_dma2 semaphore(%arg25 : memref<!tpu.dma_semaphore, #tpu.memory_space<semaphore_mem>>) src(%dma_wait3A_260 : memref<200xi32, #tpu.memory_space<hbm>>) dst(%dma_wait3A_259 : memref<200xi32, #tpu.memory_space<vmem>>)
    %add3A_261 = arith.constant 0 : i32
    %add3A_262 = arith.addi %mul3A_2, %add3A_261 : i32
    %mul3A_263 = arith.constant 200 : i32
    %mul3A_264 = arith.muli %add3A_262, %mul3A_263 : i32
    %dma_wait3A_265 = arith.constant 4 : i32
    %dma_wait3A_266 = arith.constant 0 : i32
    %dma_wait3A_267 = tpu.memref_slice %arg15[%dma_wait3A_265, %dma_wait3A_266] : memref<8x208xi32, #tpu.memory_space<vmem>> -> memref<1x200xi32, #tpu.memory_space<vmem>>
    %dma_wait3A_268 = tpu.memref_squeeze %dma_wait3A_267 : memref<1x200xi32, #tpu.memory_space<vmem>> -> memref<200xi32, #tpu.memory_space<vmem>>
    %dma_wait3A_269 = tpu.memref_slice %arg6[%mul3A_264] : memref<819200xi32, #tpu.memory_space<hbm>> -> memref<200xi32, #tpu.memory_space<hbm>>
    %dma_wait3A_270 = arith.constant 0 : i32
    %dma_wait3A_271 = tpu.memref_slice %arg15[%dma_wait3A_265, %dma_wait3A_270] : memref<8x208xi32, #tpu.memory_space<vmem>> -> memref<1x200xi32, #tpu.memory_space<vmem>>
    %dma_wait3A_272 = tpu.memref_squeeze %dma_wait3A_271 : memref<1x200xi32, #tpu.memory_space<vmem>> -> memref<200xi32, #tpu.memory_space<vmem>>
    %dma_wait3A_273 = tpu.memref_slice %arg6[%mul3A_264] : memref<819200xi32, #tpu.memory_space<hbm>> -> memref<200xi32, #tpu.memory_space<hbm>>
    tpu.wait_dma2 semaphore(%arg25 : memref<!tpu.dma_semaphore, #tpu.memory_space<semaphore_mem>>) src(%dma_wait3A_273 : memref<200xi32, #tpu.memory_space<hbm>>) dst(%dma_wait3A_272 : memref<200xi32, #tpu.memory_space<vmem>>)
    %add3A_274 = arith.constant 0 : i32
    %add3A_275 = arith.addi %mul3A_2, %add3A_274 : i32
    %mul3A_276 = arith.constant 200 : i32
    %mul3A_277 = arith.muli %add3A_275, %mul3A_276 : i32
    %dma_wait3A_278 = arith.constant 5 : i32
    %dma_wait3A_279 = arith.constant 0 : i32
    %dma_wait3A_280 = tpu.memref_slice %arg15[%dma_wait3A_278, %dma_wait3A_279] : memref<8x208xi32, #tpu.memory_space<vmem>> -> memref<1x200xi32, #tpu.memory_space<vmem>>
    %dma_wait3A_281 = tpu.memref_squeeze %dma_wait3A_280 : memref<1x200xi32, #tpu.memory_space<vmem>> -> memref<200xi32, #tpu.memory_space<vmem>>
    %dma_wait3A_282 = tpu.memref_slice %arg7[%mul3A_277] : memref<819200xi32, #tpu.memory_space<hbm>> -> memref<200xi32, #tpu.memory_space<hbm>>
    %dma_wait3A_283 = arith.constant 0 : i32
    %dma_wait3A_284 = tpu.memref_slice %arg15[%dma_wait3A_278, %dma_wait3A_283] : memref<8x208xi32, #tpu.memory_space<vmem>> -> memref<1x200xi32, #tpu.memory_space<vmem>>
    %dma_wait3A_285 = tpu.memref_squeeze %dma_wait3A_284 : memref<1x200xi32, #tpu.memory_space<vmem>> -> memref<200xi32, #tpu.memory_space<vmem>>
    %dma_wait3A_286 = tpu.memref_slice %arg7[%mul3A_277] : memref<819200xi32, #tpu.memory_space<hbm>> -> memref<200xi32, #tpu.memory_space<hbm>>
    tpu.wait_dma2 semaphore(%arg25 : memref<!tpu.dma_semaphore, #tpu.memory_space<semaphore_mem>>) src(%dma_wait3A_286 : memref<200xi32, #tpu.memory_space<hbm>>) dst(%dma_wait3A_285 : memref<200xi32, #tpu.memory_space<vmem>>)
    %add3A_287 = arith.constant 0 : i32
    %add3A_288 = arith.addi %mul3A_2, %add3A_287 : i32
    %mul3A_289 = arith.constant 200 : i32
    %mul3A_290 = arith.muli %add3A_288, %mul3A_289 : i32
    %dma_wait3A_291 = arith.constant 6 : i32
    %dma_wait3A_292 = arith.constant 0 : i32
    %dma_wait3A_293 = tpu.memref_slice %arg15[%dma_wait3A_291, %dma_wait3A_292] : memref<8x208xi32, #tpu.memory_space<vmem>> -> memref<1x200xi32, #tpu.memory_space<vmem>>
    %dma_wait3A_294 = tpu.memref_squeeze %dma_wait3A_293 : memref<1x200xi32, #tpu.memory_space<vmem>> -> memref<200xi32, #tpu.memory_space<vmem>>
    %dma_wait3A_295 = tpu.memref_slice %arg8[%mul3A_290] : memref<819200xi32, #tpu.memory_space<hbm>> -> memref<200xi32, #tpu.memory_space<hbm>>
    %dma_wait3A_296 = arith.constant 0 : i32
    %dma_wait3A_297 = tpu.memref_slice %arg15[%dma_wait3A_291, %dma_wait3A_296] : memref<8x208xi32, #tpu.memory_space<vmem>> -> memref<1x200xi32, #tpu.memory_space<vmem>>
    %dma_wait3A_298 = tpu.memref_squeeze %dma_wait3A_297 : memref<1x200xi32, #tpu.memory_space<vmem>> -> memref<200xi32, #tpu.memory_space<vmem>>
    %dma_wait3A_299 = tpu.memref_slice %arg8[%mul3A_290] : memref<819200xi32, #tpu.memory_space<hbm>> -> memref<200xi32, #tpu.memory_space<hbm>>
    tpu.wait_dma2 semaphore(%arg25 : memref<!tpu.dma_semaphore, #tpu.memory_space<semaphore_mem>>) src(%dma_wait3A_299 : memref<200xi32, #tpu.memory_space<hbm>>) dst(%dma_wait3A_298 : memref<200xi32, #tpu.memory_space<vmem>>)
    %add3A_300 = arith.constant 0 : i32
    %add3A_301 = arith.addi %mul3A_2, %add3A_300 : i32
    %mul3A_302 = arith.constant 200 : i32
    %mul3A_303 = arith.muli %add3A_301, %mul3A_302 : i32
    %dma_wait3A_304 = arith.constant 7 : i32
    %dma_wait3A_305 = arith.constant 0 : i32
    %dma_wait3A_306 = tpu.memref_slice %arg15[%dma_wait3A_304, %dma_wait3A_305] : memref<8x208xi32, #tpu.memory_space<vmem>> -> memref<1x200xi32, #tpu.memory_space<vmem>>
    %dma_wait3A_307 = tpu.memref_squeeze %dma_wait3A_306 : memref<1x200xi32, #tpu.memory_space<vmem>> -> memref<200xi32, #tpu.memory_space<vmem>>
    %dma_wait3A_308 = tpu.memref_slice %arg9[%mul3A_303] : memref<819200xi32, #tpu.memory_space<hbm>> -> memref<200xi32, #tpu.memory_space<hbm>>
    %dma_wait3A_309 = arith.constant 0 : i32
    %dma_wait3A_310 = tpu.memref_slice %arg15[%dma_wait3A_304, %dma_wait3A_309] : memref<8x208xi32, #tpu.memory_space<vmem>> -> memref<1x200xi32, #tpu.memory_space<vmem>>
    %dma_wait3A_311 = tpu.memref_squeeze %dma_wait3A_310 : memref<1x200xi32, #tpu.memory_space<vmem>> -> memref<200xi32, #tpu.memory_space<vmem>>
    %dma_wait3A_312 = tpu.memref_slice %arg9[%mul3A_303] : memref<819200xi32, #tpu.memory_space<hbm>> -> memref<200xi32, #tpu.memory_space<hbm>>
    tpu.wait_dma2 semaphore(%arg25 : memref<!tpu.dma_semaphore, #tpu.memory_space<semaphore_mem>>) src(%dma_wait3A_312 : memref<200xi32, #tpu.memory_space<hbm>>) dst(%dma_wait3A_311 : memref<200xi32, #tpu.memory_space<vmem>>)
    %get3A = arith.constant 2 : i32
    %get3A_313 = arith.index_cast %get3A : i32 to index
    %get3A_314 = arith.constant 0 : index
    %get3A_315 = tpu.vector_load %arg15[%get3A_313, %get3A_314] {strides = array<i32>} : memref<8x208xi32, #tpu.memory_space<vmem>>, vector<1x16xi32>,
    %get3A_316 = vector.shape_cast %get3A_315 : vector<1x16xi32> to vector<16xi32>
    %get3A_317 = arith.constant 3 : i32
    %get3A_318 = arith.index_cast %get3A_317 : i32 to index
    %get3A_319 = arith.constant 0 : index
    %get3A_320 = tpu.vector_load %arg15[%get3A_318, %get3A_319] {strides = array<i32>} : memref<8x208xi32, #tpu.memory_space<vmem>>, vector<1x16xi32>,
    %get3A_321 = vector.shape_cast %get3A_320 : vector<1x16xi32> to vector<16xi32>
    %get3A_322 = arith.constant 4 : i32
    %get3A_323 = arith.index_cast %get3A_322 : i32 to index
    %get3A_324 = arith.constant 0 : index
    %get3A_325 = tpu.vector_load %arg15[%get3A_323, %get3A_324] {strides = array<i32>} : memref<8x208xi32, #tpu.memory_space<vmem>>, vector<1x16xi32>,
    %get3A_326 = vector.shape_cast %get3A_325 : vector<1x16xi32> to vector<16xi32>
    %get3A_327 = arith.constant 5 : i32
    %get3A_328 = arith.index_cast %get3A_327 : i32 to index
    %get3A_329 = arith.constant 0 : index
    %get3A_330 = tpu.vector_load %arg15[%get3A_328, %get3A_329] {strides = array<i32>} : memref<8x208xi32, #tpu.memory_space<vmem>>, vector<1x16xi32>,
    %get3A_331 = vector.shape_cast %get3A_330 : vector<1x16xi32> to vector<16xi32>
    %get3A_332 = arith.constant 6 : i32
    %get3A_333 = arith.index_cast %get3A_332 : i32 to index
    %get3A_334 = arith.constant 0 : index
    %get3A_335 = tpu.vector_load %arg15[%get3A_333, %get3A_334] {strides = array<i32>} : memref<8x208xi32, #tpu.memory_space<vmem>>, vector<1x16xi32>,
    %get3A_336 = vector.shape_cast %get3A_335 : vector<1x16xi32> to vector<16xi32>
    %get3A_337 = arith.constant 7 : i32
    %get3A_338 = arith.index_cast %get3A_337 : i32 to index
    %get3A_339 = arith.constant 0 : index
    %get3A_340 = tpu.vector_load %arg15[%get3A_338, %get3A_339] {strides = array<i32>} : memref<8x208xi32, #tpu.memory_space<vmem>>, vector<1x16xi32>,
    %get3A_341 = vector.shape_cast %get3A_340 : vector<1x16xi32> to vector<16xi32>
    %mul3A_342 = arith.constant 8 : i32
    %mul3A_343 = vector.broadcast %mul3A_342 : i32 to vector<16xi32>
    %mul3A_344 = arith.muli %get3A_331, %mul3A_343 : vector<16xi32>
    %add3A_345 = arith.addi %mul3A_344, %get3A_336 : vector<16xi32>
    %mul3A_346 = arith.constant 32 : i32
    %mul3A_347 = vector.broadcast %mul3A_346 : i32 to vector<16xi32>
    %mul3A_348 = arith.muli %add3A_345, %mul3A_347 : vector<16xi32>
    %add3A_349 = arith.addi %mul3A_348, %get3A_341 : vector<16xi32>
    %mul3A_350 = arith.constant 32 : i32
    %mul3A_351 = vector.broadcast %mul3A_350 : i32 to vector<16xi32>
    %mul3A_352 = arith.muli %add3A_349, %mul3A_351 : vector<16xi32>
    %add3A_353 = arith.addi %mul3A_352, %get3A_316 : vector<16xi32>
    %mul3A_354 = arith.constant 2 : i32
    %mul3A_355 = vector.broadcast %mul3A_354 : i32 to vector<16xi32>
    %mul3A_356 = arith.muli %add3A_353, %mul3A_355 : vector<16xi32>
    %swap3A = arith.constant 2 : i32
    %swap3A_357 = arith.index_cast %swap3A : i32 to index
    %swap3A_358 = arith.constant 0 : index
    %swap3A_359 = tpu.vector_load %arg15[%swap3A_357, %swap3A_358] {strides = array<i32>} : memref<8x208xi32, #tpu.memory_space<vmem>>, vector<1x16xi32>,
    %swap3A_360 = vector.shape_cast %swap3A_359 : vector<1x16xi32> to vector<16xi32>
    %swap3A_361 = vector.shape_cast %mul3A_356 : vector<16xi32> to vector<1x16xi32>
    tpu.vector_store %arg15[%swap3A_357, %swap3A_358], %swap3A_361 {strides = array<i32>} : memref<8x208xi32, #tpu.memory_space<vmem>>, vector<1x16xi32>,
    %mul3A_362 = arith.constant 128 : i32
    %mul3A_363 = vector.broadcast %mul3A_362 : i32 to vector<16xi32>
    %mul3A_364 = arith.muli %get3A_321, %mul3A_363 : vector<16xi32>
    %add3A_365 = arith.addi %mul3A_364, %get3A_326 : vector<16xi32>
    %mul3A_366 = arith.constant 2 : i32
    %mul3A_367 = vector.broadcast %mul3A_366 : i32 to vector<16xi32>
    %mul3A_368 = arith.muli %add3A_365, %mul3A_367 : vector<16xi32>
    %swap3A_369 = arith.constant 3 : i32
    %swap3A_370 = arith.index_cast %swap3A_369 : i32 to index
    %swap3A_371 = arith.constant 0 : index
    %swap3A_372 = tpu.vector_load %arg15[%swap3A_370, %swap3A_371] {strides = array<i32>} : memref<8x208xi32, #tpu.memory_space<vmem>>, vector<1x16xi32>,
    %swap3A_373 = vector.shape_cast %swap3A_372 : vector<1x16xi32> to vector<16xi32>
    %swap3A_374 = vector.shape_cast %mul3A_368 : vector<16xi32> to vector<1x16xi32>
    tpu.vector_store %arg15[%swap3A_370, %swap3A_371], %swap3A_374 {strides = array<i32>} : memref<8x208xi32, #tpu.memory_space<vmem>>, vector<1x16xi32>,
    %get3A_375 = arith.constant 2 : i32
    %get3A_376 = arith.index_cast %get3A_375 : i32 to index
    %get3A_377 = arith.constant 16 : index
    %get3A_378 = tpu.vector_load %arg15[%get3A_376, %get3A_377] {strides = array<i32>} : memref<8x208xi32, #tpu.memory_space<vmem>>, vector<1x16xi32>,
    %get3A_379 = vector.shape_cast %get3A_378 : vector<1x16xi32> to vector<16xi32>
    %get3A_380 = arith.constant 3 : i32
    %get3A_381 = arith.index_cast %get3A_380 : i32 to index
    %get3A_382 = arith.constant 16 : index
    %get3A_383 = tpu.vector_load %arg15[%get3A_381, %get3A_382] {strides = array<i32>} : memref<8x208xi32, #tpu.memory_space<vmem>>, vector<1x16xi32>,
    %get3A_384 = vector.shape_cast %get3A_383 : vector<1x16xi32> to vector<16xi32>
    %get3A_385 = arith.constant 4 : i32
    %get3A_386 = arith.index_cast %get3A_385 : i32 to index
    %get3A_387 = arith.constant 16 : index
    %get3A_388 = tpu.vector_load %arg15[%get3A_386, %get3A_387] {strides = array<i32>} : memref<8x208xi32, #tpu.memory_space<vmem>>, vector<1x16xi32>,
    %get3A_389 = vector.shape_cast %get3A_388 : vector<1x16xi32> to vector<16xi32>
    %get3A_390 = arith.constant 5 : i32
    %get3A_391 = arith.index_cast %get3A_390 : i32 to index
    %get3A_392 = arith.constant 16 : index
    %get3A_393 = tpu.vector_load %arg15[%get3A_391, %get3A_392] {strides = array<i32>} : memref<8x208xi32, #tpu.memory_space<vmem>>, vector<1x16xi32>,
    %get3A_394 = vector.shape_cast %get3A_393 : vector<1x16xi32> to vector<16xi32>
    %get3A_395 = arith.constant 6 : i32
    %get3A_396 = arith.index_cast %get3A_395 : i32 to index
    %get3A_397 = arith.constant 16 : index
    %get3A_398 = tpu.vector_load %arg15[%get3A_396, %get3A_397] {strides = array<i32>} : memref<8x208xi32, #tpu.memory_space<vmem>>, vector<1x16xi32>,
    %get3A_399 = vector.shape_cast %get3A_398 : vector<1x16xi32> to vector<16xi32>
    %get3A_400 = arith.constant 7 : i32
    %get3A_401 = arith.index_cast %get3A_400 : i32 to index
    %get3A_402 = arith.constant 16 : index
    %get3A_403 = tpu.vector_load %arg15[%get3A_401, %get3A_402] {strides = array<i32>} : memref<8x208xi32, #tpu.memory_space<vmem>>, vector<1x16xi32>,
    %get3A_404 = vector.shape_cast %get3A_403 : vector<1x16xi32> to vector<16xi32>
    %mul3A_405 = arith.constant 8 : i32
    %mul3A_406 = vector.broadcast %mul3A_405 : i32 to vector<16xi32>
    %mul3A_407 = arith.muli %get3A_394, %mul3A_406 : vector<16xi32>
    %add3A_408 = arith.addi %mul3A_407, %get3A_399 : vector<16xi32>
    %mul3A_409 = arith.constant 32 : i32
    %mul3A_410 = vector.broadcast %mul3A_409 : i32 to vector<16xi32>
    %mul3A_411 = arith.muli %add3A_408, %mul3A_410 : vector<16xi32>
    %add3A_412 = arith.addi %mul3A_411, %get3A_404 : vector<16xi32>
    %mul3A_413 = arith.constant 32 : i32
    %mul3A_414 = vector.broadcast %mul3A_413 : i32 to vector<16xi32>
    %mul3A_415 = arith.muli %add3A_412, %mul3A_414 : vector<16xi32>
    %add3A_416 = arith.addi %mul3A_415, %get3A_379 : vector<16xi32>
    %mul3A_417 = arith.constant 2 : i32
    %mul3A_418 = vector.broadcast %mul3A_417 : i32 to vector<16xi32>
    %mul3A_419 = arith.muli %add3A_416, %mul3A_418 : vector<16xi32>
    %swap3A_420 = arith.constant 2 : i32
    %swap3A_421 = arith.index_cast %swap3A_420 : i32 to index
    %swap3A_422 = arith.constant 16 : index
    %swap3A_423 = tpu.vector_load %arg15[%swap3A_421, %swap3A_422] {strides = array<i32>} : memref<8x208xi32, #tpu.memory_space<vmem>>, vector<1x16xi32>,
    %swap3A_424 = vector.shape_cast %swap3A_423 : vector<1x16xi32> to vector<16xi32>
    %swap3A_425 = vector.shape_cast %mul3A_419 : vector<16xi32> to vector<1x16xi32>
    tpu.vector_store %arg15[%swap3A_421, %swap3A_422], %swap3A_425 {strides = array<i32>} : memref<8x208xi32, #tpu.memory_space<vmem>>, vector<1x16xi32>,
    %mul3A_426 = arith.constant 128 : i32
    %mul3A_427 = vector.broadcast %mul3A_426 : i32 to vector<16xi32>
    %mul3A_428 = arith.muli %get3A_384, %mul3A_427 : vector<16xi32>
    %add3A_429 = arith.addi %mul3A_428, %get3A_389 : vector<16xi32>
    %mul3A_430 = arith.constant 2 : i32
    %mul3A_431 = vector.broadcast %mul3A_430 : i32 to vector<16xi32>
    %mul3A_432 = arith.muli %add3A_429, %mul3A_431 : vector<16xi32>
    %swap3A_433 = arith.constant 3 : i32
    %swap3A_434 = arith.index_cast %swap3A_433 : i32 to index
    %swap3A_435 = arith.constant 16 : index
    %swap3A_436 = tpu.vector_load %arg15[%swap3A_434, %swap3A_435] {strides = array<i32>} : memref<8x208xi32, #tpu.memory_space<vmem>>, vector<1x16xi32>,
    %swap3A_437 = vector.shape_cast %swap3A_436 : vector<1x16xi32> to vector<16xi32>
    %swap3A_438 = vector.shape_cast %mul3A_432 : vector<16xi32> to vector<1x16xi32>
    tpu.vector_store %arg15[%swap3A_434, %swap3A_435], %swap3A_438 {strides = array<i32>} : memref<8x208xi32, #tpu.memory_space<vmem>>, vector<1x16xi32>,
    %get3A_439 = arith.constant 2 : i32
    %get3A_440 = arith.index_cast %get3A_439 : i32 to index
    %get3A_441 = arith.constant 32 : index
    %get3A_442 = tpu.vector_load %arg15[%get3A_440, %get3A_441] {strides = array<i32>} : memref<8x208xi32, #tpu.memory_space<vmem>>, vector<1x16xi32>,
    %get3A_443 = vector.shape_cast %get3A_442 : vector<1x16xi32> to vector<16xi32>
    %get3A_444 = arith.constant 3 : i32
    %get3A_445 = arith.index_cast %get3A_444 : i32 to index
    %get3A_446 = arith.constant 32 : index
    %get3A_447 = tpu.vector_load %arg15[%get3A_445, %get3A_446] {strides = array<i32>} : memref<8x208xi32, #tpu.memory_space<vmem>>, vector<1x16xi32>,
    %get3A_448 = vector.shape_cast %get3A_447 : vector<1x16xi32> to vector<16xi32>
    %get3A_449 = arith.constant 4 : i32
    %get3A_450 = arith.index_cast %get3A_449 : i32 to index
    %get3A_451 = arith.constant 32 : index
    %get3A_452 = tpu.vector_load %arg15[%get3A_450, %get3A_451] {strides = array<i32>} : memref<8x208xi32, #tpu.memory_space<vmem>>, vector<1x16xi32>,
    %get3A_453 = vector.shape_cast %get3A_452 : vector<1x16xi32> to vector<16xi32>
    %get3A_454 = arith.constant 5 : i32
    %get3A_455 = arith.index_cast %get3A_454 : i32 to index
    %get3A_456 = arith.constant 32 : index
    %get3A_457 = tpu.vector_load %arg15[%get3A_455, %get3A_456] {strides = array<i32>} : memref<8x208xi32, #tpu.memory_space<vmem>>, vector<1x16xi32>,
    %get3A_458 = vector.shape_cast %get3A_457 : vector<1x16xi32> to vector<16xi32>
    %get3A_459 = arith.constant 6 : i32
    %get3A_460 = arith.index_cast %get3A_459 : i32 to index
    %get3A_461 = arith.constant 32 : index
    %get3A_462 = tpu.vector_load %arg15[%get3A_460, %get3A_461] {strides = array<i32>} : memref<8x208xi32, #tpu.memory_space<vmem>>, vector<1x16xi32>,
    %get3A_463 = vector.shape_cast %get3A_462 : vector<1x16xi32> to vector<16xi32>
    %get3A_464 = arith.constant 7 : i32
    %get3A_465 = arith.index_cast %get3A_464 : i32 to index
    %get3A_466 = arith.constant 32 : index
    %get3A_467 = tpu.vector_load %arg15[%get3A_465, %get3A_466] {strides = array<i32>} : memref<8x208xi32, #tpu.memory_space<vmem>>, vector<1x16xi32>,
    %get3A_468 = vector.shape_cast %get3A_467 : vector<1x16xi32> to vector<16xi32>
    %mul3A_469 = arith.constant 8 : i32
    %mul3A_470 = vector.broadcast %mul3A_469 : i32 to vector<16xi32>
    %mul3A_471 = arith.muli %get3A_458, %mul3A_470 : vector<16xi32>
    %add3A_472 = arith.addi %mul3A_471, %get3A_463 : vector<16xi32>
    %mul3A_473 = arith.constant 32 : i32
    %mul3A_474 = vector.broadcast %mul3A_473 : i32 to vector<16xi32>
    %mul3A_475 = arith.muli %add3A_472, %mul3A_474 : vector<16xi32>
    %add3A_476 = arith.addi %mul3A_475, %get3A_468 : vector<16xi32>
    %mul3A_477 = arith.constant 32 : i32
    %mul3A_478 = vector.broadcast %mul3A_477 : i32 to vector<16xi32>
    %mul3A_479 = arith.muli %add3A_476, %mul3A_478 : vector<16xi32>
    %add3A_480 = arith.addi %mul3A_479, %get3A_443 : vector<16xi32>
    %mul3A_481 = arith.constant 2 : i32
    %mul3A_482 = vector.broadcast %mul3A_481 : i32 to vector<16xi32>
    %mul3A_483 = arith.muli %add3A_480, %mul3A_482 : vector<16xi32>
    %swap3A_484 = arith.constant 2 : i32
    %swap3A_485 = arith.index_cast %swap3A_484 : i32 to index
    %swap3A_486 = arith.constant 32 : index
    %swap3A_487 = tpu.vector_load %arg15[%swap3A_485, %swap3A_486] {strides = array<i32>} : memref<8x208xi32, #tpu.memory_space<vmem>>, vector<1x16xi32>,
    %swap3A_488 = vector.shape_cast %swap3A_487 : vector<1x16xi32> to vector<16xi32>
    %swap3A_489 = vector.shape_cast %mul3A_483 : vector<16xi32> to vector<1x16xi32>
    tpu.vector_store %arg15[%swap3A_485, %swap3A_486], %swap3A_489 {strides = array<i32>} : memref<8x208xi32, #tpu.memory_space<vmem>>, vector<1x16xi32>,
    %mul3A_490 = arith.constant 128 : i32
    %mul3A_491 = vector.broadcast %mul3A_490 : i32 to vector<16xi32>
    %mul3A_492 = arith.muli %get3A_448, %mul3A_491 : vector<16xi32>
    %add3A_493 = arith.addi %mul3A_492, %get3A_453 : vector<16xi32>
    %mul3A_494 = arith.constant 2 : i32
    %mul3A_495 = vector.broadcast %mul3A_494 : i32 to vector<16xi32>
    %mul3A_496 = arith.muli %add3A_493, %mul3A_495 : vector<16xi32>
    %swap3A_497 = arith.constant 3 : i32
    %swap3A_498 = arith.index_cast %swap3A_497 : i32 to index
    %swap3A_499 = arith.constant 32 : index
    %swap3A_500 = tpu.vector_load %arg15[%swap3A_498, %swap3A_499] {strides = array<i32>} : memref<8x208xi32, #tpu.memory_space<vmem>>, vector<1x16xi32>,
    %swap3A_501 = vector.shape_cast %swap3A_500 : vector<1x16xi32> to vector<16xi32>
    %swap3A_502 = vector.shape_cast %mul3A_496 : vector<16xi32> to vector<1x16xi32>
    tpu.vector_store %arg15[%swap3A_498, %swap3A_499], %swap3A_502 {strides = array<i32>} : memref<8x208xi32, #tpu.memory_space<vmem>>, vector<1x16xi32>,
    %get3A_503 = arith.constant 2 : i32
    %get3A_504 = arith.index_cast %get3A_503 : i32 to index
    %get3A_505 = arith.constant 48 : index
    %get3A_506 = tpu.vector_load %arg15[%get3A_504, %get3A_505] {strides = array<i32>} : memref<8x208xi32, #tpu.memory_space<vmem>>, vector<1x16xi32>,
    %get3A_507 = vector.shape_cast %get3A_506 : vector<1x16xi32> to vector<16xi32>
    %get3A_508 = arith.constant 3 : i32
    %get3A_509 = arith.index_cast %get3A_508 : i32 to index
    %get3A_510 = arith.constant 48 : index
    %get3A_511 = tpu.vector_load %arg15[%get3A_509, %get3A_510] {strides = array<i32>} : memref<8x208xi32, #tpu.memory_space<vmem>>, vector<1x16xi32>,
    %get3A_512 = vector.shape_cast %get3A_511 : vector<1x16xi32> to vector<16xi32>
    %get3A_513 = arith.constant 4 : i32
    %get3A_514 = arith.index_cast %get3A_513 : i32 to index
    %get3A_515 = arith.constant 48 : index
    %get3A_516 = tpu.vector_load %arg15[%get3A_514, %get3A_515] {strides = array<i32>} : memref<8x208xi32, #tpu.memory_space<vmem>>, vector<1x16xi32>,
    %get3A_517 = vector.shape_cast %get3A_516 : vector<1x16xi32> to vector<16xi32>
    %get3A_518 = arith.constant 5 : i32
    %get3A_519 = arith.index_cast %get3A_518 : i32 to index
    %get3A_520 = arith.constant 48 : index
    %get3A_521 = tpu.vector_load %arg15[%get3A_519, %get3A_520] {strides = array<i32>} : memref<8x208xi32, #tpu.memory_space<vmem>>, vector<1x16xi32>,
    %get3A_522 = vector.shape_cast %get3A_521 : vector<1x16xi32> to vector<16xi32>
    %get3A_523 = arith.constant 6 : i32
    %get3A_524 = arith.index_cast %get3A_523 : i32 to index
    %get3A_525 = arith.constant 48 : index
    %get3A_526 = tpu.vector_load %arg15[%get3A_524, %get3A_525] {strides = array<i32>} : memref<8x208xi32, #tpu.memory_space<vmem>>, vector<1x16xi32>,
    %get3A_527 = vector.shape_cast %get3A_526 : vector<1x16xi32> to vector<16xi32>
    %get3A_528 = arith.constant 7 : i32
    %get3A_529 = arith.index_cast %get3A_528 : i32 to index
    %get3A_530 = arith.constant 48 : index
    %get3A_531 = tpu.vector_load %arg15[%get3A_529, %get3A_530] {strides = array<i32>} : memref<8x208xi32, #tpu.memory_space<vmem>>, vector<1x16xi32>,
    %get3A_532 = vector.shape_cast %get3A_531 : vector<1x16xi32> to vector<16xi32>
    %mul3A_533 = arith.constant 8 : i32
    %mul3A_534 = vector.broadcast %mul3A_533 : i32 to vector<16xi32>
    %mul3A_535 = arith.muli %get3A_522, %mul3A_534 : vector<16xi32>
    %add3A_536 = arith.addi %mul3A_535, %get3A_527 : vector<16xi32>
    %mul3A_537 = arith.constant 32 : i32
    %mul3A_538 = vector.broadcast %mul3A_537 : i32 to vector<16xi32>
    %mul3A_539 = arith.muli %add3A_536, %mul3A_538 : vector<16xi32>
    %add3A_540 = arith.addi %mul3A_539, %get3A_532 : vector<16xi32>
    %mul3A_541 = arith.constant 32 : i32
    %mul3A_542 = vector.broadcast %mul3A_541 : i32 to vector<16xi32>
    %mul3A_543 = arith.muli %add3A_540, %mul3A_542 : vector<16xi32>
    %add3A_544 = arith.addi %mul3A_543, %get3A_507 : vector<16xi32>
    %mul3A_545 = arith.constant 2 : i32
    %mul3A_546 = vector.broadcast %mul3A_545 : i32 to vector<16xi32>
    %mul3A_547 = arith.muli %add3A_544, %mul3A_546 : vector<16xi32>
    %swap3A_548 = arith.constant 2 : i32
    %swap3A_549 = arith.index_cast %swap3A_548 : i32 to index
    %swap3A_550 = arith.constant 48 : index
    %swap3A_551 = tpu.vector_load %arg15[%swap3A_549, %swap3A_550] {strides = array<i32>} : memref<8x208xi32, #tpu.memory_space<vmem>>, vector<1x16xi32>,
    %swap3A_552 = vector.shape_cast %swap3A_551 : vector<1x16xi32> to vector<16xi32>
    %swap3A_553 = vector.shape_cast %mul3A_547 : vector<16xi32> to vector<1x16xi32>
    tpu.vector_store %arg15[%swap3A_549, %swap3A_550], %swap3A_553 {strides = array<i32>} : memref<8x208xi32, #tpu.memory_space<vmem>>, vector<1x16xi32>,
    %mul3A_554 = arith.constant 128 : i32
    %mul3A_555 = vector.broadcast %mul3A_554 : i32 to vector<16xi32>
    %mul3A_556 = arith.muli %get3A_512, %mul3A_555 : vector<16xi32>
    %add3A_557 = arith.addi %mul3A_556, %get3A_517 : vector<16xi32>
    %mul3A_558 = arith.constant 2 : i32
    %mul3A_559 = vector.broadcast %mul3A_558 : i32 to vector<16xi32>
    %mul3A_560 = arith.muli %add3A_557, %mul3A_559 : vector<16xi32>
    %swap3A_561 = arith.constant 3 : i32
    %swap3A_562 = arith.index_cast %swap3A_561 : i32 to index
    %swap3A_563 = arith.constant 48 : index
    %swap3A_564 = tpu.vector_load %arg15[%swap3A_562, %swap3A_563] {strides = array<i32>} : memref<8x208xi32, #tpu.memory_space<vmem>>, vector<1x16xi32>,
    %swap3A_565 = vector.shape_cast %swap3A_564 : vector<1x16xi32> to vector<16xi32>
    %swap3A_566 = vector.shape_cast %mul3A_560 : vector<16xi32> to vector<1x16xi32>
    tpu.vector_store %arg15[%swap3A_562, %swap3A_563], %swap3A_566 {strides = array<i32>} : memref<8x208xi32, #tpu.memory_space<vmem>>, vector<1x16xi32>,
    %get3A_567 = arith.constant 2 : i32
    %get3A_568 = arith.index_cast %get3A_567 : i32 to index
    %get3A_569 = arith.constant 64 : index
    %get3A_570 = tpu.vector_load %arg15[%get3A_568, %get3A_569] {strides = array<i32>} : memref<8x208xi32, #tpu.memory_space<vmem>>, vector<1x16xi32>,
    %get3A_571 = vector.shape_cast %get3A_570 : vector<1x16xi32> to vector<16xi32>
    %get3A_572 = arith.constant 3 : i32
    %get3A_573 = arith.index_cast %get3A_572 : i32 to index
    %get3A_574 = arith.constant 64 : index
    %get3A_575 = tpu.vector_load %arg15[%get3A_573, %get3A_574] {strides = array<i32>} : memref<8x208xi32, #tpu.memory_space<vmem>>, vector<1x16xi32>,
    %get3A_576 = vector.shape_cast %get3A_575 : vector<1x16xi32> to vector<16xi32>
    %get3A_577 = arith.constant 4 : i32
    %get3A_578 = arith.index_cast %get3A_577 : i32 to index
    %get3A_579 = arith.constant 64 : index
    %get3A_580 = tpu.vector_load %arg15[%get3A_578, %get3A_579] {strides = array<i32>} : memref<8x208xi32, #tpu.memory_space<vmem>>, vector<1x16xi32>,
    %get3A_581 = vector.shape_cast %get3A_580 : vector<1x16xi32> to vector<16xi32>
    %get3A_582 = arith.constant 5 : i32
    %get3A_583 = arith.index_cast %get3A_582 : i32 to index
    %get3A_584 = arith.constant 64 : index
    %get3A_585 = tpu.vector_load %arg15[%get3A_583, %get3A_584] {strides = array<i32>} : memref<8x208xi32, #tpu.memory_space<vmem>>, vector<1x16xi32>,
    %get3A_586 = vector.shape_cast %get3A_585 : vector<1x16xi32> to vector<16xi32>
    %get3A_587 = arith.constant 6 : i32
    %get3A_588 = arith.index_cast %get3A_587 : i32 to index
    %get3A_589 = arith.constant 64 : index
    %get3A_590 = tpu.vector_load %arg15[%get3A_588, %get3A_589] {strides = array<i32>} : memref<8x208xi32, #tpu.memory_space<vmem>>, vector<1x16xi32>,
    %get3A_591 = vector.shape_cast %get3A_590 : vector<1x16xi32> to vector<16xi32>
    %get3A_592 = arith.constant 7 : i32
    %get3A_593 = arith.index_cast %get3A_592 : i32 to index
    %get3A_594 = arith.constant 64 : index
    %get3A_595 = tpu.vector_load %arg15[%get3A_593, %get3A_594] {strides = array<i32>} : memref<8x208xi32, #tpu.memory_space<vmem>>, vector<1x16xi32>,
    %get3A_596 = vector.shape_cast %get3A_595 : vector<1x16xi32> to vector<16xi32>
    %mul3A_597 = arith.constant 8 : i32
    %mul3A_598 = vector.broadcast %mul3A_597 : i32 to vector<16xi32>
    %mul3A_599 = arith.muli %get3A_586, %mul3A_598 : vector<16xi32>
    %add3A_600 = arith.addi %mul3A_599, %get3A_591 : vector<16xi32>
    %mul3A_601 = arith.constant 32 : i32
    %mul3A_602 = vector.broadcast %mul3A_601 : i32 to vector<16xi32>
    %mul3A_603 = arith.muli %add3A_600, %mul3A_602 : vector<16xi32>
    %add3A_604 = arith.addi %mul3A_603, %get3A_596 : vector<16xi32>
    %mul3A_605 = arith.constant 32 : i32
    %mul3A_606 = vector.broadcast %mul3A_605 : i32 to vector<16xi32>
    %mul3A_607 = arith.muli %add3A_604, %mul3A_606 : vector<16xi32>
    %add3A_608 = arith.addi %mul3A_607, %get3A_571 : vector<16xi32>
    %mul3A_609 = arith.constant 2 : i32
    %mul3A_610 = vector.broadcast %mul3A_609 : i32 to vector<16xi32>
    %mul3A_611 = arith.muli %add3A_608, %mul3A_610 : vector<16xi32>
    %swap3A_612 = arith.constant 2 : i32
    %swap3A_613 = arith.index_cast %swap3A_612 : i32 to index
    %swap3A_614 = arith.constant 64 : index
    %swap3A_615 = tpu.vector_load %arg15[%swap3A_613, %swap3A_614] {strides = array<i32>} : memref<8x208xi32, #tpu.memory_space<vmem>>, vector<1x16xi32>,
    %swap3A_616 = vector.shape_cast %swap3A_615 : vector<1x16xi32> to vector<16xi32>
    %swap3A_617 = vector.shape_cast %mul3A_611 : vector<16xi32> to vector<1x16xi32>
    tpu.vector_store %arg15[%swap3A_613, %swap3A_614], %swap3A_617 {strides = array<i32>} : memref<8x208xi32, #tpu.memory_space<vmem>>, vector<1x16xi32>,
    %mul3A_618 = arith.constant 128 : i32
    %mul3A_619 = vector.broadcast %mul3A_618 : i32 to vector<16xi32>
    %mul3A_620 = arith.muli %get3A_576, %mul3A_619 : vector<16xi32>
    %add3A_621 = arith.addi %mul3A_620, %get3A_581 : vector<16xi32>
    %mul3A_622 = arith.constant 2 : i32
    %mul3A_623 = vector.broadcast %mul3A_622 : i32 to vector<16xi32>
    %mul3A_624 = arith.muli %add3A_621, %mul3A_623 : vector<16xi32>
    %swap3A_625 = arith.constant 3 : i32
    %swap3A_626 = arith.index_cast %swap3A_625 : i32 to index
    %swap3A_627 = arith.constant 64 : index
    %swap3A_628 = tpu.vector_load %arg15[%swap3A_626, %swap3A_627] {strides = array<i32>} : memref<8x208xi32, #tpu.memory_space<vmem>>, vector<1x16xi32>,
    %swap3A_629 = vector.shape_cast %swap3A_628 : vector<1x16xi32> to vector<16xi32>
    %swap3A_630 = vector.shape_cast %mul3A_624 : vector<16xi32> to vector<1x16xi32>
    tpu.vector_store %arg15[%swap3A_626, %swap3A_627], %swap3A_630 {strides = array<i32>} : memref<8x208xi32, #tpu.memory_space<vmem>>, vector<1x16xi32>,
    %get3A_631 = arith.constant 2 : i32
    %get3A_632 = arith.index_cast %get3A_631 : i32 to index
    %get3A_633 = arith.constant 80 : index
    %get3A_634 = tpu.vector_load %arg15[%get3A_632, %get3A_633] {strides = array<i32>} : memref<8x208xi32, #tpu.memory_space<vmem>>, vector<1x16xi32>,
    %get3A_635 = vector.shape_cast %get3A_634 : vector<1x16xi32> to vector<16xi32>
    %get3A_636 = arith.constant 3 : i32
    %get3A_637 = arith.index_cast %get3A_636 : i32 to index
    %get3A_638 = arith.constant 80 : index
    %get3A_639 = tpu.vector_load %arg15[%get3A_637, %get3A_638] {strides = array<i32>} : memref<8x208xi32, #tpu.memory_space<vmem>>, vector<1x16xi32>,
    %get3A_640 = vector.shape_cast %get3A_639 : vector<1x16xi32> to vector<16xi32>
    %get3A_641 = arith.constant 4 : i32
    %get3A_642 = arith.index_cast %get3A_641 : i32 to index
    %get3A_643 = arith.constant 80 : index
    %get3A_644 = tpu.vector_load %arg15[%get3A_642, %get3A_643] {strides = array<i32>} : memref<8x208xi32, #tpu.memory_space<vmem>>, vector<1x16xi32>,
    %get3A_645 = vector.shape_cast %get3A_644 : vector<1x16xi32> to vector<16xi32>
    %get3A_646 = arith.constant 5 : i32
    %get3A_647 = arith.index_cast %get3A_646 : i32 to index
    %get3A_648 = arith.constant 80 : index
    %get3A_649 = tpu.vector_load %arg15[%get3A_647, %get3A_648] {strides = array<i32>} : memref<8x208xi32, #tpu.memory_space<vmem>>, vector<1x16xi32>,
    %get3A_650 = vector.shape_cast %get3A_649 : vector<1x16xi32> to vector<16xi32>
    %get3A_651 = arith.constant 6 : i32
    %get3A_652 = arith.index_cast %get3A_651 : i32 to index
    %get3A_653 = arith.constant 80 : index
    %get3A_654 = tpu.vector_load %arg15[%get3A_652, %get3A_653] {strides = array<i32>} : memref<8x208xi32, #tpu.memory_space<vmem>>, vector<1x16xi32>,
    %get3A_655 = vector.shape_cast %get3A_654 : vector<1x16xi32> to vector<16xi32>
    %get3A_656 = arith.constant 7 : i32
    %get3A_657 = arith.index_cast %get3A_656 : i32 to index
    %get3A_658 = arith.constant 80 : index
    %get3A_659 = tpu.vector_load %arg15[%get3A_657, %get3A_658] {strides = array<i32>} : memref<8x208xi32, #tpu.memory_space<vmem>>, vector<1x16xi32>,
    %get3A_660 = vector.shape_cast %get3A_659 : vector<1x16xi32> to vector<16xi32>
    %mul3A_661 = arith.constant 8 : i32
    %mul3A_662 = vector.broadcast %mul3A_661 : i32 to vector<16xi32>
    %mul3A_663 = arith.muli %get3A_650, %mul3A_662 : vector<16xi32>
    %add3A_664 = arith.addi %mul3A_663, %get3A_655 : vector<16xi32>
    %mul3A_665 = arith.constant 32 : i32
    %mul3A_666 = vector.broadcast %mul3A_665 : i32 to vector<16xi32>
    %mul3A_667 = arith.muli %add3A_664, %mul3A_666 : vector<16xi32>
    %add3A_668 = arith.addi %mul3A_667, %get3A_660 : vector<16xi32>
    %mul3A_669 = arith.constant 32 : i32
    %mul3A_670 = vector.broadcast %mul3A_669 : i32 to vector<16xi32>
    %mul3A_671 = arith.muli %add3A_668, %mul3A_670 : vector<16xi32>
    %add3A_672 = arith.addi %mul3A_671, %get3A_635 : vector<16xi32>
    %mul3A_673 = arith.constant 2 : i32
    %mul3A_674 = vector.broadcast %mul3A_673 : i32 to vector<16xi32>
    %mul3A_675 = arith.muli %add3A_672, %mul3A_674 : vector<16xi32>
    %swap3A_676 = arith.constant 2 : i32
    %swap3A_677 = arith.index_cast %swap3A_676 : i32 to index
    %swap3A_678 = arith.constant 80 : index
    %swap3A_679 = tpu.vector_load %arg15[%swap3A_677, %swap3A_678] {strides = array<i32>} : memref<8x208xi32, #tpu.memory_space<vmem>>, vector<1x16xi32>,
    %swap3A_680 = vector.shape_cast %swap3A_679 : vector<1x16xi32> to vector<16xi32>
    %swap3A_681 = vector.shape_cast %mul3A_675 : vector<16xi32> to vector<1x16xi32>
    tpu.vector_store %arg15[%swap3A_677, %swap3A_678], %swap3A_681 {strides = array<i32>} : memref<8x208xi32, #tpu.memory_space<vmem>>, vector<1x16xi32>,
    %mul3A_682 = arith.constant 128 : i32
    %mul3A_683 = vector.broadcast %mul3A_682 : i32 to vector<16xi32>
    %mul3A_684 = arith.muli %get3A_640, %mul3A_683 : vector<16xi32>
    %add3A_685 = arith.addi %mul3A_684, %get3A_645 : vector<16xi32>
    %mul3A_686 = arith.constant 2 : i32
    %mul3A_687 = vector.broadcast %mul3A_686 : i32 to vector<16xi32>
    %mul3A_688 = arith.muli %add3A_685, %mul3A_687 : vector<16xi32>
    %swap3A_689 = arith.constant 3 : i32
    %swap3A_690 = arith.index_cast %swap3A_689 : i32 to index
    %swap3A_691 = arith.constant 80 : index
    %swap3A_692 = tpu.vector_load %arg15[%swap3A_690, %swap3A_691] {strides = array<i32>} : memref<8x208xi32, #tpu.memory_space<vmem>>, vector<1x16xi32>,
    %swap3A_693 = vector.shape_cast %swap3A_692 : vector<1x16xi32> to vector<16xi32>
    %swap3A_694 = vector.shape_cast %mul3A_688 : vector<16xi32> to vector<1x16xi32>
    tpu.vector_store %arg15[%swap3A_690, %swap3A_691], %swap3A_694 {strides = array<i32>} : memref<8x208xi32, #tpu.memory_space<vmem>>, vector<1x16xi32>,
    %get3A_695 = arith.constant 2 : i32
    %get3A_696 = arith.index_cast %get3A_695 : i32 to index
    %get3A_697 = arith.constant 96 : index
    %get3A_698 = tpu.vector_load %arg15[%get3A_696, %get3A_697] {strides = array<i32>} : memref<8x208xi32, #tpu.memory_space<vmem>>, vector<1x16xi32>,
    %get3A_699 = vector.shape_cast %get3A_698 : vector<1x16xi32> to vector<16xi32>
    %get3A_700 = arith.constant 3 : i32
    %get3A_701 = arith.index_cast %get3A_700 : i32 to index
    %get3A_702 = arith.constant 96 : index
    %get3A_703 = tpu.vector_load %arg15[%get3A_701, %get3A_702] {strides = array<i32>} : memref<8x208xi32, #tpu.memory_space<vmem>>, vector<1x16xi32>,
    %get3A_704 = vector.shape_cast %get3A_703 : vector<1x16xi32> to vector<16xi32>
    %get3A_705 = arith.constant 4 : i32
    %get3A_706 = arith.index_cast %get3A_705 : i32 to index
    %get3A_707 = arith.constant 96 : index
    %get3A_708 = tpu.vector_load %arg15[%get3A_706, %get3A_707] {strides = array<i32>} : memref<8x208xi32, #tpu.memory_space<vmem>>, vector<1x16xi32>,
    %get3A_709 = vector.shape_cast %get3A_708 : vector<1x16xi32> to vector<16xi32>
    %get3A_710 = arith.constant 5 : i32
    %get3A_711 = arith.index_cast %get3A_710 : i32 to index
    %get3A_712 = arith.constant 96 : index
    %get3A_713 = tpu.vector_load %arg15[%get3A_711, %get3A_712] {strides = array<i32>} : memref<8x208xi32, #tpu.memory_space<vmem>>, vector<1x16xi32>,
    %get3A_714 = vector.shape_cast %get3A_713 : vector<1x16xi32> to vector<16xi32>
    %get3A_715 = arith.constant 6 : i32
    %get3A_716 = arith.index_cast %get3A_715 : i32 to index
    %get3A_717 = arith.constant 96 : index
    %get3A_718 = tpu.vector_load %arg15[%get3A_716, %get3A_717] {strides = array<i32>} : memref<8x208xi32, #tpu.memory_space<vmem>>, vector<1x16xi32>,
    %get3A_719 = vector.shape_cast %get3A_718 : vector<1x16xi32> to vector<16xi32>
    %get3A_720 = arith.constant 7 : i32
    %get3A_721 = arith.index_cast %get3A_720 : i32 to index
    %get3A_722 = arith.constant 96 : index
    %get3A_723 = tpu.vector_load %arg15[%get3A_721, %get3A_722] {strides = array<i32>} : memref<8x208xi32, #tpu.memory_space<vmem>>, vector<1x16xi32>,
    %get3A_724 = vector.shape_cast %get3A_723 : vector<1x16xi32> to vector<16xi32>
    %mul3A_725 = arith.constant 8 : i32
    %mul3A_726 = vector.broadcast %mul3A_725 : i32 to vector<16xi32>
    %mul3A_727 = arith.muli %get3A_714, %mul3A_726 : vector<16xi32>
    %add3A_728 = arith.addi %mul3A_727, %get3A_719 : vector<16xi32>
    %mul3A_729 = arith.constant 32 : i32
    %mul3A_730 = vector.broadcast %mul3A_729 : i32 to vector<16xi32>
    %mul3A_731 = arith.muli %add3A_728, %mul3A_730 : vector<16xi32>
    %add3A_732 = arith.addi %mul3A_731, %get3A_724 : vector<16xi32>
    %mul3A_733 = arith.constant 32 : i32
    %mul3A_734 = vector.broadcast %mul3A_733 : i32 to vector<16xi32>
    %mul3A_735 = arith.muli %add3A_732, %mul3A_734 : vector<16xi32>
    %add3A_736 = arith.addi %mul3A_735, %get3A_699 : vector<16xi32>
    %mul3A_737 = arith.constant 2 : i32
    %mul3A_738 = vector.broadcast %mul3A_737 : i32 to vector<16xi32>
    %mul3A_739 = arith.muli %add3A_736, %mul3A_738 : vector<16xi32>
    %swap3A_740 = arith.constant 2 : i32
    %swap3A_741 = arith.index_cast %swap3A_740 : i32 to index
    %swap3A_742 = arith.constant 96 : index
    %swap3A_743 = tpu.vector_load %arg15[%swap3A_741, %swap3A_742] {strides = array<i32>} : memref<8x208xi32, #tpu.memory_space<vmem>>, vector<1x16xi32>,
    %swap3A_744 = vector.shape_cast %swap3A_743 : vector<1x16xi32> to vector<16xi32>
    %swap3A_745 = vector.shape_cast %mul3A_739 : vector<16xi32> to vector<1x16xi32>
    tpu.vector_store %arg15[%swap3A_741, %swap3A_742], %swap3A_745 {strides = array<i32>} : memref<8x208xi32, #tpu.memory_space<vmem>>, vector<1x16xi32>,
    %mul3A_746 = arith.constant 128 : i32
    %mul3A_747 = vector.broadcast %mul3A_746 : i32 to vector<16xi32>
    %mul3A_748 = arith.muli %get3A_704, %mul3A_747 : vector<16xi32>
    %add3A_749 = arith.addi %mul3A_748, %get3A_709 : vector<16xi32>
    %mul3A_750 = arith.constant 2 : i32
    %mul3A_751 = vector.broadcast %mul3A_750 : i32 to vector<16xi32>
    %mul3A_752 = arith.muli %add3A_749, %mul3A_751 : vector<16xi32>
    %swap3A_753 = arith.constant 3 : i32
    %swap3A_754 = arith.index_cast %swap3A_753 : i32 to index
    %swap3A_755 = arith.constant 96 : index
    %swap3A_756 = tpu.vector_load %arg15[%swap3A_754, %swap3A_755] {strides = array<i32>} : memref<8x208xi32, #tpu.memory_space<vmem>>, vector<1x16xi32>,
    %swap3A_757 = vector.shape_cast %swap3A_756 : vector<1x16xi32> to vector<16xi32>
    %swap3A_758 = vector.shape_cast %mul3A_752 : vector<16xi32> to vector<1x16xi32>
    tpu.vector_store %arg15[%swap3A_754, %swap3A_755], %swap3A_758 {strides = array<i32>} : memref<8x208xi32, #tpu.memory_space<vmem>>, vector<1x16xi32>,
    %get3A_759 = arith.constant 2 : i32
    %get3A_760 = arith.index_cast %get3A_759 : i32 to index
    %get3A_761 = arith.constant 112 : index
    %get3A_762 = tpu.vector_load %arg15[%get3A_760, %get3A_761] {strides = array<i32>} : memref<8x208xi32, #tpu.memory_space<vmem>>, vector<1x16xi32>,
    %get3A_763 = vector.shape_cast %get3A_762 : vector<1x16xi32> to vector<16xi32>
    %get3A_764 = arith.constant 3 : i32
    %get3A_765 = arith.index_cast %get3A_764 : i32 to index
    %get3A_766 = arith.constant 112 : index
    %get3A_767 = tpu.vector_load %arg15[%get3A_765, %get3A_766] {strides = array<i32>} : memref<8x208xi32, #tpu.memory_space<vmem>>, vector<1x16xi32>,
    %get3A_768 = vector.shape_cast %get3A_767 : vector<1x16xi32> to vector<16xi32>
    %get3A_769 = arith.constant 4 : i32
    %get3A_770 = arith.index_cast %get3A_769 : i32 to index
    %get3A_771 = arith.constant 112 : index
    %get3A_772 = tpu.vector_load %arg15[%get3A_770, %get3A_771] {strides = array<i32>} : memref<8x208xi32, #tpu.memory_space<vmem>>, vector<1x16xi32>,
    %get3A_773 = vector.shape_cast %get3A_772 : vector<1x16xi32> to vector<16xi32>
    %get3A_774 = arith.constant 5 : i32
    %get3A_775 = arith.index_cast %get3A_774 : i32 to index
    %get3A_776 = arith.constant 112 : index
    %get3A_777 = tpu.vector_load %arg15[%get3A_775, %get3A_776] {strides = array<i32>} : memref<8x208xi32, #tpu.memory_space<vmem>>, vector<1x16xi32>,
    %get3A_778 = vector.shape_cast %get3A_777 : vector<1x16xi32> to vector<16xi32>
    %get3A_779 = arith.constant 6 : i32
    %get3A_780 = arith.index_cast %get3A_779 : i32 to index
    %get3A_781 = arith.constant 112 : index
    %get3A_782 = tpu.vector_load %arg15[%get3A_780, %get3A_781] {strides = array<i32>} : memref<8x208xi32, #tpu.memory_space<vmem>>, vector<1x16xi32>,
    %get3A_783 = vector.shape_cast %get3A_782 : vector<1x16xi32> to vector<16xi32>
    %get3A_784 = arith.constant 7 : i32
    %get3A_785 = arith.index_cast %get3A_784 : i32 to index
    %get3A_786 = arith.constant 112 : index
    %get3A_787 = tpu.vector_load %arg15[%get3A_785, %get3A_786] {strides = array<i32>} : memref<8x208xi32, #tpu.memory_space<vmem>>, vector<1x16xi32>,
    %get3A_788 = vector.shape_cast %get3A_787 : vector<1x16xi32> to vector<16xi32>
    %mul3A_789 = arith.constant 8 : i32
    %mul3A_790 = vector.broadcast %mul3A_789 : i32 to vector<16xi32>
    %mul3A_791 = arith.muli %get3A_778, %mul3A_790 : vector<16xi32>
    %add3A_792 = arith.addi %mul3A_791, %get3A_783 : vector<16xi32>
    %mul3A_793 = arith.constant 32 : i32
    %mul3A_794 = vector.broadcast %mul3A_793 : i32 to vector<16xi32>
    %mul3A_795 = arith.muli %add3A_792, %mul3A_794 : vector<16xi32>
    %add3A_796 = arith.addi %mul3A_795, %get3A_788 : vector<16xi32>
    %mul3A_797 = arith.constant 32 : i32
    %mul3A_798 = vector.broadcast %mul3A_797 : i32 to vector<16xi32>
    %mul3A_799 = arith.muli %add3A_796, %mul3A_798 : vector<16xi32>
    %add3A_800 = arith.addi %mul3A_799, %get3A_763 : vector<16xi32>
    %mul3A_801 = arith.constant 2 : i32
    %mul3A_802 = vector.broadcast %mul3A_801 : i32 to vector<16xi32>
    %mul3A_803 = arith.muli %add3A_800, %mul3A_802 : vector<16xi32>
    %swap3A_804 = arith.constant 2 : i32
    %swap3A_805 = arith.index_cast %swap3A_804 : i32 to index
    %swap3A_806 = arith.constant 112 : index
    %swap3A_807 = tpu.vector_load %arg15[%swap3A_805, %swap3A_806] {strides = array<i32>} : memref<8x208xi32, #tpu.memory_space<vmem>>, vector<1x16xi32>,
    %swap3A_808 = vector.shape_cast %swap3A_807 : vector<1x16xi32> to vector<16xi32>
    %swap3A_809 = vector.shape_cast %mul3A_803 : vector<16xi32> to vector<1x16xi32>
    tpu.vector_store %arg15[%swap3A_805, %swap3A_806], %swap3A_809 {strides = array<i32>} : memref<8x208xi32, #tpu.memory_space<vmem>>, vector<1x16xi32>,
    %mul3A_810 = arith.constant 128 : i32
    %mul3A_811 = vector.broadcast %mul3A_810 : i32 to vector<16xi32>
    %mul3A_812 = arith.muli %get3A_768, %mul3A_811 : vector<16xi32>
    %add3A_813 = arith.addi %mul3A_812, %get3A_773 : vector<16xi32>
    %mul3A_814 = arith.constant 2 : i32
    %mul3A_815 = vector.broadcast %mul3A_814 : i32 to vector<16xi32>
    %mul3A_816 = arith.muli %add3A_813, %mul3A_815 : vector<16xi32>
    %swap3A_817 = arith.constant 3 : i32
    %swap3A_818 = arith.index_cast %swap3A_817 : i32 to index
    %swap3A_819 = arith.constant 112 : index
    %swap3A_820 = tpu.vector_load %arg15[%swap3A_818, %swap3A_819] {strides = array<i32>} : memref<8x208xi32, #tpu.memory_space<vmem>>, vector<1x16xi32>,
    %swap3A_821 = vector.shape_cast %swap3A_820 : vector<1x16xi32> to vector<16xi32>
    %swap3A_822 = vector.shape_cast %mul3A_816 : vector<16xi32> to vector<1x16xi32>
    tpu.vector_store %arg15[%swap3A_818, %swap3A_819], %swap3A_822 {strides = array<i32>} : memref<8x208xi32, #tpu.memory_space<vmem>>, vector<1x16xi32>,
    %get3A_823 = arith.constant 2 : i32
    %get3A_824 = arith.index_cast %get3A_823 : i32 to index
    %get3A_825 = arith.constant 128 : index
    %get3A_826 = tpu.vector_load %arg15[%get3A_824, %get3A_825] {strides = array<i32>} : memref<8x208xi32, #tpu.memory_space<vmem>>, vector<1x16xi32>,
    %get3A_827 = vector.shape_cast %get3A_826 : vector<1x16xi32> to vector<16xi32>
    %get3A_828 = arith.constant 3 : i32
    %get3A_829 = arith.index_cast %get3A_828 : i32 to index
    %get3A_830 = arith.constant 128 : index
    %get3A_831 = tpu.vector_load %arg15[%get3A_829, %get3A_830] {strides = array<i32>} : memref<8x208xi32, #tpu.memory_space<vmem>>, vector<1x16xi32>,
    %get3A_832 = vector.shape_cast %get3A_831 : vector<1x16xi32> to vector<16xi32>
    %get3A_833 = arith.constant 4 : i32
    %get3A_834 = arith.index_cast %get3A_833 : i32 to index
    %get3A_835 = arith.constant 128 : index
    %get3A_836 = tpu.vector_load %arg15[%get3A_834, %get3A_835] {strides = array<i32>} : memref<8x208xi32, #tpu.memory_space<vmem>>, vector<1x16xi32>,
    %get3A_837 = vector.shape_cast %get3A_836 : vector<1x16xi32> to vector<16xi32>
    %get3A_838 = arith.constant 5 : i32
    %get3A_839 = arith.index_cast %get3A_838 : i32 to index
    %get3A_840 = arith.constant 128 : index
    %get3A_841 = tpu.vector_load %arg15[%get3A_839, %get3A_840] {strides = array<i32>} : memref<8x208xi32, #tpu.memory_space<vmem>>, vector<1x16xi32>,
    %get3A_842 = vector.shape_cast %get3A_841 : vector<1x16xi32> to vector<16xi32>
    %get3A_843 = arith.constant 6 : i32
    %get3A_844 = arith.index_cast %get3A_843 : i32 to index
    %get3A_845 = arith.constant 128 : index
    %get3A_846 = tpu.vector_load %arg15[%get3A_844, %get3A_845] {strides = array<i32>} : memref<8x208xi32, #tpu.memory_space<vmem>>, vector<1x16xi32>,
    %get3A_847 = vector.shape_cast %get3A_846 : vector<1x16xi32> to vector<16xi32>
    %get3A_848 = arith.constant 7 : i32
    %get3A_849 = arith.index_cast %get3A_848 : i32 to index
    %get3A_850 = arith.constant 128 : index
    %get3A_851 = tpu.vector_load %arg15[%get3A_849, %get3A_850] {strides = array<i32>} : memref<8x208xi32, #tpu.memory_space<vmem>>, vector<1x16xi32>,
    %get3A_852 = vector.shape_cast %get3A_851 : vector<1x16xi32> to vector<16xi32>
    %mul3A_853 = arith.constant 8 : i32
    %mul3A_854 = vector.broadcast %mul3A_853 : i32 to vector<16xi32>
    %mul3A_855 = arith.muli %get3A_842, %mul3A_854 : vector<16xi32>
    %add3A_856 = arith.addi %mul3A_855, %get3A_847 : vector<16xi32>
    %mul3A_857 = arith.constant 32 : i32
    %mul3A_858 = vector.broadcast %mul3A_857 : i32 to vector<16xi32>
    %mul3A_859 = arith.muli %add3A_856, %mul3A_858 : vector<16xi32>
    %add3A_860 = arith.addi %mul3A_859, %get3A_852 : vector<16xi32>
    %mul3A_861 = arith.constant 32 : i32
    %mul3A_862 = vector.broadcast %mul3A_861 : i32 to vector<16xi32>
    %mul3A_863 = arith.muli %add3A_860, %mul3A_862 : vector<16xi32>
    %add3A_864 = arith.addi %mul3A_863, %get3A_827 : vector<16xi32>
    %mul3A_865 = arith.constant 2 : i32
    %mul3A_866 = vector.broadcast %mul3A_865 : i32 to vector<16xi32>
    %mul3A_867 = arith.muli %add3A_864, %mul3A_866 : vector<16xi32>
    %swap3A_868 = arith.constant 2 : i32
    %swap3A_869 = arith.index_cast %swap3A_868 : i32 to index
    %swap3A_870 = arith.constant 128 : index
    %swap3A_871 = tpu.vector_load %arg15[%swap3A_869, %swap3A_870] {strides = array<i32>} : memref<8x208xi32, #tpu.memory_space<vmem>>, vector<1x16xi32>,
    %swap3A_872 = vector.shape_cast %swap3A_871 : vector<1x16xi32> to vector<16xi32>
    %swap3A_873 = vector.shape_cast %mul3A_867 : vector<16xi32> to vector<1x16xi32>
    tpu.vector_store %arg15[%swap3A_869, %swap3A_870], %swap3A_873 {strides = array<i32>} : memref<8x208xi32, #tpu.memory_space<vmem>>, vector<1x16xi32>,
    %mul3A_874 = arith.constant 128 : i32
    %mul3A_875 = vector.broadcast %mul3A_874 : i32 to vector<16xi32>
    %mul3A_876 = arith.muli %get3A_832, %mul3A_875 : vector<16xi32>
    %add3A_877 = arith.addi %mul3A_876, %get3A_837 : vector<16xi32>
    %mul3A_878 = arith.constant 2 : i32
    %mul3A_879 = vector.broadcast %mul3A_878 : i32 to vector<16xi32>
    %mul3A_880 = arith.muli %add3A_877, %mul3A_879 : vector<16xi32>
    %swap3A_881 = arith.constant 3 : i32
    %swap3A_882 = arith.index_cast %swap3A_881 : i32 to index
    %swap3A_883 = arith.constant 128 : index
    %swap3A_884 = tpu.vector_load %arg15[%swap3A_882, %swap3A_883] {strides = array<i32>} : memref<8x208xi32, #tpu.memory_space<vmem>>, vector<1x16xi32>,
    %swap3A_885 = vector.shape_cast %swap3A_884 : vector<1x16xi32> to vector<16xi32>
    %swap3A_886 = vector.shape_cast %mul3A_880 : vector<16xi32> to vector<1x16xi32>
    tpu.vector_store %arg15[%swap3A_882, %swap3A_883], %swap3A_886 {strides = array<i32>} : memref<8x208xi32, #tpu.memory_space<vmem>>, vector<1x16xi32>,
    %get3A_887 = arith.constant 2 : i32
    %get3A_888 = arith.index_cast %get3A_887 : i32 to index
    %get3A_889 = arith.constant 144 : index
    %get3A_890 = tpu.vector_load %arg15[%get3A_888, %get3A_889] {strides = array<i32>} : memref<8x208xi32, #tpu.memory_space<vmem>>, vector<1x16xi32>,
    %get3A_891 = vector.shape_cast %get3A_890 : vector<1x16xi32> to vector<16xi32>
    %get3A_892 = arith.constant 3 : i32
    %get3A_893 = arith.index_cast %get3A_892 : i32 to index
    %get3A_894 = arith.constant 144 : index
    %get3A_895 = tpu.vector_load %arg15[%get3A_893, %get3A_894] {strides = array<i32>} : memref<8x208xi32, #tpu.memory_space<vmem>>, vector<1x16xi32>,
    %get3A_896 = vector.shape_cast %get3A_895 : vector<1x16xi32> to vector<16xi32>
    %get3A_897 = arith.constant 4 : i32
    %get3A_898 = arith.index_cast %get3A_897 : i32 to index
    %get3A_899 = arith.constant 144 : index
    %get3A_900 = tpu.vector_load %arg15[%get3A_898, %get3A_899] {strides = array<i32>} : memref<8x208xi32, #tpu.memory_space<vmem>>, vector<1x16xi32>,
    %get3A_901 = vector.shape_cast %get3A_900 : vector<1x16xi32> to vector<16xi32>
    %get3A_902 = arith.constant 5 : i32
    %get3A_903 = arith.index_cast %get3A_902 : i32 to index
    %get3A_904 = arith.constant 144 : index
    %get3A_905 = tpu.vector_load %arg15[%get3A_903, %get3A_904] {strides = array<i32>} : memref<8x208xi32, #tpu.memory_space<vmem>>, vector<1x16xi32>,
    %get3A_906 = vector.shape_cast %get3A_905 : vector<1x16xi32> to vector<16xi32>
    %get3A_907 = arith.constant 6 : i32
    %get3A_908 = arith.index_cast %get3A_907 : i32 to index
    %get3A_909 = arith.constant 144 : index
    %get3A_910 = tpu.vector_load %arg15[%get3A_908, %get3A_909] {strides = array<i32>} : memref<8x208xi32, #tpu.memory_space<vmem>>, vector<1x16xi32>,
    %get3A_911 = vector.shape_cast %get3A_910 : vector<1x16xi32> to vector<16xi32>
    %get3A_912 = arith.constant 7 : i32
    %get3A_913 = arith.index_cast %get3A_912 : i32 to index
    %get3A_914 = arith.constant 144 : index
    %get3A_915 = tpu.vector_load %arg15[%get3A_913, %get3A_914] {strides = array<i32>} : memref<8x208xi32, #tpu.memory_space<vmem>>, vector<1x16xi32>,
    %get3A_916 = vector.shape_cast %get3A_915 : vector<1x16xi32> to vector<16xi32>
    %mul3A_917 = arith.constant 8 : i32
    %mul3A_918 = vector.broadcast %mul3A_917 : i32 to vector<16xi32>
    %mul3A_919 = arith.muli %get3A_906, %mul3A_918 : vector<16xi32>
    %add3A_920 = arith.addi %mul3A_919, %get3A_911 : vector<16xi32>
    %mul3A_921 = arith.constant 32 : i32
    %mul3A_922 = vector.broadcast %mul3A_921 : i32 to vector<16xi32>
    %mul3A_923 = arith.muli %add3A_920, %mul3A_922 : vector<16xi32>
    %add3A_924 = arith.addi %mul3A_923, %get3A_916 : vector<16xi32>
    %mul3A_925 = arith.constant 32 : i32
    %mul3A_926 = vector.broadcast %mul3A_925 : i32 to vector<16xi32>
    %mul3A_927 = arith.muli %add3A_924, %mul3A_926 : vector<16xi32>
    %add3A_928 = arith.addi %mul3A_927, %get3A_891 : vector<16xi32>
    %mul3A_929 = arith.constant 2 : i32
    %mul3A_930 = vector.broadcast %mul3A_929 : i32 to vector<16xi32>
    %mul3A_931 = arith.muli %add3A_928, %mul3A_930 : vector<16xi32>
    %swap3A_932 = arith.constant 2 : i32
    %swap3A_933 = arith.index_cast %swap3A_932 : i32 to index
    %swap3A_934 = arith.constant 144 : index
    %swap3A_935 = tpu.vector_load %arg15[%swap3A_933, %swap3A_934] {strides = array<i32>} : memref<8x208xi32, #tpu.memory_space<vmem>>, vector<1x16xi32>,
    %swap3A_936 = vector.shape_cast %swap3A_935 : vector<1x16xi32> to vector<16xi32>
    %swap3A_937 = vector.shape_cast %mul3A_931 : vector<16xi32> to vector<1x16xi32>
    tpu.vector_store %arg15[%swap3A_933, %swap3A_934], %swap3A_937 {strides = array<i32>} : memref<8x208xi32, #tpu.memory_space<vmem>>, vector<1x16xi32>,
    %mul3A_938 = arith.constant 128 : i32
    %mul3A_939 = vector.broadcast %mul3A_938 : i32 to vector<16xi32>
    %mul3A_940 = arith.muli %get3A_896, %mul3A_939 : vector<16xi32>
    %add3A_941 = arith.addi %mul3A_940, %get3A_901 : vector<16xi32>
    %mul3A_942 = arith.constant 2 : i32
    %mul3A_943 = vector.broadcast %mul3A_942 : i32 to vector<16xi32>
    %mul3A_944 = arith.muli %add3A_941, %mul3A_943 : vector<16xi32>
    %swap3A_945 = arith.constant 3 : i32
    %swap3A_946 = arith.index_cast %swap3A_945 : i32 to index
    %swap3A_947 = arith.constant 144 : index
    %swap3A_948 = tpu.vector_load %arg15[%swap3A_946, %swap3A_947] {strides = array<i32>} : memref<8x208xi32, #tpu.memory_space<vmem>>, vector<1x16xi32>,
    %swap3A_949 = vector.shape_cast %swap3A_948 : vector<1x16xi32> to vector<16xi32>
    %swap3A_950 = vector.shape_cast %mul3A_944 : vector<16xi32> to vector<1x16xi32>
    tpu.vector_store %arg15[%swap3A_946, %swap3A_947], %swap3A_950 {strides = array<i32>} : memref<8x208xi32, #tpu.memory_space<vmem>>, vector<1x16xi32>,
    %get3A_951 = arith.constant 2 : i32
    %get3A_952 = arith.index_cast %get3A_951 : i32 to index
    %get3A_953 = arith.constant 160 : index
    %get3A_954 = tpu.vector_load %arg15[%get3A_952, %get3A_953] {strides = array<i32>} : memref<8x208xi32, #tpu.memory_space<vmem>>, vector<1x16xi32>,
    %get3A_955 = vector.shape_cast %get3A_954 : vector<1x16xi32> to vector<16xi32>
    %get3A_956 = arith.constant 3 : i32
    %get3A_957 = arith.index_cast %get3A_956 : i32 to index
    %get3A_958 = arith.constant 160 : index
    %get3A_959 = tpu.vector_load %arg15[%get3A_957, %get3A_958] {strides = array<i32>} : memref<8x208xi32, #tpu.memory_space<vmem>>, vector<1x16xi32>,
    %get3A_960 = vector.shape_cast %get3A_959 : vector<1x16xi32> to vector<16xi32>
    %get3A_961 = arith.constant 4 : i32
    %get3A_962 = arith.index_cast %get3A_961 : i32 to index
    %get3A_963 = arith.constant 160 : index
    %get3A_964 = tpu.vector_load %arg15[%get3A_962, %get3A_963] {strides = array<i32>} : memref<8x208xi32, #tpu.memory_space<vmem>>, vector<1x16xi32>,
    %get3A_965 = vector.shape_cast %get3A_964 : vector<1x16xi32> to vector<16xi32>
    %get3A_966 = arith.constant 5 : i32
    %get3A_967 = arith.index_cast %get3A_966 : i32 to index
    %get3A_968 = arith.constant 160 : index
    %get3A_969 = tpu.vector_load %arg15[%get3A_967, %get3A_968] {strides = array<i32>} : memref<8x208xi32, #tpu.memory_space<vmem>>, vector<1x16xi32>,
    %get3A_970 = vector.shape_cast %get3A_969 : vector<1x16xi32> to vector<16xi32>
    %get3A_971 = arith.constant 6 : i32
    %get3A_972 = arith.index_cast %get3A_971 : i32 to index
    %get3A_973 = arith.constant 160 : index
    %get3A_974 = tpu.vector_load %arg15[%get3A_972, %get3A_973] {strides = array<i32>} : memref<8x208xi32, #tpu.memory_space<vmem>>, vector<1x16xi32>,
    %get3A_975 = vector.shape_cast %get3A_974 : vector<1x16xi32> to vector<16xi32>
    %get3A_976 = arith.constant 7 : i32
    %get3A_977 = arith.index_cast %get3A_976 : i32 to index
    %get3A_978 = arith.constant 160 : index
    %get3A_979 = tpu.vector_load %arg15[%get3A_977, %get3A_978] {strides = array<i32>} : memref<8x208xi32, #tpu.memory_space<vmem>>, vector<1x16xi32>,
    %get3A_980 = vector.shape_cast %get3A_979 : vector<1x16xi32> to vector<16xi32>
    %mul3A_981 = arith.constant 8 : i32
    %mul3A_982 = vector.broadcast %mul3A_981 : i32 to vector<16xi32>
    %mul3A_983 = arith.muli %get3A_970, %mul3A_982 : vector<16xi32>
    %add3A_984 = arith.addi %mul3A_983, %get3A_975 : vector<16xi32>
    %mul3A_985 = arith.constant 32 : i32
    %mul3A_986 = vector.broadcast %mul3A_985 : i32 to vector<16xi32>
    %mul3A_987 = arith.muli %add3A_984, %mul3A_986 : vector<16xi32>
    %add3A_988 = arith.addi %mul3A_987, %get3A_980 : vector<16xi32>
    %mul3A_989 = arith.constant 32 : i32
    %mul3A_990 = vector.broadcast %mul3A_989 : i32 to vector<16xi32>
    %mul3A_991 = arith.muli %add3A_988, %mul3A_990 : vector<16xi32>
    %add3A_992 = arith.addi %mul3A_991, %get3A_955 : vector<16xi32>
    %mul3A_993 = arith.constant 2 : i32
    %mul3A_994 = vector.broadcast %mul3A_993 : i32 to vector<16xi32>
    %mul3A_995 = arith.muli %add3A_992, %mul3A_994 : vector<16xi32>
    %swap3A_996 = arith.constant 2 : i32
    %swap3A_997 = arith.index_cast %swap3A_996 : i32 to index
    %swap3A_998 = arith.constant 160 : index
    %swap3A_999 = tpu.vector_load %arg15[%swap3A_997, %swap3A_998] {strides = array<i32>} : memref<8x208xi32, #tpu.memory_space<vmem>>, vector<1x16xi32>,
    %swap3A_1000 = vector.shape_cast %swap3A_999 : vector<1x16xi32> to vector<16xi32>
    %swap3A_1001 = vector.shape_cast %mul3A_995 : vector<16xi32> to vector<1x16xi32>
    tpu.vector_store %arg15[%swap3A_997, %swap3A_998], %swap3A_1001 {strides = array<i32>} : memref<8x208xi32, #tpu.memory_space<vmem>>, vector<1x16xi32>,
    %mul3A_1002 = arith.constant 128 : i32
    %mul3A_1003 = vector.broadcast %mul3A_1002 : i32 to vector<16xi32>
    %mul3A_1004 = arith.muli %get3A_960, %mul3A_1003 : vector<16xi32>
    %add3A_1005 = arith.addi %mul3A_1004, %get3A_965 : vector<16xi32>
    %mul3A_1006 = arith.constant 2 : i32
    %mul3A_1007 = vector.broadcast %mul3A_1006 : i32 to vector<16xi32>
    %mul3A_1008 = arith.muli %add3A_1005, %mul3A_1007 : vector<16xi32>
    %swap3A_1009 = arith.constant 3 : i32
    %swap3A_1010 = arith.index_cast %swap3A_1009 : i32 to index
    %swap3A_1011 = arith.constant 160 : index
    %swap3A_1012 = tpu.vector_load %arg15[%swap3A_1010, %swap3A_1011] {strides = array<i32>} : memref<8x208xi32, #tpu.memory_space<vmem>>, vector<1x16xi32>,
    %swap3A_1013 = vector.shape_cast %swap3A_1012 : vector<1x16xi32> to vector<16xi32>
    %swap3A_1014 = vector.shape_cast %mul3A_1008 : vector<16xi32> to vector<1x16xi32>
    tpu.vector_store %arg15[%swap3A_1010, %swap3A_1011], %swap3A_1014 {strides = array<i32>} : memref<8x208xi32, #tpu.memory_space<vmem>>, vector<1x16xi32>,
    %get3A_1015 = arith.constant 2 : i32
    %get3A_1016 = arith.index_cast %get3A_1015 : i32 to index
    %get3A_1017 = arith.constant 176 : index
    %get3A_1018 = tpu.vector_load %arg15[%get3A_1016, %get3A_1017] {strides = array<i32>} : memref<8x208xi32, #tpu.memory_space<vmem>>, vector<1x16xi32>,
    %get3A_1019 = vector.shape_cast %get3A_1018 : vector<1x16xi32> to vector<16xi32>
    %get3A_1020 = arith.constant 3 : i32
    %get3A_1021 = arith.index_cast %get3A_1020 : i32 to index
    %get3A_1022 = arith.constant 176 : index
    %get3A_1023 = tpu.vector_load %arg15[%get3A_1021, %get3A_1022] {strides = array<i32>} : memref<8x208xi32, #tpu.memory_space<vmem>>, vector<1x16xi32>,
    %get3A_1024 = vector.shape_cast %get3A_1023 : vector<1x16xi32> to vector<16xi32>
    %get3A_1025 = arith.constant 4 : i32
    %get3A_1026 = arith.index_cast %get3A_1025 : i32 to index
    %get3A_1027 = arith.constant 176 : index
    %get3A_1028 = tpu.vector_load %arg15[%get3A_1026, %get3A_1027] {strides = array<i32>} : memref<8x208xi32, #tpu.memory_space<vmem>>, vector<1x16xi32>,
    %get3A_1029 = vector.shape_cast %get3A_1028 : vector<1x16xi32> to vector<16xi32>
    %get3A_1030 = arith.constant 5 : i32
    %get3A_1031 = arith.index_cast %get3A_1030 : i32 to index
    %get3A_1032 = arith.constant 176 : index
    %get3A_1033 = tpu.vector_load %arg15[%get3A_1031, %get3A_1032] {strides = array<i32>} : memref<8x208xi32, #tpu.memory_space<vmem>>, vector<1x16xi32>,
    %get3A_1034 = vector.shape_cast %get3A_1033 : vector<1x16xi32> to vector<16xi32>
    %get3A_1035 = arith.constant 6 : i32
    %get3A_1036 = arith.index_cast %get3A_1035 : i32 to index
    %get3A_1037 = arith.constant 176 : index
    %get3A_1038 = tpu.vector_load %arg15[%get3A_1036, %get3A_1037] {strides = array<i32>} : memref<8x208xi32, #tpu.memory_space<vmem>>, vector<1x16xi32>,
    %get3A_1039 = vector.shape_cast %get3A_1038 : vector<1x16xi32> to vector<16xi32>
    %get3A_1040 = arith.constant 7 : i32
    %get3A_1041 = arith.index_cast %get3A_1040 : i32 to index
    %get3A_1042 = arith.constant 176 : index
    %get3A_1043 = tpu.vector_load %arg15[%get3A_1041, %get3A_1042] {strides = array<i32>} : memref<8x208xi32, #tpu.memory_space<vmem>>, vector<1x16xi32>,
    %get3A_1044 = vector.shape_cast %get3A_1043 : vector<1x16xi32> to vector<16xi32>
    %mul3A_1045 = arith.constant 8 : i32
    %mul3A_1046 = vector.broadcast %mul3A_1045 : i32 to vector<16xi32>
    %mul3A_1047 = arith.muli %get3A_1034, %mul3A_1046 : vector<16xi32>
    %add3A_1048 = arith.addi %mul3A_1047, %get3A_1039 : vector<16xi32>
    %mul3A_1049 = arith.constant 32 : i32
    %mul3A_1050 = vector.broadcast %mul3A_1049 : i32 to vector<16xi32>
    %mul3A_1051 = arith.muli %add3A_1048, %mul3A_1050 : vector<16xi32>
    %add3A_1052 = arith.addi %mul3A_1051, %get3A_1044 : vector<16xi32>
    %mul3A_1053 = arith.constant 32 : i32
    %mul3A_1054 = vector.broadcast %mul3A_1053 : i32 to vector<16xi32>
    %mul3A_1055 = arith.muli %add3A_1052, %mul3A_1054 : vector<16xi32>
    %add3A_1056 = arith.addi %mul3A_1055, %get3A_1019 : vector<16xi32>
    %mul3A_1057 = arith.constant 2 : i32
    %mul3A_1058 = vector.broadcast %mul3A_1057 : i32 to vector<16xi32>
    %mul3A_1059 = arith.muli %add3A_1056, %mul3A_1058 : vector<16xi32>
    %swap3A_1060 = arith.constant 2 : i32
    %swap3A_1061 = arith.index_cast %swap3A_1060 : i32 to index
    %swap3A_1062 = arith.constant 176 : index
    %swap3A_1063 = tpu.vector_load %arg15[%swap3A_1061, %swap3A_1062] {strides = array<i32>} : memref<8x208xi32, #tpu.memory_space<vmem>>, vector<1x16xi32>,
    %swap3A_1064 = vector.shape_cast %swap3A_1063 : vector<1x16xi32> to vector<16xi32>
    %swap3A_1065 = vector.shape_cast %mul3A_1059 : vector<16xi32> to vector<1x16xi32>
    tpu.vector_store %arg15[%swap3A_1061, %swap3A_1062], %swap3A_1065 {strides = array<i32>} : memref<8x208xi32, #tpu.memory_space<vmem>>, vector<1x16xi32>,
    %mul3A_1066 = arith.constant 128 : i32
    %mul3A_1067 = vector.broadcast %mul3A_1066 : i32 to vector<16xi32>
    %mul3A_1068 = arith.muli %get3A_1024, %mul3A_1067 : vector<16xi32>
    %add3A_1069 = arith.addi %mul3A_1068, %get3A_1029 : vector<16xi32>
    %mul3A_1070 = arith.constant 2 : i32
    %mul3A_1071 = vector.broadcast %mul3A_1070 : i32 to vector<16xi32>
    %mul3A_1072 = arith.muli %add3A_1069, %mul3A_1071 : vector<16xi32>
    %swap3A_1073 = arith.constant 3 : i32
    %swap3A_1074 = arith.index_cast %swap3A_1073 : i32 to index
    %swap3A_1075 = arith.constant 176 : index
    %swap3A_1076 = tpu.vector_load %arg15[%swap3A_1074, %swap3A_1075] {strides = array<i32>} : memref<8x208xi32, #tpu.memory_space<vmem>>, vector<1x16xi32>,
    %swap3A_1077 = vector.shape_cast %swap3A_1076 : vector<1x16xi32> to vector<16xi32>
    %swap3A_1078 = vector.shape_cast %mul3A_1072 : vector<16xi32> to vector<1x16xi32>
    tpu.vector_store %arg15[%swap3A_1074, %swap3A_1075], %swap3A_1078 {strides = array<i32>} : memref<8x208xi32, #tpu.memory_space<vmem>>, vector<1x16xi32>,
    %get3A_1079 = arith.constant 2 : i32
    %get3A_1080 = arith.index_cast %get3A_1079 : i32 to index
    %get3A_1081 = arith.constant 192 : index
    %get3A_1082 = tpu.vector_load %arg15[%get3A_1080, %get3A_1081] {strides = array<i32>} : memref<8x208xi32, #tpu.memory_space<vmem>>, vector<1x16xi32>,
    %get3A_1083 = vector.shape_cast %get3A_1082 : vector<1x16xi32> to vector<16xi32>
    %get3A_1084 = arith.constant 3 : i32
    %get3A_1085 = arith.index_cast %get3A_1084 : i32 to index
    %get3A_1086 = arith.constant 192 : index
    %get3A_1087 = tpu.vector_load %arg15[%get3A_1085, %get3A_1086] {strides = array<i32>} : memref<8x208xi32, #tpu.memory_space<vmem>>, vector<1x16xi32>,
    %get3A_1088 = vector.shape_cast %get3A_1087 : vector<1x16xi32> to vector<16xi32>
    %get3A_1089 = arith.constant 4 : i32
    %get3A_1090 = arith.index_cast %get3A_1089 : i32 to index
    %get3A_1091 = arith.constant 192 : index
    %get3A_1092 = tpu.vector_load %arg15[%get3A_1090, %get3A_1091] {strides = array<i32>} : memref<8x208xi32, #tpu.memory_space<vmem>>, vector<1x16xi32>,
    %get3A_1093 = vector.shape_cast %get3A_1092 : vector<1x16xi32> to vector<16xi32>
    %get3A_1094 = arith.constant 5 : i32
    %get3A_1095 = arith.index_cast %get3A_1094 : i32 to index
    %get3A_1096 = arith.constant 192 : index
    %get3A_1097 = tpu.vector_load %arg15[%get3A_1095, %get3A_1096] {strides = array<i32>} : memref<8x208xi32, #tpu.memory_space<vmem>>, vector<1x16xi32>,
    %get3A_1098 = vector.shape_cast %get3A_1097 : vector<1x16xi32> to vector<16xi32>
    %get3A_1099 = arith.constant 6 : i32
    %get3A_1100 = arith.index_cast %get3A_1099 : i32 to index
    %get3A_1101 = arith.constant 192 : index
    %get3A_1102 = tpu.vector_load %arg15[%get3A_1100, %get3A_1101] {strides = array<i32>} : memref<8x208xi32, #tpu.memory_space<vmem>>, vector<1x16xi32>,
    %get3A_1103 = vector.shape_cast %get3A_1102 : vector<1x16xi32> to vector<16xi32>
    %get3A_1104 = arith.constant 7 : i32
    %get3A_1105 = arith.index_cast %get3A_1104 : i32 to index
    %get3A_1106 = arith.constant 192 : index
    %get3A_1107 = tpu.vector_load %arg15[%get3A_1105, %get3A_1106] {strides = array<i32>} : memref<8x208xi32, #tpu.memory_space<vmem>>, vector<1x16xi32>,
    %get3A_1108 = vector.shape_cast %get3A_1107 : vector<1x16xi32> to vector<16xi32>
    %mul3A_1109 = arith.constant 8 : i32
    %mul3A_1110 = vector.broadcast %mul3A_1109 : i32 to vector<16xi32>
    %mul3A_1111 = arith.muli %get3A_1098, %mul3A_1110 : vector<16xi32>
    %add3A_1112 = arith.addi %mul3A_1111, %get3A_1103 : vector<16xi32>
    %mul3A_1113 = arith.constant 32 : i32
    %mul3A_1114 = vector.broadcast %mul3A_1113 : i32 to vector<16xi32>
    %mul3A_1115 = arith.muli %add3A_1112, %mul3A_1114 : vector<16xi32>
    %add3A_1116 = arith.addi %mul3A_1115, %get3A_1108 : vector<16xi32>
    %mul3A_1117 = arith.constant 32 : i32
    %mul3A_1118 = vector.broadcast %mul3A_1117 : i32 to vector<16xi32>
    %mul3A_1119 = arith.muli %add3A_1116, %mul3A_1118 : vector<16xi32>
    %add3A_1120 = arith.addi %mul3A_1119, %get3A_1083 : vector<16xi32>
    %mul3A_1121 = arith.constant 2 : i32
    %mul3A_1122 = vector.broadcast %mul3A_1121 : i32 to vector<16xi32>
    %mul3A_1123 = arith.muli %add3A_1120, %mul3A_1122 : vector<16xi32>
    %swap3A_1124 = arith.constant 2 : i32
    %swap3A_1125 = arith.index_cast %swap3A_1124 : i32 to index
    %swap3A_1126 = arith.constant 192 : index
    %swap3A_1127 = tpu.vector_load %arg15[%swap3A_1125, %swap3A_1126] {strides = array<i32>} : memref<8x208xi32, #tpu.memory_space<vmem>>, vector<1x16xi32>,
    %swap3A_1128 = vector.shape_cast %swap3A_1127 : vector<1x16xi32> to vector<16xi32>
    %swap3A_1129 = vector.shape_cast %mul3A_1123 : vector<16xi32> to vector<1x16xi32>
    tpu.vector_store %arg15[%swap3A_1125, %swap3A_1126], %swap3A_1129 {strides = array<i32>} : memref<8x208xi32, #tpu.memory_space<vmem>>, vector<1x16xi32>,
    %mul3A_1130 = arith.constant 128 : i32
    %mul3A_1131 = vector.broadcast %mul3A_1130 : i32 to vector<16xi32>
    %mul3A_1132 = arith.muli %get3A_1088, %mul3A_1131 : vector<16xi32>
    %add3A_1133 = arith.addi %mul3A_1132, %get3A_1093 : vector<16xi32>
    %mul3A_1134 = arith.constant 2 : i32
    %mul3A_1135 = vector.broadcast %mul3A_1134 : i32 to vector<16xi32>
    %mul3A_1136 = arith.muli %add3A_1133, %mul3A_1135 : vector<16xi32>
    %swap3A_1137 = arith.constant 3 : i32
    %swap3A_1138 = arith.index_cast %swap3A_1137 : i32 to index
    %swap3A_1139 = arith.constant 192 : index
    %swap3A_1140 = tpu.vector_load %arg15[%swap3A_1138, %swap3A_1139] {strides = array<i32>} : memref<8x208xi32, #tpu.memory_space<vmem>>, vector<1x16xi32>,
    %swap3A_1141 = vector.shape_cast %swap3A_1140 : vector<1x16xi32> to vector<16xi32>
    %swap3A_1142 = vector.shape_cast %mul3A_1136 : vector<16xi32> to vector<1x16xi32>
    tpu.vector_store %arg15[%swap3A_1138, %swap3A_1139], %swap3A_1142 {strides = array<i32>} : memref<8x208xi32, #tpu.memory_space<vmem>>, vector<1x16xi32>,
    %dma_start3A_1143 = arith.constant 0 : i32
    %dma_start3A_1144 = arith.constant 0 : i32
    %dma_start3A_1145 = tpu.memref_slice %arg15[%dma_start3A_1143, %dma_start3A_1144] : memref<8x208xi32, #tpu.memory_space<vmem>> -> memref<1x200xi32, #tpu.memory_space<vmem>>
    %dma_start3A_1146 = tpu.memref_squeeze %dma_start3A_1145 : memref<1x200xi32, #tpu.memory_space<vmem>> -> memref<200xi32, #tpu.memory_space<vmem>>
    %dma_start3A_1147 = arith.constant 0 : i32
    %dma_start3A_1148 = arith.constant 0 : i32
    %dma_start3A_1149 = tpu.memref_slice %arg10[%dma_start3A_1147, %dma_start3A_1148] : memref<1000000x64xf32, #tpu.memory_space<hbm>> -> memref<1000000x64xf32, #tpu.memory_space<hbm>>
    tpu.enqueue_indirect_dma source(%dma_start3A_1149 : memref<1000000x64xf32, #tpu.memory_space<hbm>>) target(%arg23 : memref<200x64xf32, #tpu.memory_space<vmem>>) offsets(%dma_start3A_1146 : memref<200xi32, #tpu.memory_space<vmem>>) semaphore(%arg27 : memref<!tpu.dma_semaphore, #tpu.memory_space<semaphore_mem>>)
    %dma_start3A_1150 = arith.constant 1 : i32
    %dma_start3A_1151 = arith.constant 0 : i32
    %dma_start3A_1152 = tpu.memref_slice %arg15[%dma_start3A_1150, %dma_start3A_1151] : memref<8x208xi32, #tpu.memory_space<vmem>> -> memref<1x200xi32, #tpu.memory_space<vmem>>
    %dma_start3A_1153 = tpu.memref_squeeze %dma_start3A_1152 : memref<1x200xi32, #tpu.memory_space<vmem>> -> memref<200xi32, #tpu.memory_space<vmem>>
    %dma_start3A_1154 = arith.constant 0 : i32
    %dma_start3A_1155 = arith.constant 0 : i32
    %dma_start3A_1156 = tpu.memref_slice %arg11[%dma_start3A_1154, %dma_start3A_1155] : memref<512x64xf32, #tpu.memory_space<hbm>> -> memref<512x64xf32, #tpu.memory_space<hbm>>
    tpu.enqueue_indirect_dma source(%dma_start3A_1156 : memref<512x64xf32, #tpu.memory_space<hbm>>) target(%arg17 : memref<200x64xf32, #tpu.memory_space<vmem>>) offsets(%dma_start3A_1153 : memref<200xi32, #tpu.memory_space<vmem>>) semaphore(%arg27 : memref<!tpu.dma_semaphore, #tpu.memory_space<semaphore_mem>>)
    %dma_start3A_1157 = arith.constant 2 : i32
    %dma_start3A_1158 = arith.constant 0 : i32
    %dma_start3A_1159 = tpu.memref_slice %arg15[%dma_start3A_1157, %dma_start3A_1158] : memref<8x208xi32, #tpu.memory_space<vmem>> -> memref<1x200xi32, #tpu.memory_space<vmem>>
    %dma_start3A_1160 = tpu.memref_squeeze %dma_start3A_1159 : memref<1x200xi32, #tpu.memory_space<vmem>> -> memref<200xi32, #tpu.memory_space<vmem>>
    %dma_start3A_1161 = arith.constant 0 : i32
    %dma_start3A_1162 = arith.constant 0 : i32
    %dma_start3A_1163 = tpu.memref_slice %arg12[%dma_start3A_1161, %dma_start3A_1162] : memref<65536x64xf32, #tpu.memory_space<hbm>> -> memref<65536x64xf32, #tpu.memory_space<hbm>>
    tpu.enqueue_indirect_dma source(%dma_start3A_1163 : memref<65536x64xf32, #tpu.memory_space<hbm>>) target(%arg18 : memref<200x64xf32, #tpu.memory_space<vmem>>) offsets(%dma_start3A_1160 : memref<200xi32, #tpu.memory_space<vmem>>) semaphore(%arg27 : memref<!tpu.dma_semaphore, #tpu.memory_space<semaphore_mem>>)
    %dma_start3A_1164 = arith.constant 3 : i32
    %dma_start3A_1165 = arith.constant 0 : i32
    %dma_start3A_1166 = tpu.memref_slice %arg15[%dma_start3A_1164, %dma_start3A_1165] : memref<8x208xi32, #tpu.memory_space<vmem>> -> memref<1x200xi32, #tpu.memory_space<vmem>>
    %dma_start3A_1167 = tpu.memref_squeeze %dma_start3A_1166 : memref<1x200xi32, #tpu.memory_space<vmem>> -> memref<200xi32, #tpu.memory_space<vmem>>
    %dma_start3A_1168 = arith.constant 0 : i32
    %dma_start3A_1169 = arith.constant 0 : i32
    %dma_start3A_1170 = tpu.memref_slice %arg13[%dma_start3A_1168, %dma_start3A_1169] : memref<32768x64xf32, #tpu.memory_space<hbm>> -> memref<32768x64xf32, #tpu.memory_space<hbm>>
    tpu.enqueue_indirect_dma source(%dma_start3A_1170 : memref<32768x64xf32, #tpu.memory_space<hbm>>) target(%arg19 : memref<200x64xf32, #tpu.memory_space<vmem>>) offsets(%dma_start3A_1167 : memref<200xi32, #tpu.memory_space<vmem>>) semaphore(%arg27 : memref<!tpu.dma_semaphore, #tpu.memory_space<semaphore_mem>>)
    %scan3A = arith.constant 0 : i32
    %scan3A_1171 = arith.constant 64 : i32
    %scan3A_1172 = arith.addi %scan3A, %scan3A_1171 : i32
    %scan3A_1173 = arith.constant 1 : i32
    scf.for %scan3A_1183 = %scan3A to %scan3A_1172 step %scan3A_1173  : i32 {
      %mul3A_1184 = arith.constant 2 : i32
      %mul3A_1185 = arith.muli %scan3A_1183, %mul3A_1184 : i32
      %add3A_1186 = arith.constant 0 : i32
      %add3A_1187 = arith.addi %add3A_1186, %mul3A_1185 : i32
      %add3A_1188 = arith.constant 0 : i32
      %add3A_1189 = arith.addi %add3A_1187, %add3A_1188 : i32
      %ge3A = arith.constant 1 : i32
      %ge3A_1190 = arith.cmpi sge, %add3A_1189, %ge3A : i32
      %convert_element_type3A = arith.extui %ge3A_1190 : i1 to i32
      %cond3A = arith.constant 0 : i32
      %cond3A_1191 = arith.cmpi ne, %convert_element_type3A, %cond3A : i32
      scf.if %cond3A_1191 {
        %sub3A = arith.constant 1 : i32
        %sub3A_1306 = arith.subi %add3A_1189, %sub3A : i32
        %add3A_1307 = arith.addi %mul3A_2, %sub3A_1306 : i32
        %mul3A_1308 = arith.constant 200 : i32
        %mul3A_1309 = arith.muli %add3A_1307, %mul3A_1308 : i32
        %dma_wait3A_1310 = arith.constant 0 : i32
        %dma_wait3A_1311 = tpu.memref_slice %arg14[%mul3A_1309, %dma_wait3A_1310] : memref<819200x128xf32, #tpu.memory_space<hbm>> -> memref<200x64xf32, #tpu.memory_space<hbm>>
        %dma_wait3A_1312 = arith.constant 0 : i32
        %dma_wait3A_1313 = tpu.memref_slice %arg14[%mul3A_1309, %dma_wait3A_1312] : memref<819200x128xf32, #tpu.memory_space<hbm>> -> memref<200x64xf32, #tpu.memory_space<hbm>>
        tpu.wait_dma2 semaphore(%arg30 : memref<!tpu.dma_semaphore, #tpu.memory_space<semaphore_mem>>) src(%arg24 : memref<200x64xf32, #tpu.memory_space<vmem>>) dst(%dma_wait3A_1313 : memref<200x64xf32, #tpu.memory_space<hbm>>)
      } else {
      }
      %add3A_1192 = arith.constant 1 : i32
      %add3A_1193 = arith.addi %add3A_1189, %add3A_1192 : i32
      %lt3A = arith.constant 128 : i32
      %lt3A_1194 = arith.cmpi slt, %add3A_1193, %lt3A : i32
      %convert_element_type3A_1195 = arith.extui %lt3A_1194 : i1 to i32
      %cond3A_1196 = arith.constant 0 : i32
      %cond3A_1197 = arith.cmpi ne, %convert_element_type3A_1195, %cond3A_1196 : i32
      scf.if %cond3A_1197 {
        %add3A_1306 = arith.constant 1 : i32
        %add3A_1307 = arith.addi %add3A_1189, %add3A_1306 : i32
        %add3A_1308 = arith.addi %mul3A_2, %add3A_1307 : i32
        %mul3A_1309 = arith.constant 200 : i32
        %mul3A_1310 = arith.muli %add3A_1308, %mul3A_1309 : i32
        %dma_wait3A_1311 = arith.constant 0 : i32
        %dma_wait3A_1312 = arith.constant 0 : i32
        %dma_wait3A_1313 = tpu.memref_slice %arg16[%dma_wait3A_1311, %dma_wait3A_1312] : memref<8x208xi32, #tpu.memory_space<vmem>> -> memref<1x200xi32, #tpu.memory_space<vmem>>
        %dma_wait3A_1314 = tpu.memref_squeeze %dma_wait3A_1313 : memref<1x200xi32, #tpu.memory_space<vmem>> -> memref<200xi32, #tpu.memory_space<vmem>>
        %dma_wait3A_1315 = tpu.memref_slice %arg2[%mul3A_1310] : memref<819200xi32, #tpu.memory_space<hbm>> -> memref<200xi32, #tpu.memory_space<hbm>>
        %dma_wait3A_1316 = arith.constant 0 : i32
        %dma_wait3A_1317 = tpu.memref_slice %arg16[%dma_wait3A_1311, %dma_wait3A_1316] : memref<8x208xi32, #tpu.memory_space<vmem>> -> memref<1x200xi32, #tpu.memory_space<vmem>>
        %dma_wait3A_1318 = tpu.memref_squeeze %dma_wait3A_1317 : memref<1x200xi32, #tpu.memory_space<vmem>> -> memref<200xi32, #tpu.memory_space<vmem>>
        %dma_wait3A_1319 = tpu.memref_slice %arg2[%mul3A_1310] : memref<819200xi32, #tpu.memory_space<hbm>> -> memref<200xi32, #tpu.memory_space<hbm>>
        tpu.wait_dma2 semaphore(%arg26 : memref<!tpu.dma_semaphore, #tpu.memory_space<semaphore_mem>>) src(%dma_wait3A_1319 : memref<200xi32, #tpu.memory_space<hbm>>) dst(%dma_wait3A_1318 : memref<200xi32, #tpu.memory_space<vmem>>)
        %add3A_1320 = arith.addi %mul3A_2, %add3A_1307 : i32
        %mul3A_1321 = arith.constant 200 : i32
        %mul3A_1322 = arith.muli %add3A_1320, %mul3A_1321 : i32
        %dma_wait3A_1323 = arith.constant 1 : i32
        %dma_wait3A_1324 = arith.constant 0 : i32
        %dma_wait3A_1325 = tpu.memref_slice %arg16[%dma_wait3A_1323, %dma_wait3A_1324] : memref<8x208xi32, #tpu.memory_space<vmem>> -> memref<1x200xi32, #tpu.memory_space<vmem>>
        %dma_wait3A_1326 = tpu.memref_squeeze %dma_wait3A_1325 : memref<1x200xi32, #tpu.memory_space<vmem>> -> memref<200xi32, #tpu.memory_space<vmem>>
        %dma_wait3A_1327 = tpu.memref_slice %arg3[%mul3A_1322] : memref<819200xi32, #tpu.memory_space<hbm>> -> memref<200xi32, #tpu.memory_space<hbm>>
        %dma_wait3A_1328 = arith.constant 0 : i32
        %dma_wait3A_1329 = tpu.memref_slice %arg16[%dma_wait3A_1323, %dma_wait3A_1328] : memref<8x208xi32, #tpu.memory_space<vmem>> -> memref<1x200xi32, #tpu.memory_space<vmem>>
        %dma_wait3A_1330 = tpu.memref_squeeze %dma_wait3A_1329 : memref<1x200xi32, #tpu.memory_space<vmem>> -> memref<200xi32, #tpu.memory_space<vmem>>
        %dma_wait3A_1331 = tpu.memref_slice %arg3[%mul3A_1322] : memref<819200xi32, #tpu.memory_space<hbm>> -> memref<200xi32, #tpu.memory_space<hbm>>
        tpu.wait_dma2 semaphore(%arg26 : memref<!tpu.dma_semaphore, #tpu.memory_space<semaphore_mem>>) src(%dma_wait3A_1331 : memref<200xi32, #tpu.memory_space<hbm>>) dst(%dma_wait3A_1330 : memref<200xi32, #tpu.memory_space<vmem>>)
        %add3A_1332 = arith.addi %mul3A_2, %add3A_1307 : i32
        %mul3A_1333 = arith.constant 200 : i32
        %mul3A_1334 = arith.muli %add3A_1332, %mul3A_1333 : i32
        %dma_wait3A_1335 = arith.constant 2 : i32
        %dma_wait3A_1336 = arith.constant 0 : i32
        %dma_wait3A_1337 = tpu.memref_slice %arg16[%dma_wait3A_1335, %dma_wait3A_1336] : memref<8x208xi32, #tpu.memory_space<vmem>> -> memref<1x200xi32, #tpu.memory_space<vmem>>
        %dma_wait3A_1338 = tpu.memref_squeeze %dma_wait3A_1337 : memref<1x200xi32, #tpu.memory_space<vmem>> -> memref<200xi32, #tpu.memory_space<vmem>>
        %dma_wait3A_1339 = tpu.memref_slice %arg4[%mul3A_1334] : memref<819200xi32, #tpu.memory_space<hbm>> -> memref<200xi32, #tpu.memory_space<hbm>>
        %dma_wait3A_1340 = arith.constant 0 : i32
        %dma_wait3A_1341 = tpu.memref_slice %arg16[%dma_wait3A_1335, %dma_wait3A_1340] : memref<8x208xi32, #tpu.memory_space<vmem>> -> memref<1x200xi32, #tpu.memory_space<vmem>>
        %dma_wait3A_1342 = tpu.memref_squeeze %dma_wait3A_1341 : memref<1x200xi32, #tpu.memory_space<vmem>> -> memref<200xi32, #tpu.memory_space<vmem>>
        %dma_wait3A_1343 = tpu.memref_slice %arg4[%mul3A_1334] : memref<819200xi32, #tpu.memory_space<hbm>> -> memref<200xi32, #tpu.memory_space<hbm>>
        tpu.wait_dma2 semaphore(%arg26 : memref<!tpu.dma_semaphore, #tpu.memory_space<semaphore_mem>>) src(%dma_wait3A_1343 : memref<200xi32, #tpu.memory_space<hbm>>) dst(%dma_wait3A_1342 : memref<200xi32, #tpu.memory_space<vmem>>)
        %add3A_1344 = arith.addi %mul3A_2, %add3A_1307 : i32
        %mul3A_1345 = arith.constant 200 : i32
        %mul3A_1346 = arith.muli %add3A_1344, %mul3A_1345 : i32
        %dma_wait3A_1347 = arith.constant 3 : i32
        %dma_wait3A_1348 = arith.constant 0 : i32
        %dma_wait3A_1349 = tpu.memref_slice %arg16[%dma_wait3A_1347, %dma_wait3A_1348] : memref<8x208xi32, #tpu.memory_space<vmem>> -> memref<1x200xi32, #tpu.memory_space<vmem>>
        %dma_wait3A_1350 = tpu.memref_squeeze %dma_wait3A_1349 : memref<1x200xi32, #tpu.memory_space<vmem>> -> memref<200xi32, #tpu.memory_space<vmem>>
        %dma_wait3A_1351 = tpu.memref_slice %arg5[%mul3A_1346] : memref<819200xi32, #tpu.memory_space<hbm>> -> memref<200xi32, #tpu.memory_space<hbm>>
        %dma_wait3A_1352 = arith.constant 0 : i32
        %dma_wait3A_1353 = tpu.memref_slice %arg16[%dma_wait3A_1347, %dma_wait3A_1352] : memref<8x208xi32, #tpu.memory_space<vmem>> -> memref<1x200xi32, #tpu.memory_space<vmem>>
        %dma_wait3A_1354 = tpu.memref_squeeze %dma_wait3A_1353 : memref<1x200xi32, #tpu.memory_space<vmem>> -> memref<200xi32, #tpu.memory_space<vmem>>
        %dma_wait3A_1355 = tpu.memref_slice %arg5[%mul3A_1346] : memref<819200xi32, #tpu.memory_space<hbm>> -> memref<200xi32, #tpu.memory_space<hbm>>
        tpu.wait_dma2 semaphore(%arg26 : memref<!tpu.dma_semaphore, #tpu.memory_space<semaphore_mem>>) src(%dma_wait3A_1355 : memref<200xi32, #tpu.memory_space<hbm>>) dst(%dma_wait3A_1354 : memref<200xi32, #tpu.memory_space<vmem>>)
        %add3A_1356 = arith.addi %mul3A_2, %add3A_1307 : i32
        %mul3A_1357 = arith.constant 200 : i32
        %mul3A_1358 = arith.muli %add3A_1356, %mul3A_1357 : i32
        %dma_wait3A_1359 = arith.constant 4 : i32
        %dma_wait3A_1360 = arith.constant 0 : i32
        %dma_wait3A_1361 = tpu.memref_slice %arg16[%dma_wait3A_1359, %dma_wait3A_1360] : memref<8x208xi32, #tpu.memory_space<vmem>> -> memref<1x200xi32, #tpu.memory_space<vmem>>
        %dma_wait3A_1362 = tpu.memref_squeeze %dma_wait3A_1361 : memref<1x200xi32, #tpu.memory_space<vmem>> -> memref<200xi32, #tpu.memory_space<vmem>>
        %dma_wait3A_1363 = tpu.memref_slice %arg6[%mul3A_1358] : memref<819200xi32, #tpu.memory_space<hbm>> -> memref<200xi32, #tpu.memory_space<hbm>>
        %dma_wait3A_1364 = arith.constant 0 : i32
        %dma_wait3A_1365 = tpu.memref_slice %arg16[%dma_wait3A_1359, %dma_wait3A_1364] : memref<8x208xi32, #tpu.memory_space<vmem>> -> memref<1x200xi32, #tpu.memory_space<vmem>>
        %dma_wait3A_1366 = tpu.memref_squeeze %dma_wait3A_1365 : memref<1x200xi32, #tpu.memory_space<vmem>> -> memref<200xi32, #tpu.memory_space<vmem>>
        %dma_wait3A_1367 = tpu.memref_slice %arg6[%mul3A_1358] : memref<819200xi32, #tpu.memory_space<hbm>> -> memref<200xi32, #tpu.memory_space<hbm>>
        tpu.wait_dma2 semaphore(%arg26 : memref<!tpu.dma_semaphore, #tpu.memory_space<semaphore_mem>>) src(%dma_wait3A_1367 : memref<200xi32, #tpu.memory_space<hbm>>) dst(%dma_wait3A_1366 : memref<200xi32, #tpu.memory_space<vmem>>)
        %add3A_1368 = arith.addi %mul3A_2, %add3A_1307 : i32
        %mul3A_1369 = arith.constant 200 : i32
        %mul3A_1370 = arith.muli %add3A_1368, %mul3A_1369 : i32
        %dma_wait3A_1371 = arith.constant 5 : i32
        %dma_wait3A_1372 = arith.constant 0 : i32
        %dma_wait3A_1373 = tpu.memref_slice %arg16[%dma_wait3A_1371, %dma_wait3A_1372] : memref<8x208xi32, #tpu.memory_space<vmem>> -> memref<1x200xi32, #tpu.memory_space<vmem>>
        %dma_wait3A_1374 = tpu.memref_squeeze %dma_wait3A_1373 : memref<1x200xi32, #tpu.memory_space<vmem>> -> memref<200xi32, #tpu.memory_space<vmem>>
        %dma_wait3A_1375 = tpu.memref_slice %arg7[%mul3A_1370] : memref<819200xi32, #tpu.memory_space<hbm>> -> memref<200xi32, #tpu.memory_space<hbm>>
        %dma_wait3A_1376 = arith.constant 0 : i32
        %dma_wait3A_1377 = tpu.memref_slice %arg16[%dma_wait3A_1371, %dma_wait3A_1376] : memref<8x208xi32, #tpu.memory_space<vmem>> -> memref<1x200xi32, #tpu.memory_space<vmem>>
        %dma_wait3A_1378 = tpu.memref_squeeze %dma_wait3A_1377 : memref<1x200xi32, #tpu.memory_space<vmem>> -> memref<200xi32, #tpu.memory_space<vmem>>
        %dma_wait3A_1379 = tpu.memref_slice %arg7[%mul3A_1370] : memref<819200xi32, #tpu.memory_space<hbm>> -> memref<200xi32, #tpu.memory_space<hbm>>
        tpu.wait_dma2 semaphore(%arg26 : memref<!tpu.dma_semaphore, #tpu.memory_space<semaphore_mem>>) src(%dma_wait3A_1379 : memref<200xi32, #tpu.memory_space<hbm>>) dst(%dma_wait3A_1378 : memref<200xi32, #tpu.memory_space<vmem>>)
        %add3A_1380 = arith.addi %mul3A_2, %add3A_1307 : i32
        %mul3A_1381 = arith.constant 200 : i32
        %mul3A_1382 = arith.muli %add3A_1380, %mul3A_1381 : i32
        %dma_wait3A_1383 = arith.constant 6 : i32
        %dma_wait3A_1384 = arith.constant 0 : i32
        %dma_wait3A_1385 = tpu.memref_slice %arg16[%dma_wait3A_1383, %dma_wait3A_1384] : memref<8x208xi32, #tpu.memory_space<vmem>> -> memref<1x200xi32, #tpu.memory_space<vmem>>
        %dma_wait3A_1386 = tpu.memref_squeeze %dma_wait3A_1385 : memref<1x200xi32, #tpu.memory_space<vmem>> -> memref<200xi32, #tpu.memory_space<vmem>>
        %dma_wait3A_1387 = tpu.memref_slice %arg8[%mul3A_1382] : memref<819200xi32, #tpu.memory_space<hbm>> -> memref<200xi32, #tpu.memory_space<hbm>>
        %dma_wait3A_1388 = arith.constant 0 : i32
        %dma_wait3A_1389 = tpu.memref_slice %arg16[%dma_wait3A_1383, %dma_wait3A_1388] : memref<8x208xi32, #tpu.memory_space<vmem>> -> memref<1x200xi32, #tpu.memory_space<vmem>>
        %dma_wait3A_1390 = tpu.memref_squeeze %dma_wait3A_1389 : memref<1x200xi32, #tpu.memory_space<vmem>> -> memref<200xi32, #tpu.memory_space<vmem>>
        %dma_wait3A_1391 = tpu.memref_slice %arg8[%mul3A_1382] : memref<819200xi32, #tpu.memory_space<hbm>> -> memref<200xi32, #tpu.memory_space<hbm>>
        tpu.wait_dma2 semaphore(%arg26 : memref<!tpu.dma_semaphore, #tpu.memory_space<semaphore_mem>>) src(%dma_wait3A_1391 : memref<200xi32, #tpu.memory_space<hbm>>) dst(%dma_wait3A_1390 : memref<200xi32, #tpu.memory_space<vmem>>)
        %add3A_1392 = arith.addi %mul3A_2, %add3A_1307 : i32
        %mul3A_1393 = arith.constant 200 : i32
        %mul3A_1394 = arith.muli %add3A_1392, %mul3A_1393 : i32
        %dma_wait3A_1395 = arith.constant 7 : i32
        %dma_wait3A_1396 = arith.constant 0 : i32
        %dma_wait3A_1397 = tpu.memref_slice %arg16[%dma_wait3A_1395, %dma_wait3A_1396] : memref<8x208xi32, #tpu.memory_space<vmem>> -> memref<1x200xi32, #tpu.memory_space<vmem>>
        %dma_wait3A_1398 = tpu.memref_squeeze %dma_wait3A_1397 : memref<1x200xi32, #tpu.memory_space<vmem>> -> memref<200xi32, #tpu.memory_space<vmem>>
        %dma_wait3A_1399 = tpu.memref_slice %arg9[%mul3A_1394] : memref<819200xi32, #tpu.memory_space<hbm>> -> memref<200xi32, #tpu.memory_space<hbm>>
        %dma_wait3A_1400 = arith.constant 0 : i32
        %dma_wait3A_1401 = tpu.memref_slice %arg16[%dma_wait3A_1395, %dma_wait3A_1400] : memref<8x208xi32, #tpu.memory_space<vmem>> -> memref<1x200xi32, #tpu.memory_space<vmem>>
        %dma_wait3A_1402 = tpu.memref_squeeze %dma_wait3A_1401 : memref<1x200xi32, #tpu.memory_space<vmem>> -> memref<200xi32, #tpu.memory_space<vmem>>
        %dma_wait3A_1403 = tpu.memref_slice %arg9[%mul3A_1394] : memref<819200xi32, #tpu.memory_space<hbm>> -> memref<200xi32, #tpu.memory_space<hbm>>
        tpu.wait_dma2 semaphore(%arg26 : memref<!tpu.dma_semaphore, #tpu.memory_space<semaphore_mem>>) src(%dma_wait3A_1403 : memref<200xi32, #tpu.memory_space<hbm>>) dst(%dma_wait3A_1402 : memref<200xi32, #tpu.memory_space<vmem>>)
        %get3A_1404 = arith.constant 2 : i32
        %get3A_1405 = arith.index_cast %get3A_1404 : i32 to index
        %get3A_1406 = arith.constant 0 : index
        %get3A_1407 = tpu.vector_load %arg16[%get3A_1405, %get3A_1406] {strides = array<i32>} : memref<8x208xi32, #tpu.memory_space<vmem>>, vector<1x16xi32>,
        %get3A_1408 = vector.shape_cast %get3A_1407 : vector<1x16xi32> to vector<16xi32>
        %get3A_1409 = arith.constant 3 : i32
        %get3A_1410 = arith.index_cast %get3A_1409 : i32 to index
        %get3A_1411 = arith.constant 0 : index
        %get3A_1412 = tpu.vector_load %arg16[%get3A_1410, %get3A_1411] {strides = array<i32>} : memref<8x208xi32, #tpu.memory_space<vmem>>, vector<1x16xi32>,
        %get3A_1413 = vector.shape_cast %get3A_1412 : vector<1x16xi32> to vector<16xi32>
        %get3A_1414 = arith.constant 4 : i32
        %get3A_1415 = arith.index_cast %get3A_1414 : i32 to index
        %get3A_1416 = arith.constant 0 : index
        %get3A_1417 = tpu.vector_load %arg16[%get3A_1415, %get3A_1416] {strides = array<i32>} : memref<8x208xi32, #tpu.memory_space<vmem>>, vector<1x16xi32>,
        %get3A_1418 = vector.shape_cast %get3A_1417 : vector<1x16xi32> to vector<16xi32>
        %get3A_1419 = arith.constant 5 : i32
        %get3A_1420 = arith.index_cast %get3A_1419 : i32 to index
        %get3A_1421 = arith.constant 0 : index
        %get3A_1422 = tpu.vector_load %arg16[%get3A_1420, %get3A_1421] {strides = array<i32>} : memref<8x208xi32, #tpu.memory_space<vmem>>, vector<1x16xi32>,
        %get3A_1423 = vector.shape_cast %get3A_1422 : vector<1x16xi32> to vector<16xi32>
        %get3A_1424 = arith.constant 6 : i32
        %get3A_1425 = arith.index_cast %get3A_1424 : i32 to index
        %get3A_1426 = arith.constant 0 : index
        %get3A_1427 = tpu.vector_load %arg16[%get3A_1425, %get3A_1426] {strides = array<i32>} : memref<8x208xi32, #tpu.memory_space<vmem>>, vector<1x16xi32>,
        %get3A_1428 = vector.shape_cast %get3A_1427 : vector<1x16xi32> to vector<16xi32>
        %get3A_1429 = arith.constant 7 : i32
        %get3A_1430 = arith.index_cast %get3A_1429 : i32 to index
        %get3A_1431 = arith.constant 0 : index
        %get3A_1432 = tpu.vector_load %arg16[%get3A_1430, %get3A_1431] {strides = array<i32>} : memref<8x208xi32, #tpu.memory_space<vmem>>, vector<1x16xi32>,
        %get3A_1433 = vector.shape_cast %get3A_1432 : vector<1x16xi32> to vector<16xi32>
        %mul3A_1434 = arith.constant 8 : i32
        %mul3A_1435 = vector.broadcast %mul3A_1434 : i32 to vector<16xi32>
        %mul3A_1436 = arith.muli %get3A_1423, %mul3A_1435 : vector<16xi32>
        %add3A_1437 = arith.addi %mul3A_1436, %get3A_1428 : vector<16xi32>
        %mul3A_1438 = arith.constant 32 : i32
        %mul3A_1439 = vector.broadcast %mul3A_1438 : i32 to vector<16xi32>
        %mul3A_1440 = arith.muli %add3A_1437, %mul3A_1439 : vector<16xi32>
        %add3A_1441 = arith.addi %mul3A_1440, %get3A_1433 : vector<16xi32>
        %mul3A_1442 = arith.constant 32 : i32
        %mul3A_1443 = vector.broadcast %mul3A_1442 : i32 to vector<16xi32>
        %mul3A_1444 = arith.muli %add3A_1441, %mul3A_1443 : vector<16xi32>
        %add3A_1445 = arith.addi %mul3A_1444, %get3A_1408 : vector<16xi32>
        %mul3A_1446 = arith.constant 2 : i32
        %mul3A_1447 = vector.broadcast %mul3A_1446 : i32 to vector<16xi32>
        %mul3A_1448 = arith.muli %add3A_1445, %mul3A_1447 : vector<16xi32>
        %swap3A_1449 = arith.constant 2 : i32
        %swap3A_1450 = arith.index_cast %swap3A_1449 : i32 to index
        %swap3A_1451 = arith.constant 0 : index
        %swap3A_1452 = tpu.vector_load %arg16[%swap3A_1450, %swap3A_1451] {strides = array<i32>} : memref<8x208xi32, #tpu.memory_space<vmem>>, vector<1x16xi32>,
        %swap3A_1453 = vector.shape_cast %swap3A_1452 : vector<1x16xi32> to vector<16xi32>
        %swap3A_1454 = vector.shape_cast %mul3A_1448 : vector<16xi32> to vector<1x16xi32>
        tpu.vector_store %arg16[%swap3A_1450, %swap3A_1451], %swap3A_1454 {strides = array<i32>} : memref<8x208xi32, #tpu.memory_space<vmem>>, vector<1x16xi32>,
        %mul3A_1455 = arith.constant 128 : i32
        %mul3A_1456 = vector.broadcast %mul3A_1455 : i32 to vector<16xi32>
        %mul3A_1457 = arith.muli %get3A_1413, %mul3A_1456 : vector<16xi32>
        %add3A_1458 = arith.addi %mul3A_1457, %get3A_1418 : vector<16xi32>
        %mul3A_1459 = arith.constant 2 : i32
        %mul3A_1460 = vector.broadcast %mul3A_1459 : i32 to vector<16xi32>
        %mul3A_1461 = arith.muli %add3A_1458, %mul3A_1460 : vector<16xi32>
        %swap3A_1462 = arith.constant 3 : i32
        %swap3A_1463 = arith.index_cast %swap3A_1462 : i32 to index
        %swap3A_1464 = arith.constant 0 : index
        %swap3A_1465 = tpu.vector_load %arg16[%swap3A_1463, %swap3A_1464] {strides = array<i32>} : memref<8x208xi32, #tpu.memory_space<vmem>>, vector<1x16xi32>,
        %swap3A_1466 = vector.shape_cast %swap3A_1465 : vector<1x16xi32> to vector<16xi32>
        %swap3A_1467 = vector.shape_cast %mul3A_1461 : vector<16xi32> to vector<1x16xi32>
        tpu.vector_store %arg16[%swap3A_1463, %swap3A_1464], %swap3A_1467 {strides = array<i32>} : memref<8x208xi32, #tpu.memory_space<vmem>>, vector<1x16xi32>,
        %get3A_1468 = arith.constant 2 : i32
        %get3A_1469 = arith.index_cast %get3A_1468 : i32 to index
        %get3A_1470 = arith.constant 16 : index
        %get3A_1471 = tpu.vector_load %arg16[%get3A_1469, %get3A_1470] {strides = array<i32>} : memref<8x208xi32, #tpu.memory_space<vmem>>, vector<1x16xi32>,
        %get3A_1472 = vector.shape_cast %get3A_1471 : vector<1x16xi32> to vector<16xi32>
        %get3A_1473 = arith.constant 3 : i32
        %get3A_1474 = arith.index_cast %get3A_1473 : i32 to index
        %get3A_1475 = arith.constant 16 : index
        %get3A_1476 = tpu.vector_load %arg16[%get3A_1474, %get3A_1475] {strides = array<i32>} : memref<8x208xi32, #tpu.memory_space<vmem>>, vector<1x16xi32>,
        %get3A_1477 = vector.shape_cast %get3A_1476 : vector<1x16xi32> to vector<16xi32>
        %get3A_1478 = arith.constant 4 : i32
        %get3A_1479 = arith.index_cast %get3A_1478 : i32 to index
        %get3A_1480 = arith.constant 16 : index
        %get3A_1481 = tpu.vector_load %arg16[%get3A_1479, %get3A_1480] {strides = array<i32>} : memref<8x208xi32, #tpu.memory_space<vmem>>, vector<1x16xi32>,
        %get3A_1482 = vector.shape_cast %get3A_1481 : vector<1x16xi32> to vector<16xi32>
        %get3A_1483 = arith.constant 5 : i32
        %get3A_1484 = arith.index_cast %get3A_1483 : i32 to index
        %get3A_1485 = arith.constant 16 : index
        %get3A_1486 = tpu.vector_load %arg16[%get3A_1484, %get3A_1485] {strides = array<i32>} : memref<8x208xi32, #tpu.memory_space<vmem>>, vector<1x16xi32>,
        %get3A_1487 = vector.shape_cast %get3A_1486 : vector<1x16xi32> to vector<16xi32>
        %get3A_1488 = arith.constant 6 : i32
        %get3A_1489 = arith.index_cast %get3A_1488 : i32 to index
        %get3A_1490 = arith.constant 16 : index
        %get3A_1491 = tpu.vector_load %arg16[%get3A_1489, %get3A_1490] {strides = array<i32>} : memref<8x208xi32, #tpu.memory_space<vmem>>, vector<1x16xi32>,
        %get3A_1492 = vector.shape_cast %get3A_1491 : vector<1x16xi32> to vector<16xi32>
        %get3A_1493 = arith.constant 7 : i32
        %get3A_1494 = arith.index_cast %get3A_1493 : i32 to index
        %get3A_1495 = arith.constant 16 : index
        %get3A_1496 = tpu.vector_load %arg16[%get3A_1494, %get3A_1495] {strides = array<i32>} : memref<8x208xi32, #tpu.memory_space<vmem>>, vector<1x16xi32>,
        %get3A_1497 = vector.shape_cast %get3A_1496 : vector<1x16xi32> to vector<16xi32>
        %mul3A_1498 = arith.constant 8 : i32
        %mul3A_1499 = vector.broadcast %mul3A_1498 : i32 to vector<16xi32>
        %mul3A_1500 = arith.muli %get3A_1487, %mul3A_1499 : vector<16xi32>
        %add3A_1501 = arith.addi %mul3A_1500, %get3A_1492 : vector<16xi32>
        %mul3A_1502 = arith.constant 32 : i32
        %mul3A_1503 = vector.broadcast %mul3A_1502 : i32 to vector<16xi32>
        %mul3A_1504 = arith.muli %add3A_1501, %mul3A_1503 : vector<16xi32>
        %add3A_1505 = arith.addi %mul3A_1504, %get3A_1497 : vector<16xi32>
        %mul3A_1506 = arith.constant 32 : i32
        %mul3A_1507 = vector.broadcast %mul3A_1506 : i32 to vector<16xi32>
        %mul3A_1508 = arith.muli %add3A_1505, %mul3A_1507 : vector<16xi32>
        %add3A_1509 = arith.addi %mul3A_1508, %get3A_1472 : vector<16xi32>
        %mul3A_1510 = arith.constant 2 : i32
        %mul3A_1511 = vector.broadcast %mul3A_1510 : i32 to vector<16xi32>
        %mul3A_1512 = arith.muli %add3A_1509, %mul3A_1511 : vector<16xi32>
        %swap3A_1513 = arith.constant 2 : i32
        %swap3A_1514 = arith.index_cast %swap3A_1513 : i32 to index
        %swap3A_1515 = arith.constant 16 : index
        %swap3A_1516 = tpu.vector_load %arg16[%swap3A_1514, %swap3A_1515] {strides = array<i32>} : memref<8x208xi32, #tpu.memory_space<vmem>>, vector<1x16xi32>,
        %swap3A_1517 = vector.shape_cast %swap3A_1516 : vector<1x16xi32> to vector<16xi32>
        %swap3A_1518 = vector.shape_cast %mul3A_1512 : vector<16xi32> to vector<1x16xi32>
        tpu.vector_store %arg16[%swap3A_1514, %swap3A_1515], %swap3A_1518 {strides = array<i32>} : memref<8x208xi32, #tpu.memory_space<vmem>>, vector<1x16xi32>,
        %mul3A_1519 = arith.constant 128 : i32
        %mul3A_1520 = vector.broadcast %mul3A_1519 : i32 to vector<16xi32>
        %mul3A_1521 = arith.muli %get3A_1477, %mul3A_1520 : vector<16xi32>
        %add3A_1522 = arith.addi %mul3A_1521, %get3A_1482 : vector<16xi32>
        %mul3A_1523 = arith.constant 2 : i32
        %mul3A_1524 = vector.broadcast %mul3A_1523 : i32 to vector<16xi32>
        %mul3A_1525 = arith.muli %add3A_1522, %mul3A_1524 : vector<16xi32>
        %swap3A_1526 = arith.constant 3 : i32
        %swap3A_1527 = arith.index_cast %swap3A_1526 : i32 to index
        %swap3A_1528 = arith.constant 16 : index
        %swap3A_1529 = tpu.vector_load %arg16[%swap3A_1527, %swap3A_1528] {strides = array<i32>} : memref<8x208xi32, #tpu.memory_space<vmem>>, vector<1x16xi32>,
        %swap3A_1530 = vector.shape_cast %swap3A_1529 : vector<1x16xi32> to vector<16xi32>
        %swap3A_1531 = vector.shape_cast %mul3A_1525 : vector<16xi32> to vector<1x16xi32>
        tpu.vector_store %arg16[%swap3A_1527, %swap3A_1528], %swap3A_1531 {strides = array<i32>} : memref<8x208xi32, #tpu.memory_space<vmem>>, vector<1x16xi32>,
        %get3A_1532 = arith.constant 2 : i32
        %get3A_1533 = arith.index_cast %get3A_1532 : i32 to index
        %get3A_1534 = arith.constant 32 : index
        %get3A_1535 = tpu.vector_load %arg16[%get3A_1533, %get3A_1534] {strides = array<i32>} : memref<8x208xi32, #tpu.memory_space<vmem>>, vector<1x16xi32>,
        %get3A_1536 = vector.shape_cast %get3A_1535 : vector<1x16xi32> to vector<16xi32>
        %get3A_1537 = arith.constant 3 : i32
        %get3A_1538 = arith.index_cast %get3A_1537 : i32 to index
        %get3A_1539 = arith.constant 32 : index
        %get3A_1540 = tpu.vector_load %arg16[%get3A_1538, %get3A_1539] {strides = array<i32>} : memref<8x208xi32, #tpu.memory_space<vmem>>, vector<1x16xi32>,
        %get3A_1541 = vector.shape_cast %get3A_1540 : vector<1x16xi32> to vector<16xi32>
        %get3A_1542 = arith.constant 4 : i32
        %get3A_1543 = arith.index_cast %get3A_1542 : i32 to index
        %get3A_1544 = arith.constant 32 : index
        %get3A_1545 = tpu.vector_load %arg16[%get3A_1543, %get3A_1544] {strides = array<i32>} : memref<8x208xi32, #tpu.memory_space<vmem>>, vector<1x16xi32>,
        %get3A_1546 = vector.shape_cast %get3A_1545 : vector<1x16xi32> to vector<16xi32>
        %get3A_1547 = arith.constant 5 : i32
        %get3A_1548 = arith.index_cast %get3A_1547 : i32 to index
        %get3A_1549 = arith.constant 32 : index
        %get3A_1550 = tpu.vector_load %arg16[%get3A_1548, %get3A_1549] {strides = array<i32>} : memref<8x208xi32, #tpu.memory_space<vmem>>, vector<1x16xi32>,
        %get3A_1551 = vector.shape_cast %get3A_1550 : vector<1x16xi32> to vector<16xi32>
        %get3A_1552 = arith.constant 6 : i32
        %get3A_1553 = arith.index_cast %get3A_1552 : i32 to index
        %get3A_1554 = arith.constant 32 : index
        %get3A_1555 = tpu.vector_load %arg16[%get3A_1553, %get3A_1554] {strides = array<i32>} : memref<8x208xi32, #tpu.memory_space<vmem>>, vector<1x16xi32>,
        %get3A_1556 = vector.shape_cast %get3A_1555 : vector<1x16xi32> to vector<16xi32>
        %get3A_1557 = arith.constant 7 : i32
        %get3A_1558 = arith.index_cast %get3A_1557 : i32 to index
        %get3A_1559 = arith.constant 32 : index
        %get3A_1560 = tpu.vector_load %arg16[%get3A_1558, %get3A_1559] {strides = array<i32>} : memref<8x208xi32, #tpu.memory_space<vmem>>, vector<1x16xi32>,
        %get3A_1561 = vector.shape_cast %get3A_1560 : vector<1x16xi32> to vector<16xi32>
        %mul3A_1562 = arith.constant 8 : i32
        %mul3A_1563 = vector.broadcast %mul3A_1562 : i32 to vector<16xi32>
        %mul3A_1564 = arith.muli %get3A_1551, %mul3A_1563 : vector<16xi32>
        %add3A_1565 = arith.addi %mul3A_1564, %get3A_1556 : vector<16xi32>
        %mul3A_1566 = arith.constant 32 : i32
        %mul3A_1567 = vector.broadcast %mul3A_1566 : i32 to vector<16xi32>
        %mul3A_1568 = arith.muli %add3A_1565, %mul3A_1567 : vector<16xi32>
        %add3A_1569 = arith.addi %mul3A_1568, %get3A_1561 : vector<16xi32>
        %mul3A_1570 = arith.constant 32 : i32
        %mul3A_1571 = vector.broadcast %mul3A_1570 : i32 to vector<16xi32>
        %mul3A_1572 = arith.muli %add3A_1569, %mul3A_1571 : vector<16xi32>
        %add3A_1573 = arith.addi %mul3A_1572, %get3A_1536 : vector<16xi32>
        %mul3A_1574 = arith.constant 2 : i32
        %mul3A_1575 = vector.broadcast %mul3A_1574 : i32 to vector<16xi32>
        %mul3A_1576 = arith.muli %add3A_1573, %mul3A_1575 : vector<16xi32>
        %swap3A_1577 = arith.constant 2 : i32
        %swap3A_1578 = arith.index_cast %swap3A_1577 : i32 to index
        %swap3A_1579 = arith.constant 32 : index
        %swap3A_1580 = tpu.vector_load %arg16[%swap3A_1578, %swap3A_1579] {strides = array<i32>} : memref<8x208xi32, #tpu.memory_space<vmem>>, vector<1x16xi32>,
        %swap3A_1581 = vector.shape_cast %swap3A_1580 : vector<1x16xi32> to vector<16xi32>
        %swap3A_1582 = vector.shape_cast %mul3A_1576 : vector<16xi32> to vector<1x16xi32>
        tpu.vector_store %arg16[%swap3A_1578, %swap3A_1579], %swap3A_1582 {strides = array<i32>} : memref<8x208xi32, #tpu.memory_space<vmem>>, vector<1x16xi32>,
        %mul3A_1583 = arith.constant 128 : i32
        %mul3A_1584 = vector.broadcast %mul3A_1583 : i32 to vector<16xi32>
        %mul3A_1585 = arith.muli %get3A_1541, %mul3A_1584 : vector<16xi32>
        %add3A_1586 = arith.addi %mul3A_1585, %get3A_1546 : vector<16xi32>
        %mul3A_1587 = arith.constant 2 : i32
        %mul3A_1588 = vector.broadcast %mul3A_1587 : i32 to vector<16xi32>
        %mul3A_1589 = arith.muli %add3A_1586, %mul3A_1588 : vector<16xi32>
        %swap3A_1590 = arith.constant 3 : i32
        %swap3A_1591 = arith.index_cast %swap3A_1590 : i32 to index
        %swap3A_1592 = arith.constant 32 : index
        %swap3A_1593 = tpu.vector_load %arg16[%swap3A_1591, %swap3A_1592] {strides = array<i32>} : memref<8x208xi32, #tpu.memory_space<vmem>>, vector<1x16xi32>,
        %swap3A_1594 = vector.shape_cast %swap3A_1593 : vector<1x16xi32> to vector<16xi32>
        %swap3A_1595 = vector.shape_cast %mul3A_1589 : vector<16xi32> to vector<1x16xi32>
        tpu.vector_store %arg16[%swap3A_1591, %swap3A_1592], %swap3A_1595 {strides = array<i32>} : memref<8x208xi32, #tpu.memory_space<vmem>>, vector<1x16xi32>,
        %get3A_1596 = arith.constant 2 : i32
        %get3A_1597 = arith.index_cast %get3A_1596 : i32 to index
        %get3A_1598 = arith.constant 48 : index
        %get3A_1599 = tpu.vector_load %arg16[%get3A_1597, %get3A_1598] {strides = array<i32>} : memref<8x208xi32, #tpu.memory_space<vmem>>, vector<1x16xi32>,
        %get3A_1600 = vector.shape_cast %get3A_1599 : vector<1x16xi32> to vector<16xi32>
        %get3A_1601 = arith.constant 3 : i32
        %get3A_1602 = arith.index_cast %get3A_1601 : i32 to index
        %get3A_1603 = arith.constant 48 : index
        %get3A_1604 = tpu.vector_load %arg16[%get3A_1602, %get3A_1603] {strides = array<i32>} : memref<8x208xi32, #tpu.memory_space<vmem>>, vector<1x16xi32>,
        %get3A_1605 = vector.shape_cast %get3A_1604 : vector<1x16xi32> to vector<16xi32>
        %get3A_1606 = arith.constant 4 : i32
        %get3A_1607 = arith.index_cast %get3A_1606 : i32 to index
        %get3A_1608 = arith.constant 48 : index
        %get3A_1609 = tpu.vector_load %arg16[%get3A_1607, %get3A_1608] {strides = array<i32>} : memref<8x208xi32, #tpu.memory_space<vmem>>, vector<1x16xi32>,
        %get3A_1610 = vector.shape_cast %get3A_1609 : vector<1x16xi32> to vector<16xi32>
        %get3A_1611 = arith.constant 5 : i32
        %get3A_1612 = arith.index_cast %get3A_1611 : i32 to index
        %get3A_1613 = arith.constant 48 : index
        %get3A_1614 = tpu.vector_load %arg16[%get3A_1612, %get3A_1613] {strides = array<i32>} : memref<8x208xi32, #tpu.memory_space<vmem>>, vector<1x16xi32>,
        %get3A_1615 = vector.shape_cast %get3A_1614 : vector<1x16xi32> to vector<16xi32>
        %get3A_1616 = arith.constant 6 : i32
        %get3A_1617 = arith.index_cast %get3A_1616 : i32 to index
        %get3A_1618 = arith.constant 48 : index
        %get3A_1619 = tpu.vector_load %arg16[%get3A_1617, %get3A_1618] {strides = array<i32>} : memref<8x208xi32, #tpu.memory_space<vmem>>, vector<1x16xi32>,
        %get3A_1620 = vector.shape_cast %get3A_1619 : vector<1x16xi32> to vector<16xi32>
        %get3A_1621 = arith.constant 7 : i32
        %get3A_1622 = arith.index_cast %get3A_1621 : i32 to index
        %get3A_1623 = arith.constant 48 : index
        %get3A_1624 = tpu.vector_load %arg16[%get3A_1622, %get3A_1623] {strides = array<i32>} : memref<8x208xi32, #tpu.memory_space<vmem>>, vector<1x16xi32>,
        %get3A_1625 = vector.shape_cast %get3A_1624 : vector<1x16xi32> to vector<16xi32>
        %mul3A_1626 = arith.constant 8 : i32
        %mul3A_1627 = vector.broadcast %mul3A_1626 : i32 to vector<16xi32>
        %mul3A_1628 = arith.muli %get3A_1615, %mul3A_1627 : vector<16xi32>
        %add3A_1629 = arith.addi %mul3A_1628, %get3A_1620 : vector<16xi32>
        %mul3A_1630 = arith.constant 32 : i32
        %mul3A_1631 = vector.broadcast %mul3A_1630 : i32 to vector<16xi32>
        %mul3A_1632 = arith.muli %add3A_1629, %mul3A_1631 : vector<16xi32>
        %add3A_1633 = arith.addi %mul3A_1632, %get3A_1625 : vector<16xi32>
        %mul3A_1634 = arith.constant 32 : i32
        %mul3A_1635 = vector.broadcast %mul3A_1634 : i32 to vector<16xi32>
        %mul3A_1636 = arith.muli %add3A_1633, %mul3A_1635 : vector<16xi32>
        %add3A_1637 = arith.addi %mul3A_1636, %get3A_1600 : vector<16xi32>
        %mul3A_1638 = arith.constant 2 : i32
        %mul3A_1639 = vector.broadcast %mul3A_1638 : i32 to vector<16xi32>
        %mul3A_1640 = arith.muli %add3A_1637, %mul3A_1639 : vector<16xi32>
        %swap3A_1641 = arith.constant 2 : i32
        %swap3A_1642 = arith.index_cast %swap3A_1641 : i32 to index
        %swap3A_1643 = arith.constant 48 : index
        %swap3A_1644 = tpu.vector_load %arg16[%swap3A_1642, %swap3A_1643] {strides = array<i32>} : memref<8x208xi32, #tpu.memory_space<vmem>>, vector<1x16xi32>,
        %swap3A_1645 = vector.shape_cast %swap3A_1644 : vector<1x16xi32> to vector<16xi32>
        %swap3A_1646 = vector.shape_cast %mul3A_1640 : vector<16xi32> to vector<1x16xi32>
        tpu.vector_store %arg16[%swap3A_1642, %swap3A_1643], %swap3A_1646 {strides = array<i32>} : memref<8x208xi32, #tpu.memory_space<vmem>>, vector<1x16xi32>,
        %mul3A_1647 = arith.constant 128 : i32
        %mul3A_1648 = vector.broadcast %mul3A_1647 : i32 to vector<16xi32>
        %mul3A_1649 = arith.muli %get3A_1605, %mul3A_1648 : vector<16xi32>
        %add3A_1650 = arith.addi %mul3A_1649, %get3A_1610 : vector<16xi32>
        %mul3A_1651 = arith.constant 2 : i32
        %mul3A_1652 = vector.broadcast %mul3A_1651 : i32 to vector<16xi32>
        %mul3A_1653 = arith.muli %add3A_1650, %mul3A_1652 : vector<16xi32>
        %swap3A_1654 = arith.constant 3 : i32
        %swap3A_1655 = arith.index_cast %swap3A_1654 : i32 to index
        %swap3A_1656 = arith.constant 48 : index
        %swap3A_1657 = tpu.vector_load %arg16[%swap3A_1655, %swap3A_1656] {strides = array<i32>} : memref<8x208xi32, #tpu.memory_space<vmem>>, vector<1x16xi32>,
        %swap3A_1658 = vector.shape_cast %swap3A_1657 : vector<1x16xi32> to vector<16xi32>
        %swap3A_1659 = vector.shape_cast %mul3A_1653 : vector<16xi32> to vector<1x16xi32>
        tpu.vector_store %arg16[%swap3A_1655, %swap3A_1656], %swap3A_1659 {strides = array<i32>} : memref<8x208xi32, #tpu.memory_space<vmem>>, vector<1x16xi32>,
        %get3A_1660 = arith.constant 2 : i32
        %get3A_1661 = arith.index_cast %get3A_1660 : i32 to index
        %get3A_1662 = arith.constant 64 : index
        %get3A_1663 = tpu.vector_load %arg16[%get3A_1661, %get3A_1662] {strides = array<i32>} : memref<8x208xi32, #tpu.memory_space<vmem>>, vector<1x16xi32>,
        %get3A_1664 = vector.shape_cast %get3A_1663 : vector<1x16xi32> to vector<16xi32>
        %get3A_1665 = arith.constant 3 : i32
        %get3A_1666 = arith.index_cast %get3A_1665 : i32 to index
        %get3A_1667 = arith.constant 64 : index
        %get3A_1668 = tpu.vector_load %arg16[%get3A_1666, %get3A_1667] {strides = array<i32>} : memref<8x208xi32, #tpu.memory_space<vmem>>, vector<1x16xi32>,
        %get3A_1669 = vector.shape_cast %get3A_1668 : vector<1x16xi32> to vector<16xi32>
        %get3A_1670 = arith.constant 4 : i32
        %get3A_1671 = arith.index_cast %get3A_1670 : i32 to index
        %get3A_1672 = arith.constant 64 : index
        %get3A_1673 = tpu.vector_load %arg16[%get3A_1671, %get3A_1672] {strides = array<i32>} : memref<8x208xi32, #tpu.memory_space<vmem>>, vector<1x16xi32>,
        %get3A_1674 = vector.shape_cast %get3A_1673 : vector<1x16xi32> to vector<16xi32>
        %get3A_1675 = arith.constant 5 : i32
        %get3A_1676 = arith.index_cast %get3A_1675 : i32 to index
        %get3A_1677 = arith.constant 64 : index
        %get3A_1678 = tpu.vector_load %arg16[%get3A_1676, %get3A_1677] {strides = array<i32>} : memref<8x208xi32, #tpu.memory_space<vmem>>, vector<1x16xi32>,
        %get3A_1679 = vector.shape_cast %get3A_1678 : vector<1x16xi32> to vector<16xi32>
        %get3A_1680 = arith.constant 6 : i32
        %get3A_1681 = arith.index_cast %get3A_1680 : i32 to index
        %get3A_1682 = arith.constant 64 : index
        %get3A_1683 = tpu.vector_load %arg16[%get3A_1681, %get3A_1682] {strides = array<i32>} : memref<8x208xi32, #tpu.memory_space<vmem>>, vector<1x16xi32>,
        %get3A_1684 = vector.shape_cast %get3A_1683 : vector<1x16xi32> to vector<16xi32>
        %get3A_1685 = arith.constant 7 : i32
        %get3A_1686 = arith.index_cast %get3A_1685 : i32 to index
        %get3A_1687 = arith.constant 64 : index
        %get3A_1688 = tpu.vector_load %arg16[%get3A_1686, %get3A_1687] {strides = array<i32>} : memref<8x208xi32, #tpu.memory_space<vmem>>, vector<1x16xi32>,
        %get3A_1689 = vector.shape_cast %get3A_1688 : vector<1x16xi32> to vector<16xi32>
        %mul3A_1690 = arith.constant 8 : i32
        %mul3A_1691 = vector.broadcast %mul3A_1690 : i32 to vector<16xi32>
        %mul3A_1692 = arith.muli %get3A_1679, %mul3A_1691 : vector<16xi32>
        %add3A_1693 = arith.addi %mul3A_1692, %get3A_1684 : vector<16xi32>
        %mul3A_1694 = arith.constant 32 : i32
        %mul3A_1695 = vector.broadcast %mul3A_1694 : i32 to vector<16xi32>
        %mul3A_1696 = arith.muli %add3A_1693, %mul3A_1695 : vector<16xi32>
        %add3A_1697 = arith.addi %mul3A_1696, %get3A_1689 : vector<16xi32>
        %mul3A_1698 = arith.constant 32 : i32
        %mul3A_1699 = vector.broadcast %mul3A_1698 : i32 to vector<16xi32>
        %mul3A_1700 = arith.muli %add3A_1697, %mul3A_1699 : vector<16xi32>
        %add3A_1701 = arith.addi %mul3A_1700, %get3A_1664 : vector<16xi32>
        %mul3A_1702 = arith.constant 2 : i32
        %mul3A_1703 = vector.broadcast %mul3A_1702 : i32 to vector<16xi32>
        %mul3A_1704 = arith.muli %add3A_1701, %mul3A_1703 : vector<16xi32>
        %swap3A_1705 = arith.constant 2 : i32
        %swap3A_1706 = arith.index_cast %swap3A_1705 : i32 to index
        %swap3A_1707 = arith.constant 64 : index
        %swap3A_1708 = tpu.vector_load %arg16[%swap3A_1706, %swap3A_1707] {strides = array<i32>} : memref<8x208xi32, #tpu.memory_space<vmem>>, vector<1x16xi32>,
        %swap3A_1709 = vector.shape_cast %swap3A_1708 : vector<1x16xi32> to vector<16xi32>
        %swap3A_1710 = vector.shape_cast %mul3A_1704 : vector<16xi32> to vector<1x16xi32>
        tpu.vector_store %arg16[%swap3A_1706, %swap3A_1707], %swap3A_1710 {strides = array<i32>} : memref<8x208xi32, #tpu.memory_space<vmem>>, vector<1x16xi32>,
        %mul3A_1711 = arith.constant 128 : i32
        %mul3A_1712 = vector.broadcast %mul3A_1711 : i32 to vector<16xi32>
        %mul3A_1713 = arith.muli %get3A_1669, %mul3A_1712 : vector<16xi32>
        %add3A_1714 = arith.addi %mul3A_1713, %get3A_1674 : vector<16xi32>
        %mul3A_1715 = arith.constant 2 : i32
        %mul3A_1716 = vector.broadcast %mul3A_1715 : i32 to vector<16xi32>
        %mul3A_1717 = arith.muli %add3A_1714, %mul3A_1716 : vector<16xi32>
        %swap3A_1718 = arith.constant 3 : i32
        %swap3A_1719 = arith.index_cast %swap3A_1718 : i32 to index
        %swap3A_1720 = arith.constant 64 : index
        %swap3A_1721 = tpu.vector_load %arg16[%swap3A_1719, %swap3A_1720] {strides = array<i32>} : memref<8x208xi32, #tpu.memory_space<vmem>>, vector<1x16xi32>,
        %swap3A_1722 = vector.shape_cast %swap3A_1721 : vector<1x16xi32> to vector<16xi32>
        %swap3A_1723 = vector.shape_cast %mul3A_1717 : vector<16xi32> to vector<1x16xi32>
        tpu.vector_store %arg16[%swap3A_1719, %swap3A_1720], %swap3A_1723 {strides = array<i32>} : memref<8x208xi32, #tpu.memory_space<vmem>>, vector<1x16xi32>,
        %get3A_1724 = arith.constant 2 : i32
        %get3A_1725 = arith.index_cast %get3A_1724 : i32 to index
        %get3A_1726 = arith.constant 80 : index
        %get3A_1727 = tpu.vector_load %arg16[%get3A_1725, %get3A_1726] {strides = array<i32>} : memref<8x208xi32, #tpu.memory_space<vmem>>, vector<1x16xi32>,
        %get3A_1728 = vector.shape_cast %get3A_1727 : vector<1x16xi32> to vector<16xi32>
        %get3A_1729 = arith.constant 3 : i32
        %get3A_1730 = arith.index_cast %get3A_1729 : i32 to index
        %get3A_1731 = arith.constant 80 : index
        %get3A_1732 = tpu.vector_load %arg16[%get3A_1730, %get3A_1731] {strides = array<i32>} : memref<8x208xi32, #tpu.memory_space<vmem>>, vector<1x16xi32>,
        %get3A_1733 = vector.shape_cast %get3A_1732 : vector<1x16xi32> to vector<16xi32>
        %get3A_1734 = arith.constant 4 : i32
        %get3A_1735 = arith.index_cast %get3A_1734 : i32 to index
        %get3A_1736 = arith.constant 80 : index
        %get3A_1737 = tpu.vector_load %arg16[%get3A_1735, %get3A_1736] {strides = array<i32>} : memref<8x208xi32, #tpu.memory_space<vmem>>, vector<1x16xi32>,
        %get3A_1738 = vector.shape_cast %get3A_1737 : vector<1x16xi32> to vector<16xi32>
        %get3A_1739 = arith.constant 5 : i32
        %get3A_1740 = arith.index_cast %get3A_1739 : i32 to index
        %get3A_1741 = arith.constant 80 : index
        %get3A_1742 = tpu.vector_load %arg16[%get3A_1740, %get3A_1741] {strides = array<i32>} : memref<8x208xi32, #tpu.memory_space<vmem>>, vector<1x16xi32>,
        %get3A_1743 = vector.shape_cast %get3A_1742 : vector<1x16xi32> to vector<16xi32>
        %get3A_1744 = arith.constant 6 : i32
        %get3A_1745 = arith.index_cast %get3A_1744 : i32 to index
        %get3A_1746 = arith.constant 80 : index
        %get3A_1747 = tpu.vector_load %arg16[%get3A_1745, %get3A_1746] {strides = array<i32>} : memref<8x208xi32, #tpu.memory_space<vmem>>, vector<1x16xi32>,
        %get3A_1748 = vector.shape_cast %get3A_1747 : vector<1x16xi32> to vector<16xi32>
        %get3A_1749 = arith.constant 7 : i32
        %get3A_1750 = arith.index_cast %get3A_1749 : i32 to index
        %get3A_1751 = arith.constant 80 : index
        %get3A_1752 = tpu.vector_load %arg16[%get3A_1750, %get3A_1751] {strides = array<i32>} : memref<8x208xi32, #tpu.memory_space<vmem>>, vector<1x16xi32>,
        %get3A_1753 = vector.shape_cast %get3A_1752 : vector<1x16xi32> to vector<16xi32>
        %mul3A_1754 = arith.constant 8 : i32
        %mul3A_1755 = vector.broadcast %mul3A_1754 : i32 to vector<16xi32>
        %mul3A_1756 = arith.muli %get3A_1743, %mul3A_1755 : vector<16xi32>
        %add3A_1757 = arith.addi %mul3A_1756, %get3A_1748 : vector<16xi32>
        %mul3A_1758 = arith.constant 32 : i32
        %mul3A_1759 = vector.broadcast %mul3A_1758 : i32 to vector<16xi32>
        %mul3A_1760 = arith.muli %add3A_1757, %mul3A_1759 : vector<16xi32>
        %add3A_1761 = arith.addi %mul3A_1760, %get3A_1753 : vector<16xi32>
        %mul3A_1762 = arith.constant 32 : i32
        %mul3A_1763 = vector.broadcast %mul3A_1762 : i32 to vector<16xi32>
        %mul3A_1764 = arith.muli %add3A_1761, %mul3A_1763 : vector<16xi32>
        %add3A_1765 = arith.addi %mul3A_1764, %get3A_1728 : vector<16xi32>
        %mul3A_1766 = arith.constant 2 : i32
        %mul3A_1767 = vector.broadcast %mul3A_1766 : i32 to vector<16xi32>
        %mul3A_1768 = arith.muli %add3A_1765, %mul3A_1767 : vector<16xi32>
        %swap3A_1769 = arith.constant 2 : i32
        %swap3A_1770 = arith.index_cast %swap3A_1769 : i32 to index
        %swap3A_1771 = arith.constant 80 : index
        %swap3A_1772 = tpu.vector_load %arg16[%swap3A_1770, %swap3A_1771] {strides = array<i32>} : memref<8x208xi32, #tpu.memory_space<vmem>>, vector<1x16xi32>,
        %swap3A_1773 = vector.shape_cast %swap3A_1772 : vector<1x16xi32> to vector<16xi32>
        %swap3A_1774 = vector.shape_cast %mul3A_1768 : vector<16xi32> to vector<1x16xi32>
        tpu.vector_store %arg16[%swap3A_1770, %swap3A_1771], %swap3A_1774 {strides = array<i32>} : memref<8x208xi32, #tpu.memory_space<vmem>>, vector<1x16xi32>,
        %mul3A_1775 = arith.constant 128 : i32
        %mul3A_1776 = vector.broadcast %mul3A_1775 : i32 to vector<16xi32>
        %mul3A_1777 = arith.muli %get3A_1733, %mul3A_1776 : vector<16xi32>
        %add3A_1778 = arith.addi %mul3A_1777, %get3A_1738 : vector<16xi32>
        %mul3A_1779 = arith.constant 2 : i32
        %mul3A_1780 = vector.broadcast %mul3A_1779 : i32 to vector<16xi32>
        %mul3A_1781 = arith.muli %add3A_1778, %mul3A_1780 : vector<16xi32>
        %swap3A_1782 = arith.constant 3 : i32
        %swap3A_1783 = arith.index_cast %swap3A_1782 : i32 to index
        %swap3A_1784 = arith.constant 80 : index
        %swap3A_1785 = tpu.vector_load %arg16[%swap3A_1783, %swap3A_1784] {strides = array<i32>} : memref<8x208xi32, #tpu.memory_space<vmem>>, vector<1x16xi32>,
        %swap3A_1786 = vector.shape_cast %swap3A_1785 : vector<1x16xi32> to vector<16xi32>
        %swap3A_1787 = vector.shape_cast %mul3A_1781 : vector<16xi32> to vector<1x16xi32>
        tpu.vector_store %arg16[%swap3A_1783, %swap3A_1784], %swap3A_1787 {strides = array<i32>} : memref<8x208xi32, #tpu.memory_space<vmem>>, vector<1x16xi32>,
        %get3A_1788 = arith.constant 2 : i32
        %get3A_1789 = arith.index_cast %get3A_1788 : i32 to index
        %get3A_1790 = arith.constant 96 : index
        %get3A_1791 = tpu.vector_load %arg16[%get3A_1789, %get3A_1790] {strides = array<i32>} : memref<8x208xi32, #tpu.memory_space<vmem>>, vector<1x16xi32>,
        %get3A_1792 = vector.shape_cast %get3A_1791 : vector<1x16xi32> to vector<16xi32>
        %get3A_1793 = arith.constant 3 : i32
        %get3A_1794 = arith.index_cast %get3A_1793 : i32 to index
        %get3A_1795 = arith.constant 96 : index
        %get3A_1796 = tpu.vector_load %arg16[%get3A_1794, %get3A_1795] {strides = array<i32>} : memref<8x208xi32, #tpu.memory_space<vmem>>, vector<1x16xi32>,
        %get3A_1797 = vector.shape_cast %get3A_1796 : vector<1x16xi32> to vector<16xi32>
        %get3A_1798 = arith.constant 4 : i32
        %get3A_1799 = arith.index_cast %get3A_1798 : i32 to index
        %get3A_1800 = arith.constant 96 : index
        %get3A_1801 = tpu.vector_load %arg16[%get3A_1799, %get3A_1800] {strides = array<i32>} : memref<8x208xi32, #tpu.memory_space<vmem>>, vector<1x16xi32>,
        %get3A_1802 = vector.shape_cast %get3A_1801 : vector<1x16xi32> to vector<16xi32>
        %get3A_1803 = arith.constant 5 : i32
        %get3A_1804 = arith.index_cast %get3A_1803 : i32 to index
        %get3A_1805 = arith.constant 96 : index
        %get3A_1806 = tpu.vector_load %arg16[%get3A_1804, %get3A_1805] {strides = array<i32>} : memref<8x208xi32, #tpu.memory_space<vmem>>, vector<1x16xi32>,
        %get3A_1807 = vector.shape_cast %get3A_1806 : vector<1x16xi32> to vector<16xi32>
        %get3A_1808 = arith.constant 6 : i32
        %get3A_1809 = arith.index_cast %get3A_1808 : i32 to index
        %get3A_1810 = arith.constant 96 : index
        %get3A_1811 = tpu.vector_load %arg16[%get3A_1809, %get3A_1810] {strides = array<i32>} : memref<8x208xi32, #tpu.memory_space<vmem>>, vector<1x16xi32>,
        %get3A_1812 = vector.shape_cast %get3A_1811 : vector<1x16xi32> to vector<16xi32>
        %get3A_1813 = arith.constant 7 : i32
        %get3A_1814 = arith.index_cast %get3A_1813 : i32 to index
        %get3A_1815 = arith.constant 96 : index
        %get3A_1816 = tpu.vector_load %arg16[%get3A_1814, %get3A_1815] {strides = array<i32>} : memref<8x208xi32, #tpu.memory_space<vmem>>, vector<1x16xi32>,
        %get3A_1817 = vector.shape_cast %get3A_1816 : vector<1x16xi32> to vector<16xi32>
        %mul3A_1818 = arith.constant 8 : i32
        %mul3A_1819 = vector.broadcast %mul3A_1818 : i32 to vector<16xi32>
        %mul3A_1820 = arith.muli %get3A_1807, %mul3A_1819 : vector<16xi32>
        %add3A_1821 = arith.addi %mul3A_1820, %get3A_1812 : vector<16xi32>
        %mul3A_1822 = arith.constant 32 : i32
        %mul3A_1823 = vector.broadcast %mul3A_1822 : i32 to vector<16xi32>
        %mul3A_1824 = arith.muli %add3A_1821, %mul3A_1823 : vector<16xi32>
        %add3A_1825 = arith.addi %mul3A_1824, %get3A_1817 : vector<16xi32>
        %mul3A_1826 = arith.constant 32 : i32
        %mul3A_1827 = vector.broadcast %mul3A_1826 : i32 to vector<16xi32>
        %mul3A_1828 = arith.muli %add3A_1825, %mul3A_1827 : vector<16xi32>
        %add3A_1829 = arith.addi %mul3A_1828, %get3A_1792 : vector<16xi32>
        %mul3A_1830 = arith.constant 2 : i32
        %mul3A_1831 = vector.broadcast %mul3A_1830 : i32 to vector<16xi32>
        %mul3A_1832 = arith.muli %add3A_1829, %mul3A_1831 : vector<16xi32>
        %swap3A_1833 = arith.constant 2 : i32
        %swap3A_1834 = arith.index_cast %swap3A_1833 : i32 to index
        %swap3A_1835 = arith.constant 96 : index
        %swap3A_1836 = tpu.vector_load %arg16[%swap3A_1834, %swap3A_1835] {strides = array<i32>} : memref<8x208xi32, #tpu.memory_space<vmem>>, vector<1x16xi32>,
        %swap3A_1837 = vector.shape_cast %swap3A_1836 : vector<1x16xi32> to vector<16xi32>
        %swap3A_1838 = vector.shape_cast %mul3A_1832 : vector<16xi32> to vector<1x16xi32>
        tpu.vector_store %arg16[%swap3A_1834, %swap3A_1835], %swap3A_1838 {strides = array<i32>} : memref<8x208xi32, #tpu.memory_space<vmem>>, vector<1x16xi32>,
        %mul3A_1839 = arith.constant 128 : i32
        %mul3A_1840 = vector.broadcast %mul3A_1839 : i32 to vector<16xi32>
        %mul3A_1841 = arith.muli %get3A_1797, %mul3A_1840 : vector<16xi32>
        %add3A_1842 = arith.addi %mul3A_1841, %get3A_1802 : vector<16xi32>
        %mul3A_1843 = arith.constant 2 : i32
        %mul3A_1844 = vector.broadcast %mul3A_1843 : i32 to vector<16xi32>
        %mul3A_1845 = arith.muli %add3A_1842, %mul3A_1844 : vector<16xi32>
        %swap3A_1846 = arith.constant 3 : i32
        %swap3A_1847 = arith.index_cast %swap3A_1846 : i32 to index
        %swap3A_1848 = arith.constant 96 : index
        %swap3A_1849 = tpu.vector_load %arg16[%swap3A_1847, %swap3A_1848] {strides = array<i32>} : memref<8x208xi32, #tpu.memory_space<vmem>>, vector<1x16xi32>,
        %swap3A_1850 = vector.shape_cast %swap3A_1849 : vector<1x16xi32> to vector<16xi32>
        %swap3A_1851 = vector.shape_cast %mul3A_1845 : vector<16xi32> to vector<1x16xi32>
        tpu.vector_store %arg16[%swap3A_1847, %swap3A_1848], %swap3A_1851 {strides = array<i32>} : memref<8x208xi32, #tpu.memory_space<vmem>>, vector<1x16xi32>,
        %get3A_1852 = arith.constant 2 : i32
        %get3A_1853 = arith.index_cast %get3A_1852 : i32 to index
        %get3A_1854 = arith.constant 112 : index
        %get3A_1855 = tpu.vector_load %arg16[%get3A_1853, %get3A_1854] {strides = array<i32>} : memref<8x208xi32, #tpu.memory_space<vmem>>, vector<1x16xi32>,
        %get3A_1856 = vector.shape_cast %get3A_1855 : vector<1x16xi32> to vector<16xi32>
        %get3A_1857 = arith.constant 3 : i32
        %get3A_1858 = arith.index_cast %get3A_1857 : i32 to index
        %get3A_1859 = arith.constant 112 : index
        %get3A_1860 = tpu.vector_load %arg16[%get3A_1858, %get3A_1859] {strides = array<i32>} : memref<8x208xi32, #tpu.memory_space<vmem>>, vector<1x16xi32>,
        %get3A_1861 = vector.shape_cast %get3A_1860 : vector<1x16xi32> to vector<16xi32>
        %get3A_1862 = arith.constant 4 : i32
        %get3A_1863 = arith.index_cast %get3A_1862 : i32 to index
        %get3A_1864 = arith.constant 112 : index
        %get3A_1865 = tpu.vector_load %arg16[%get3A_1863, %get3A_1864] {strides = array<i32>} : memref<8x208xi32, #tpu.memory_space<vmem>>, vector<1x16xi32>,
        %get3A_1866 = vector.shape_cast %get3A_1865 : vector<1x16xi32> to vector<16xi32>
        %get3A_1867 = arith.constant 5 : i32
        %get3A_1868 = arith.index_cast %get3A_1867 : i32 to index
        %get3A_1869 = arith.constant 112 : index
        %get3A_1870 = tpu.vector_load %arg16[%get3A_1868, %get3A_1869] {strides = array<i32>} : memref<8x208xi32, #tpu.memory_space<vmem>>, vector<1x16xi32>,
        %get3A_1871 = vector.shape_cast %get3A_1870 : vector<1x16xi32> to vector<16xi32>
        %get3A_1872 = arith.constant 6 : i32
        %get3A_1873 = arith.index_cast %get3A_1872 : i32 to index
        %get3A_1874 = arith.constant 112 : index
        %get3A_1875 = tpu.vector_load %arg16[%get3A_1873, %get3A_1874] {strides = array<i32>} : memref<8x208xi32, #tpu.memory_space<vmem>>, vector<1x16xi32>,
        %get3A_1876 = vector.shape_cast %get3A_1875 : vector<1x16xi32> to vector<16xi32>
        %get3A_1877 = arith.constant 7 : i32
        %get3A_1878 = arith.index_cast %get3A_1877 : i32 to index
        %get3A_1879 = arith.constant 112 : index
        %get3A_1880 = tpu.vector_load %arg16[%get3A_1878, %get3A_1879] {strides = array<i32>} : memref<8x208xi32, #tpu.memory_space<vmem>>, vector<1x16xi32>,
        %get3A_1881 = vector.shape_cast %get3A_1880 : vector<1x16xi32> to vector<16xi32>
        %mul3A_1882 = arith.constant 8 : i32
        %mul3A_1883 = vector.broadcast %mul3A_1882 : i32 to vector<16xi32>
        %mul3A_1884 = arith.muli %get3A_1871, %mul3A_1883 : vector<16xi32>
        %add3A_1885 = arith.addi %mul3A_1884, %get3A_1876 : vector<16xi32>
        %mul3A_1886 = arith.constant 32 : i32
        %mul3A_1887 = vector.broadcast %mul3A_1886 : i32 to vector<16xi32>
        %mul3A_1888 = arith.muli %add3A_1885, %mul3A_1887 : vector<16xi32>
        %add3A_1889 = arith.addi %mul3A_1888, %get3A_1881 : vector<16xi32>
        %mul3A_1890 = arith.constant 32 : i32
        %mul3A_1891 = vector.broadcast %mul3A_1890 : i32 to vector<16xi32>
        %mul3A_1892 = arith.muli %add3A_1889, %mul3A_1891 : vector<16xi32>
        %add3A_1893 = arith.addi %mul3A_1892, %get3A_1856 : vector<16xi32>
        %mul3A_1894 = arith.constant 2 : i32
        %mul3A_1895 = vector.broadcast %mul3A_1894 : i32 to vector<16xi32>
        %mul3A_1896 = arith.muli %add3A_1893, %mul3A_1895 : vector<16xi32>
        %swap3A_1897 = arith.constant 2 : i32
        %swap3A_1898 = arith.index_cast %swap3A_1897 : i32 to index
        %swap3A_1899 = arith.constant 112 : index
        %swap3A_1900 = tpu.vector_load %arg16[%swap3A_1898, %swap3A_1899] {strides = array<i32>} : memref<8x208xi32, #tpu.memory_space<vmem>>, vector<1x16xi32>,
        %swap3A_1901 = vector.shape_cast %swap3A_1900 : vector<1x16xi32> to vector<16xi32>
        %swap3A_1902 = vector.shape_cast %mul3A_1896 : vector<16xi32> to vector<1x16xi32>
        tpu.vector_store %arg16[%swap3A_1898, %swap3A_1899], %swap3A_1902 {strides = array<i32>} : memref<8x208xi32, #tpu.memory_space<vmem>>, vector<1x16xi32>,
        %mul3A_1903 = arith.constant 128 : i32
        %mul3A_1904 = vector.broadcast %mul3A_1903 : i32 to vector<16xi32>
        %mul3A_1905 = arith.muli %get3A_1861, %mul3A_1904 : vector<16xi32>
        %add3A_1906 = arith.addi %mul3A_1905, %get3A_1866 : vector<16xi32>
        %mul3A_1907 = arith.constant 2 : i32
        %mul3A_1908 = vector.broadcast %mul3A_1907 : i32 to vector<16xi32>
        %mul3A_1909 = arith.muli %add3A_1906, %mul3A_1908 : vector<16xi32>
        %swap3A_1910 = arith.constant 3 : i32
        %swap3A_1911 = arith.index_cast %swap3A_1910 : i32 to index
        %swap3A_1912 = arith.constant 112 : index
        %swap3A_1913 = tpu.vector_load %arg16[%swap3A_1911, %swap3A_1912] {strides = array<i32>} : memref<8x208xi32, #tpu.memory_space<vmem>>, vector<1x16xi32>,
        %swap3A_1914 = vector.shape_cast %swap3A_1913 : vector<1x16xi32> to vector<16xi32>
        %swap3A_1915 = vector.shape_cast %mul3A_1909 : vector<16xi32> to vector<1x16xi32>
        tpu.vector_store %arg16[%swap3A_1911, %swap3A_1912], %swap3A_1915 {strides = array<i32>} : memref<8x208xi32, #tpu.memory_space<vmem>>, vector<1x16xi32>,
        %get3A_1916 = arith.constant 2 : i32
        %get3A_1917 = arith.index_cast %get3A_1916 : i32 to index
        %get3A_1918 = arith.constant 128 : index
        %get3A_1919 = tpu.vector_load %arg16[%get3A_1917, %get3A_1918] {strides = array<i32>} : memref<8x208xi32, #tpu.memory_space<vmem>>, vector<1x16xi32>,
        %get3A_1920 = vector.shape_cast %get3A_1919 : vector<1x16xi32> to vector<16xi32>
        %get3A_1921 = arith.constant 3 : i32
        %get3A_1922 = arith.index_cast %get3A_1921 : i32 to index
        %get3A_1923 = arith.constant 128 : index
        %get3A_1924 = tpu.vector_load %arg16[%get3A_1922, %get3A_1923] {strides = array<i32>} : memref<8x208xi32, #tpu.memory_space<vmem>>, vector<1x16xi32>,
        %get3A_1925 = vector.shape_cast %get3A_1924 : vector<1x16xi32> to vector<16xi32>
        %get3A_1926 = arith.constant 4 : i32
        %get3A_1927 = arith.index_cast %get3A_1926 : i32 to index
        %get3A_1928 = arith.constant 128 : index
        %get3A_1929 = tpu.vector_load %arg16[%get3A_1927, %get3A_1928] {strides = array<i32>} : memref<8x208xi32, #tpu.memory_space<vmem>>, vector<1x16xi32>,
        %get3A_1930 = vector.shape_cast %get3A_1929 : vector<1x16xi32> to vector<16xi32>
        %get3A_1931 = arith.constant 5 : i32
        %get3A_1932 = arith.index_cast %get3A_1931 : i32 to index
        %get3A_1933 = arith.constant 128 : index
        %get3A_1934 = tpu.vector_load %arg16[%get3A_1932, %get3A_1933] {strides = array<i32>} : memref<8x208xi32, #tpu.memory_space<vmem>>, vector<1x16xi32>,
        %get3A_1935 = vector.shape_cast %get3A_1934 : vector<1x16xi32> to vector<16xi32>
        %get3A_1936 = arith.constant 6 : i32
        %get3A_1937 = arith.index_cast %get3A_1936 : i32 to index
        %get3A_1938 = arith.constant 128 : index
        %get3A_1939 = tpu.vector_load %arg16[%get3A_1937, %get3A_1938] {strides = array<i32>} : memref<8x208xi32, #tpu.memory_space<vmem>>, vector<1x16xi32>,
        %get3A_1940 = vector.shape_cast %get3A_1939 : vector<1x16xi32> to vector<16xi32>
        %get3A_1941 = arith.constant 7 : i32
        %get3A_1942 = arith.index_cast %get3A_1941 : i32 to index
        %get3A_1943 = arith.constant 128 : index
        %get3A_1944 = tpu.vector_load %arg16[%get3A_1942, %get3A_1943] {strides = array<i32>} : memref<8x208xi32, #tpu.memory_space<vmem>>, vector<1x16xi32>,
        %get3A_1945 = vector.shape_cast %get3A_1944 : vector<1x16xi32> to vector<16xi32>
        %mul3A_1946 = arith.constant 8 : i32
        %mul3A_1947 = vector.broadcast %mul3A_1946 : i32 to vector<16xi32>
        %mul3A_1948 = arith.muli %get3A_1935, %mul3A_1947 : vector<16xi32>
        %add3A_1949 = arith.addi %mul3A_1948, %get3A_1940 : vector<16xi32>
        %mul3A_1950 = arith.constant 32 : i32
        %mul3A_1951 = vector.broadcast %mul3A_1950 : i32 to vector<16xi32>
        %mul3A_1952 = arith.muli %add3A_1949, %mul3A_1951 : vector<16xi32>
        %add3A_1953 = arith.addi %mul3A_1952, %get3A_1945 : vector<16xi32>
        %mul3A_1954 = arith.constant 32 : i32
        %mul3A_1955 = vector.broadcast %mul3A_1954 : i32 to vector<16xi32>
        %mul3A_1956 = arith.muli %add3A_1953, %mul3A_1955 : vector<16xi32>
        %add3A_1957 = arith.addi %mul3A_1956, %get3A_1920 : vector<16xi32>
        %mul3A_1958 = arith.constant 2 : i32
        %mul3A_1959 = vector.broadcast %mul3A_1958 : i32 to vector<16xi32>
        %mul3A_1960 = arith.muli %add3A_1957, %mul3A_1959 : vector<16xi32>
        %swap3A_1961 = arith.constant 2 : i32
        %swap3A_1962 = arith.index_cast %swap3A_1961 : i32 to index
        %swap3A_1963 = arith.constant 128 : index
        %swap3A_1964 = tpu.vector_load %arg16[%swap3A_1962, %swap3A_1963] {strides = array<i32>} : memref<8x208xi32, #tpu.memory_space<vmem>>, vector<1x16xi32>,
        %swap3A_1965 = vector.shape_cast %swap3A_1964 : vector<1x16xi32> to vector<16xi32>
        %swap3A_1966 = vector.shape_cast %mul3A_1960 : vector<16xi32> to vector<1x16xi32>
        tpu.vector_store %arg16[%swap3A_1962, %swap3A_1963], %swap3A_1966 {strides = array<i32>} : memref<8x208xi32, #tpu.memory_space<vmem>>, vector<1x16xi32>,
        %mul3A_1967 = arith.constant 128 : i32
        %mul3A_1968 = vector.broadcast %mul3A_1967 : i32 to vector<16xi32>
        %mul3A_1969 = arith.muli %get3A_1925, %mul3A_1968 : vector<16xi32>
        %add3A_1970 = arith.addi %mul3A_1969, %get3A_1930 : vector<16xi32>
        %mul3A_1971 = arith.constant 2 : i32
        %mul3A_1972 = vector.broadcast %mul3A_1971 : i32 to vector<16xi32>
        %mul3A_1973 = arith.muli %add3A_1970, %mul3A_1972 : vector<16xi32>
        %swap3A_1974 = arith.constant 3 : i32
        %swap3A_1975 = arith.index_cast %swap3A_1974 : i32 to index
        %swap3A_1976 = arith.constant 128 : index
        %swap3A_1977 = tpu.vector_load %arg16[%swap3A_1975, %swap3A_1976] {strides = array<i32>} : memref<8x208xi32, #tpu.memory_space<vmem>>, vector<1x16xi32>,
        %swap3A_1978 = vector.shape_cast %swap3A_1977 : vector<1x16xi32> to vector<16xi32>
        %swap3A_1979 = vector.shape_cast %mul3A_1973 : vector<16xi32> to vector<1x16xi32>
        tpu.vector_store %arg16[%swap3A_1975, %swap3A_1976], %swap3A_1979 {strides = array<i32>} : memref<8x208xi32, #tpu.memory_space<vmem>>, vector<1x16xi32>,
        %get3A_1980 = arith.constant 2 : i32
        %get3A_1981 = arith.index_cast %get3A_1980 : i32 to index
        %get3A_1982 = arith.constant 144 : index
        %get3A_1983 = tpu.vector_load %arg16[%get3A_1981, %get3A_1982] {strides = array<i32>} : memref<8x208xi32, #tpu.memory_space<vmem>>, vector<1x16xi32>,
        %get3A_1984 = vector.shape_cast %get3A_1983 : vector<1x16xi32> to vector<16xi32>
        %get3A_1985 = arith.constant 3 : i32
        %get3A_1986 = arith.index_cast %get3A_1985 : i32 to index
        %get3A_1987 = arith.constant 144 : index
        %get3A_1988 = tpu.vector_load %arg16[%get3A_1986, %get3A_1987] {strides = array<i32>} : memref<8x208xi32, #tpu.memory_space<vmem>>, vector<1x16xi32>,
        %get3A_1989 = vector.shape_cast %get3A_1988 : vector<1x16xi32> to vector<16xi32>
        %get3A_1990 = arith.constant 4 : i32
        %get3A_1991 = arith.index_cast %get3A_1990 : i32 to index
        %get3A_1992 = arith.constant 144 : index
        %get3A_1993 = tpu.vector_load %arg16[%get3A_1991, %get3A_1992] {strides = array<i32>} : memref<8x208xi32, #tpu.memory_space<vmem>>, vector<1x16xi32>,
        %get3A_1994 = vector.shape_cast %get3A_1993 : vector<1x16xi32> to vector<16xi32>
        %get3A_1995 = arith.constant 5 : i32
        %get3A_1996 = arith.index_cast %get3A_1995 : i32 to index
        %get3A_1997 = arith.constant 144 : index
        %get3A_1998 = tpu.vector_load %arg16[%get3A_1996, %get3A_1997] {strides = array<i32>} : memref<8x208xi32, #tpu.memory_space<vmem>>, vector<1x16xi32>,
        %get3A_1999 = vector.shape_cast %get3A_1998 : vector<1x16xi32> to vector<16xi32>
        %get3A_2000 = arith.constant 6 : i32
        %get3A_2001 = arith.index_cast %get3A_2000 : i32 to index
        %get3A_2002 = arith.constant 144 : index
        %get3A_2003 = tpu.vector_load %arg16[%get3A_2001, %get3A_2002] {strides = array<i32>} : memref<8x208xi32, #tpu.memory_space<vmem>>, vector<1x16xi32>,
        %get3A_2004 = vector.shape_cast %get3A_2003 : vector<1x16xi32> to vector<16xi32>
        %get3A_2005 = arith.constant 7 : i32
        %get3A_2006 = arith.index_cast %get3A_2005 : i32 to index
        %get3A_2007 = arith.constant 144 : index
        %get3A_2008 = tpu.vector_load %arg16[%get3A_2006, %get3A_2007] {strides = array<i32>} : memref<8x208xi32, #tpu.memory_space<vmem>>, vector<1x16xi32>,
        %get3A_2009 = vector.shape_cast %get3A_2008 : vector<1x16xi32> to vector<16xi32>
        %mul3A_2010 = arith.constant 8 : i32
        %mul3A_2011 = vector.broadcast %mul3A_2010 : i32 to vector<16xi32>
        %mul3A_2012 = arith.muli %get3A_1999, %mul3A_2011 : vector<16xi32>
        %add3A_2013 = arith.addi %mul3A_2012, %get3A_2004 : vector<16xi32>
        %mul3A_2014 = arith.constant 32 : i32
        %mul3A_2015 = vector.broadcast %mul3A_2014 : i32 to vector<16xi32>
        %mul3A_2016 = arith.muli %add3A_2013, %mul3A_2015 : vector<16xi32>
        %add3A_2017 = arith.addi %mul3A_2016, %get3A_2009 : vector<16xi32>
        %mul3A_2018 = arith.constant 32 : i32
        %mul3A_2019 = vector.broadcast %mul3A_2018 : i32 to vector<16xi32>
        %mul3A_2020 = arith.muli %add3A_2017, %mul3A_2019 : vector<16xi32>
        %add3A_2021 = arith.addi %mul3A_2020, %get3A_1984 : vector<16xi32>
        %mul3A_2022 = arith.constant 2 : i32
        %mul3A_2023 = vector.broadcast %mul3A_2022 : i32 to vector<16xi32>
        %mul3A_2024 = arith.muli %add3A_2021, %mul3A_2023 : vector<16xi32>
        %swap3A_2025 = arith.constant 2 : i32
        %swap3A_2026 = arith.index_cast %swap3A_2025 : i32 to index
        %swap3A_2027 = arith.constant 144 : index
        %swap3A_2028 = tpu.vector_load %arg16[%swap3A_2026, %swap3A_2027] {strides = array<i32>} : memref<8x208xi32, #tpu.memory_space<vmem>>, vector<1x16xi32>,
        %swap3A_2029 = vector.shape_cast %swap3A_2028 : vector<1x16xi32> to vector<16xi32>
        %swap3A_2030 = vector.shape_cast %mul3A_2024 : vector<16xi32> to vector<1x16xi32>
        tpu.vector_store %arg16[%swap3A_2026, %swap3A_2027], %swap3A_2030 {strides = array<i32>} : memref<8x208xi32, #tpu.memory_space<vmem>>, vector<1x16xi32>,
        %mul3A_2031 = arith.constant 128 : i32
        %mul3A_2032 = vector.broadcast %mul3A_2031 : i32 to vector<16xi32>
        %mul3A_2033 = arith.muli %get3A_1989, %mul3A_2032 : vector<16xi32>
        %add3A_2034 = arith.addi %mul3A_2033, %get3A_1994 : vector<16xi32>
        %mul3A_2035 = arith.constant 2 : i32
        %mul3A_2036 = vector.broadcast %mul3A_2035 : i32 to vector<16xi32>
        %mul3A_2037 = arith.muli %add3A_2034, %mul3A_2036 : vector<16xi32>
        %swap3A_2038 = arith.constant 3 : i32
        %swap3A_2039 = arith.index_cast %swap3A_2038 : i32 to index
        %swap3A_2040 = arith.constant 144 : index
        %swap3A_2041 = tpu.vector_load %arg16[%swap3A_2039, %swap3A_2040] {strides = array<i32>} : memref<8x208xi32, #tpu.memory_space<vmem>>, vector<1x16xi32>,
        %swap3A_2042 = vector.shape_cast %swap3A_2041 : vector<1x16xi32> to vector<16xi32>
        %swap3A_2043 = vector.shape_cast %mul3A_2037 : vector<16xi32> to vector<1x16xi32>
        tpu.vector_store %arg16[%swap3A_2039, %swap3A_2040], %swap3A_2043 {strides = array<i32>} : memref<8x208xi32, #tpu.memory_space<vmem>>, vector<1x16xi32>,
        %get3A_2044 = arith.constant 2 : i32
        %get3A_2045 = arith.index_cast %get3A_2044 : i32 to index
        %get3A_2046 = arith.constant 160 : index
        %get3A_2047 = tpu.vector_load %arg16[%get3A_2045, %get3A_2046] {strides = array<i32>} : memref<8x208xi32, #tpu.memory_space<vmem>>, vector<1x16xi32>,
        %get3A_2048 = vector.shape_cast %get3A_2047 : vector<1x16xi32> to vector<16xi32>
        %get3A_2049 = arith.constant 3 : i32
        %get3A_2050 = arith.index_cast %get3A_2049 : i32 to index
        %get3A_2051 = arith.constant 160 : index
        %get3A_2052 = tpu.vector_load %arg16[%get3A_2050, %get3A_2051] {strides = array<i32>} : memref<8x208xi32, #tpu.memory_space<vmem>>, vector<1x16xi32>,
        %get3A_2053 = vector.shape_cast %get3A_2052 : vector<1x16xi32> to vector<16xi32>
        %get3A_2054 = arith.constant 4 : i32
        %get3A_2055 = arith.index_cast %get3A_2054 : i32 to index
        %get3A_2056 = arith.constant 160 : index
        %get3A_2057 = tpu.vector_load %arg16[%get3A_2055, %get3A_2056] {strides = array<i32>} : memref<8x208xi32, #tpu.memory_space<vmem>>, vector<1x16xi32>,
        %get3A_2058 = vector.shape_cast %get3A_2057 : vector<1x16xi32> to vector<16xi32>
        %get3A_2059 = arith.constant 5 : i32
        %get3A_2060 = arith.index_cast %get3A_2059 : i32 to index
        %get3A_2061 = arith.constant 160 : index
        %get3A_2062 = tpu.vector_load %arg16[%get3A_2060, %get3A_2061] {strides = array<i32>} : memref<8x208xi32, #tpu.memory_space<vmem>>, vector<1x16xi32>,
        %get3A_2063 = vector.shape_cast %get3A_2062 : vector<1x16xi32> to vector<16xi32>
        %get3A_2064 = arith.constant 6 : i32
        %get3A_2065 = arith.index_cast %get3A_2064 : i32 to index
        %get3A_2066 = arith.constant 160 : index
        %get3A_2067 = tpu.vector_load %arg16[%get3A_2065, %get3A_2066] {strides = array<i32>} : memref<8x208xi32, #tpu.memory_space<vmem>>, vector<1x16xi32>,
        %get3A_2068 = vector.shape_cast %get3A_2067 : vector<1x16xi32> to vector<16xi32>
        %get3A_2069 = arith.constant 7 : i32
        %get3A_2070 = arith.index_cast %get3A_2069 : i32 to index
        %get3A_2071 = arith.constant 160 : index
        %get3A_2072 = tpu.vector_load %arg16[%get3A_2070, %get3A_2071] {strides = array<i32>} : memref<8x208xi32, #tpu.memory_space<vmem>>, vector<1x16xi32>,
        %get3A_2073 = vector.shape_cast %get3A_2072 : vector<1x16xi32> to vector<16xi32>
        %mul3A_2074 = arith.constant 8 : i32
        %mul3A_2075 = vector.broadcast %mul3A_2074 : i32 to vector<16xi32>
        %mul3A_2076 = arith.muli %get3A_2063, %mul3A_2075 : vector<16xi32>
        %add3A_2077 = arith.addi %mul3A_2076, %get3A_2068 : vector<16xi32>
        %mul3A_2078 = arith.constant 32 : i32
        %mul3A_2079 = vector.broadcast %mul3A_2078 : i32 to vector<16xi32>
        %mul3A_2080 = arith.muli %add3A_2077, %mul3A_2079 : vector<16xi32>
        %add3A_2081 = arith.addi %mul3A_2080, %get3A_2073 : vector<16xi32>
        %mul3A_2082 = arith.constant 32 : i32
        %mul3A_2083 = vector.broadcast %mul3A_2082 : i32 to vector<16xi32>
        %mul3A_2084 = arith.muli %add3A_2081, %mul3A_2083 : vector<16xi32>
        %add3A_2085 = arith.addi %mul3A_2084, %get3A_2048 : vector<16xi32>
        %mul3A_2086 = arith.constant 2 : i32
        %mul3A_2087 = vector.broadcast %mul3A_2086 : i32 to vector<16xi32>
        %mul3A_2088 = arith.muli %add3A_2085, %mul3A_2087 : vector<16xi32>
        %swap3A_2089 = arith.constant 2 : i32
        %swap3A_2090 = arith.index_cast %swap3A_2089 : i32 to index
        %swap3A_2091 = arith.constant 160 : index
        %swap3A_2092 = tpu.vector_load %arg16[%swap3A_2090, %swap3A_2091] {strides = array<i32>} : memref<8x208xi32, #tpu.memory_space<vmem>>, vector<1x16xi32>,
        %swap3A_2093 = vector.shape_cast %swap3A_2092 : vector<1x16xi32> to vector<16xi32>
        %swap3A_2094 = vector.shape_cast %mul3A_2088 : vector<16xi32> to vector<1x16xi32>
        tpu.vector_store %arg16[%swap3A_2090, %swap3A_2091], %swap3A_2094 {strides = array<i32>} : memref<8x208xi32, #tpu.memory_space<vmem>>, vector<1x16xi32>,
        %mul3A_2095 = arith.constant 128 : i32
        %mul3A_2096 = vector.broadcast %mul3A_2095 : i32 to vector<16xi32>
        %mul3A_2097 = arith.muli %get3A_2053, %mul3A_2096 : vector<16xi32>
        %add3A_2098 = arith.addi %mul3A_2097, %get3A_2058 : vector<16xi32>
        %mul3A_2099 = arith.constant 2 : i32
        %mul3A_2100 = vector.broadcast %mul3A_2099 : i32 to vector<16xi32>
        %mul3A_2101 = arith.muli %add3A_2098, %mul3A_2100 : vector<16xi32>
        %swap3A_2102 = arith.constant 3 : i32
        %swap3A_2103 = arith.index_cast %swap3A_2102 : i32 to index
        %swap3A_2104 = arith.constant 160 : index
        %swap3A_2105 = tpu.vector_load %arg16[%swap3A_2103, %swap3A_2104] {strides = array<i32>} : memref<8x208xi32, #tpu.memory_space<vmem>>, vector<1x16xi32>,
        %swap3A_2106 = vector.shape_cast %swap3A_2105 : vector<1x16xi32> to vector<16xi32>
        %swap3A_2107 = vector.shape_cast %mul3A_2101 : vector<16xi32> to vector<1x16xi32>
        tpu.vector_store %arg16[%swap3A_2103, %swap3A_2104], %swap3A_2107 {strides = array<i32>} : memref<8x208xi32, #tpu.memory_space<vmem>>, vector<1x16xi32>,
        %get3A_2108 = arith.constant 2 : i32
        %get3A_2109 = arith.index_cast %get3A_2108 : i32 to index
        %get3A_2110 = arith.constant 176 : index
        %get3A_2111 = tpu.vector_load %arg16[%get3A_2109, %get3A_2110] {strides = array<i32>} : memref<8x208xi32, #tpu.memory_space<vmem>>, vector<1x16xi32>,
        %get3A_2112 = vector.shape_cast %get3A_2111 : vector<1x16xi32> to vector<16xi32>
        %get3A_2113 = arith.constant 3 : i32
        %get3A_2114 = arith.index_cast %get3A_2113 : i32 to index
        %get3A_2115 = arith.constant 176 : index
        %get3A_2116 = tpu.vector_load %arg16[%get3A_2114, %get3A_2115] {strides = array<i32>} : memref<8x208xi32, #tpu.memory_space<vmem>>, vector<1x16xi32>,
        %get3A_2117 = vector.shape_cast %get3A_2116 : vector<1x16xi32> to vector<16xi32>
        %get3A_2118 = arith.constant 4 : i32
        %get3A_2119 = arith.index_cast %get3A_2118 : i32 to index
        %get3A_2120 = arith.constant 176 : index
        %get3A_2121 = tpu.vector_load %arg16[%get3A_2119, %get3A_2120] {strides = array<i32>} : memref<8x208xi32, #tpu.memory_space<vmem>>, vector<1x16xi32>,
        %get3A_2122 = vector.shape_cast %get3A_2121 : vector<1x16xi32> to vector<16xi32>
        %get3A_2123 = arith.constant 5 : i32
        %get3A_2124 = arith.index_cast %get3A_2123 : i32 to index
        %get3A_2125 = arith.constant 176 : index
        %get3A_2126 = tpu.vector_load %arg16[%get3A_2124, %get3A_2125] {strides = array<i32>} : memref<8x208xi32, #tpu.memory_space<vmem>>, vector<1x16xi32>,
        %get3A_2127 = vector.shape_cast %get3A_2126 : vector<1x16xi32> to vector<16xi32>
        %get3A_2128 = arith.constant 6 : i32
        %get3A_2129 = arith.index_cast %get3A_2128 : i32 to index
        %get3A_2130 = arith.constant 176 : index
        %get3A_2131 = tpu.vector_load %arg16[%get3A_2129, %get3A_2130] {strides = array<i32>} : memref<8x208xi32, #tpu.memory_space<vmem>>, vector<1x16xi32>,
        %get3A_2132 = vector.shape_cast %get3A_2131 : vector<1x16xi32> to vector<16xi32>
        %get3A_2133 = arith.constant 7 : i32
        %get3A_2134 = arith.index_cast %get3A_2133 : i32 to index
        %get3A_2135 = arith.constant 176 : index
        %get3A_2136 = tpu.vector_load %arg16[%get3A_2134, %get3A_2135] {strides = array<i32>} : memref<8x208xi32, #tpu.memory_space<vmem>>, vector<1x16xi32>,
        %get3A_2137 = vector.shape_cast %get3A_2136 : vector<1x16xi32> to vector<16xi32>
        %mul3A_2138 = arith.constant 8 : i32
        %mul3A_2139 = vector.broadcast %mul3A_2138 : i32 to vector<16xi32>
        %mul3A_2140 = arith.muli %get3A_2127, %mul3A_2139 : vector<16xi32>
        %add3A_2141 = arith.addi %mul3A_2140, %get3A_2132 : vector<16xi32>
        %mul3A_2142 = arith.constant 32 : i32
        %mul3A_2143 = vector.broadcast %mul3A_2142 : i32 to vector<16xi32>
        %mul3A_2144 = arith.muli %add3A_2141, %mul3A_2143 : vector<16xi32>
        %add3A_2145 = arith.addi %mul3A_2144, %get3A_2137 : vector<16xi32>
        %mul3A_2146 = arith.constant 32 : i32
        %mul3A_2147 = vector.broadcast %mul3A_2146 : i32 to vector<16xi32>
        %mul3A_2148 = arith.muli %add3A_2145, %mul3A_2147 : vector<16xi32>
        %add3A_2149 = arith.addi %mul3A_2148, %get3A_2112 : vector<16xi32>
        %mul3A_2150 = arith.constant 2 : i32
        %mul3A_2151 = vector.broadcast %mul3A_2150 : i32 to vector<16xi32>
        %mul3A_2152 = arith.muli %add3A_2149, %mul3A_2151 : vector<16xi32>
        %swap3A_2153 = arith.constant 2 : i32
        %swap3A_2154 = arith.index_cast %swap3A_2153 : i32 to index
        %swap3A_2155 = arith.constant 176 : index
        %swap3A_2156 = tpu.vector_load %arg16[%swap3A_2154, %swap3A_2155] {strides = array<i32>} : memref<8x208xi32, #tpu.memory_space<vmem>>, vector<1x16xi32>,
        %swap3A_2157 = vector.shape_cast %swap3A_2156 : vector<1x16xi32> to vector<16xi32>
        %swap3A_2158 = vector.shape_cast %mul3A_2152 : vector<16xi32> to vector<1x16xi32>
        tpu.vector_store %arg16[%swap3A_2154, %swap3A_2155], %swap3A_2158 {strides = array<i32>} : memref<8x208xi32, #tpu.memory_space<vmem>>, vector<1x16xi32>,
        %mul3A_2159 = arith.constant 128 : i32
        %mul3A_2160 = vector.broadcast %mul3A_2159 : i32 to vector<16xi32>
        %mul3A_2161 = arith.muli %get3A_2117, %mul3A_2160 : vector<16xi32>
        %add3A_2162 = arith.addi %mul3A_2161, %get3A_2122 : vector<16xi32>
        %mul3A_2163 = arith.constant 2 : i32
        %mul3A_2164 = vector.broadcast %mul3A_2163 : i32 to vector<16xi32>
        %mul3A_2165 = arith.muli %add3A_2162, %mul3A_2164 : vector<16xi32>
        %swap3A_2166 = arith.constant 3 : i32
        %swap3A_2167 = arith.index_cast %swap3A_2166 : i32 to index
        %swap3A_2168 = arith.constant 176 : index
        %swap3A_2169 = tpu.vector_load %arg16[%swap3A_2167, %swap3A_2168] {strides = array<i32>} : memref<8x208xi32, #tpu.memory_space<vmem>>, vector<1x16xi32>,
        %swap3A_2170 = vector.shape_cast %swap3A_2169 : vector<1x16xi32> to vector<16xi32>
        %swap3A_2171 = vector.shape_cast %mul3A_2165 : vector<16xi32> to vector<1x16xi32>
        tpu.vector_store %arg16[%swap3A_2167, %swap3A_2168], %swap3A_2171 {strides = array<i32>} : memref<8x208xi32, #tpu.memory_space<vmem>>, vector<1x16xi32>,
        %get3A_2172 = arith.constant 2 : i32
        %get3A_2173 = arith.index_cast %get3A_2172 : i32 to index
        %get3A_2174 = arith.constant 192 : index
        %get3A_2175 = tpu.vector_load %arg16[%get3A_2173, %get3A_2174] {strides = array<i32>} : memref<8x208xi32, #tpu.memory_space<vmem>>, vector<1x16xi32>,
        %get3A_2176 = vector.shape_cast %get3A_2175 : vector<1x16xi32> to vector<16xi32>
        %get3A_2177 = arith.constant 3 : i32
        %get3A_2178 = arith.index_cast %get3A_2177 : i32 to index
        %get3A_2179 = arith.constant 192 : index
        %get3A_2180 = tpu.vector_load %arg16[%get3A_2178, %get3A_2179] {strides = array<i32>} : memref<8x208xi32, #tpu.memory_space<vmem>>, vector<1x16xi32>,
        %get3A_2181 = vector.shape_cast %get3A_2180 : vector<1x16xi32> to vector<16xi32>
        %get3A_2182 = arith.constant 4 : i32
        %get3A_2183 = arith.index_cast %get3A_2182 : i32 to index
        %get3A_2184 = arith.constant 192 : index
        %get3A_2185 = tpu.vector_load %arg16[%get3A_2183, %get3A_2184] {strides = array<i32>} : memref<8x208xi32, #tpu.memory_space<vmem>>, vector<1x16xi32>,
        %get3A_2186 = vector.shape_cast %get3A_2185 : vector<1x16xi32> to vector<16xi32>
        %get3A_2187 = arith.constant 5 : i32
        %get3A_2188 = arith.index_cast %get3A_2187 : i32 to index
        %get3A_2189 = arith.constant 192 : index
        %get3A_2190 = tpu.vector_load %arg16[%get3A_2188, %get3A_2189] {strides = array<i32>} : memref<8x208xi32, #tpu.memory_space<vmem>>, vector<1x16xi32>,
        %get3A_2191 = vector.shape_cast %get3A_2190 : vector<1x16xi32> to vector<16xi32>
        %get3A_2192 = arith.constant 6 : i32
        %get3A_2193 = arith.index_cast %get3A_2192 : i32 to index
        %get3A_2194 = arith.constant 192 : index
        %get3A_2195 = tpu.vector_load %arg16[%get3A_2193, %get3A_2194] {strides = array<i32>} : memref<8x208xi32, #tpu.memory_space<vmem>>, vector<1x16xi32>,
        %get3A_2196 = vector.shape_cast %get3A_2195 : vector<1x16xi32> to vector<16xi32>
        %get3A_2197 = arith.constant 7 : i32
        %get3A_2198 = arith.index_cast %get3A_2197 : i32 to index
        %get3A_2199 = arith.constant 192 : index
        %get3A_2200 = tpu.vector_load %arg16[%get3A_2198, %get3A_2199] {strides = array<i32>} : memref<8x208xi32, #tpu.memory_space<vmem>>, vector<1x16xi32>,
        %get3A_2201 = vector.shape_cast %get3A_2200 : vector<1x16xi32> to vector<16xi32>
        %mul3A_2202 = arith.constant 8 : i32
        %mul3A_2203 = vector.broadcast %mul3A_2202 : i32 to vector<16xi32>
        %mul3A_2204 = arith.muli %get3A_2191, %mul3A_2203 : vector<16xi32>
        %add3A_2205 = arith.addi %mul3A_2204, %get3A_2196 : vector<16xi32>
        %mul3A_2206 = arith.constant 32 : i32
        %mul3A_2207 = vector.broadcast %mul3A_2206 : i32 to vector<16xi32>
        %mul3A_2208 = arith.muli %add3A_2205, %mul3A_2207 : vector<16xi32>
        %add3A_2209 = arith.addi %mul3A_2208, %get3A_2201 : vector<16xi32>
        %mul3A_2210 = arith.constant 32 : i32
        %mul3A_2211 = vector.broadcast %mul3A_2210 : i32 to vector<16xi32>
        %mul3A_2212 = arith.muli %add3A_2209, %mul3A_2211 : vector<16xi32>
        %add3A_2213 = arith.addi %mul3A_2212, %get3A_2176 : vector<16xi32>
        %mul3A_2214 = arith.constant 2 : i32
        %mul3A_2215 = vector.broadcast %mul3A_2214 : i32 to vector<16xi32>
        %mul3A_2216 = arith.muli %add3A_2213, %mul3A_2215 : vector<16xi32>
        %swap3A_2217 = arith.constant 2 : i32
        %swap3A_2218 = arith.index_cast %swap3A_2217 : i32 to index
        %swap3A_2219 = arith.constant 192 : index
        %swap3A_2220 = tpu.vector_load %arg16[%swap3A_2218, %swap3A_2219] {strides = array<i32>} : memref<8x208xi32, #tpu.memory_space<vmem>>, vector<1x16xi32>,
        %swap3A_2221 = vector.shape_cast %swap3A_2220 : vector<1x16xi32> to vector<16xi32>
        %swap3A_2222 = vector.shape_cast %mul3A_2216 : vector<16xi32> to vector<1x16xi32>
        tpu.vector_store %arg16[%swap3A_2218, %swap3A_2219], %swap3A_2222 {strides = array<i32>} : memref<8x208xi32, #tpu.memory_space<vmem>>, vector<1x16xi32>,
        %mul3A_2223 = arith.constant 128 : i32
        %mul3A_2224 = vector.broadcast %mul3A_2223 : i32 to vector<16xi32>
        %mul3A_2225 = arith.muli %get3A_2181, %mul3A_2224 : vector<16xi32>
        %add3A_2226 = arith.addi %mul3A_2225, %get3A_2186 : vector<16xi32>
        %mul3A_2227 = arith.constant 2 : i32
        %mul3A_2228 = vector.broadcast %mul3A_2227 : i32 to vector<16xi32>
        %mul3A_2229 = arith.muli %add3A_2226, %mul3A_2228 : vector<16xi32>
        %swap3A_2230 = arith.constant 3 : i32
        %swap3A_2231 = arith.index_cast %swap3A_2230 : i32 to index
        %swap3A_2232 = arith.constant 192 : index
        %swap3A_2233 = tpu.vector_load %arg16[%swap3A_2231, %swap3A_2232] {strides = array<i32>} : memref<8x208xi32, #tpu.memory_space<vmem>>, vector<1x16xi32>,
        %swap3A_2234 = vector.shape_cast %swap3A_2233 : vector<1x16xi32> to vector<16xi32>
        %swap3A_2235 = vector.shape_cast %mul3A_2229 : vector<16xi32> to vector<1x16xi32>
        tpu.vector_store %arg16[%swap3A_2231, %swap3A_2232], %swap3A_2235 {strides = array<i32>} : memref<8x208xi32, #tpu.memory_space<vmem>>, vector<1x16xi32>,
        %dma_start3A_2236 = arith.constant 0 : i32
        %dma_start3A_2237 = arith.constant 0 : i32
        %dma_start3A_2238 = tpu.memref_slice %arg16[%dma_start3A_2236, %dma_start3A_2237] : memref<8x208xi32, #tpu.memory_space<vmem>> -> memref<1x200xi32, #tpu.memory_space<vmem>>
        %dma_start3A_2239 = tpu.memref_squeeze %dma_start3A_2238 : memref<1x200xi32, #tpu.memory_space<vmem>> -> memref<200xi32, #tpu.memory_space<vmem>>
        %dma_start3A_2240 = arith.constant 0 : i32
        %dma_start3A_2241 = arith.constant 0 : i32
        %dma_start3A_2242 = tpu.memref_slice %arg10[%dma_start3A_2240, %dma_start3A_2241] : memref<1000000x64xf32, #tpu.memory_space<hbm>> -> memref<1000000x64xf32, #tpu.memory_space<hbm>>
        tpu.enqueue_indirect_dma source(%dma_start3A_2242 : memref<1000000x64xf32, #tpu.memory_space<hbm>>) target(%arg24 : memref<200x64xf32, #tpu.memory_space<vmem>>) offsets(%dma_start3A_2239 : memref<200xi32, #tpu.memory_space<vmem>>) semaphore(%arg28 : memref<!tpu.dma_semaphore, #tpu.memory_space<semaphore_mem>>)
        %dma_start3A_2243 = arith.constant 1 : i32
        %dma_start3A_2244 = arith.constant 0 : i32
        %dma_start3A_2245 = tpu.memref_slice %arg16[%dma_start3A_2243, %dma_start3A_2244] : memref<8x208xi32, #tpu.memory_space<vmem>> -> memref<1x200xi32, #tpu.memory_space<vmem>>
        %dma_start3A_2246 = tpu.memref_squeeze %dma_start3A_2245 : memref<1x200xi32, #tpu.memory_space<vmem>> -> memref<200xi32, #tpu.memory_space<vmem>>
        %dma_start3A_2247 = arith.constant 0 : i32
        %dma_start3A_2248 = arith.constant 0 : i32
        %dma_start3A_2249 = tpu.memref_slice %arg11[%dma_start3A_2247, %dma_start3A_2248] : memref<512x64xf32, #tpu.memory_space<hbm>> -> memref<512x64xf32, #tpu.memory_space<hbm>>
        tpu.enqueue_indirect_dma source(%dma_start3A_2249 : memref<512x64xf32, #tpu.memory_space<hbm>>) target(%arg20 : memref<200x64xf32, #tpu.memory_space<vmem>>) offsets(%dma_start3A_2246 : memref<200xi32, #tpu.memory_space<vmem>>) semaphore(%arg28 : memref<!tpu.dma_semaphore, #tpu.memory_space<semaphore_mem>>)
        %dma_start3A_2250 = arith.constant 2 : i32
        %dma_start3A_2251 = arith.constant 0 : i32
        %dma_start3A_2252 = tpu.memref_slice %arg16[%dma_start3A_2250, %dma_start3A_2251] : memref<8x208xi32, #tpu.memory_space<vmem>> -> memref<1x200xi32, #tpu.memory_space<vmem>>
        %dma_start3A_2253 = tpu.memref_squeeze %dma_start3A_2252 : memref<1x200xi32, #tpu.memory_space<vmem>> -> memref<200xi32, #tpu.memory_space<vmem>>
        %dma_start3A_2254 = arith.constant 0 : i32
        %dma_start3A_2255 = arith.constant 0 : i32
        %dma_start3A_2256 = tpu.memref_slice %arg12[%dma_start3A_2254, %dma_start3A_2255] : memref<65536x64xf32, #tpu.memory_space<hbm>> -> memref<65536x64xf32, #tpu.memory_space<hbm>>
        tpu.enqueue_indirect_dma source(%dma_start3A_2256 : memref<65536x64xf32, #tpu.memory_space<hbm>>) target(%arg21 : memref<200x64xf32, #tpu.memory_space<vmem>>) offsets(%dma_start3A_2253 : memref<200xi32, #tpu.memory_space<vmem>>) semaphore(%arg28 : memref<!tpu.dma_semaphore, #tpu.memory_space<semaphore_mem>>)
        %dma_start3A_2257 = arith.constant 3 : i32
        %dma_start3A_2258 = arith.constant 0 : i32
        %dma_start3A_2259 = tpu.memref_slice %arg16[%dma_start3A_2257, %dma_start3A_2258] : memref<8x208xi32, #tpu.memory_space<vmem>> -> memref<1x200xi32, #tpu.memory_space<vmem>>
        %dma_start3A_2260 = tpu.memref_squeeze %dma_start3A_2259 : memref<1x200xi32, #tpu.memory_space<vmem>> -> memref<200xi32, #tpu.memory_space<vmem>>
        %dma_start3A_2261 = arith.constant 0 : i32
        %dma_start3A_2262 = arith.constant 0 : i32
        %dma_start3A_2263 = tpu.memref_slice %arg13[%dma_start3A_2261, %dma_start3A_2262] : memref<32768x64xf32, #tpu.memory_space<hbm>> -> memref<32768x64xf32, #tpu.memory_space<hbm>>
        tpu.enqueue_indirect_dma source(%dma_start3A_2263 : memref<32768x64xf32, #tpu.memory_space<hbm>>) target(%arg22 : memref<200x64xf32, #tpu.memory_space<vmem>>) offsets(%dma_start3A_2260 : memref<200xi32, #tpu.memory_space<vmem>>) semaphore(%arg28 : memref<!tpu.dma_semaphore, #tpu.memory_space<semaphore_mem>>)
      } else {
      }
      %dma_wait3A_1198 = arith.constant 0 : i32
      %dma_wait3A_1199 = arith.constant 0 : i32
      %dma_wait3A_1200 = tpu.memref_slice %arg15[%dma_wait3A_1198, %dma_wait3A_1199] : memref<8x208xi32, #tpu.memory_space<vmem>> -> memref<1x200xi32, #tpu.memory_space<vmem>>
      %dma_wait3A_1201 = tpu.memref_squeeze %dma_wait3A_1200 : memref<1x200xi32, #tpu.memory_space<vmem>> -> memref<200xi32, #tpu.memory_space<vmem>>
      %dma_wait3A_1202 = arith.constant 0 : i32
      %dma_wait3A_1203 = arith.constant 0 : i32
      %dma_wait3A_1204 = tpu.memref_slice %arg10[%dma_wait3A_1202, %dma_wait3A_1203] : memref<1000000x64xf32, #tpu.memory_space<hbm>> -> memref<1000000x64xf32, #tpu.memory_space<hbm>>
      tpu.wait_indirect_dma semaphore(%arg27 : memref<!tpu.dma_semaphore, #tpu.memory_space<semaphore_mem>>) src(%dma_wait3A_1204 : memref<1000000x64xf32, #tpu.memory_space<hbm>>) dst(%arg23 : memref<200x64xf32, #tpu.memory_space<vmem>>)
      %dma_wait3A_1205 = arith.constant 1 : i32
      %dma_wait3A_1206 = arith.constant 0 : i32
      %dma_wait3A_1207 = tpu.memref_slice %arg15[%dma_wait3A_1205, %dma_wait3A_1206] : memref<8x208xi32, #tpu.memory_space<vmem>> -> memref<1x200xi32, #tpu.memory_space<vmem>>
      %dma_wait3A_1208 = tpu.memref_squeeze %dma_wait3A_1207 : memref<1x200xi32, #tpu.memory_space<vmem>> -> memref<200xi32, #tpu.memory_space<vmem>>
      %dma_wait3A_1209 = arith.constant 0 : i32
      %dma_wait3A_1210 = arith.constant 0 : i32
      %dma_wait3A_1211 = tpu.memref_slice %arg11[%dma_wait3A_1209, %dma_wait3A_1210] : memref<512x64xf32, #tpu.memory_space<hbm>> -> memref<512x64xf32, #tpu.memory_space<hbm>>
      tpu.wait_indirect_dma semaphore(%arg27 : memref<!tpu.dma_semaphore, #tpu.memory_space<semaphore_mem>>) src(%dma_wait3A_1211 : memref<512x64xf32, #tpu.memory_space<hbm>>) dst(%arg17 : memref<200x64xf32, #tpu.memory_space<vmem>>)
      %dma_wait3A_1212 = arith.constant 2 : i32
      %dma_wait3A_1213 = arith.constant 0 : i32
      %dma_wait3A_1214 = tpu.memref_slice %arg15[%dma_wait3A_1212, %dma_wait3A_1213] : memref<8x208xi32, #tpu.memory_space<vmem>> -> memref<1x200xi32, #tpu.memory_space<vmem>>
      %dma_wait3A_1215 = tpu.memref_squeeze %dma_wait3A_1214 : memref<1x200xi32, #tpu.memory_space<vmem>> -> memref<200xi32, #tpu.memory_space<vmem>>
      %dma_wait3A_1216 = arith.constant 0 : i32
      %dma_wait3A_1217 = arith.constant 0 : i32
      %dma_wait3A_1218 = tpu.memref_slice %arg12[%dma_wait3A_1216, %dma_wait3A_1217] : memref<65536x64xf32, #tpu.memory_space<hbm>> -> memref<65536x64xf32, #tpu.memory_space<hbm>>
      tpu.wait_indirect_dma semaphore(%arg27 : memref<!tpu.dma_semaphore, #tpu.memory_space<semaphore_mem>>) src(%dma_wait3A_1218 : memref<65536x64xf32, #tpu.memory_space<hbm>>) dst(%arg18 : memref<200x64xf32, #tpu.memory_space<vmem>>)
      %dma_wait3A_1219 = arith.constant 3 : i32
      %dma_wait3A_1220 = arith.constant 0 : i32
      %dma_wait3A_1221 = tpu.memref_slice %arg15[%dma_wait3A_1219, %dma_wait3A_1220] : memref<8x208xi32, #tpu.memory_space<vmem>> -> memref<1x200xi32, #tpu.memory_space<vmem>>
      %dma_wait3A_1222 = tpu.memref_squeeze %dma_wait3A_1221 : memref<1x200xi32, #tpu.memory_space<vmem>> -> memref<200xi32, #tpu.memory_space<vmem>>
      %dma_wait3A_1223 = arith.constant 0 : i32
      %dma_wait3A_1224 = arith.constant 0 : i32
      %dma_wait3A_1225 = tpu.memref_slice %arg13[%dma_wait3A_1223, %dma_wait3A_1224] : memref<32768x64xf32, #tpu.memory_space<hbm>> -> memref<32768x64xf32, #tpu.memory_space<hbm>>
      tpu.wait_indirect_dma semaphore(%arg27 : memref<!tpu.dma_semaphore, #tpu.memory_space<semaphore_mem>>) src(%dma_wait3A_1225 : memref<32768x64xf32, #tpu.memory_space<hbm>>) dst(%arg19 : memref<200x64xf32, #tpu.memory_space<vmem>>)
      %scan3A_1226 = arith.constant 0 : i32
      %scan3A_1227 = arith.constant 200 : i32
      %scan3A_1228 = arith.addi %scan3A_1226, %scan3A_1227 : i32
      %scan3A_1229 = arith.constant 1 : i32
      scf.for %scan3A_1306 = %scan3A_1226 to %scan3A_1228 step %scan3A_1229  : i32 {
        %mul3A_1307 = arith.constant 1 : i32
        %mul3A_1308 = arith.muli %scan3A_1306, %mul3A_1307 : i32
        %add3A_1309 = arith.constant 0 : i32
        %add3A_1310 = arith.addi %add3A_1309, %mul3A_1308 : i32
        %get3A_1311 = arith.index_cast %add3A_1310 : i32 to index
        %get3A_1312 = arith.constant 0 : index
        %get3A_1313 = tpu.vector_load %arg23[%get3A_1311, %get3A_1312] {strides = array<i32>} : memref<200x64xf32, #tpu.memory_space<vmem>>, vector<1x16xf32>,
        %get3A_1314 = vector.shape_cast %get3A_1313 : vector<1x16xf32> to vector<16xf32>
        %get3A_1315 = arith.index_cast %add3A_1310 : i32 to index
        %get3A_1316 = arith.constant 0 : index
        %get3A_1317 = tpu.vector_load %arg17[%get3A_1315, %get3A_1316] {strides = array<i32>} : memref<200x64xf32, #tpu.memory_space<vmem>>, vector<1x16xf32>,
        %get3A_1318 = vector.shape_cast %get3A_1317 : vector<1x16xf32> to vector<16xf32>
        %add3A_1319 = arith.addf %get3A_1314, %get3A_1318 : vector<16xf32>
        %get3A_1320 = arith.index_cast %add3A_1310 : i32 to index
        %get3A_1321 = arith.constant 0 : index
        %get3A_1322 = tpu.vector_load %arg18[%get3A_1320, %get3A_1321] {strides = array<i32>} : memref<200x64xf32, #tpu.memory_space<vmem>>, vector<1x16xf32>,
        %get3A_1323 = vector.shape_cast %get3A_1322 : vector<1x16xf32> to vector<16xf32>
        %add3A_1324 = arith.addf %add3A_1319, %get3A_1323 : vector<16xf32>
        %get3A_1325 = arith.index_cast %add3A_1310 : i32 to index
        %get3A_1326 = arith.constant 0 : index
        %get3A_1327 = tpu.vector_load %arg19[%get3A_1325, %get3A_1326] {strides = array<i32>} : memref<200x64xf32, #tpu.memory_space<vmem>>, vector<1x16xf32>,
        %get3A_1328 = vector.shape_cast %get3A_1327 : vector<1x16xf32> to vector<16xf32>
        %add3A_1329 = arith.addf %add3A_1324, %get3A_1328 : vector<16xf32>
        %swap3A_1330 = arith.index_cast %add3A_1310 : i32 to index
        %swap3A_1331 = arith.constant 0 : index
        %swap3A_1332 = tpu.vector_load %arg23[%swap3A_1330, %swap3A_1331] {strides = array<i32>} : memref<200x64xf32, #tpu.memory_space<vmem>>, vector<1x16xf32>,
        %swap3A_1333 = vector.shape_cast %swap3A_1332 : vector<1x16xf32> to vector<16xf32>
        %swap3A_1334 = vector.shape_cast %add3A_1329 : vector<16xf32> to vector<1x16xf32>
        tpu.vector_store %arg23[%swap3A_1330, %swap3A_1331], %swap3A_1334 {strides = array<i32>} : memref<200x64xf32, #tpu.memory_space<vmem>>, vector<1x16xf32>,
        %get3A_1335 = arith.index_cast %add3A_1310 : i32 to index
        %get3A_1336 = arith.constant 16 : index
        %get3A_1337 = tpu.vector_load %arg23[%get3A_1335, %get3A_1336] {strides = array<i32>} : memref<200x64xf32, #tpu.memory_space<vmem>>, vector<1x16xf32>,
        %get3A_1338 = vector.shape_cast %get3A_1337 : vector<1x16xf32> to vector<16xf32>
        %get3A_1339 = arith.index_cast %add3A_1310 : i32 to index
        %get3A_1340 = arith.constant 16 : index
        %get3A_1341 = tpu.vector_load %arg17[%get3A_1339, %get3A_1340] {strides = array<i32>} : memref<200x64xf32, #tpu.memory_space<vmem>>, vector<1x16xf32>,
        %get3A_1342 = vector.shape_cast %get3A_1341 : vector<1x16xf32> to vector<16xf32>
        %add3A_1343 = arith.addf %get3A_1338, %get3A_1342 : vector<16xf32>
        %get3A_1344 = arith.index_cast %add3A_1310 : i32 to index
        %get3A_1345 = arith.constant 16 : index
        %get3A_1346 = tpu.vector_load %arg18[%get3A_1344, %get3A_1345] {strides = array<i32>} : memref<200x64xf32, #tpu.memory_space<vmem>>, vector<1x16xf32>,
        %get3A_1347 = vector.shape_cast %get3A_1346 : vector<1x16xf32> to vector<16xf32>
        %add3A_1348 = arith.addf %add3A_1343, %get3A_1347 : vector<16xf32>
        %get3A_1349 = arith.index_cast %add3A_1310 : i32 to index
        %get3A_1350 = arith.constant 16 : index
        %get3A_1351 = tpu.vector_load %arg19[%get3A_1349, %get3A_1350] {strides = array<i32>} : memref<200x64xf32, #tpu.memory_space<vmem>>, vector<1x16xf32>,
        %get3A_1352 = vector.shape_cast %get3A_1351 : vector<1x16xf32> to vector<16xf32>
        %add3A_1353 = arith.addf %add3A_1348, %get3A_1352 : vector<16xf32>
        %swap3A_1354 = arith.index_cast %add3A_1310 : i32 to index
        %swap3A_1355 = arith.constant 16 : index
        %swap3A_1356 = tpu.vector_load %arg23[%swap3A_1354, %swap3A_1355] {strides = array<i32>} : memref<200x64xf32, #tpu.memory_space<vmem>>, vector<1x16xf32>,
        %swap3A_1357 = vector.shape_cast %swap3A_1356 : vector<1x16xf32> to vector<16xf32>
        %swap3A_1358 = vector.shape_cast %add3A_1353 : vector<16xf32> to vector<1x16xf32>
        tpu.vector_store %arg23[%swap3A_1354, %swap3A_1355], %swap3A_1358 {strides = array<i32>} : memref<200x64xf32, #tpu.memory_space<vmem>>, vector<1x16xf32>,
        %get3A_1359 = arith.index_cast %add3A_1310 : i32 to index
        %get3A_1360 = arith.constant 32 : index
        %get3A_1361 = tpu.vector_load %arg23[%get3A_1359, %get3A_1360] {strides = array<i32>} : memref<200x64xf32, #tpu.memory_space<vmem>>, vector<1x16xf32>,
        %get3A_1362 = vector.shape_cast %get3A_1361 : vector<1x16xf32> to vector<16xf32>
        %get3A_1363 = arith.index_cast %add3A_1310 : i32 to index
        %get3A_1364 = arith.constant 32 : index
        %get3A_1365 = tpu.vector_load %arg17[%get3A_1363, %get3A_1364] {strides = array<i32>} : memref<200x64xf32, #tpu.memory_space<vmem>>, vector<1x16xf32>,
        %get3A_1366 = vector.shape_cast %get3A_1365 : vector<1x16xf32> to vector<16xf32>
        %add3A_1367 = arith.addf %get3A_1362, %get3A_1366 : vector<16xf32>
        %get3A_1368 = arith.index_cast %add3A_1310 : i32 to index
        %get3A_1369 = arith.constant 32 : index
        %get3A_1370 = tpu.vector_load %arg18[%get3A_1368, %get3A_1369] {strides = array<i32>} : memref<200x64xf32, #tpu.memory_space<vmem>>, vector<1x16xf32>,
        %get3A_1371 = vector.shape_cast %get3A_1370 : vector<1x16xf32> to vector<16xf32>
        %add3A_1372 = arith.addf %add3A_1367, %get3A_1371 : vector<16xf32>
        %get3A_1373 = arith.index_cast %add3A_1310 : i32 to index
        %get3A_1374 = arith.constant 32 : index
        %get3A_1375 = tpu.vector_load %arg19[%get3A_1373, %get3A_1374] {strides = array<i32>} : memref<200x64xf32, #tpu.memory_space<vmem>>, vector<1x16xf32>,
        %get3A_1376 = vector.shape_cast %get3A_1375 : vector<1x16xf32> to vector<16xf32>
        %add3A_1377 = arith.addf %add3A_1372, %get3A_1376 : vector<16xf32>
        %swap3A_1378 = arith.index_cast %add3A_1310 : i32 to index
        %swap3A_1379 = arith.constant 32 : index
        %swap3A_1380 = tpu.vector_load %arg23[%swap3A_1378, %swap3A_1379] {strides = array<i32>} : memref<200x64xf32, #tpu.memory_space<vmem>>, vector<1x16xf32>,
        %swap3A_1381 = vector.shape_cast %swap3A_1380 : vector<1x16xf32> to vector<16xf32>
        %swap3A_1382 = vector.shape_cast %add3A_1377 : vector<16xf32> to vector<1x16xf32>
        tpu.vector_store %arg23[%swap3A_1378, %swap3A_1379], %swap3A_1382 {strides = array<i32>} : memref<200x64xf32, #tpu.memory_space<vmem>>, vector<1x16xf32>,
        %get3A_1383 = arith.index_cast %add3A_1310 : i32 to index
        %get3A_1384 = arith.constant 48 : index
        %get3A_1385 = tpu.vector_load %arg23[%get3A_1383, %get3A_1384] {strides = array<i32>} : memref<200x64xf32, #tpu.memory_space<vmem>>, vector<1x16xf32>,
        %get3A_1386 = vector.shape_cast %get3A_1385 : vector<1x16xf32> to vector<16xf32>
        %get3A_1387 = arith.index_cast %add3A_1310 : i32 to index
        %get3A_1388 = arith.constant 48 : index
        %get3A_1389 = tpu.vector_load %arg17[%get3A_1387, %get3A_1388] {strides = array<i32>} : memref<200x64xf32, #tpu.memory_space<vmem>>, vector<1x16xf32>,
        %get3A_1390 = vector.shape_cast %get3A_1389 : vector<1x16xf32> to vector<16xf32>
        %add3A_1391 = arith.addf %get3A_1386, %get3A_1390 : vector<16xf32>
        %get3A_1392 = arith.index_cast %add3A_1310 : i32 to index
        %get3A_1393 = arith.constant 48 : index
        %get3A_1394 = tpu.vector_load %arg18[%get3A_1392, %get3A_1393] {strides = array<i32>} : memref<200x64xf32, #tpu.memory_space<vmem>>, vector<1x16xf32>,
        %get3A_1395 = vector.shape_cast %get3A_1394 : vector<1x16xf32> to vector<16xf32>
        %add3A_1396 = arith.addf %add3A_1391, %get3A_1395 : vector<16xf32>
        %get3A_1397 = arith.index_cast %add3A_1310 : i32 to index
        %get3A_1398 = arith.constant 48 : index
        %get3A_1399 = tpu.vector_load %arg19[%get3A_1397, %get3A_1398] {strides = array<i32>} : memref<200x64xf32, #tpu.memory_space<vmem>>, vector<1x16xf32>,
        %get3A_1400 = vector.shape_cast %get3A_1399 : vector<1x16xf32> to vector<16xf32>
        %add3A_1401 = arith.addf %add3A_1396, %get3A_1400 : vector<16xf32>
        %swap3A_1402 = arith.index_cast %add3A_1310 : i32 to index
        %swap3A_1403 = arith.constant 48 : index
        %swap3A_1404 = tpu.vector_load %arg23[%swap3A_1402, %swap3A_1403] {strides = array<i32>} : memref<200x64xf32, #tpu.memory_space<vmem>>, vector<1x16xf32>,
        %swap3A_1405 = vector.shape_cast %swap3A_1404 : vector<1x16xf32> to vector<16xf32>
        %swap3A_1406 = vector.shape_cast %add3A_1401 : vector<16xf32> to vector<1x16xf32>
        tpu.vector_store %arg23[%swap3A_1402, %swap3A_1403], %swap3A_1406 {strides = array<i32>} : memref<200x64xf32, #tpu.memory_space<vmem>>, vector<1x16xf32>,
      }
      %scan3A_1230 = arith.constant 200 : i32
      %add3A_1231 = arith.addi %mul3A_2, %add3A_1189 : i32
      %mul3A_1232 = arith.constant 200 : i32
      %mul3A_1233 = arith.muli %add3A_1231, %mul3A_1232 : i32
      %dma_start3A_1234 = arith.constant 0 : i32
      %dma_start3A_1235 = tpu.memref_slice %arg14[%mul3A_1233, %dma_start3A_1234] : memref<819200x128xf32, #tpu.memory_space<hbm>> -> memref<200x64xf32, #tpu.memory_space<hbm>>
      %dma_start3A_1236 = arith.constant 0 : i32
      %dma_start3A_1237 = tpu.memref_slice %arg14[%mul3A_1233, %dma_start3A_1236] : memref<819200x128xf32, #tpu.memory_space<hbm>> -> memref<200x64xf32, #tpu.memory_space<hbm>>
      tpu.enqueue_dma source(%arg23 : memref<200x64xf32, #tpu.memory_space<vmem>>) target(%dma_start3A_1237 : memref<200x64xf32, #tpu.memory_space<hbm>>) target_semaphore(%arg29 : memref<!tpu.dma_semaphore, #tpu.memory_space<semaphore_mem>>)
      %add3A_1238 = arith.constant 2 : i32
      %add3A_1239 = arith.addi %add3A_1189, %add3A_1238 : i32
      %lt3A_1240 = arith.constant 128 : i32
      %lt3A_1241 = arith.cmpi slt, %add3A_1239, %lt3A_1240 : i32
      %convert_element_type3A_1242 = arith.extui %lt3A_1241 : i1 to i32
      %cond3A_1243 = arith.constant 0 : i32
      %cond3A_1244 = arith.cmpi ne, %convert_element_type3A_1242, %cond3A_1243 : i32
      scf.if %cond3A_1244 {
        %add3A_1306 = arith.constant 2 : i32
        %add3A_1307 = arith.addi %add3A_1189, %add3A_1306 : i32
        %add3A_1308 = arith.addi %mul3A_2, %add3A_1307 : i32
        %mul3A_1309 = arith.constant 200 : i32
        %mul3A_1310 = arith.muli %add3A_1308, %mul3A_1309 : i32
        %dma_start3A_1311 = arith.constant 0 : i32
        %dma_start3A_1312 = arith.constant 0 : i32
        %dma_start3A_1313 = tpu.memref_slice %arg15[%dma_start3A_1311, %dma_start3A_1312] : memref<8x208xi32, #tpu.memory_space<vmem>> -> memref<1x200xi32, #tpu.memory_space<vmem>>
        %dma_start3A_1314 = tpu.memref_squeeze %dma_start3A_1313 : memref<1x200xi32, #tpu.memory_space<vmem>> -> memref<200xi32, #tpu.memory_space<vmem>>
        %dma_start3A_1315 = tpu.memref_slice %arg2[%mul3A_1310] : memref<819200xi32, #tpu.memory_space<hbm>> -> memref<200xi32, #tpu.memory_space<hbm>>
        %dma_start3A_1316 = arith.constant 0 : i32
        %dma_start3A_1317 = tpu.memref_slice %arg15[%dma_start3A_1311, %dma_start3A_1316] : memref<8x208xi32, #tpu.memory_space<vmem>> -> memref<1x200xi32, #tpu.memory_space<vmem>>
        %dma_start3A_1318 = tpu.memref_squeeze %dma_start3A_1317 : memref<1x200xi32, #tpu.memory_space<vmem>> -> memref<200xi32, #tpu.memory_space<vmem>>
        %dma_start3A_1319 = tpu.memref_slice %arg2[%mul3A_1310] : memref<819200xi32, #tpu.memory_space<hbm>> -> memref<200xi32, #tpu.memory_space<hbm>>
        tpu.enqueue_dma source(%dma_start3A_1319 : memref<200xi32, #tpu.memory_space<hbm>>) target(%dma_start3A_1318 : memref<200xi32, #tpu.memory_space<vmem>>) target_semaphore(%arg25 : memref<!tpu.dma_semaphore, #tpu.memory_space<semaphore_mem>>)
        %add3A_1320 = arith.addi %mul3A_2, %add3A_1307 : i32
        %mul3A_1321 = arith.constant 200 : i32
        %mul3A_1322 = arith.muli %add3A_1320, %mul3A_1321 : i32
        %dma_start3A_1323 = arith.constant 1 : i32
        %dma_start3A_1324 = arith.constant 0 : i32
        %dma_start3A_1325 = tpu.memref_slice %arg15[%dma_start3A_1323, %dma_start3A_1324] : memref<8x208xi32, #tpu.memory_space<vmem>> -> memref<1x200xi32, #tpu.memory_space<vmem>>
        %dma_start3A_1326 = tpu.memref_squeeze %dma_start3A_1325 : memref<1x200xi32, #tpu.memory_space<vmem>> -> memref<200xi32, #tpu.memory_space<vmem>>
        %dma_start3A_1327 = tpu.memref_slice %arg3[%mul3A_1322] : memref<819200xi32, #tpu.memory_space<hbm>> -> memref<200xi32, #tpu.memory_space<hbm>>
        %dma_start3A_1328 = arith.constant 0 : i32
        %dma_start3A_1329 = tpu.memref_slice %arg15[%dma_start3A_1323, %dma_start3A_1328] : memref<8x208xi32, #tpu.memory_space<vmem>> -> memref<1x200xi32, #tpu.memory_space<vmem>>
        %dma_start3A_1330 = tpu.memref_squeeze %dma_start3A_1329 : memref<1x200xi32, #tpu.memory_space<vmem>> -> memref<200xi32, #tpu.memory_space<vmem>>
        %dma_start3A_1331 = tpu.memref_slice %arg3[%mul3A_1322] : memref<819200xi32, #tpu.memory_space<hbm>> -> memref<200xi32, #tpu.memory_space<hbm>>
        tpu.enqueue_dma source(%dma_start3A_1331 : memref<200xi32, #tpu.memory_space<hbm>>) target(%dma_start3A_1330 : memref<200xi32, #tpu.memory_space<vmem>>) target_semaphore(%arg25 : memref<!tpu.dma_semaphore, #tpu.memory_space<semaphore_mem>>)
        %add3A_1332 = arith.addi %mul3A_2, %add3A_1307 : i32
        %mul3A_1333 = arith.constant 200 : i32
        %mul3A_1334 = arith.muli %add3A_1332, %mul3A_1333 : i32
        %dma_start3A_1335 = arith.constant 2 : i32
        %dma_start3A_1336 = arith.constant 0 : i32
        %dma_start3A_1337 = tpu.memref_slice %arg15[%dma_start3A_1335, %dma_start3A_1336] : memref<8x208xi32, #tpu.memory_space<vmem>> -> memref<1x200xi32, #tpu.memory_space<vmem>>
        %dma_start3A_1338 = tpu.memref_squeeze %dma_start3A_1337 : memref<1x200xi32, #tpu.memory_space<vmem>> -> memref<200xi32, #tpu.memory_space<vmem>>
        %dma_start3A_1339 = tpu.memref_slice %arg4[%mul3A_1334] : memref<819200xi32, #tpu.memory_space<hbm>> -> memref<200xi32, #tpu.memory_space<hbm>>
        %dma_start3A_1340 = arith.constant 0 : i32
        %dma_start3A_1341 = tpu.memref_slice %arg15[%dma_start3A_1335, %dma_start3A_1340] : memref<8x208xi32, #tpu.memory_space<vmem>> -> memref<1x200xi32, #tpu.memory_space<vmem>>
        %dma_start3A_1342 = tpu.memref_squeeze %dma_start3A_1341 : memref<1x200xi32, #tpu.memory_space<vmem>> -> memref<200xi32, #tpu.memory_space<vmem>>
        %dma_start3A_1343 = tpu.memref_slice %arg4[%mul3A_1334] : memref<819200xi32, #tpu.memory_space<hbm>> -> memref<200xi32, #tpu.memory_space<hbm>>
        tpu.enqueue_dma source(%dma_start3A_1343 : memref<200xi32, #tpu.memory_space<hbm>>) target(%dma_start3A_1342 : memref<200xi32, #tpu.memory_space<vmem>>) target_semaphore(%arg25 : memref<!tpu.dma_semaphore, #tpu.memory_space<semaphore_mem>>)
        %add3A_1344 = arith.addi %mul3A_2, %add3A_1307 : i32
        %mul3A_1345 = arith.constant 200 : i32
        %mul3A_1346 = arith.muli %add3A_1344, %mul3A_1345 : i32
        %dma_start3A_1347 = arith.constant 3 : i32
        %dma_start3A_1348 = arith.constant 0 : i32
        %dma_start3A_1349 = tpu.memref_slice %arg15[%dma_start3A_1347, %dma_start3A_1348] : memref<8x208xi32, #tpu.memory_space<vmem>> -> memref<1x200xi32, #tpu.memory_space<vmem>>
        %dma_start3A_1350 = tpu.memref_squeeze %dma_start3A_1349 : memref<1x200xi32, #tpu.memory_space<vmem>> -> memref<200xi32, #tpu.memory_space<vmem>>
        %dma_start3A_1351 = tpu.memref_slice %arg5[%mul3A_1346] : memref<819200xi32, #tpu.memory_space<hbm>> -> memref<200xi32, #tpu.memory_space<hbm>>
        %dma_start3A_1352 = arith.constant 0 : i32
        %dma_start3A_1353 = tpu.memref_slice %arg15[%dma_start3A_1347, %dma_start3A_1352] : memref<8x208xi32, #tpu.memory_space<vmem>> -> memref<1x200xi32, #tpu.memory_space<vmem>>
        %dma_start3A_1354 = tpu.memref_squeeze %dma_start3A_1353 : memref<1x200xi32, #tpu.memory_space<vmem>> -> memref<200xi32, #tpu.memory_space<vmem>>
        %dma_start3A_1355 = tpu.memref_slice %arg5[%mul3A_1346] : memref<819200xi32, #tpu.memory_space<hbm>> -> memref<200xi32, #tpu.memory_space<hbm>>
        tpu.enqueue_dma source(%dma_start3A_1355 : memref<200xi32, #tpu.memory_space<hbm>>) target(%dma_start3A_1354 : memref<200xi32, #tpu.memory_space<vmem>>) target_semaphore(%arg25 : memref<!tpu.dma_semaphore, #tpu.memory_space<semaphore_mem>>)
        %add3A_1356 = arith.addi %mul3A_2, %add3A_1307 : i32
        %mul3A_1357 = arith.constant 200 : i32
        %mul3A_1358 = arith.muli %add3A_1356, %mul3A_1357 : i32
        %dma_start3A_1359 = arith.constant 4 : i32
        %dma_start3A_1360 = arith.constant 0 : i32
        %dma_start3A_1361 = tpu.memref_slice %arg15[%dma_start3A_1359, %dma_start3A_1360] : memref<8x208xi32, #tpu.memory_space<vmem>> -> memref<1x200xi32, #tpu.memory_space<vmem>>
        %dma_start3A_1362 = tpu.memref_squeeze %dma_start3A_1361 : memref<1x200xi32, #tpu.memory_space<vmem>> -> memref<200xi32, #tpu.memory_space<vmem>>
        %dma_start3A_1363 = tpu.memref_slice %arg6[%mul3A_1358] : memref<819200xi32, #tpu.memory_space<hbm>> -> memref<200xi32, #tpu.memory_space<hbm>>
        %dma_start3A_1364 = arith.constant 0 : i32
        %dma_start3A_1365 = tpu.memref_slice %arg15[%dma_start3A_1359, %dma_start3A_1364] : memref<8x208xi32, #tpu.memory_space<vmem>> -> memref<1x200xi32, #tpu.memory_space<vmem>>
        %dma_start3A_1366 = tpu.memref_squeeze %dma_start3A_1365 : memref<1x200xi32, #tpu.memory_space<vmem>> -> memref<200xi32, #tpu.memory_space<vmem>>
        %dma_start3A_1367 = tpu.memref_slice %arg6[%mul3A_1358] : memref<819200xi32, #tpu.memory_space<hbm>> -> memref<200xi32, #tpu.memory_space<hbm>>
        tpu.enqueue_dma source(%dma_start3A_1367 : memref<200xi32, #tpu.memory_space<hbm>>) target(%dma_start3A_1366 : memref<200xi32, #tpu.memory_space<vmem>>) target_semaphore(%arg25 : memref<!tpu.dma_semaphore, #tpu.memory_space<semaphore_mem>>)
        %add3A_1368 = arith.addi %mul3A_2, %add3A_1307 : i32
        %mul3A_1369 = arith.constant 200 : i32
        %mul3A_1370 = arith.muli %add3A_1368, %mul3A_1369 : i32
        %dma_start3A_1371 = arith.constant 5 : i32
        %dma_start3A_1372 = arith.constant 0 : i32
        %dma_start3A_1373 = tpu.memref_slice %arg15[%dma_start3A_1371, %dma_start3A_1372] : memref<8x208xi32, #tpu.memory_space<vmem>> -> memref<1x200xi32, #tpu.memory_space<vmem>>
        %dma_start3A_1374 = tpu.memref_squeeze %dma_start3A_1373 : memref<1x200xi32, #tpu.memory_space<vmem>> -> memref<200xi32, #tpu.memory_space<vmem>>
        %dma_start3A_1375 = tpu.memref_slice %arg7[%mul3A_1370] : memref<819200xi32, #tpu.memory_space<hbm>> -> memref<200xi32, #tpu.memory_space<hbm>>
        %dma_start3A_1376 = arith.constant 0 : i32
        %dma_start3A_1377 = tpu.memref_slice %arg15[%dma_start3A_1371, %dma_start3A_1376] : memref<8x208xi32, #tpu.memory_space<vmem>> -> memref<1x200xi32, #tpu.memory_space<vmem>>
        %dma_start3A_1378 = tpu.memref_squeeze %dma_start3A_1377 : memref<1x200xi32, #tpu.memory_space<vmem>> -> memref<200xi32, #tpu.memory_space<vmem>>
        %dma_start3A_1379 = tpu.memref_slice %arg7[%mul3A_1370] : memref<819200xi32, #tpu.memory_space<hbm>> -> memref<200xi32, #tpu.memory_space<hbm>>
        tpu.enqueue_dma source(%dma_start3A_1379 : memref<200xi32, #tpu.memory_space<hbm>>) target(%dma_start3A_1378 : memref<200xi32, #tpu.memory_space<vmem>>) target_semaphore(%arg25 : memref<!tpu.dma_semaphore, #tpu.memory_space<semaphore_mem>>)
        %add3A_1380 = arith.addi %mul3A_2, %add3A_1307 : i32
        %mul3A_1381 = arith.constant 200 : i32
        %mul3A_1382 = arith.muli %add3A_1380, %mul3A_1381 : i32
        %dma_start3A_1383 = arith.constant 6 : i32
        %dma_start3A_1384 = arith.constant 0 : i32
        %dma_start3A_1385 = tpu.memref_slice %arg15[%dma_start3A_1383, %dma_start3A_1384] : memref<8x208xi32, #tpu.memory_space<vmem>> -> memref<1x200xi32, #tpu.memory_space<vmem>>
        %dma_start3A_1386 = tpu.memref_squeeze %dma_start3A_1385 : memref<1x200xi32, #tpu.memory_space<vmem>> -> memref<200xi32, #tpu.memory_space<vmem>>
        %dma_start3A_1387 = tpu.memref_slice %arg8[%mul3A_1382] : memref<819200xi32, #tpu.memory_space<hbm>> -> memref<200xi32, #tpu.memory_space<hbm>>
        %dma_start3A_1388 = arith.constant 0 : i32
        %dma_start3A_1389 = tpu.memref_slice %arg15[%dma_start3A_1383, %dma_start3A_1388] : memref<8x208xi32, #tpu.memory_space<vmem>> -> memref<1x200xi32, #tpu.memory_space<vmem>>
        %dma_start3A_1390 = tpu.memref_squeeze %dma_start3A_1389 : memref<1x200xi32, #tpu.memory_space<vmem>> -> memref<200xi32, #tpu.memory_space<vmem>>
        %dma_start3A_1391 = tpu.memref_slice %arg8[%mul3A_1382] : memref<819200xi32, #tpu.memory_space<hbm>> -> memref<200xi32, #tpu.memory_space<hbm>>
        tpu.enqueue_dma source(%dma_start3A_1391 : memref<200xi32, #tpu.memory_space<hbm>>) target(%dma_start3A_1390 : memref<200xi32, #tpu.memory_space<vmem>>) target_semaphore(%arg25 : memref<!tpu.dma_semaphore, #tpu.memory_space<semaphore_mem>>)
        %add3A_1392 = arith.addi %mul3A_2, %add3A_1307 : i32
        %mul3A_1393 = arith.constant 200 : i32
        %mul3A_1394 = arith.muli %add3A_1392, %mul3A_1393 : i32
        %dma_start3A_1395 = arith.constant 7 : i32
        %dma_start3A_1396 = arith.constant 0 : i32
        %dma_start3A_1397 = tpu.memref_slice %arg15[%dma_start3A_1395, %dma_start3A_1396] : memref<8x208xi32, #tpu.memory_space<vmem>> -> memref<1x200xi32, #tpu.memory_space<vmem>>
        %dma_start3A_1398 = tpu.memref_squeeze %dma_start3A_1397 : memref<1x200xi32, #tpu.memory_space<vmem>> -> memref<200xi32, #tpu.memory_space<vmem>>
        %dma_start3A_1399 = tpu.memref_slice %arg9[%mul3A_1394] : memref<819200xi32, #tpu.memory_space<hbm>> -> memref<200xi32, #tpu.memory_space<hbm>>
        %dma_start3A_1400 = arith.constant 0 : i32
        %dma_start3A_1401 = tpu.memref_slice %arg15[%dma_start3A_1395, %dma_start3A_1400] : memref<8x208xi32, #tpu.memory_space<vmem>> -> memref<1x200xi32, #tpu.memory_space<vmem>>
        %dma_start3A_1402 = tpu.memref_squeeze %dma_start3A_1401 : memref<1x200xi32, #tpu.memory_space<vmem>> -> memref<200xi32, #tpu.memory_space<vmem>>
        %dma_start3A_1403 = tpu.memref_slice %arg9[%mul3A_1394] : memref<819200xi32, #tpu.memory_space<hbm>> -> memref<200xi32, #tpu.memory_space<hbm>>
        tpu.enqueue_dma source(%dma_start3A_1403 : memref<200xi32, #tpu.memory_space<hbm>>) target(%dma_start3A_1402 : memref<200xi32, #tpu.memory_space<vmem>>) target_semaphore(%arg25 : memref<!tpu.dma_semaphore, #tpu.memory_space<semaphore_mem>>)
      } else {
      }
      %add3A_1245 = arith.constant 1 : i32
      %add3A_1246 = arith.addi %add3A_1187, %add3A_1245 : i32
      %ge3A_1247 = arith.constant 1 : i32
      %ge3A_1248 = arith.cmpi sge, %add3A_1246, %ge3A_1247 : i32
      %convert_element_type3A_1249 = arith.extui %ge3A_1248 : i1 to i32
      %cond3A_1250 = arith.constant 0 : i32
      %cond3A_1251 = arith.cmpi ne, %convert_element_type3A_1249, %cond3A_1250 : i32
      scf.if %cond3A_1251 {
        %sub3A = arith.constant 1 : i32
        %sub3A_1306 = arith.subi %add3A_1246, %sub3A : i32
        %add3A_1307 = arith.addi %mul3A_2, %sub3A_1306 : i32
        %mul3A_1308 = arith.constant 200 : i32
        %mul3A_1309 = arith.muli %add3A_1307, %mul3A_1308 : i32
        %dma_wait3A_1310 = arith.constant 0 : i32
        %dma_wait3A_1311 = tpu.memref_slice %arg14[%mul3A_1309, %dma_wait3A_1310] : memref<819200x128xf32, #tpu.memory_space<hbm>> -> memref<200x64xf32, #tpu.memory_space<hbm>>
        %dma_wait3A_1312 = arith.constant 0 : i32
        %dma_wait3A_1313 = tpu.memref_slice %arg14[%mul3A_1309, %dma_wait3A_1312] : memref<819200x128xf32, #tpu.memory_space<hbm>> -> memref<200x64xf32, #tpu.memory_space<hbm>>
        tpu.wait_dma2 semaphore(%arg29 : memref<!tpu.dma_semaphore, #tpu.memory_space<semaphore_mem>>) src(%arg23 : memref<200x64xf32, #tpu.memory_space<vmem>>) dst(%dma_wait3A_1313 : memref<200x64xf32, #tpu.memory_space<hbm>>)
      } else {
      }
      %add3A_1252 = arith.constant 1 : i32
      %add3A_1253 = arith.addi %add3A_1246, %add3A_1252 : i32
      %lt3A_1254 = arith.constant 128 : i32
      %lt3A_1255 = arith.cmpi slt, %add3A_1253, %lt3A_1254 : i32
      %convert_element_type3A_1256 = arith.extui %lt3A_1255 : i1 to i32
      %cond3A_1257 = arith.constant 0 : i32
      %cond3A_1258 = arith.cmpi ne, %convert_element_type3A_1256, %cond3A_1257 : i32
      scf.if %cond3A_1258 {
        %add3A_1306 = arith.constant 1 : i32
        %add3A_1307 = arith.addi %add3A_1246, %add3A_1306 : i32
        %add3A_1308 = arith.addi %mul3A_2, %add3A_1307 : i32
        %mul3A_1309 = arith.constant 200 : i32
        %mul3A_1310 = arith.muli %add3A_1308, %mul3A_1309 : i32
        %dma_wait3A_1311 = arith.constant 0 : i32
        %dma_wait3A_1312 = arith.constant 0 : i32
        %dma_wait3A_1313 = tpu.memref_slice %arg15[%dma_wait3A_1311, %dma_wait3A_1312] : memref<8x208xi32, #tpu.memory_space<vmem>> -> memref<1x200xi32, #tpu.memory_space<vmem>>
        %dma_wait3A_1314 = tpu.memref_squeeze %dma_wait3A_1313 : memref<1x200xi32, #tpu.memory_space<vmem>> -> memref<200xi32, #tpu.memory_space<vmem>>
        %dma_wait3A_1315 = tpu.memref_slice %arg2[%mul3A_1310] : memref<819200xi32, #tpu.memory_space<hbm>> -> memref<200xi32, #tpu.memory_space<hbm>>
        %dma_wait3A_1316 = arith.constant 0 : i32
        %dma_wait3A_1317 = tpu.memref_slice %arg15[%dma_wait3A_1311, %dma_wait3A_1316] : memref<8x208xi32, #tpu.memory_space<vmem>> -> memref<1x200xi32, #tpu.memory_space<vmem>>
        %dma_wait3A_1318 = tpu.memref_squeeze %dma_wait3A_1317 : memref<1x200xi32, #tpu.memory_space<vmem>> -> memref<200xi32, #tpu.memory_space<vmem>>
        %dma_wait3A_1319 = tpu.memref_slice %arg2[%mul3A_1310] : memref<819200xi32, #tpu.memory_space<hbm>> -> memref<200xi32, #tpu.memory_space<hbm>>
        tpu.wait_dma2 semaphore(%arg25 : memref<!tpu.dma_semaphore, #tpu.memory_space<semaphore_mem>>) src(%dma_wait3A_1319 : memref<200xi32, #tpu.memory_space<hbm>>) dst(%dma_wait3A_1318 : memref<200xi32, #tpu.memory_space<vmem>>)
        %add3A_1320 = arith.addi %mul3A_2, %add3A_1307 : i32
        %mul3A_1321 = arith.constant 200 : i32
        %mul3A_1322 = arith.muli %add3A_1320, %mul3A_1321 : i32
        %dma_wait3A_1323 = arith.constant 1 : i32
        %dma_wait3A_1324 = arith.constant 0 : i32
        %dma_wait3A_1325 = tpu.memref_slice %arg15[%dma_wait3A_1323, %dma_wait3A_1324] : memref<8x208xi32, #tpu.memory_space<vmem>> -> memref<1x200xi32, #tpu.memory_space<vmem>>
        %dma_wait3A_1326 = tpu.memref_squeeze %dma_wait3A_1325 : memref<1x200xi32, #tpu.memory_space<vmem>> -> memref<200xi32, #tpu.memory_space<vmem>>
        %dma_wait3A_1327 = tpu.memref_slice %arg3[%mul3A_1322] : memref<819200xi32, #tpu.memory_space<hbm>> -> memref<200xi32, #tpu.memory_space<hbm>>
        %dma_wait3A_1328 = arith.constant 0 : i32
        %dma_wait3A_1329 = tpu.memref_slice %arg15[%dma_wait3A_1323, %dma_wait3A_1328] : memref<8x208xi32, #tpu.memory_space<vmem>> -> memref<1x200xi32, #tpu.memory_space<vmem>>
        %dma_wait3A_1330 = tpu.memref_squeeze %dma_wait3A_1329 : memref<1x200xi32, #tpu.memory_space<vmem>> -> memref<200xi32, #tpu.memory_space<vmem>>
        %dma_wait3A_1331 = tpu.memref_slice %arg3[%mul3A_1322] : memref<819200xi32, #tpu.memory_space<hbm>> -> memref<200xi32, #tpu.memory_space<hbm>>
        tpu.wait_dma2 semaphore(%arg25 : memref<!tpu.dma_semaphore, #tpu.memory_space<semaphore_mem>>) src(%dma_wait3A_1331 : memref<200xi32, #tpu.memory_space<hbm>>) dst(%dma_wait3A_1330 : memref<200xi32, #tpu.memory_space<vmem>>)
        %add3A_1332 = arith.addi %mul3A_2, %add3A_1307 : i32
        %mul3A_1333 = arith.constant 200 : i32
        %mul3A_1334 = arith.muli %add3A_1332, %mul3A_1333 : i32
        %dma_wait3A_1335 = arith.constant 2 : i32
        %dma_wait3A_1336 = arith.constant 0 : i32
        %dma_wait3A_1337 = tpu.memref_slice %arg15[%dma_wait3A_1335, %dma_wait3A_1336] : memref<8x208xi32, #tpu.memory_space<vmem>> -> memref<1x200xi32, #tpu.memory_space<vmem>>
        %dma_wait3A_1338 = tpu.memref_squeeze %dma_wait3A_1337 : memref<1x200xi32, #tpu.memory_space<vmem>> -> memref<200xi32, #tpu.memory_space<vmem>>
        %dma_wait3A_1339 = tpu.memref_slice %arg4[%mul3A_1334] : memref<819200xi32, #tpu.memory_space<hbm>> -> memref<200xi32, #tpu.memory_space<hbm>>
        %dma_wait3A_1340 = arith.constant 0 : i32
        %dma_wait3A_1341 = tpu.memref_slice %arg15[%dma_wait3A_1335, %dma_wait3A_1340] : memref<8x208xi32, #tpu.memory_space<vmem>> -> memref<1x200xi32, #tpu.memory_space<vmem>>
        %dma_wait3A_1342 = tpu.memref_squeeze %dma_wait3A_1341 : memref<1x200xi32, #tpu.memory_space<vmem>> -> memref<200xi32, #tpu.memory_space<vmem>>
        %dma_wait3A_1343 = tpu.memref_slice %arg4[%mul3A_1334] : memref<819200xi32, #tpu.memory_space<hbm>> -> memref<200xi32, #tpu.memory_space<hbm>>
        tpu.wait_dma2 semaphore(%arg25 : memref<!tpu.dma_semaphore, #tpu.memory_space<semaphore_mem>>) src(%dma_wait3A_1343 : memref<200xi32, #tpu.memory_space<hbm>>) dst(%dma_wait3A_1342 : memref<200xi32, #tpu.memory_space<vmem>>)
        %add3A_1344 = arith.addi %mul3A_2, %add3A_1307 : i32
        %mul3A_1345 = arith.constant 200 : i32
        %mul3A_1346 = arith.muli %add3A_1344, %mul3A_1345 : i32
        %dma_wait3A_1347 = arith.constant 3 : i32
        %dma_wait3A_1348 = arith.constant 0 : i32
        %dma_wait3A_1349 = tpu.memref_slice %arg15[%dma_wait3A_1347, %dma_wait3A_1348] : memref<8x208xi32, #tpu.memory_space<vmem>> -> memref<1x200xi32, #tpu.memory_space<vmem>>
        %dma_wait3A_1350 = tpu.memref_squeeze %dma_wait3A_1349 : memref<1x200xi32, #tpu.memory_space<vmem>> -> memref<200xi32, #tpu.memory_space<vmem>>
        %dma_wait3A_1351 = tpu.memref_slice %arg5[%mul3A_1346] : memref<819200xi32, #tpu.memory_space<hbm>> -> memref<200xi32, #tpu.memory_space<hbm>>
        %dma_wait3A_1352 = arith.constant 0 : i32
        %dma_wait3A_1353 = tpu.memref_slice %arg15[%dma_wait3A_1347, %dma_wait3A_1352] : memref<8x208xi32, #tpu.memory_space<vmem>> -> memref<1x200xi32, #tpu.memory_space<vmem>>
        %dma_wait3A_1354 = tpu.memref_squeeze %dma_wait3A_1353 : memref<1x200xi32, #tpu.memory_space<vmem>> -> memref<200xi32, #tpu.memory_space<vmem>>
        %dma_wait3A_1355 = tpu.memref_slice %arg5[%mul3A_1346] : memref<819200xi32, #tpu.memory_space<hbm>> -> memref<200xi32, #tpu.memory_space<hbm>>
        tpu.wait_dma2 semaphore(%arg25 : memref<!tpu.dma_semaphore, #tpu.memory_space<semaphore_mem>>) src(%dma_wait3A_1355 : memref<200xi32, #tpu.memory_space<hbm>>) dst(%dma_wait3A_1354 : memref<200xi32, #tpu.memory_space<vmem>>)
        %add3A_1356 = arith.addi %mul3A_2, %add3A_1307 : i32
        %mul3A_1357 = arith.constant 200 : i32
        %mul3A_1358 = arith.muli %add3A_1356, %mul3A_1357 : i32
        %dma_wait3A_1359 = arith.constant 4 : i32
        %dma_wait3A_1360 = arith.constant 0 : i32
        %dma_wait3A_1361 = tpu.memref_slice %arg15[%dma_wait3A_1359, %dma_wait3A_1360] : memref<8x208xi32, #tpu.memory_space<vmem>> -> memref<1x200xi32, #tpu.memory_space<vmem>>
        %dma_wait3A_1362 = tpu.memref_squeeze %dma_wait3A_1361 : memref<1x200xi32, #tpu.memory_space<vmem>> -> memref<200xi32, #tpu.memory_space<vmem>>
        %dma_wait3A_1363 = tpu.memref_slice %arg6[%mul3A_1358] : memref<819200xi32, #tpu.memory_space<hbm>> -> memref<200xi32, #tpu.memory_space<hbm>>
        %dma_wait3A_1364 = arith.constant 0 : i32
        %dma_wait3A_1365 = tpu.memref_slice %arg15[%dma_wait3A_1359, %dma_wait3A_1364] : memref<8x208xi32, #tpu.memory_space<vmem>> -> memref<1x200xi32, #tpu.memory_space<vmem>>
        %dma_wait3A_1366 = tpu.memref_squeeze %dma_wait3A_1365 : memref<1x200xi32, #tpu.memory_space<vmem>> -> memref<200xi32, #tpu.memory_space<vmem>>
        %dma_wait3A_1367 = tpu.memref_slice %arg6[%mul3A_1358] : memref<819200xi32, #tpu.memory_space<hbm>> -> memref<200xi32, #tpu.memory_space<hbm>>
        tpu.wait_dma2 semaphore(%arg25 : memref<!tpu.dma_semaphore, #tpu.memory_space<semaphore_mem>>) src(%dma_wait3A_1367 : memref<200xi32, #tpu.memory_space<hbm>>) dst(%dma_wait3A_1366 : memref<200xi32, #tpu.memory_space<vmem>>)
        %add3A_1368 = arith.addi %mul3A_2, %add3A_1307 : i32
        %mul3A_1369 = arith.constant 200 : i32
        %mul3A_1370 = arith.muli %add3A_1368, %mul3A_1369 : i32
        %dma_wait3A_1371 = arith.constant 5 : i32
        %dma_wait3A_1372 = arith.constant 0 : i32
        %dma_wait3A_1373 = tpu.memref_slice %arg15[%dma_wait3A_1371, %dma_wait3A_1372] : memref<8x208xi32, #tpu.memory_space<vmem>> -> memref<1x200xi32, #tpu.memory_space<vmem>>
        %dma_wait3A_1374 = tpu.memref_squeeze %dma_wait3A_1373 : memref<1x200xi32, #tpu.memory_space<vmem>> -> memref<200xi32, #tpu.memory_space<vmem>>
        %dma_wait3A_1375 = tpu.memref_slice %arg7[%mul3A_1370] : memref<819200xi32, #tpu.memory_space<hbm>> -> memref<200xi32, #tpu.memory_space<hbm>>
        %dma_wait3A_1376 = arith.constant 0 : i32
        %dma_wait3A_1377 = tpu.memref_slice %arg15[%dma_wait3A_1371, %dma_wait3A_1376] : memref<8x208xi32, #tpu.memory_space<vmem>> -> memref<1x200xi32, #tpu.memory_space<vmem>>
        %dma_wait3A_1378 = tpu.memref_squeeze %dma_wait3A_1377 : memref<1x200xi32, #tpu.memory_space<vmem>> -> memref<200xi32, #tpu.memory_space<vmem>>
        %dma_wait3A_1379 = tpu.memref_slice %arg7[%mul3A_1370] : memref<819200xi32, #tpu.memory_space<hbm>> -> memref<200xi32, #tpu.memory_space<hbm>>
        tpu.wait_dma2 semaphore(%arg25 : memref<!tpu.dma_semaphore, #tpu.memory_space<semaphore_mem>>) src(%dma_wait3A_1379 : memref<200xi32, #tpu.memory_space<hbm>>) dst(%dma_wait3A_1378 : memref<200xi32, #tpu.memory_space<vmem>>)
        %add3A_1380 = arith.addi %mul3A_2, %add3A_1307 : i32
        %mul3A_1381 = arith.constant 200 : i32
        %mul3A_1382 = arith.muli %add3A_1380, %mul3A_1381 : i32
        %dma_wait3A_1383 = arith.constant 6 : i32
        %dma_wait3A_1384 = arith.constant 0 : i32
        %dma_wait3A_1385 = tpu.memref_slice %arg15[%dma_wait3A_1383, %dma_wait3A_1384] : memref<8x208xi32, #tpu.memory_space<vmem>> -> memref<1x200xi32, #tpu.memory_space<vmem>>
        %dma_wait3A_1386 = tpu.memref_squeeze %dma_wait3A_1385 : memref<1x200xi32, #tpu.memory_space<vmem>> -> memref<200xi32, #tpu.memory_space<vmem>>
        %dma_wait3A_1387 = tpu.memref_slice %arg8[%mul3A_1382] : memref<819200xi32, #tpu.memory_space<hbm>> -> memref<200xi32, #tpu.memory_space<hbm>>
        %dma_wait3A_1388 = arith.constant 0 : i32
        %dma_wait3A_1389 = tpu.memref_slice %arg15[%dma_wait3A_1383, %dma_wait3A_1388] : memref<8x208xi32, #tpu.memory_space<vmem>> -> memref<1x200xi32, #tpu.memory_space<vmem>>
        %dma_wait3A_1390 = tpu.memref_squeeze %dma_wait3A_1389 : memref<1x200xi32, #tpu.memory_space<vmem>> -> memref<200xi32, #tpu.memory_space<vmem>>
        %dma_wait3A_1391 = tpu.memref_slice %arg8[%mul3A_1382] : memref<819200xi32, #tpu.memory_space<hbm>> -> memref<200xi32, #tpu.memory_space<hbm>>
        tpu.wait_dma2 semaphore(%arg25 : memref<!tpu.dma_semaphore, #tpu.memory_space<semaphore_mem>>) src(%dma_wait3A_1391 : memref<200xi32, #tpu.memory_space<hbm>>) dst(%dma_wait3A_1390 : memref<200xi32, #tpu.memory_space<vmem>>)
        %add3A_1392 = arith.addi %mul3A_2, %add3A_1307 : i32
        %mul3A_1393 = arith.constant 200 : i32
        %mul3A_1394 = arith.muli %add3A_1392, %mul3A_1393 : i32
        %dma_wait3A_1395 = arith.constant 7 : i32
        %dma_wait3A_1396 = arith.constant 0 : i32
        %dma_wait3A_1397 = tpu.memref_slice %arg15[%dma_wait3A_1395, %dma_wait3A_1396] : memref<8x208xi32, #tpu.memory_space<vmem>> -> memref<1x200xi32, #tpu.memory_space<vmem>>
        %dma_wait3A_1398 = tpu.memref_squeeze %dma_wait3A_1397 : memref<1x200xi32, #tpu.memory_space<vmem>> -> memref<200xi32, #tpu.memory_space<vmem>>
        %dma_wait3A_1399 = tpu.memref_slice %arg9[%mul3A_1394] : memref<819200xi32, #tpu.memory_space<hbm>> -> memref<200xi32, #tpu.memory_space<hbm>>
        %dma_wait3A_1400 = arith.constant 0 : i32
        %dma_wait3A_1401 = tpu.memref_slice %arg15[%dma_wait3A_1395, %dma_wait3A_1400] : memref<8x208xi32, #tpu.memory_space<vmem>> -> memref<1x200xi32, #tpu.memory_space<vmem>>
        %dma_wait3A_1402 = tpu.memref_squeeze %dma_wait3A_1401 : memref<1x200xi32, #tpu.memory_space<vmem>> -> memref<200xi32, #tpu.memory_space<vmem>>
        %dma_wait3A_1403 = tpu.memref_slice %arg9[%mul3A_1394] : memref<819200xi32, #tpu.memory_space<hbm>> -> memref<200xi32, #tpu.memory_space<hbm>>
        tpu.wait_dma2 semaphore(%arg25 : memref<!tpu.dma_semaphore, #tpu.memory_space<semaphore_mem>>) src(%dma_wait3A_1403 : memref<200xi32, #tpu.memory_space<hbm>>) dst(%dma_wait3A_1402 : memref<200xi32, #tpu.memory_space<vmem>>)
        %get3A_1404 = arith.constant 2 : i32
        %get3A_1405 = arith.index_cast %get3A_1404 : i32 to index
        %get3A_1406 = arith.constant 0 : index
        %get3A_1407 = tpu.vector_load %arg15[%get3A_1405, %get3A_1406] {strides = array<i32>} : memref<8x208xi32, #tpu.memory_space<vmem>>, vector<1x16xi32>,
        %get3A_1408 = vector.shape_cast %get3A_1407 : vector<1x16xi32> to vector<16xi32>
        %get3A_1409 = arith.constant 3 : i32
        %get3A_1410 = arith.index_cast %get3A_1409 : i32 to index
        %get3A_1411 = arith.constant 0 : index
        %get3A_1412 = tpu.vector_load %arg15[%get3A_1410, %get3A_1411] {strides = array<i32>} : memref<8x208xi32, #tpu.memory_space<vmem>>, vector<1x16xi32>,
        %get3A_1413 = vector.shape_cast %get3A_1412 : vector<1x16xi32> to vector<16xi32>
        %get3A_1414 = arith.constant 4 : i32
        %get3A_1415 = arith.index_cast %get3A_1414 : i32 to index
        %get3A_1416 = arith.constant 0 : index
        %get3A_1417 = tpu.vector_load %arg15[%get3A_1415, %get3A_1416] {strides = array<i32>} : memref<8x208xi32, #tpu.memory_space<vmem>>, vector<1x16xi32>,
        %get3A_1418 = vector.shape_cast %get3A_1417 : vector<1x16xi32> to vector<16xi32>
        %get3A_1419 = arith.constant 5 : i32
        %get3A_1420 = arith.index_cast %get3A_1419 : i32 to index
        %get3A_1421 = arith.constant 0 : index
        %get3A_1422 = tpu.vector_load %arg15[%get3A_1420, %get3A_1421] {strides = array<i32>} : memref<8x208xi32, #tpu.memory_space<vmem>>, vector<1x16xi32>,
        %get3A_1423 = vector.shape_cast %get3A_1422 : vector<1x16xi32> to vector<16xi32>
        %get3A_1424 = arith.constant 6 : i32
        %get3A_1425 = arith.index_cast %get3A_1424 : i32 to index
        %get3A_1426 = arith.constant 0 : index
        %get3A_1427 = tpu.vector_load %arg15[%get3A_1425, %get3A_1426] {strides = array<i32>} : memref<8x208xi32, #tpu.memory_space<vmem>>, vector<1x16xi32>,
        %get3A_1428 = vector.shape_cast %get3A_1427 : vector<1x16xi32> to vector<16xi32>
        %get3A_1429 = arith.constant 7 : i32
        %get3A_1430 = arith.index_cast %get3A_1429 : i32 to index
        %get3A_1431 = arith.constant 0 : index
        %get3A_1432 = tpu.vector_load %arg15[%get3A_1430, %get3A_1431] {strides = array<i32>} : memref<8x208xi32, #tpu.memory_space<vmem>>, vector<1x16xi32>,
        %get3A_1433 = vector.shape_cast %get3A_1432 : vector<1x16xi32> to vector<16xi32>
        %mul3A_1434 = arith.constant 8 : i32
        %mul3A_1435 = vector.broadcast %mul3A_1434 : i32 to vector<16xi32>
        %mul3A_1436 = arith.muli %get3A_1423, %mul3A_1435 : vector<16xi32>
        %add3A_1437 = arith.addi %mul3A_1436, %get3A_1428 : vector<16xi32>
        %mul3A_1438 = arith.constant 32 : i32
        %mul3A_1439 = vector.broadcast %mul3A_1438 : i32 to vector<16xi32>
        %mul3A_1440 = arith.muli %add3A_1437, %mul3A_1439 : vector<16xi32>
        %add3A_1441 = arith.addi %mul3A_1440, %get3A_1433 : vector<16xi32>
        %mul3A_1442 = arith.constant 32 : i32
        %mul3A_1443 = vector.broadcast %mul3A_1442 : i32 to vector<16xi32>
        %mul3A_1444 = arith.muli %add3A_1441, %mul3A_1443 : vector<16xi32>
        %add3A_1445 = arith.addi %mul3A_1444, %get3A_1408 : vector<16xi32>
        %mul3A_1446 = arith.constant 2 : i32
        %mul3A_1447 = vector.broadcast %mul3A_1446 : i32 to vector<16xi32>
        %mul3A_1448 = arith.muli %add3A_1445, %mul3A_1447 : vector<16xi32>
        %swap3A_1449 = arith.constant 2 : i32
        %swap3A_1450 = arith.index_cast %swap3A_1449 : i32 to index
        %swap3A_1451 = arith.constant 0 : index
        %swap3A_1452 = tpu.vector_load %arg15[%swap3A_1450, %swap3A_1451] {strides = array<i32>} : memref<8x208xi32, #tpu.memory_space<vmem>>, vector<1x16xi32>,
        %swap3A_1453 = vector.shape_cast %swap3A_1452 : vector<1x16xi32> to vector<16xi32>
        %swap3A_1454 = vector.shape_cast %mul3A_1448 : vector<16xi32> to vector<1x16xi32>
        tpu.vector_store %arg15[%swap3A_1450, %swap3A_1451], %swap3A_1454 {strides = array<i32>} : memref<8x208xi32, #tpu.memory_space<vmem>>, vector<1x16xi32>,
        %mul3A_1455 = arith.constant 128 : i32
        %mul3A_1456 = vector.broadcast %mul3A_1455 : i32 to vector<16xi32>
        %mul3A_1457 = arith.muli %get3A_1413, %mul3A_1456 : vector<16xi32>
        %add3A_1458 = arith.addi %mul3A_1457, %get3A_1418 : vector<16xi32>
        %mul3A_1459 = arith.constant 2 : i32
        %mul3A_1460 = vector.broadcast %mul3A_1459 : i32 to vector<16xi32>
        %mul3A_1461 = arith.muli %add3A_1458, %mul3A_1460 : vector<16xi32>
        %swap3A_1462 = arith.constant 3 : i32
        %swap3A_1463 = arith.index_cast %swap3A_1462 : i32 to index
        %swap3A_1464 = arith.constant 0 : index
        %swap3A_1465 = tpu.vector_load %arg15[%swap3A_1463, %swap3A_1464] {strides = array<i32>} : memref<8x208xi32, #tpu.memory_space<vmem>>, vector<1x16xi32>,
        %swap3A_1466 = vector.shape_cast %swap3A_1465 : vector<1x16xi32> to vector<16xi32>
        %swap3A_1467 = vector.shape_cast %mul3A_1461 : vector<16xi32> to vector<1x16xi32>
        tpu.vector_store %arg15[%swap3A_1463, %swap3A_1464], %swap3A_1467 {strides = array<i32>} : memref<8x208xi32, #tpu.memory_space<vmem>>, vector<1x16xi32>,
        %get3A_1468 = arith.constant 2 : i32
        %get3A_1469 = arith.index_cast %get3A_1468 : i32 to index
        %get3A_1470 = arith.constant 16 : index
        %get3A_1471 = tpu.vector_load %arg15[%get3A_1469, %get3A_1470] {strides = array<i32>} : memref<8x208xi32, #tpu.memory_space<vmem>>, vector<1x16xi32>,
        %get3A_1472 = vector.shape_cast %get3A_1471 : vector<1x16xi32> to vector<16xi32>
        %get3A_1473 = arith.constant 3 : i32
        %get3A_1474 = arith.index_cast %get3A_1473 : i32 to index
        %get3A_1475 = arith.constant 16 : index
        %get3A_1476 = tpu.vector_load %arg15[%get3A_1474, %get3A_1475] {strides = array<i32>} : memref<8x208xi32, #tpu.memory_space<vmem>>, vector<1x16xi32>,
        %get3A_1477 = vector.shape_cast %get3A_1476 : vector<1x16xi32> to vector<16xi32>
        %get3A_1478 = arith.constant 4 : i32
        %get3A_1479 = arith.index_cast %get3A_1478 : i32 to index
        %get3A_1480 = arith.constant 16 : index
        %get3A_1481 = tpu.vector_load %arg15[%get3A_1479, %get3A_1480] {strides = array<i32>} : memref<8x208xi32, #tpu.memory_space<vmem>>, vector<1x16xi32>,
        %get3A_1482 = vector.shape_cast %get3A_1481 : vector<1x16xi32> to vector<16xi32>
        %get3A_1483 = arith.constant 5 : i32
        %get3A_1484 = arith.index_cast %get3A_1483 : i32 to index
        %get3A_1485 = arith.constant 16 : index
        %get3A_1486 = tpu.vector_load %arg15[%get3A_1484, %get3A_1485] {strides = array<i32>} : memref<8x208xi32, #tpu.memory_space<vmem>>, vector<1x16xi32>,
        %get3A_1487 = vector.shape_cast %get3A_1486 : vector<1x16xi32> to vector<16xi32>
        %get3A_1488 = arith.constant 6 : i32
        %get3A_1489 = arith.index_cast %get3A_1488 : i32 to index
        %get3A_1490 = arith.constant 16 : index
        %get3A_1491 = tpu.vector_load %arg15[%get3A_1489, %get3A_1490] {strides = array<i32>} : memref<8x208xi32, #tpu.memory_space<vmem>>, vector<1x16xi32>,
        %get3A_1492 = vector.shape_cast %get3A_1491 : vector<1x16xi32> to vector<16xi32>
        %get3A_1493 = arith.constant 7 : i32
        %get3A_1494 = arith.index_cast %get3A_1493 : i32 to index
        %get3A_1495 = arith.constant 16 : index
        %get3A_1496 = tpu.vector_load %arg15[%get3A_1494, %get3A_1495] {strides = array<i32>} : memref<8x208xi32, #tpu.memory_space<vmem>>, vector<1x16xi32>,
        %get3A_1497 = vector.shape_cast %get3A_1496 : vector<1x16xi32> to vector<16xi32>
        %mul3A_1498 = arith.constant 8 : i32
        %mul3A_1499 = vector.broadcast %mul3A_1498 : i32 to vector<16xi32>
        %mul3A_1500 = arith.muli %get3A_1487, %mul3A_1499 : vector<16xi32>
        %add3A_1501 = arith.addi %mul3A_1500, %get3A_1492 : vector<16xi32>
        %mul3A_1502 = arith.constant 32 : i32
        %mul3A_1503 = vector.broadcast %mul3A_1502 : i32 to vector<16xi32>
        %mul3A_1504 = arith.muli %add3A_1501, %mul3A_1503 : vector<16xi32>
        %add3A_1505 = arith.addi %mul3A_1504, %get3A_1497 : vector<16xi32>
        %mul3A_1506 = arith.constant 32 : i32
        %mul3A_1507 = vector.broadcast %mul3A_1506 : i32 to vector<16xi32>
        %mul3A_1508 = arith.muli %add3A_1505, %mul3A_1507 : vector<16xi32>
        %add3A_1509 = arith.addi %mul3A_1508, %get3A_1472 : vector<16xi32>
        %mul3A_1510 = arith.constant 2 : i32
        %mul3A_1511 = vector.broadcast %mul3A_1510 : i32 to vector<16xi32>
        %mul3A_1512 = arith.muli %add3A_1509, %mul3A_1511 : vector<16xi32>
        %swap3A_1513 = arith.constant 2 : i32
        %swap3A_1514 = arith.index_cast %swap3A_1513 : i32 to index
        %swap3A_1515 = arith.constant 16 : index
        %swap3A_1516 = tpu.vector_load %arg15[%swap3A_1514, %swap3A_1515] {strides = array<i32>} : memref<8x208xi32, #tpu.memory_space<vmem>>, vector<1x16xi32>,
        %swap3A_1517 = vector.shape_cast %swap3A_1516 : vector<1x16xi32> to vector<16xi32>
        %swap3A_1518 = vector.shape_cast %mul3A_1512 : vector<16xi32> to vector<1x16xi32>
        tpu.vector_store %arg15[%swap3A_1514, %swap3A_1515], %swap3A_1518 {strides = array<i32>} : memref<8x208xi32, #tpu.memory_space<vmem>>, vector<1x16xi32>,
        %mul3A_1519 = arith.constant 128 : i32
        %mul3A_1520 = vector.broadcast %mul3A_1519 : i32 to vector<16xi32>
        %mul3A_1521 = arith.muli %get3A_1477, %mul3A_1520 : vector<16xi32>
        %add3A_1522 = arith.addi %mul3A_1521, %get3A_1482 : vector<16xi32>
        %mul3A_1523 = arith.constant 2 : i32
        %mul3A_1524 = vector.broadcast %mul3A_1523 : i32 to vector<16xi32>
        %mul3A_1525 = arith.muli %add3A_1522, %mul3A_1524 : vector<16xi32>
        %swap3A_1526 = arith.constant 3 : i32
        %swap3A_1527 = arith.index_cast %swap3A_1526 : i32 to index
        %swap3A_1528 = arith.constant 16 : index
        %swap3A_1529 = tpu.vector_load %arg15[%swap3A_1527, %swap3A_1528] {strides = array<i32>} : memref<8x208xi32, #tpu.memory_space<vmem>>, vector<1x16xi32>,
        %swap3A_1530 = vector.shape_cast %swap3A_1529 : vector<1x16xi32> to vector<16xi32>
        %swap3A_1531 = vector.shape_cast %mul3A_1525 : vector<16xi32> to vector<1x16xi32>
        tpu.vector_store %arg15[%swap3A_1527, %swap3A_1528], %swap3A_1531 {strides = array<i32>} : memref<8x208xi32, #tpu.memory_space<vmem>>, vector<1x16xi32>,
        %get3A_1532 = arith.constant 2 : i32
        %get3A_1533 = arith.index_cast %get3A_1532 : i32 to index
        %get3A_1534 = arith.constant 32 : index
        %get3A_1535 = tpu.vector_load %arg15[%get3A_1533, %get3A_1534] {strides = array<i32>} : memref<8x208xi32, #tpu.memory_space<vmem>>, vector<1x16xi32>,
        %get3A_1536 = vector.shape_cast %get3A_1535 : vector<1x16xi32> to vector<16xi32>
        %get3A_1537 = arith.constant 3 : i32
        %get3A_1538 = arith.index_cast %get3A_1537 : i32 to index
        %get3A_1539 = arith.constant 32 : index
        %get3A_1540 = tpu.vector_load %arg15[%get3A_1538, %get3A_1539] {strides = array<i32>} : memref<8x208xi32, #tpu.memory_space<vmem>>, vector<1x16xi32>,
        %get3A_1541 = vector.shape_cast %get3A_1540 : vector<1x16xi32> to vector<16xi32>
        %get3A_1542 = arith.constant 4 : i32
        %get3A_1543 = arith.index_cast %get3A_1542 : i32 to index
        %get3A_1544 = arith.constant 32 : index
        %get3A_1545 = tpu.vector_load %arg15[%get3A_1543, %get3A_1544] {strides = array<i32>} : memref<8x208xi32, #tpu.memory_space<vmem>>, vector<1x16xi32>,
        %get3A_1546 = vector.shape_cast %get3A_1545 : vector<1x16xi32> to vector<16xi32>
        %get3A_1547 = arith.constant 5 : i32
        %get3A_1548 = arith.index_cast %get3A_1547 : i32 to index
        %get3A_1549 = arith.constant 32 : index
        %get3A_1550 = tpu.vector_load %arg15[%get3A_1548, %get3A_1549] {strides = array<i32>} : memref<8x208xi32, #tpu.memory_space<vmem>>, vector<1x16xi32>,
        %get3A_1551 = vector.shape_cast %get3A_1550 : vector<1x16xi32> to vector<16xi32>
        %get3A_1552 = arith.constant 6 : i32
        %get3A_1553 = arith.index_cast %get3A_1552 : i32 to index
        %get3A_1554 = arith.constant 32 : index
        %get3A_1555 = tpu.vector_load %arg15[%get3A_1553, %get3A_1554] {strides = array<i32>} : memref<8x208xi32, #tpu.memory_space<vmem>>, vector<1x16xi32>,
        %get3A_1556 = vector.shape_cast %get3A_1555 : vector<1x16xi32> to vector<16xi32>
        %get3A_1557 = arith.constant 7 : i32
        %get3A_1558 = arith.index_cast %get3A_1557 : i32 to index
        %get3A_1559 = arith.constant 32 : index
        %get3A_1560 = tpu.vector_load %arg15[%get3A_1558, %get3A_1559] {strides = array<i32>} : memref<8x208xi32, #tpu.memory_space<vmem>>, vector<1x16xi32>,
        %get3A_1561 = vector.shape_cast %get3A_1560 : vector<1x16xi32> to vector<16xi32>
        %mul3A_1562 = arith.constant 8 : i32
        %mul3A_1563 = vector.broadcast %mul3A_1562 : i32 to vector<16xi32>
        %mul3A_1564 = arith.muli %get3A_1551, %mul3A_1563 : vector<16xi32>
        %add3A_1565 = arith.addi %mul3A_1564, %get3A_1556 : vector<16xi32>
        %mul3A_1566 = arith.constant 32 : i32
        %mul3A_1567 = vector.broadcast %mul3A_1566 : i32 to vector<16xi32>
        %mul3A_1568 = arith.muli %add3A_1565, %mul3A_1567 : vector<16xi32>
        %add3A_1569 = arith.addi %mul3A_1568, %get3A_1561 : vector<16xi32>
        %mul3A_1570 = arith.constant 32 : i32
        %mul3A_1571 = vector.broadcast %mul3A_1570 : i32 to vector<16xi32>
        %mul3A_1572 = arith.muli %add3A_1569, %mul3A_1571 : vector<16xi32>
        %add3A_1573 = arith.addi %mul3A_1572, %get3A_1536 : vector<16xi32>
        %mul3A_1574 = arith.constant 2 : i32
        %mul3A_1575 = vector.broadcast %mul3A_1574 : i32 to vector<16xi32>
        %mul3A_1576 = arith.muli %add3A_1573, %mul3A_1575 : vector<16xi32>
        %swap3A_1577 = arith.constant 2 : i32
        %swap3A_1578 = arith.index_cast %swap3A_1577 : i32 to index
        %swap3A_1579 = arith.constant 32 : index
        %swap3A_1580 = tpu.vector_load %arg15[%swap3A_1578, %swap3A_1579] {strides = array<i32>} : memref<8x208xi32, #tpu.memory_space<vmem>>, vector<1x16xi32>,
        %swap3A_1581 = vector.shape_cast %swap3A_1580 : vector<1x16xi32> to vector<16xi32>
        %swap3A_1582 = vector.shape_cast %mul3A_1576 : vector<16xi32> to vector<1x16xi32>
        tpu.vector_store %arg15[%swap3A_1578, %swap3A_1579], %swap3A_1582 {strides = array<i32>} : memref<8x208xi32, #tpu.memory_space<vmem>>, vector<1x16xi32>,
        %mul3A_1583 = arith.constant 128 : i32
        %mul3A_1584 = vector.broadcast %mul3A_1583 : i32 to vector<16xi32>
        %mul3A_1585 = arith.muli %get3A_1541, %mul3A_1584 : vector<16xi32>
        %add3A_1586 = arith.addi %mul3A_1585, %get3A_1546 : vector<16xi32>
        %mul3A_1587 = arith.constant 2 : i32
        %mul3A_1588 = vector.broadcast %mul3A_1587 : i32 to vector<16xi32>
        %mul3A_1589 = arith.muli %add3A_1586, %mul3A_1588 : vector<16xi32>
        %swap3A_1590 = arith.constant 3 : i32
        %swap3A_1591 = arith.index_cast %swap3A_1590 : i32 to index
        %swap3A_1592 = arith.constant 32 : index
        %swap3A_1593 = tpu.vector_load %arg15[%swap3A_1591, %swap3A_1592] {strides = array<i32>} : memref<8x208xi32, #tpu.memory_space<vmem>>, vector<1x16xi32>,
        %swap3A_1594 = vector.shape_cast %swap3A_1593 : vector<1x16xi32> to vector<16xi32>
        %swap3A_1595 = vector.shape_cast %mul3A_1589 : vector<16xi32> to vector<1x16xi32>
        tpu.vector_store %arg15[%swap3A_1591, %swap3A_1592], %swap3A_1595 {strides = array<i32>} : memref<8x208xi32, #tpu.memory_space<vmem>>, vector<1x16xi32>,
        %get3A_1596 = arith.constant 2 : i32
        %get3A_1597 = arith.index_cast %get3A_1596 : i32 to index
        %get3A_1598 = arith.constant 48 : index
        %get3A_1599 = tpu.vector_load %arg15[%get3A_1597, %get3A_1598] {strides = array<i32>} : memref<8x208xi32, #tpu.memory_space<vmem>>, vector<1x16xi32>,
        %get3A_1600 = vector.shape_cast %get3A_1599 : vector<1x16xi32> to vector<16xi32>
        %get3A_1601 = arith.constant 3 : i32
        %get3A_1602 = arith.index_cast %get3A_1601 : i32 to index
        %get3A_1603 = arith.constant 48 : index
        %get3A_1604 = tpu.vector_load %arg15[%get3A_1602, %get3A_1603] {strides = array<i32>} : memref<8x208xi32, #tpu.memory_space<vmem>>, vector<1x16xi32>,
        %get3A_1605 = vector.shape_cast %get3A_1604 : vector<1x16xi32> to vector<16xi32>
        %get3A_1606 = arith.constant 4 : i32
        %get3A_1607 = arith.index_cast %get3A_1606 : i32 to index
        %get3A_1608 = arith.constant 48 : index
        %get3A_1609 = tpu.vector_load %arg15[%get3A_1607, %get3A_1608] {strides = array<i32>} : memref<8x208xi32, #tpu.memory_space<vmem>>, vector<1x16xi32>,
        %get3A_1610 = vector.shape_cast %get3A_1609 : vector<1x16xi32> to vector<16xi32>
        %get3A_1611 = arith.constant 5 : i32
        %get3A_1612 = arith.index_cast %get3A_1611 : i32 to index
        %get3A_1613 = arith.constant 48 : index
        %get3A_1614 = tpu.vector_load %arg15[%get3A_1612, %get3A_1613] {strides = array<i32>} : memref<8x208xi32, #tpu.memory_space<vmem>>, vector<1x16xi32>,
        %get3A_1615 = vector.shape_cast %get3A_1614 : vector<1x16xi32> to vector<16xi32>
        %get3A_1616 = arith.constant 6 : i32
        %get3A_1617 = arith.index_cast %get3A_1616 : i32 to index
        %get3A_1618 = arith.constant 48 : index
        %get3A_1619 = tpu.vector_load %arg15[%get3A_1617, %get3A_1618] {strides = array<i32>} : memref<8x208xi32, #tpu.memory_space<vmem>>, vector<1x16xi32>,
        %get3A_1620 = vector.shape_cast %get3A_1619 : vector<1x16xi32> to vector<16xi32>
        %get3A_1621 = arith.constant 7 : i32
        %get3A_1622 = arith.index_cast %get3A_1621 : i32 to index
        %get3A_1623 = arith.constant 48 : index
        %get3A_1624 = tpu.vector_load %arg15[%get3A_1622, %get3A_1623] {strides = array<i32>} : memref<8x208xi32, #tpu.memory_space<vmem>>, vector<1x16xi32>,
        %get3A_1625 = vector.shape_cast %get3A_1624 : vector<1x16xi32> to vector<16xi32>
        %mul3A_1626 = arith.constant 8 : i32
        %mul3A_1627 = vector.broadcast %mul3A_1626 : i32 to vector<16xi32>
        %mul3A_1628 = arith.muli %get3A_1615, %mul3A_1627 : vector<16xi32>
        %add3A_1629 = arith.addi %mul3A_1628, %get3A_1620 : vector<16xi32>
        %mul3A_1630 = arith.constant 32 : i32
        %mul3A_1631 = vector.broadcast %mul3A_1630 : i32 to vector<16xi32>
        %mul3A_1632 = arith.muli %add3A_1629, %mul3A_1631 : vector<16xi32>
        %add3A_1633 = arith.addi %mul3A_1632, %get3A_1625 : vector<16xi32>
        %mul3A_1634 = arith.constant 32 : i32
        %mul3A_1635 = vector.broadcast %mul3A_1634 : i32 to vector<16xi32>
        %mul3A_1636 = arith.muli %add3A_1633, %mul3A_1635 : vector<16xi32>
        %add3A_1637 = arith.addi %mul3A_1636, %get3A_1600 : vector<16xi32>
        %mul3A_1638 = arith.constant 2 : i32
        %mul3A_1639 = vector.broadcast %mul3A_1638 : i32 to vector<16xi32>
        %mul3A_1640 = arith.muli %add3A_1637, %mul3A_1639 : vector<16xi32>
        %swap3A_1641 = arith.constant 2 : i32
        %swap3A_1642 = arith.index_cast %swap3A_1641 : i32 to index
        %swap3A_1643 = arith.constant 48 : index
        %swap3A_1644 = tpu.vector_load %arg15[%swap3A_1642, %swap3A_1643] {strides = array<i32>} : memref<8x208xi32, #tpu.memory_space<vmem>>, vector<1x16xi32>,
        %swap3A_1645 = vector.shape_cast %swap3A_1644 : vector<1x16xi32> to vector<16xi32>
        %swap3A_1646 = vector.shape_cast %mul3A_1640 : vector<16xi32> to vector<1x16xi32>
        tpu.vector_store %arg15[%swap3A_1642, %swap3A_1643], %swap3A_1646 {strides = array<i32>} : memref<8x208xi32, #tpu.memory_space<vmem>>, vector<1x16xi32>,
        %mul3A_1647 = arith.constant 128 : i32
        %mul3A_1648 = vector.broadcast %mul3A_1647 : i32 to vector<16xi32>
        %mul3A_1649 = arith.muli %get3A_1605, %mul3A_1648 : vector<16xi32>
        %add3A_1650 = arith.addi %mul3A_1649, %get3A_1610 : vector<16xi32>
        %mul3A_1651 = arith.constant 2 : i32
        %mul3A_1652 = vector.broadcast %mul3A_1651 : i32 to vector<16xi32>
        %mul3A_1653 = arith.muli %add3A_1650, %mul3A_1652 : vector<16xi32>
        %swap3A_1654 = arith.constant 3 : i32
        %swap3A_1655 = arith.index_cast %swap3A_1654 : i32 to index
        %swap3A_1656 = arith.constant 48 : index
        %swap3A_1657 = tpu.vector_load %arg15[%swap3A_1655, %swap3A_1656] {strides = array<i32>} : memref<8x208xi32, #tpu.memory_space<vmem>>, vector<1x16xi32>,
        %swap3A_1658 = vector.shape_cast %swap3A_1657 : vector<1x16xi32> to vector<16xi32>
        %swap3A_1659 = vector.shape_cast %mul3A_1653 : vector<16xi32> to vector<1x16xi32>
        tpu.vector_store %arg15[%swap3A_1655, %swap3A_1656], %swap3A_1659 {strides = array<i32>} : memref<8x208xi32, #tpu.memory_space<vmem>>, vector<1x16xi32>,
        %get3A_1660 = arith.constant 2 : i32
        %get3A_1661 = arith.index_cast %get3A_1660 : i32 to index
        %get3A_1662 = arith.constant 64 : index
        %get3A_1663 = tpu.vector_load %arg15[%get3A_1661, %get3A_1662] {strides = array<i32>} : memref<8x208xi32, #tpu.memory_space<vmem>>, vector<1x16xi32>,
        %get3A_1664 = vector.shape_cast %get3A_1663 : vector<1x16xi32> to vector<16xi32>
        %get3A_1665 = arith.constant 3 : i32
        %get3A_1666 = arith.index_cast %get3A_1665 : i32 to index
        %get3A_1667 = arith.constant 64 : index
        %get3A_1668 = tpu.vector_load %arg15[%get3A_1666, %get3A_1667] {strides = array<i32>} : memref<8x208xi32, #tpu.memory_space<vmem>>, vector<1x16xi32>,
        %get3A_1669 = vector.shape_cast %get3A_1668 : vector<1x16xi32> to vector<16xi32>
        %get3A_1670 = arith.constant 4 : i32
        %get3A_1671 = arith.index_cast %get3A_1670 : i32 to index
        %get3A_1672 = arith.constant 64 : index
        %get3A_1673 = tpu.vector_load %arg15[%get3A_1671, %get3A_1672] {strides = array<i32>} : memref<8x208xi32, #tpu.memory_space<vmem>>, vector<1x16xi32>,
        %get3A_1674 = vector.shape_cast %get3A_1673 : vector<1x16xi32> to vector<16xi32>
        %get3A_1675 = arith.constant 5 : i32
        %get3A_1676 = arith.index_cast %get3A_1675 : i32 to index
        %get3A_1677 = arith.constant 64 : index
        %get3A_1678 = tpu.vector_load %arg15[%get3A_1676, %get3A_1677] {strides = array<i32>} : memref<8x208xi32, #tpu.memory_space<vmem>>, vector<1x16xi32>,
        %get3A_1679 = vector.shape_cast %get3A_1678 : vector<1x16xi32> to vector<16xi32>
        %get3A_1680 = arith.constant 6 : i32
        %get3A_1681 = arith.index_cast %get3A_1680 : i32 to index
        %get3A_1682 = arith.constant 64 : index
        %get3A_1683 = tpu.vector_load %arg15[%get3A_1681, %get3A_1682] {strides = array<i32>} : memref<8x208xi32, #tpu.memory_space<vmem>>, vector<1x16xi32>,
        %get3A_1684 = vector.shape_cast %get3A_1683 : vector<1x16xi32> to vector<16xi32>
        %get3A_1685 = arith.constant 7 : i32
        %get3A_1686 = arith.index_cast %get3A_1685 : i32 to index
        %get3A_1687 = arith.constant 64 : index
        %get3A_1688 = tpu.vector_load %arg15[%get3A_1686, %get3A_1687] {strides = array<i32>} : memref<8x208xi32, #tpu.memory_space<vmem>>, vector<1x16xi32>,
        %get3A_1689 = vector.shape_cast %get3A_1688 : vector<1x16xi32> to vector<16xi32>
        %mul3A_1690 = arith.constant 8 : i32
        %mul3A_1691 = vector.broadcast %mul3A_1690 : i32 to vector<16xi32>
        %mul3A_1692 = arith.muli %get3A_1679, %mul3A_1691 : vector<16xi32>
        %add3A_1693 = arith.addi %mul3A_1692, %get3A_1684 : vector<16xi32>
        %mul3A_1694 = arith.constant 32 : i32
        %mul3A_1695 = vector.broadcast %mul3A_1694 : i32 to vector<16xi32>
        %mul3A_1696 = arith.muli %add3A_1693, %mul3A_1695 : vector<16xi32>
        %add3A_1697 = arith.addi %mul3A_1696, %get3A_1689 : vector<16xi32>
        %mul3A_1698 = arith.constant 32 : i32
        %mul3A_1699 = vector.broadcast %mul3A_1698 : i32 to vector<16xi32>
        %mul3A_1700 = arith.muli %add3A_1697, %mul3A_1699 : vector<16xi32>
        %add3A_1701 = arith.addi %mul3A_1700, %get3A_1664 : vector<16xi32>
        %mul3A_1702 = arith.constant 2 : i32
        %mul3A_1703 = vector.broadcast %mul3A_1702 : i32 to vector<16xi32>
        %mul3A_1704 = arith.muli %add3A_1701, %mul3A_1703 : vector<16xi32>
        %swap3A_1705 = arith.constant 2 : i32
        %swap3A_1706 = arith.index_cast %swap3A_1705 : i32 to index
        %swap3A_1707 = arith.constant 64 : index
        %swap3A_1708 = tpu.vector_load %arg15[%swap3A_1706, %swap3A_1707] {strides = array<i32>} : memref<8x208xi32, #tpu.memory_space<vmem>>, vector<1x16xi32>,
        %swap3A_1709 = vector.shape_cast %swap3A_1708 : vector<1x16xi32> to vector<16xi32>
        %swap3A_1710 = vector.shape_cast %mul3A_1704 : vector<16xi32> to vector<1x16xi32>
        tpu.vector_store %arg15[%swap3A_1706, %swap3A_1707], %swap3A_1710 {strides = array<i32>} : memref<8x208xi32, #tpu.memory_space<vmem>>, vector<1x16xi32>,
        %mul3A_1711 = arith.constant 128 : i32
        %mul3A_1712 = vector.broadcast %mul3A_1711 : i32 to vector<16xi32>
        %mul3A_1713 = arith.muli %get3A_1669, %mul3A_1712 : vector<16xi32>
        %add3A_1714 = arith.addi %mul3A_1713, %get3A_1674 : vector<16xi32>
        %mul3A_1715 = arith.constant 2 : i32
        %mul3A_1716 = vector.broadcast %mul3A_1715 : i32 to vector<16xi32>
        %mul3A_1717 = arith.muli %add3A_1714, %mul3A_1716 : vector<16xi32>
        %swap3A_1718 = arith.constant 3 : i32
        %swap3A_1719 = arith.index_cast %swap3A_1718 : i32 to index
        %swap3A_1720 = arith.constant 64 : index
        %swap3A_1721 = tpu.vector_load %arg15[%swap3A_1719, %swap3A_1720] {strides = array<i32>} : memref<8x208xi32, #tpu.memory_space<vmem>>, vector<1x16xi32>,
        %swap3A_1722 = vector.shape_cast %swap3A_1721 : vector<1x16xi32> to vector<16xi32>
        %swap3A_1723 = vector.shape_cast %mul3A_1717 : vector<16xi32> to vector<1x16xi32>
        tpu.vector_store %arg15[%swap3A_1719, %swap3A_1720], %swap3A_1723 {strides = array<i32>} : memref<8x208xi32, #tpu.memory_space<vmem>>, vector<1x16xi32>,
        %get3A_1724 = arith.constant 2 : i32
        %get3A_1725 = arith.index_cast %get3A_1724 : i32 to index
        %get3A_1726 = arith.constant 80 : index
        %get3A_1727 = tpu.vector_load %arg15[%get3A_1725, %get3A_1726] {strides = array<i32>} : memref<8x208xi32, #tpu.memory_space<vmem>>, vector<1x16xi32>,
        %get3A_1728 = vector.shape_cast %get3A_1727 : vector<1x16xi32> to vector<16xi32>
        %get3A_1729 = arith.constant 3 : i32
        %get3A_1730 = arith.index_cast %get3A_1729 : i32 to index
        %get3A_1731 = arith.constant 80 : index
        %get3A_1732 = tpu.vector_load %arg15[%get3A_1730, %get3A_1731] {strides = array<i32>} : memref<8x208xi32, #tpu.memory_space<vmem>>, vector<1x16xi32>,
        %get3A_1733 = vector.shape_cast %get3A_1732 : vector<1x16xi32> to vector<16xi32>
        %get3A_1734 = arith.constant 4 : i32
        %get3A_1735 = arith.index_cast %get3A_1734 : i32 to index
        %get3A_1736 = arith.constant 80 : index
        %get3A_1737 = tpu.vector_load %arg15[%get3A_1735, %get3A_1736] {strides = array<i32>} : memref<8x208xi32, #tpu.memory_space<vmem>>, vector<1x16xi32>,
        %get3A_1738 = vector.shape_cast %get3A_1737 : vector<1x16xi32> to vector<16xi32>
        %get3A_1739 = arith.constant 5 : i32
        %get3A_1740 = arith.index_cast %get3A_1739 : i32 to index
        %get3A_1741 = arith.constant 80 : index
        %get3A_1742 = tpu.vector_load %arg15[%get3A_1740, %get3A_1741] {strides = array<i32>} : memref<8x208xi32, #tpu.memory_space<vmem>>, vector<1x16xi32>,
        %get3A_1743 = vector.shape_cast %get3A_1742 : vector<1x16xi32> to vector<16xi32>
        %get3A_1744 = arith.constant 6 : i32
        %get3A_1745 = arith.index_cast %get3A_1744 : i32 to index
        %get3A_1746 = arith.constant 80 : index
        %get3A_1747 = tpu.vector_load %arg15[%get3A_1745, %get3A_1746] {strides = array<i32>} : memref<8x208xi32, #tpu.memory_space<vmem>>, vector<1x16xi32>,
        %get3A_1748 = vector.shape_cast %get3A_1747 : vector<1x16xi32> to vector<16xi32>
        %get3A_1749 = arith.constant 7 : i32
        %get3A_1750 = arith.index_cast %get3A_1749 : i32 to index
        %get3A_1751 = arith.constant 80 : index
        %get3A_1752 = tpu.vector_load %arg15[%get3A_1750, %get3A_1751] {strides = array<i32>} : memref<8x208xi32, #tpu.memory_space<vmem>>, vector<1x16xi32>,
        %get3A_1753 = vector.shape_cast %get3A_1752 : vector<1x16xi32> to vector<16xi32>
        %mul3A_1754 = arith.constant 8 : i32
        %mul3A_1755 = vector.broadcast %mul3A_1754 : i32 to vector<16xi32>
        %mul3A_1756 = arith.muli %get3A_1743, %mul3A_1755 : vector<16xi32>
        %add3A_1757 = arith.addi %mul3A_1756, %get3A_1748 : vector<16xi32>
        %mul3A_1758 = arith.constant 32 : i32
        %mul3A_1759 = vector.broadcast %mul3A_1758 : i32 to vector<16xi32>
        %mul3A_1760 = arith.muli %add3A_1757, %mul3A_1759 : vector<16xi32>
        %add3A_1761 = arith.addi %mul3A_1760, %get3A_1753 : vector<16xi32>
        %mul3A_1762 = arith.constant 32 : i32
        %mul3A_1763 = vector.broadcast %mul3A_1762 : i32 to vector<16xi32>
        %mul3A_1764 = arith.muli %add3A_1761, %mul3A_1763 : vector<16xi32>
        %add3A_1765 = arith.addi %mul3A_1764, %get3A_1728 : vector<16xi32>
        %mul3A_1766 = arith.constant 2 : i32
        %mul3A_1767 = vector.broadcast %mul3A_1766 : i32 to vector<16xi32>
        %mul3A_1768 = arith.muli %add3A_1765, %mul3A_1767 : vector<16xi32>
        %swap3A_1769 = arith.constant 2 : i32
        %swap3A_1770 = arith.index_cast %swap3A_1769 : i32 to index
        %swap3A_1771 = arith.constant 80 : index
        %swap3A_1772 = tpu.vector_load %arg15[%swap3A_1770, %swap3A_1771] {strides = array<i32>} : memref<8x208xi32, #tpu.memory_space<vmem>>, vector<1x16xi32>,
        %swap3A_1773 = vector.shape_cast %swap3A_1772 : vector<1x16xi32> to vector<16xi32>
        %swap3A_1774 = vector.shape_cast %mul3A_1768 : vector<16xi32> to vector<1x16xi32>
        tpu.vector_store %arg15[%swap3A_1770, %swap3A_1771], %swap3A_1774 {strides = array<i32>} : memref<8x208xi32, #tpu.memory_space<vmem>>, vector<1x16xi32>,
        %mul3A_1775 = arith.constant 128 : i32
        %mul3A_1776 = vector.broadcast %mul3A_1775 : i32 to vector<16xi32>
        %mul3A_1777 = arith.muli %get3A_1733, %mul3A_1776 : vector<16xi32>
        %add3A_1778 = arith.addi %mul3A_1777, %get3A_1738 : vector<16xi32>
        %mul3A_1779 = arith.constant 2 : i32
        %mul3A_1780 = vector.broadcast %mul3A_1779 : i32 to vector<16xi32>
        %mul3A_1781 = arith.muli %add3A_1778, %mul3A_1780 : vector<16xi32>
        %swap3A_1782 = arith.constant 3 : i32
        %swap3A_1783 = arith.index_cast %swap3A_1782 : i32 to index
        %swap3A_1784 = arith.constant 80 : index
        %swap3A_1785 = tpu.vector_load %arg15[%swap3A_1783, %swap3A_1784] {strides = array<i32>} : memref<8x208xi32, #tpu.memory_space<vmem>>, vector<1x16xi32>,
        %swap3A_1786 = vector.shape_cast %swap3A_1785 : vector<1x16xi32> to vector<16xi32>
        %swap3A_1787 = vector.shape_cast %mul3A_1781 : vector<16xi32> to vector<1x16xi32>
        tpu.vector_store %arg15[%swap3A_1783, %swap3A_1784], %swap3A_1787 {strides = array<i32>} : memref<8x208xi32, #tpu.memory_space<vmem>>, vector<1x16xi32>,
        %get3A_1788 = arith.constant 2 : i32
        %get3A_1789 = arith.index_cast %get3A_1788 : i32 to index
        %get3A_1790 = arith.constant 96 : index
        %get3A_1791 = tpu.vector_load %arg15[%get3A_1789, %get3A_1790] {strides = array<i32>} : memref<8x208xi32, #tpu.memory_space<vmem>>, vector<1x16xi32>,
        %get3A_1792 = vector.shape_cast %get3A_1791 : vector<1x16xi32> to vector<16xi32>
        %get3A_1793 = arith.constant 3 : i32
        %get3A_1794 = arith.index_cast %get3A_1793 : i32 to index
        %get3A_1795 = arith.constant 96 : index
        %get3A_1796 = tpu.vector_load %arg15[%get3A_1794, %get3A_1795] {strides = array<i32>} : memref<8x208xi32, #tpu.memory_space<vmem>>, vector<1x16xi32>,
        %get3A_1797 = vector.shape_cast %get3A_1796 : vector<1x16xi32> to vector<16xi32>
        %get3A_1798 = arith.constant 4 : i32
        %get3A_1799 = arith.index_cast %get3A_1798 : i32 to index
        %get3A_1800 = arith.constant 96 : index
        %get3A_1801 = tpu.vector_load %arg15[%get3A_1799, %get3A_1800] {strides = array<i32>} : memref<8x208xi32, #tpu.memory_space<vmem>>, vector<1x16xi32>,
        %get3A_1802 = vector.shape_cast %get3A_1801 : vector<1x16xi32> to vector<16xi32>
        %get3A_1803 = arith.constant 5 : i32
        %get3A_1804 = arith.index_cast %get3A_1803 : i32 to index
        %get3A_1805 = arith.constant 96 : index
        %get3A_1806 = tpu.vector_load %arg15[%get3A_1804, %get3A_1805] {strides = array<i32>} : memref<8x208xi32, #tpu.memory_space<vmem>>, vector<1x16xi32>,
        %get3A_1807 = vector.shape_cast %get3A_1806 : vector<1x16xi32> to vector<16xi32>
        %get3A_1808 = arith.constant 6 : i32
        %get3A_1809 = arith.index_cast %get3A_1808 : i32 to index
        %get3A_1810 = arith.constant 96 : index
        %get3A_1811 = tpu.vector_load %arg15[%get3A_1809, %get3A_1810] {strides = array<i32>} : memref<8x208xi32, #tpu.memory_space<vmem>>, vector<1x16xi32>,
        %get3A_1812 = vector.shape_cast %get3A_1811 : vector<1x16xi32> to vector<16xi32>
        %get3A_1813 = arith.constant 7 : i32
        %get3A_1814 = arith.index_cast %get3A_1813 : i32 to index
        %get3A_1815 = arith.constant 96 : index
        %get3A_1816 = tpu.vector_load %arg15[%get3A_1814, %get3A_1815] {strides = array<i32>} : memref<8x208xi32, #tpu.memory_space<vmem>>, vector<1x16xi32>,
        %get3A_1817 = vector.shape_cast %get3A_1816 : vector<1x16xi32> to vector<16xi32>
        %mul3A_1818 = arith.constant 8 : i32
        %mul3A_1819 = vector.broadcast %mul3A_1818 : i32 to vector<16xi32>
        %mul3A_1820 = arith.muli %get3A_1807, %mul3A_1819 : vector<16xi32>
        %add3A_1821 = arith.addi %mul3A_1820, %get3A_1812 : vector<16xi32>
        %mul3A_1822 = arith.constant 32 : i32
        %mul3A_1823 = vector.broadcast %mul3A_1822 : i32 to vector<16xi32>
        %mul3A_1824 = arith.muli %add3A_1821, %mul3A_1823 : vector<16xi32>
        %add3A_1825 = arith.addi %mul3A_1824, %get3A_1817 : vector<16xi32>
        %mul3A_1826 = arith.constant 32 : i32
        %mul3A_1827 = vector.broadcast %mul3A_1826 : i32 to vector<16xi32>
        %mul3A_1828 = arith.muli %add3A_1825, %mul3A_1827 : vector<16xi32>
        %add3A_1829 = arith.addi %mul3A_1828, %get3A_1792 : vector<16xi32>
        %mul3A_1830 = arith.constant 2 : i32
        %mul3A_1831 = vector.broadcast %mul3A_1830 : i32 to vector<16xi32>
        %mul3A_1832 = arith.muli %add3A_1829, %mul3A_1831 : vector<16xi32>
        %swap3A_1833 = arith.constant 2 : i32
        %swap3A_1834 = arith.index_cast %swap3A_1833 : i32 to index
        %swap3A_1835 = arith.constant 96 : index
        %swap3A_1836 = tpu.vector_load %arg15[%swap3A_1834, %swap3A_1835] {strides = array<i32>} : memref<8x208xi32, #tpu.memory_space<vmem>>, vector<1x16xi32>,
        %swap3A_1837 = vector.shape_cast %swap3A_1836 : vector<1x16xi32> to vector<16xi32>
        %swap3A_1838 = vector.shape_cast %mul3A_1832 : vector<16xi32> to vector<1x16xi32>
        tpu.vector_store %arg15[%swap3A_1834, %swap3A_1835], %swap3A_1838 {strides = array<i32>} : memref<8x208xi32, #tpu.memory_space<vmem>>, vector<1x16xi32>,
        %mul3A_1839 = arith.constant 128 : i32
        %mul3A_1840 = vector.broadcast %mul3A_1839 : i32 to vector<16xi32>
        %mul3A_1841 = arith.muli %get3A_1797, %mul3A_1840 : vector<16xi32>
        %add3A_1842 = arith.addi %mul3A_1841, %get3A_1802 : vector<16xi32>
        %mul3A_1843 = arith.constant 2 : i32
        %mul3A_1844 = vector.broadcast %mul3A_1843 : i32 to vector<16xi32>
        %mul3A_1845 = arith.muli %add3A_1842, %mul3A_1844 : vector<16xi32>
        %swap3A_1846 = arith.constant 3 : i32
        %swap3A_1847 = arith.index_cast %swap3A_1846 : i32 to index
        %swap3A_1848 = arith.constant 96 : index
        %swap3A_1849 = tpu.vector_load %arg15[%swap3A_1847, %swap3A_1848] {strides = array<i32>} : memref<8x208xi32, #tpu.memory_space<vmem>>, vector<1x16xi32>,
        %swap3A_1850 = vector.shape_cast %swap3A_1849 : vector<1x16xi32> to vector<16xi32>
        %swap3A_1851 = vector.shape_cast %mul3A_1845 : vector<16xi32> to vector<1x16xi32>
        tpu.vector_store %arg15[%swap3A_1847, %swap3A_1848], %swap3A_1851 {strides = array<i32>} : memref<8x208xi32, #tpu.memory_space<vmem>>, vector<1x16xi32>,
        %get3A_1852 = arith.constant 2 : i32
        %get3A_1853 = arith.index_cast %get3A_1852 : i32 to index
        %get3A_1854 = arith.constant 112 : index
        %get3A_1855 = tpu.vector_load %arg15[%get3A_1853, %get3A_1854] {strides = array<i32>} : memref<8x208xi32, #tpu.memory_space<vmem>>, vector<1x16xi32>,
        %get3A_1856 = vector.shape_cast %get3A_1855 : vector<1x16xi32> to vector<16xi32>
        %get3A_1857 = arith.constant 3 : i32
        %get3A_1858 = arith.index_cast %get3A_1857 : i32 to index
        %get3A_1859 = arith.constant 112 : index
        %get3A_1860 = tpu.vector_load %arg15[%get3A_1858, %get3A_1859] {strides = array<i32>} : memref<8x208xi32, #tpu.memory_space<vmem>>, vector<1x16xi32>,
        %get3A_1861 = vector.shape_cast %get3A_1860 : vector<1x16xi32> to vector<16xi32>
        %get3A_1862 = arith.constant 4 : i32
        %get3A_1863 = arith.index_cast %get3A_1862 : i32 to index
        %get3A_1864 = arith.constant 112 : index
        %get3A_1865 = tpu.vector_load %arg15[%get3A_1863, %get3A_1864] {strides = array<i32>} : memref<8x208xi32, #tpu.memory_space<vmem>>, vector<1x16xi32>,
        %get3A_1866 = vector.shape_cast %get3A_1865 : vector<1x16xi32> to vector<16xi32>
        %get3A_1867 = arith.constant 5 : i32
        %get3A_1868 = arith.index_cast %get3A_1867 : i32 to index
        %get3A_1869 = arith.constant 112 : index
        %get3A_1870 = tpu.vector_load %arg15[%get3A_1868, %get3A_1869] {strides = array<i32>} : memref<8x208xi32, #tpu.memory_space<vmem>>, vector<1x16xi32>,
        %get3A_1871 = vector.shape_cast %get3A_1870 : vector<1x16xi32> to vector<16xi32>
        %get3A_1872 = arith.constant 6 : i32
        %get3A_1873 = arith.index_cast %get3A_1872 : i32 to index
        %get3A_1874 = arith.constant 112 : index
        %get3A_1875 = tpu.vector_load %arg15[%get3A_1873, %get3A_1874] {strides = array<i32>} : memref<8x208xi32, #tpu.memory_space<vmem>>, vector<1x16xi32>,
        %get3A_1876 = vector.shape_cast %get3A_1875 : vector<1x16xi32> to vector<16xi32>
        %get3A_1877 = arith.constant 7 : i32
        %get3A_1878 = arith.index_cast %get3A_1877 : i32 to index
        %get3A_1879 = arith.constant 112 : index
        %get3A_1880 = tpu.vector_load %arg15[%get3A_1878, %get3A_1879] {strides = array<i32>} : memref<8x208xi32, #tpu.memory_space<vmem>>, vector<1x16xi32>,
        %get3A_1881 = vector.shape_cast %get3A_1880 : vector<1x16xi32> to vector<16xi32>
        %mul3A_1882 = arith.constant 8 : i32
        %mul3A_1883 = vector.broadcast %mul3A_1882 : i32 to vector<16xi32>
        %mul3A_1884 = arith.muli %get3A_1871, %mul3A_1883 : vector<16xi32>
        %add3A_1885 = arith.addi %mul3A_1884, %get3A_1876 : vector<16xi32>
        %mul3A_1886 = arith.constant 32 : i32
        %mul3A_1887 = vector.broadcast %mul3A_1886 : i32 to vector<16xi32>
        %mul3A_1888 = arith.muli %add3A_1885, %mul3A_1887 : vector<16xi32>
        %add3A_1889 = arith.addi %mul3A_1888, %get3A_1881 : vector<16xi32>
        %mul3A_1890 = arith.constant 32 : i32
        %mul3A_1891 = vector.broadcast %mul3A_1890 : i32 to vector<16xi32>
        %mul3A_1892 = arith.muli %add3A_1889, %mul3A_1891 : vector<16xi32>
        %add3A_1893 = arith.addi %mul3A_1892, %get3A_1856 : vector<16xi32>
        %mul3A_1894 = arith.constant 2 : i32
        %mul3A_1895 = vector.broadcast %mul3A_1894 : i32 to vector<16xi32>
        %mul3A_1896 = arith.muli %add3A_1893, %mul3A_1895 : vector<16xi32>
        %swap3A_1897 = arith.constant 2 : i32
        %swap3A_1898 = arith.index_cast %swap3A_1897 : i32 to index
        %swap3A_1899 = arith.constant 112 : index
        %swap3A_1900 = tpu.vector_load %arg15[%swap3A_1898, %swap3A_1899] {strides = array<i32>} : memref<8x208xi32, #tpu.memory_space<vmem>>, vector<1x16xi32>,
        %swap3A_1901 = vector.shape_cast %swap3A_1900 : vector<1x16xi32> to vector<16xi32>
        %swap3A_1902 = vector.shape_cast %mul3A_1896 : vector<16xi32> to vector<1x16xi32>
        tpu.vector_store %arg15[%swap3A_1898, %swap3A_1899], %swap3A_1902 {strides = array<i32>} : memref<8x208xi32, #tpu.memory_space<vmem>>, vector<1x16xi32>,
        %mul3A_1903 = arith.constant 128 : i32
        %mul3A_1904 = vector.broadcast %mul3A_1903 : i32 to vector<16xi32>
        %mul3A_1905 = arith.muli %get3A_1861, %mul3A_1904 : vector<16xi32>
        %add3A_1906 = arith.addi %mul3A_1905, %get3A_1866 : vector<16xi32>
        %mul3A_1907 = arith.constant 2 : i32
        %mul3A_1908 = vector.broadcast %mul3A_1907 : i32 to vector<16xi32>
        %mul3A_1909 = arith.muli %add3A_1906, %mul3A_1908 : vector<16xi32>
        %swap3A_1910 = arith.constant 3 : i32
        %swap3A_1911 = arith.index_cast %swap3A_1910 : i32 to index
        %swap3A_1912 = arith.constant 112 : index
        %swap3A_1913 = tpu.vector_load %arg15[%swap3A_1911, %swap3A_1912] {strides = array<i32>} : memref<8x208xi32, #tpu.memory_space<vmem>>, vector<1x16xi32>,
        %swap3A_1914 = vector.shape_cast %swap3A_1913 : vector<1x16xi32> to vector<16xi32>
        %swap3A_1915 = vector.shape_cast %mul3A_1909 : vector<16xi32> to vector<1x16xi32>
        tpu.vector_store %arg15[%swap3A_1911, %swap3A_1912], %swap3A_1915 {strides = array<i32>} : memref<8x208xi32, #tpu.memory_space<vmem>>, vector<1x16xi32>,
        %get3A_1916 = arith.constant 2 : i32
        %get3A_1917 = arith.index_cast %get3A_1916 : i32 to index
        %get3A_1918 = arith.constant 128 : index
        %get3A_1919 = tpu.vector_load %arg15[%get3A_1917, %get3A_1918] {strides = array<i32>} : memref<8x208xi32, #tpu.memory_space<vmem>>, vector<1x16xi32>,
        %get3A_1920 = vector.shape_cast %get3A_1919 : vector<1x16xi32> to vector<16xi32>
        %get3A_1921 = arith.constant 3 : i32
        %get3A_1922 = arith.index_cast %get3A_1921 : i32 to index
        %get3A_1923 = arith.constant 128 : index
        %get3A_1924 = tpu.vector_load %arg15[%get3A_1922, %get3A_1923] {strides = array<i32>} : memref<8x208xi32, #tpu.memory_space<vmem>>, vector<1x16xi32>,
        %get3A_1925 = vector.shape_cast %get3A_1924 : vector<1x16xi32> to vector<16xi32>
        %get3A_1926 = arith.constant 4 : i32
        %get3A_1927 = arith.index_cast %get3A_1926 : i32 to index
        %get3A_1928 = arith.constant 128 : index
        %get3A_1929 = tpu.vector_load %arg15[%get3A_1927, %get3A_1928] {strides = array<i32>} : memref<8x208xi32, #tpu.memory_space<vmem>>, vector<1x16xi32>,
        %get3A_1930 = vector.shape_cast %get3A_1929 : vector<1x16xi32> to vector<16xi32>
        %get3A_1931 = arith.constant 5 : i32
        %get3A_1932 = arith.index_cast %get3A_1931 : i32 to index
        %get3A_1933 = arith.constant 128 : index
        %get3A_1934 = tpu.vector_load %arg15[%get3A_1932, %get3A_1933] {strides = array<i32>} : memref<8x208xi32, #tpu.memory_space<vmem>>, vector<1x16xi32>,
        %get3A_1935 = vector.shape_cast %get3A_1934 : vector<1x16xi32> to vector<16xi32>
        %get3A_1936 = arith.constant 6 : i32
        %get3A_1937 = arith.index_cast %get3A_1936 : i32 to index
        %get3A_1938 = arith.constant 128 : index
        %get3A_1939 = tpu.vector_load %arg15[%get3A_1937, %get3A_1938] {strides = array<i32>} : memref<8x208xi32, #tpu.memory_space<vmem>>, vector<1x16xi32>,
        %get3A_1940 = vector.shape_cast %get3A_1939 : vector<1x16xi32> to vector<16xi32>
        %get3A_1941 = arith.constant 7 : i32
        %get3A_1942 = arith.index_cast %get3A_1941 : i32 to index
        %get3A_1943 = arith.constant 128 : index
        %get3A_1944 = tpu.vector_load %arg15[%get3A_1942, %get3A_1943] {strides = array<i32>} : memref<8x208xi32, #tpu.memory_space<vmem>>, vector<1x16xi32>,
        %get3A_1945 = vector.shape_cast %get3A_1944 : vector<1x16xi32> to vector<16xi32>
        %mul3A_1946 = arith.constant 8 : i32
        %mul3A_1947 = vector.broadcast %mul3A_1946 : i32 to vector<16xi32>
        %mul3A_1948 = arith.muli %get3A_1935, %mul3A_1947 : vector<16xi32>
        %add3A_1949 = arith.addi %mul3A_1948, %get3A_1940 : vector<16xi32>
        %mul3A_1950 = arith.constant 32 : i32
        %mul3A_1951 = vector.broadcast %mul3A_1950 : i32 to vector<16xi32>
        %mul3A_1952 = arith.muli %add3A_1949, %mul3A_1951 : vector<16xi32>
        %add3A_1953 = arith.addi %mul3A_1952, %get3A_1945 : vector<16xi32>
        %mul3A_1954 = arith.constant 32 : i32
        %mul3A_1955 = vector.broadcast %mul3A_1954 : i32 to vector<16xi32>
        %mul3A_1956 = arith.muli %add3A_1953, %mul3A_1955 : vector<16xi32>
        %add3A_1957 = arith.addi %mul3A_1956, %get3A_1920 : vector<16xi32>
        %mul3A_1958 = arith.constant 2 : i32
        %mul3A_1959 = vector.broadcast %mul3A_1958 : i32 to vector<16xi32>
        %mul3A_1960 = arith.muli %add3A_1957, %mul3A_1959 : vector<16xi32>
        %swap3A_1961 = arith.constant 2 : i32
        %swap3A_1962 = arith.index_cast %swap3A_1961 : i32 to index
        %swap3A_1963 = arith.constant 128 : index
        %swap3A_1964 = tpu.vector_load %arg15[%swap3A_1962, %swap3A_1963] {strides = array<i32>} : memref<8x208xi32, #tpu.memory_space<vmem>>, vector<1x16xi32>,
        %swap3A_1965 = vector.shape_cast %swap3A_1964 : vector<1x16xi32> to vector<16xi32>
        %swap3A_1966 = vector.shape_cast %mul3A_1960 : vector<16xi32> to vector<1x16xi32>
        tpu.vector_store %arg15[%swap3A_1962, %swap3A_1963], %swap3A_1966 {strides = array<i32>} : memref<8x208xi32, #tpu.memory_space<vmem>>, vector<1x16xi32>,
        %mul3A_1967 = arith.constant 128 : i32
        %mul3A_1968 = vector.broadcast %mul3A_1967 : i32 to vector<16xi32>
        %mul3A_1969 = arith.muli %get3A_1925, %mul3A_1968 : vector<16xi32>
        %add3A_1970 = arith.addi %mul3A_1969, %get3A_1930 : vector<16xi32>
        %mul3A_1971 = arith.constant 2 : i32
        %mul3A_1972 = vector.broadcast %mul3A_1971 : i32 to vector<16xi32>
        %mul3A_1973 = arith.muli %add3A_1970, %mul3A_1972 : vector<16xi32>
        %swap3A_1974 = arith.constant 3 : i32
        %swap3A_1975 = arith.index_cast %swap3A_1974 : i32 to index
        %swap3A_1976 = arith.constant 128 : index
        %swap3A_1977 = tpu.vector_load %arg15[%swap3A_1975, %swap3A_1976] {strides = array<i32>} : memref<8x208xi32, #tpu.memory_space<vmem>>, vector<1x16xi32>,
        %swap3A_1978 = vector.shape_cast %swap3A_1977 : vector<1x16xi32> to vector<16xi32>
        %swap3A_1979 = vector.shape_cast %mul3A_1973 : vector<16xi32> to vector<1x16xi32>
        tpu.vector_store %arg15[%swap3A_1975, %swap3A_1976], %swap3A_1979 {strides = array<i32>} : memref<8x208xi32, #tpu.memory_space<vmem>>, vector<1x16xi32>,
        %get3A_1980 = arith.constant 2 : i32
        %get3A_1981 = arith.index_cast %get3A_1980 : i32 to index
        %get3A_1982 = arith.constant 144 : index
        %get3A_1983 = tpu.vector_load %arg15[%get3A_1981, %get3A_1982] {strides = array<i32>} : memref<8x208xi32, #tpu.memory_space<vmem>>, vector<1x16xi32>,
        %get3A_1984 = vector.shape_cast %get3A_1983 : vector<1x16xi32> to vector<16xi32>
        %get3A_1985 = arith.constant 3 : i32
        %get3A_1986 = arith.index_cast %get3A_1985 : i32 to index
        %get3A_1987 = arith.constant 144 : index
        %get3A_1988 = tpu.vector_load %arg15[%get3A_1986, %get3A_1987] {strides = array<i32>} : memref<8x208xi32, #tpu.memory_space<vmem>>, vector<1x16xi32>,
        %get3A_1989 = vector.shape_cast %get3A_1988 : vector<1x16xi32> to vector<16xi32>
        %get3A_1990 = arith.constant 4 : i32
        %get3A_1991 = arith.index_cast %get3A_1990 : i32 to index
        %get3A_1992 = arith.constant 144 : index
        %get3A_1993 = tpu.vector_load %arg15[%get3A_1991, %get3A_1992] {strides = array<i32>} : memref<8x208xi32, #tpu.memory_space<vmem>>, vector<1x16xi32>,
        %get3A_1994 = vector.shape_cast %get3A_1993 : vector<1x16xi32> to vector<16xi32>
        %get3A_1995 = arith.constant 5 : i32
        %get3A_1996 = arith.index_cast %get3A_1995 : i32 to index
        %get3A_1997 = arith.constant 144 : index
        %get3A_1998 = tpu.vector_load %arg15[%get3A_1996, %get3A_1997] {strides = array<i32>} : memref<8x208xi32, #tpu.memory_space<vmem>>, vector<1x16xi32>,
        %get3A_1999 = vector.shape_cast %get3A_1998 : vector<1x16xi32> to vector<16xi32>
        %get3A_2000 = arith.constant 6 : i32
        %get3A_2001 = arith.index_cast %get3A_2000 : i32 to index
        %get3A_2002 = arith.constant 144 : index
        %get3A_2003 = tpu.vector_load %arg15[%get3A_2001, %get3A_2002] {strides = array<i32>} : memref<8x208xi32, #tpu.memory_space<vmem>>, vector<1x16xi32>,
        %get3A_2004 = vector.shape_cast %get3A_2003 : vector<1x16xi32> to vector<16xi32>
        %get3A_2005 = arith.constant 7 : i32
        %get3A_2006 = arith.index_cast %get3A_2005 : i32 to index
        %get3A_2007 = arith.constant 144 : index
        %get3A_2008 = tpu.vector_load %arg15[%get3A_2006, %get3A_2007] {strides = array<i32>} : memref<8x208xi32, #tpu.memory_space<vmem>>, vector<1x16xi32>,
        %get3A_2009 = vector.shape_cast %get3A_2008 : vector<1x16xi32> to vector<16xi32>
        %mul3A_2010 = arith.constant 8 : i32
        %mul3A_2011 = vector.broadcast %mul3A_2010 : i32 to vector<16xi32>
        %mul3A_2012 = arith.muli %get3A_1999, %mul3A_2011 : vector<16xi32>
        %add3A_2013 = arith.addi %mul3A_2012, %get3A_2004 : vector<16xi32>
        %mul3A_2014 = arith.constant 32 : i32
        %mul3A_2015 = vector.broadcast %mul3A_2014 : i32 to vector<16xi32>
        %mul3A_2016 = arith.muli %add3A_2013, %mul3A_2015 : vector<16xi32>
        %add3A_2017 = arith.addi %mul3A_2016, %get3A_2009 : vector<16xi32>
        %mul3A_2018 = arith.constant 32 : i32
        %mul3A_2019 = vector.broadcast %mul3A_2018 : i32 to vector<16xi32>
        %mul3A_2020 = arith.muli %add3A_2017, %mul3A_2019 : vector<16xi32>
        %add3A_2021 = arith.addi %mul3A_2020, %get3A_1984 : vector<16xi32>
        %mul3A_2022 = arith.constant 2 : i32
        %mul3A_2023 = vector.broadcast %mul3A_2022 : i32 to vector<16xi32>
        %mul3A_2024 = arith.muli %add3A_2021, %mul3A_2023 : vector<16xi32>
        %swap3A_2025 = arith.constant 2 : i32
        %swap3A_2026 = arith.index_cast %swap3A_2025 : i32 to index
        %swap3A_2027 = arith.constant 144 : index
        %swap3A_2028 = tpu.vector_load %arg15[%swap3A_2026, %swap3A_2027] {strides = array<i32>} : memref<8x208xi32, #tpu.memory_space<vmem>>, vector<1x16xi32>,
        %swap3A_2029 = vector.shape_cast %swap3A_2028 : vector<1x16xi32> to vector<16xi32>
        %swap3A_2030 = vector.shape_cast %mul3A_2024 : vector<16xi32> to vector<1x16xi32>
        tpu.vector_store %arg15[%swap3A_2026, %swap3A_2027], %swap3A_2030 {strides = array<i32>} : memref<8x208xi32, #tpu.memory_space<vmem>>, vector<1x16xi32>,
        %mul3A_2031 = arith.constant 128 : i32
        %mul3A_2032 = vector.broadcast %mul3A_2031 : i32 to vector<16xi32>
        %mul3A_2033 = arith.muli %get3A_1989, %mul3A_2032 : vector<16xi32>
        %add3A_2034 = arith.addi %mul3A_2033, %get3A_1994 : vector<16xi32>
        %mul3A_2035 = arith.constant 2 : i32
        %mul3A_2036 = vector.broadcast %mul3A_2035 : i32 to vector<16xi32>
        %mul3A_2037 = arith.muli %add3A_2034, %mul3A_2036 : vector<16xi32>
        %swap3A_2038 = arith.constant 3 : i32
        %swap3A_2039 = arith.index_cast %swap3A_2038 : i32 to index
        %swap3A_2040 = arith.constant 144 : index
        %swap3A_2041 = tpu.vector_load %arg15[%swap3A_2039, %swap3A_2040] {strides = array<i32>} : memref<8x208xi32, #tpu.memory_space<vmem>>, vector<1x16xi32>,
        %swap3A_2042 = vector.shape_cast %swap3A_2041 : vector<1x16xi32> to vector<16xi32>
        %swap3A_2043 = vector.shape_cast %mul3A_2037 : vector<16xi32> to vector<1x16xi32>
        tpu.vector_store %arg15[%swap3A_2039, %swap3A_2040], %swap3A_2043 {strides = array<i32>} : memref<8x208xi32, #tpu.memory_space<vmem>>, vector<1x16xi32>,
        %get3A_2044 = arith.constant 2 : i32
        %get3A_2045 = arith.index_cast %get3A_2044 : i32 to index
        %get3A_2046 = arith.constant 160 : index
        %get3A_2047 = tpu.vector_load %arg15[%get3A_2045, %get3A_2046] {strides = array<i32>} : memref<8x208xi32, #tpu.memory_space<vmem>>, vector<1x16xi32>,
        %get3A_2048 = vector.shape_cast %get3A_2047 : vector<1x16xi32> to vector<16xi32>
        %get3A_2049 = arith.constant 3 : i32
        %get3A_2050 = arith.index_cast %get3A_2049 : i32 to index
        %get3A_2051 = arith.constant 160 : index
        %get3A_2052 = tpu.vector_load %arg15[%get3A_2050, %get3A_2051] {strides = array<i32>} : memref<8x208xi32, #tpu.memory_space<vmem>>, vector<1x16xi32>,
        %get3A_2053 = vector.shape_cast %get3A_2052 : vector<1x16xi32> to vector<16xi32>
        %get3A_2054 = arith.constant 4 : i32
        %get3A_2055 = arith.index_cast %get3A_2054 : i32 to index
        %get3A_2056 = arith.constant 160 : index
        %get3A_2057 = tpu.vector_load %arg15[%get3A_2055, %get3A_2056] {strides = array<i32>} : memref<8x208xi32, #tpu.memory_space<vmem>>, vector<1x16xi32>,
        %get3A_2058 = vector.shape_cast %get3A_2057 : vector<1x16xi32> to vector<16xi32>
        %get3A_2059 = arith.constant 5 : i32
        %get3A_2060 = arith.index_cast %get3A_2059 : i32 to index
        %get3A_2061 = arith.constant 160 : index
        %get3A_2062 = tpu.vector_load %arg15[%get3A_2060, %get3A_2061] {strides = array<i32>} : memref<8x208xi32, #tpu.memory_space<vmem>>, vector<1x16xi32>,
        %get3A_2063 = vector.shape_cast %get3A_2062 : vector<1x16xi32> to vector<16xi32>
        %get3A_2064 = arith.constant 6 : i32
        %get3A_2065 = arith.index_cast %get3A_2064 : i32 to index
        %get3A_2066 = arith.constant 160 : index
        %get3A_2067 = tpu.vector_load %arg15[%get3A_2065, %get3A_2066] {strides = array<i32>} : memref<8x208xi32, #tpu.memory_space<vmem>>, vector<1x16xi32>,
        %get3A_2068 = vector.shape_cast %get3A_2067 : vector<1x16xi32> to vector<16xi32>
        %get3A_2069 = arith.constant 7 : i32
        %get3A_2070 = arith.index_cast %get3A_2069 : i32 to index
        %get3A_2071 = arith.constant 160 : index
        %get3A_2072 = tpu.vector_load %arg15[%get3A_2070, %get3A_2071] {strides = array<i32>} : memref<8x208xi32, #tpu.memory_space<vmem>>, vector<1x16xi32>,
        %get3A_2073 = vector.shape_cast %get3A_2072 : vector<1x16xi32> to vector<16xi32>
        %mul3A_2074 = arith.constant 8 : i32
        %mul3A_2075 = vector.broadcast %mul3A_2074 : i32 to vector<16xi32>
        %mul3A_2076 = arith.muli %get3A_2063, %mul3A_2075 : vector<16xi32>
        %add3A_2077 = arith.addi %mul3A_2076, %get3A_2068 : vector<16xi32>
        %mul3A_2078 = arith.constant 32 : i32
        %mul3A_2079 = vector.broadcast %mul3A_2078 : i32 to vector<16xi32>
        %mul3A_2080 = arith.muli %add3A_2077, %mul3A_2079 : vector<16xi32>
        %add3A_2081 = arith.addi %mul3A_2080, %get3A_2073 : vector<16xi32>
        %mul3A_2082 = arith.constant 32 : i32
        %mul3A_2083 = vector.broadcast %mul3A_2082 : i32 to vector<16xi32>
        %mul3A_2084 = arith.muli %add3A_2081, %mul3A_2083 : vector<16xi32>
        %add3A_2085 = arith.addi %mul3A_2084, %get3A_2048 : vector<16xi32>
        %mul3A_2086 = arith.constant 2 : i32
        %mul3A_2087 = vector.broadcast %mul3A_2086 : i32 to vector<16xi32>
        %mul3A_2088 = arith.muli %add3A_2085, %mul3A_2087 : vector<16xi32>
        %swap3A_2089 = arith.constant 2 : i32
        %swap3A_2090 = arith.index_cast %swap3A_2089 : i32 to index
        %swap3A_2091 = arith.constant 160 : index
        %swap3A_2092 = tpu.vector_load %arg15[%swap3A_2090, %swap3A_2091] {strides = array<i32>} : memref<8x208xi32, #tpu.memory_space<vmem>>, vector<1x16xi32>,
        %swap3A_2093 = vector.shape_cast %swap3A_2092 : vector<1x16xi32> to vector<16xi32>
        %swap3A_2094 = vector.shape_cast %mul3A_2088 : vector<16xi32> to vector<1x16xi32>
        tpu.vector_store %arg15[%swap3A_2090, %swap3A_2091], %swap3A_2094 {strides = array<i32>} : memref<8x208xi32, #tpu.memory_space<vmem>>, vector<1x16xi32>,
        %mul3A_2095 = arith.constant 128 : i32
        %mul3A_2096 = vector.broadcast %mul3A_2095 : i32 to vector<16xi32>
        %mul3A_2097 = arith.muli %get3A_2053, %mul3A_2096 : vector<16xi32>
        %add3A_2098 = arith.addi %mul3A_2097, %get3A_2058 : vector<16xi32>
        %mul3A_2099 = arith.constant 2 : i32
        %mul3A_2100 = vector.broadcast %mul3A_2099 : i32 to vector<16xi32>
        %mul3A_2101 = arith.muli %add3A_2098, %mul3A_2100 : vector<16xi32>
        %swap3A_2102 = arith.constant 3 : i32
        %swap3A_2103 = arith.index_cast %swap3A_2102 : i32 to index
        %swap3A_2104 = arith.constant 160 : index
        %swap3A_2105 = tpu.vector_load %arg15[%swap3A_2103, %swap3A_2104] {strides = array<i32>} : memref<8x208xi32, #tpu.memory_space<vmem>>, vector<1x16xi32>,
        %swap3A_2106 = vector.shape_cast %swap3A_2105 : vector<1x16xi32> to vector<16xi32>
        %swap3A_2107 = vector.shape_cast %mul3A_2101 : vector<16xi32> to vector<1x16xi32>
        tpu.vector_store %arg15[%swap3A_2103, %swap3A_2104], %swap3A_2107 {strides = array<i32>} : memref<8x208xi32, #tpu.memory_space<vmem>>, vector<1x16xi32>,
        %get3A_2108 = arith.constant 2 : i32
        %get3A_2109 = arith.index_cast %get3A_2108 : i32 to index
        %get3A_2110 = arith.constant 176 : index
        %get3A_2111 = tpu.vector_load %arg15[%get3A_2109, %get3A_2110] {strides = array<i32>} : memref<8x208xi32, #tpu.memory_space<vmem>>, vector<1x16xi32>,
        %get3A_2112 = vector.shape_cast %get3A_2111 : vector<1x16xi32> to vector<16xi32>
        %get3A_2113 = arith.constant 3 : i32
        %get3A_2114 = arith.index_cast %get3A_2113 : i32 to index
        %get3A_2115 = arith.constant 176 : index
        %get3A_2116 = tpu.vector_load %arg15[%get3A_2114, %get3A_2115] {strides = array<i32>} : memref<8x208xi32, #tpu.memory_space<vmem>>, vector<1x16xi32>,
        %get3A_2117 = vector.shape_cast %get3A_2116 : vector<1x16xi32> to vector<16xi32>
        %get3A_2118 = arith.constant 4 : i32
        %get3A_2119 = arith.index_cast %get3A_2118 : i32 to index
        %get3A_2120 = arith.constant 176 : index
        %get3A_2121 = tpu.vector_load %arg15[%get3A_2119, %get3A_2120] {strides = array<i32>} : memref<8x208xi32, #tpu.memory_space<vmem>>, vector<1x16xi32>,
        %get3A_2122 = vector.shape_cast %get3A_2121 : vector<1x16xi32> to vector<16xi32>
        %get3A_2123 = arith.constant 5 : i32
        %get3A_2124 = arith.index_cast %get3A_2123 : i32 to index
        %get3A_2125 = arith.constant 176 : index
        %get3A_2126 = tpu.vector_load %arg15[%get3A_2124, %get3A_2125] {strides = array<i32>} : memref<8x208xi32, #tpu.memory_space<vmem>>, vector<1x16xi32>,
        %get3A_2127 = vector.shape_cast %get3A_2126 : vector<1x16xi32> to vector<16xi32>
        %get3A_2128 = arith.constant 6 : i32
        %get3A_2129 = arith.index_cast %get3A_2128 : i32 to index
        %get3A_2130 = arith.constant 176 : index
        %get3A_2131 = tpu.vector_load %arg15[%get3A_2129, %get3A_2130] {strides = array<i32>} : memref<8x208xi32, #tpu.memory_space<vmem>>, vector<1x16xi32>,
        %get3A_2132 = vector.shape_cast %get3A_2131 : vector<1x16xi32> to vector<16xi32>
        %get3A_2133 = arith.constant 7 : i32
        %get3A_2134 = arith.index_cast %get3A_2133 : i32 to index
        %get3A_2135 = arith.constant 176 : index
        %get3A_2136 = tpu.vector_load %arg15[%get3A_2134, %get3A_2135] {strides = array<i32>} : memref<8x208xi32, #tpu.memory_space<vmem>>, vector<1x16xi32>,
        %get3A_2137 = vector.shape_cast %get3A_2136 : vector<1x16xi32> to vector<16xi32>
        %mul3A_2138 = arith.constant 8 : i32
        %mul3A_2139 = vector.broadcast %mul3A_2138 : i32 to vector<16xi32>
        %mul3A_2140 = arith.muli %get3A_2127, %mul3A_2139 : vector<16xi32>
        %add3A_2141 = arith.addi %mul3A_2140, %get3A_2132 : vector<16xi32>
        %mul3A_2142 = arith.constant 32 : i32
        %mul3A_2143 = vector.broadcast %mul3A_2142 : i32 to vector<16xi32>
        %mul3A_2144 = arith.muli %add3A_2141, %mul3A_2143 : vector<16xi32>
        %add3A_2145 = arith.addi %mul3A_2144, %get3A_2137 : vector<16xi32>
        %mul3A_2146 = arith.constant 32 : i32
        %mul3A_2147 = vector.broadcast %mul3A_2146 : i32 to vector<16xi32>
        %mul3A_2148 = arith.muli %add3A_2145, %mul3A_2147 : vector<16xi32>
        %add3A_2149 = arith.addi %mul3A_2148, %get3A_2112 : vector<16xi32>
        %mul3A_2150 = arith.constant 2 : i32
        %mul3A_2151 = vector.broadcast %mul3A_2150 : i32 to vector<16xi32>
        %mul3A_2152 = arith.muli %add3A_2149, %mul3A_2151 : vector<16xi32>
        %swap3A_2153 = arith.constant 2 : i32
        %swap3A_2154 = arith.index_cast %swap3A_2153 : i32 to index
        %swap3A_2155 = arith.constant 176 : index
        %swap3A_2156 = tpu.vector_load %arg15[%swap3A_2154, %swap3A_2155] {strides = array<i32>} : memref<8x208xi32, #tpu.memory_space<vmem>>, vector<1x16xi32>,
        %swap3A_2157 = vector.shape_cast %swap3A_2156 : vector<1x16xi32> to vector<16xi32>
        %swap3A_2158 = vector.shape_cast %mul3A_2152 : vector<16xi32> to vector<1x16xi32>
        tpu.vector_store %arg15[%swap3A_2154, %swap3A_2155], %swap3A_2158 {strides = array<i32>} : memref<8x208xi32, #tpu.memory_space<vmem>>, vector<1x16xi32>,
        %mul3A_2159 = arith.constant 128 : i32
        %mul3A_2160 = vector.broadcast %mul3A_2159 : i32 to vector<16xi32>
        %mul3A_2161 = arith.muli %get3A_2117, %mul3A_2160 : vector<16xi32>
        %add3A_2162 = arith.addi %mul3A_2161, %get3A_2122 : vector<16xi32>
        %mul3A_2163 = arith.constant 2 : i32
        %mul3A_2164 = vector.broadcast %mul3A_2163 : i32 to vector<16xi32>
        %mul3A_2165 = arith.muli %add3A_2162, %mul3A_2164 : vector<16xi32>
        %swap3A_2166 = arith.constant 3 : i32
        %swap3A_2167 = arith.index_cast %swap3A_2166 : i32 to index
        %swap3A_2168 = arith.constant 176 : index
        %swap3A_2169 = tpu.vector_load %arg15[%swap3A_2167, %swap3A_2168] {strides = array<i32>} : memref<8x208xi32, #tpu.memory_space<vmem>>, vector<1x16xi32>,
        %swap3A_2170 = vector.shape_cast %swap3A_2169 : vector<1x16xi32> to vector<16xi32>
        %swap3A_2171 = vector.shape_cast %mul3A_2165 : vector<16xi32> to vector<1x16xi32>
        tpu.vector_store %arg15[%swap3A_2167, %swap3A_2168], %swap3A_2171 {strides = array<i32>} : memref<8x208xi32, #tpu.memory_space<vmem>>, vector<1x16xi32>,
        %get3A_2172 = arith.constant 2 : i32
        %get3A_2173 = arith.index_cast %get3A_2172 : i32 to index
        %get3A_2174 = arith.constant 192 : index
        %get3A_2175 = tpu.vector_load %arg15[%get3A_2173, %get3A_2174] {strides = array<i32>} : memref<8x208xi32, #tpu.memory_space<vmem>>, vector<1x16xi32>,
        %get3A_2176 = vector.shape_cast %get3A_2175 : vector<1x16xi32> to vector<16xi32>
        %get3A_2177 = arith.constant 3 : i32
        %get3A_2178 = arith.index_cast %get3A_2177 : i32 to index
        %get3A_2179 = arith.constant 192 : index
        %get3A_2180 = tpu.vector_load %arg15[%get3A_2178, %get3A_2179] {strides = array<i32>} : memref<8x208xi32, #tpu.memory_space<vmem>>, vector<1x16xi32>,
        %get3A_2181 = vector.shape_cast %get3A_2180 : vector<1x16xi32> to vector<16xi32>
        %get3A_2182 = arith.constant 4 : i32
        %get3A_2183 = arith.index_cast %get3A_2182 : i32 to index
        %get3A_2184 = arith.constant 192 : index
        %get3A_2185 = tpu.vector_load %arg15[%get3A_2183, %get3A_2184] {strides = array<i32>} : memref<8x208xi32, #tpu.memory_space<vmem>>, vector<1x16xi32>,
        %get3A_2186 = vector.shape_cast %get3A_2185 : vector<1x16xi32> to vector<16xi32>
        %get3A_2187 = arith.constant 5 : i32
        %get3A_2188 = arith.index_cast %get3A_2187 : i32 to index
        %get3A_2189 = arith.constant 192 : index
        %get3A_2190 = tpu.vector_load %arg15[%get3A_2188, %get3A_2189] {strides = array<i32>} : memref<8x208xi32, #tpu.memory_space<vmem>>, vector<1x16xi32>,
        %get3A_2191 = vector.shape_cast %get3A_2190 : vector<1x16xi32> to vector<16xi32>
        %get3A_2192 = arith.constant 6 : i32
        %get3A_2193 = arith.index_cast %get3A_2192 : i32 to index
        %get3A_2194 = arith.constant 192 : index
        %get3A_2195 = tpu.vector_load %arg15[%get3A_2193, %get3A_2194] {strides = array<i32>} : memref<8x208xi32, #tpu.memory_space<vmem>>, vector<1x16xi32>,
        %get3A_2196 = vector.shape_cast %get3A_2195 : vector<1x16xi32> to vector<16xi32>
        %get3A_2197 = arith.constant 7 : i32
        %get3A_2198 = arith.index_cast %get3A_2197 : i32 to index
        %get3A_2199 = arith.constant 192 : index
        %get3A_2200 = tpu.vector_load %arg15[%get3A_2198, %get3A_2199] {strides = array<i32>} : memref<8x208xi32, #tpu.memory_space<vmem>>, vector<1x16xi32>,
        %get3A_2201 = vector.shape_cast %get3A_2200 : vector<1x16xi32> to vector<16xi32>
        %mul3A_2202 = arith.constant 8 : i32
        %mul3A_2203 = vector.broadcast %mul3A_2202 : i32 to vector<16xi32>
        %mul3A_2204 = arith.muli %get3A_2191, %mul3A_2203 : vector<16xi32>
        %add3A_2205 = arith.addi %mul3A_2204, %get3A_2196 : vector<16xi32>
        %mul3A_2206 = arith.constant 32 : i32
        %mul3A_2207 = vector.broadcast %mul3A_2206 : i32 to vector<16xi32>
        %mul3A_2208 = arith.muli %add3A_2205, %mul3A_2207 : vector<16xi32>
        %add3A_2209 = arith.addi %mul3A_2208, %get3A_2201 : vector<16xi32>
        %mul3A_2210 = arith.constant 32 : i32
        %mul3A_2211 = vector.broadcast %mul3A_2210 : i32 to vector<16xi32>
        %mul3A_2212 = arith.muli %add3A_2209, %mul3A_2211 : vector<16xi32>
        %add3A_2213 = arith.addi %mul3A_2212, %get3A_2176 : vector<16xi32>
        %mul3A_2214 = arith.constant 2 : i32
        %mul3A_2215 = vector.broadcast %mul3A_2214 : i32 to vector<16xi32>
        %mul3A_2216 = arith.muli %add3A_2213, %mul3A_2215 : vector<16xi32>
        %swap3A_2217 = arith.constant 2 : i32
        %swap3A_2218 = arith.index_cast %swap3A_2217 : i32 to index
        %swap3A_2219 = arith.constant 192 : index
        %swap3A_2220 = tpu.vector_load %arg15[%swap3A_2218, %swap3A_2219] {strides = array<i32>} : memref<8x208xi32, #tpu.memory_space<vmem>>, vector<1x16xi32>,
        %swap3A_2221 = vector.shape_cast %swap3A_2220 : vector<1x16xi32> to vector<16xi32>
        %swap3A_2222 = vector.shape_cast %mul3A_2216 : vector<16xi32> to vector<1x16xi32>
        tpu.vector_store %arg15[%swap3A_2218, %swap3A_2219], %swap3A_2222 {strides = array<i32>} : memref<8x208xi32, #tpu.memory_space<vmem>>, vector<1x16xi32>,
        %mul3A_2223 = arith.constant 128 : i32
        %mul3A_2224 = vector.broadcast %mul3A_2223 : i32 to vector<16xi32>
        %mul3A_2225 = arith.muli %get3A_2181, %mul3A_2224 : vector<16xi32>
        %add3A_2226 = arith.addi %mul3A_2225, %get3A_2186 : vector<16xi32>
        %mul3A_2227 = arith.constant 2 : i32
        %mul3A_2228 = vector.broadcast %mul3A_2227 : i32 to vector<16xi32>
        %mul3A_2229 = arith.muli %add3A_2226, %mul3A_2228 : vector<16xi32>
        %swap3A_2230 = arith.constant 3 : i32
        %swap3A_2231 = arith.index_cast %swap3A_2230 : i32 to index
        %swap3A_2232 = arith.constant 192 : index
        %swap3A_2233 = tpu.vector_load %arg15[%swap3A_2231, %swap3A_2232] {strides = array<i32>} : memref<8x208xi32, #tpu.memory_space<vmem>>, vector<1x16xi32>,
        %swap3A_2234 = vector.shape_cast %swap3A_2233 : vector<1x16xi32> to vector<16xi32>
        %swap3A_2235 = vector.shape_cast %mul3A_2229 : vector<16xi32> to vector<1x16xi32>
        tpu.vector_store %arg15[%swap3A_2231, %swap3A_2232], %swap3A_2235 {strides = array<i32>} : memref<8x208xi32, #tpu.memory_space<vmem>>, vector<1x16xi32>,
        %dma_start3A_2236 = arith.constant 0 : i32
        %dma_start3A_2237 = arith.constant 0 : i32
        %dma_start3A_2238 = tpu.memref_slice %arg15[%dma_start3A_2236, %dma_start3A_2237] : memref<8x208xi32, #tpu.memory_space<vmem>> -> memref<1x200xi32, #tpu.memory_space<vmem>>
        %dma_start3A_2239 = tpu.memref_squeeze %dma_start3A_2238 : memref<1x200xi32, #tpu.memory_space<vmem>> -> memref<200xi32, #tpu.memory_space<vmem>>
        %dma_start3A_2240 = arith.constant 0 : i32
        %dma_start3A_2241 = arith.constant 0 : i32
        %dma_start3A_2242 = tpu.memref_slice %arg10[%dma_start3A_2240, %dma_start3A_2241] : memref<1000000x64xf32, #tpu.memory_space<hbm>> -> memref<1000000x64xf32, #tpu.memory_space<hbm>>
        tpu.enqueue_indirect_dma source(%dma_start3A_2242 : memref<1000000x64xf32, #tpu.memory_space<hbm>>) target(%arg23 : memref<200x64xf32, #tpu.memory_space<vmem>>) offsets(%dma_start3A_2239 : memref<200xi32, #tpu.memory_space<vmem>>) semaphore(%arg27 : memref<!tpu.dma_semaphore, #tpu.memory_space<semaphore_mem>>)
        %dma_start3A_2243 = arith.constant 1 : i32
        %dma_start3A_2244 = arith.constant 0 : i32
        %dma_start3A_2245 = tpu.memref_slice %arg15[%dma_start3A_2243, %dma_start3A_2244] : memref<8x208xi32, #tpu.memory_space<vmem>> -> memref<1x200xi32, #tpu.memory_space<vmem>>
        %dma_start3A_2246 = tpu.memref_squeeze %dma_start3A_2245 : memref<1x200xi32, #tpu.memory_space<vmem>> -> memref<200xi32, #tpu.memory_space<vmem>>
        %dma_start3A_2247 = arith.constant 0 : i32
        %dma_start3A_2248 = arith.constant 0 : i32
        %dma_start3A_2249 = tpu.memref_slice %arg11[%dma_start3A_2247, %dma_start3A_2248] : memref<512x64xf32, #tpu.memory_space<hbm>> -> memref<512x64xf32, #tpu.memory_space<hbm>>
        tpu.enqueue_indirect_dma source(%dma_start3A_2249 : memref<512x64xf32, #tpu.memory_space<hbm>>) target(%arg17 : memref<200x64xf32, #tpu.memory_space<vmem>>) offsets(%dma_start3A_2246 : memref<200xi32, #tpu.memory_space<vmem>>) semaphore(%arg27 : memref<!tpu.dma_semaphore, #tpu.memory_space<semaphore_mem>>)
        %dma_start3A_2250 = arith.constant 2 : i32
        %dma_start3A_2251 = arith.constant 0 : i32
        %dma_start3A_2252 = tpu.memref_slice %arg15[%dma_start3A_2250, %dma_start3A_2251] : memref<8x208xi32, #tpu.memory_space<vmem>> -> memref<1x200xi32, #tpu.memory_space<vmem>>
        %dma_start3A_2253 = tpu.memref_squeeze %dma_start3A_2252 : memref<1x200xi32, #tpu.memory_space<vmem>> -> memref<200xi32, #tpu.memory_space<vmem>>
        %dma_start3A_2254 = arith.constant 0 : i32
        %dma_start3A_2255 = arith.constant 0 : i32
        %dma_start3A_2256 = tpu.memref_slice %arg12[%dma_start3A_2254, %dma_start3A_2255] : memref<65536x64xf32, #tpu.memory_space<hbm>> -> memref<65536x64xf32, #tpu.memory_space<hbm>>
        tpu.enqueue_indirect_dma source(%dma_start3A_2256 : memref<65536x64xf32, #tpu.memory_space<hbm>>) target(%arg18 : memref<200x64xf32, #tpu.memory_space<vmem>>) offsets(%dma_start3A_2253 : memref<200xi32, #tpu.memory_space<vmem>>) semaphore(%arg27 : memref<!tpu.dma_semaphore, #tpu.memory_space<semaphore_mem>>)
        %dma_start3A_2257 = arith.constant 3 : i32
        %dma_start3A_2258 = arith.constant 0 : i32
        %dma_start3A_2259 = tpu.memref_slice %arg15[%dma_start3A_2257, %dma_start3A_2258] : memref<8x208xi32, #tpu.memory_space<vmem>> -> memref<1x200xi32, #tpu.memory_space<vmem>>
        %dma_start3A_2260 = tpu.memref_squeeze %dma_start3A_2259 : memref<1x200xi32, #tpu.memory_space<vmem>> -> memref<200xi32, #tpu.memory_space<vmem>>
        %dma_start3A_2261 = arith.constant 0 : i32
        %dma_start3A_2262 = arith.constant 0 : i32
        %dma_start3A_2263 = tpu.memref_slice %arg13[%dma_start3A_2261, %dma_start3A_2262] : memref<32768x64xf32, #tpu.memory_space<hbm>> -> memref<32768x64xf32, #tpu.memory_space<hbm>>
        tpu.enqueue_indirect_dma source(%dma_start3A_2263 : memref<32768x64xf32, #tpu.memory_space<hbm>>) target(%arg19 : memref<200x64xf32, #tpu.memory_space<vmem>>) offsets(%dma_start3A_2260 : memref<200xi32, #tpu.memory_space<vmem>>) semaphore(%arg27 : memref<!tpu.dma_semaphore, #tpu.memory_space<semaphore_mem>>)
      } else {
      }
      %dma_wait3A_1259 = arith.constant 0 : i32
      %dma_wait3A_1260 = arith.constant 0 : i32
      %dma_wait3A_1261 = tpu.memref_slice %arg16[%dma_wait3A_1259, %dma_wait3A_1260] : memref<8x208xi32, #tpu.memory_space<vmem>> -> memref<1x200xi32, #tpu.memory_space<vmem>>
      %dma_wait3A_1262 = tpu.memref_squeeze %dma_wait3A_1261 : memref<1x200xi32, #tpu.memory_space<vmem>> -> memref<200xi32, #tpu.memory_space<vmem>>
      %dma_wait3A_1263 = arith.constant 0 : i32
      %dma_wait3A_1264 = arith.constant 0 : i32
      %dma_wait3A_1265 = tpu.memref_slice %arg10[%dma_wait3A_1263, %dma_wait3A_1264] : memref<1000000x64xf32, #tpu.memory_space<hbm>> -> memref<1000000x64xf32, #tpu.memory_space<hbm>>
      tpu.wait_indirect_dma semaphore(%arg28 : memref<!tpu.dma_semaphore, #tpu.memory_space<semaphore_mem>>) src(%dma_wait3A_1265 : memref<1000000x64xf32, #tpu.memory_space<hbm>>) dst(%arg24 : memref<200x64xf32, #tpu.memory_space<vmem>>)
      %dma_wait3A_1266 = arith.constant 1 : i32
      %dma_wait3A_1267 = arith.constant 0 : i32
      %dma_wait3A_1268 = tpu.memref_slice %arg16[%dma_wait3A_1266, %dma_wait3A_1267] : memref<8x208xi32, #tpu.memory_space<vmem>> -> memref<1x200xi32, #tpu.memory_space<vmem>>
      %dma_wait3A_1269 = tpu.memref_squeeze %dma_wait3A_1268 : memref<1x200xi32, #tpu.memory_space<vmem>> -> memref<200xi32, #tpu.memory_space<vmem>>
      %dma_wait3A_1270 = arith.constant 0 : i32
      %dma_wait3A_1271 = arith.constant 0 : i32
      %dma_wait3A_1272 = tpu.memref_slice %arg11[%dma_wait3A_1270, %dma_wait3A_1271] : memref<512x64xf32, #tpu.memory_space<hbm>> -> memref<512x64xf32, #tpu.memory_space<hbm>>
      tpu.wait_indirect_dma semaphore(%arg28 : memref<!tpu.dma_semaphore, #tpu.memory_space<semaphore_mem>>) src(%dma_wait3A_1272 : memref<512x64xf32, #tpu.memory_space<hbm>>) dst(%arg20 : memref<200x64xf32, #tpu.memory_space<vmem>>)
      %dma_wait3A_1273 = arith.constant 2 : i32
      %dma_wait3A_1274 = arith.constant 0 : i32
      %dma_wait3A_1275 = tpu.memref_slice %arg16[%dma_wait3A_1273, %dma_wait3A_1274] : memref<8x208xi32, #tpu.memory_space<vmem>> -> memref<1x200xi32, #tpu.memory_space<vmem>>
      %dma_wait3A_1276 = tpu.memref_squeeze %dma_wait3A_1275 : memref<1x200xi32, #tpu.memory_space<vmem>> -> memref<200xi32, #tpu.memory_space<vmem>>
      %dma_wait3A_1277 = arith.constant 0 : i32
      %dma_wait3A_1278 = arith.constant 0 : i32
      %dma_wait3A_1279 = tpu.memref_slice %arg12[%dma_wait3A_1277, %dma_wait3A_1278] : memref<65536x64xf32, #tpu.memory_space<hbm>> -> memref<65536x64xf32, #tpu.memory_space<hbm>>
      tpu.wait_indirect_dma semaphore(%arg28 : memref<!tpu.dma_semaphore, #tpu.memory_space<semaphore_mem>>) src(%dma_wait3A_1279 : memref<65536x64xf32, #tpu.memory_space<hbm>>) dst(%arg21 : memref<200x64xf32, #tpu.memory_space<vmem>>)
      %dma_wait3A_1280 = arith.constant 3 : i32
      %dma_wait3A_1281 = arith.constant 0 : i32
      %dma_wait3A_1282 = tpu.memref_slice %arg16[%dma_wait3A_1280, %dma_wait3A_1281] : memref<8x208xi32, #tpu.memory_space<vmem>> -> memref<1x200xi32, #tpu.memory_space<vmem>>
      %dma_wait3A_1283 = tpu.memref_squeeze %dma_wait3A_1282 : memref<1x200xi32, #tpu.memory_space<vmem>> -> memref<200xi32, #tpu.memory_space<vmem>>
      %dma_wait3A_1284 = arith.constant 0 : i32
      %dma_wait3A_1285 = arith.constant 0 : i32
      %dma_wait3A_1286 = tpu.memref_slice %arg13[%dma_wait3A_1284, %dma_wait3A_1285] : memref<32768x64xf32, #tpu.memory_space<hbm>> -> memref<32768x64xf32, #tpu.memory_space<hbm>>
      tpu.wait_indirect_dma semaphore(%arg28 : memref<!tpu.dma_semaphore, #tpu.memory_space<semaphore_mem>>) src(%dma_wait3A_1286 : memref<32768x64xf32, #tpu.memory_space<hbm>>) dst(%arg22 : memref<200x64xf32, #tpu.memory_space<vmem>>)
      %scan3A_1287 = arith.constant 0 : i32
      %scan3A_1288 = arith.constant 200 : i32
      %scan3A_1289 = arith.addi %scan3A_1287, %scan3A_1288 : i32
      %scan3A_1290 = arith.constant 1 : i32
      scf.for %scan3A_1306 = %scan3A_1287 to %scan3A_1289 step %scan3A_1290  : i32 {
        %mul3A_1307 = arith.constant 1 : i32
        %mul3A_1308 = arith.muli %scan3A_1306, %mul3A_1307 : i32
        %add3A_1309 = arith.constant 0 : i32
        %add3A_1310 = arith.addi %add3A_1309, %mul3A_1308 : i32
        %get3A_1311 = arith.index_cast %add3A_1310 : i32 to index
        %get3A_1312 = arith.constant 0 : index
        %get3A_1313 = tpu.vector_load %arg24[%get3A_1311, %get3A_1312] {strides = array<i32>} : memref<200x64xf32, #tpu.memory_space<vmem>>, vector<1x16xf32>,
        %get3A_1314 = vector.shape_cast %get3A_1313 : vector<1x16xf32> to vector<16xf32>
        %get3A_1315 = arith.index_cast %add3A_1310 : i32 to index
        %get3A_1316 = arith.constant 0 : index
        %get3A_1317 = tpu.vector_load %arg20[%get3A_1315, %get3A_1316] {strides = array<i32>} : memref<200x64xf32, #tpu.memory_space<vmem>>, vector<1x16xf32>,
        %get3A_1318 = vector.shape_cast %get3A_1317 : vector<1x16xf32> to vector<16xf32>
        %add3A_1319 = arith.addf %get3A_1314, %get3A_1318 : vector<16xf32>
        %get3A_1320 = arith.index_cast %add3A_1310 : i32 to index
        %get3A_1321 = arith.constant 0 : index
        %get3A_1322 = tpu.vector_load %arg21[%get3A_1320, %get3A_1321] {strides = array<i32>} : memref<200x64xf32, #tpu.memory_space<vmem>>, vector<1x16xf32>,
        %get3A_1323 = vector.shape_cast %get3A_1322 : vector<1x16xf32> to vector<16xf32>
        %add3A_1324 = arith.addf %add3A_1319, %get3A_1323 : vector<16xf32>
        %get3A_1325 = arith.index_cast %add3A_1310 : i32 to index
        %get3A_1326 = arith.constant 0 : index
        %get3A_1327 = tpu.vector_load %arg22[%get3A_1325, %get3A_1326] {strides = array<i32>} : memref<200x64xf32, #tpu.memory_space<vmem>>, vector<1x16xf32>,
        %get3A_1328 = vector.shape_cast %get3A_1327 : vector<1x16xf32> to vector<16xf32>
        %add3A_1329 = arith.addf %add3A_1324, %get3A_1328 : vector<16xf32>
        %swap3A_1330 = arith.index_cast %add3A_1310 : i32 to index
        %swap3A_1331 = arith.constant 0 : index
        %swap3A_1332 = tpu.vector_load %arg24[%swap3A_1330, %swap3A_1331] {strides = array<i32>} : memref<200x64xf32, #tpu.memory_space<vmem>>, vector<1x16xf32>,
        %swap3A_1333 = vector.shape_cast %swap3A_1332 : vector<1x16xf32> to vector<16xf32>
        %swap3A_1334 = vector.shape_cast %add3A_1329 : vector<16xf32> to vector<1x16xf32>
        tpu.vector_store %arg24[%swap3A_1330, %swap3A_1331], %swap3A_1334 {strides = array<i32>} : memref<200x64xf32, #tpu.memory_space<vmem>>, vector<1x16xf32>,
        %get3A_1335 = arith.index_cast %add3A_1310 : i32 to index
        %get3A_1336 = arith.constant 16 : index
        %get3A_1337 = tpu.vector_load %arg24[%get3A_1335, %get3A_1336] {strides = array<i32>} : memref<200x64xf32, #tpu.memory_space<vmem>>, vector<1x16xf32>,
        %get3A_1338 = vector.shape_cast %get3A_1337 : vector<1x16xf32> to vector<16xf32>
        %get3A_1339 = arith.index_cast %add3A_1310 : i32 to index
        %get3A_1340 = arith.constant 16 : index
        %get3A_1341 = tpu.vector_load %arg20[%get3A_1339, %get3A_1340] {strides = array<i32>} : memref<200x64xf32, #tpu.memory_space<vmem>>, vector<1x16xf32>,
        %get3A_1342 = vector.shape_cast %get3A_1341 : vector<1x16xf32> to vector<16xf32>
        %add3A_1343 = arith.addf %get3A_1338, %get3A_1342 : vector<16xf32>
        %get3A_1344 = arith.index_cast %add3A_1310 : i32 to index
        %get3A_1345 = arith.constant 16 : index
        %get3A_1346 = tpu.vector_load %arg21[%get3A_1344, %get3A_1345] {strides = array<i32>} : memref<200x64xf32, #tpu.memory_space<vmem>>, vector<1x16xf32>,
        %get3A_1347 = vector.shape_cast %get3A_1346 : vector<1x16xf32> to vector<16xf32>
        %add3A_1348 = arith.addf %add3A_1343, %get3A_1347 : vector<16xf32>
        %get3A_1349 = arith.index_cast %add3A_1310 : i32 to index
        %get3A_1350 = arith.constant 16 : index
        %get3A_1351 = tpu.vector_load %arg22[%get3A_1349, %get3A_1350] {strides = array<i32>} : memref<200x64xf32, #tpu.memory_space<vmem>>, vector<1x16xf32>,
        %get3A_1352 = vector.shape_cast %get3A_1351 : vector<1x16xf32> to vector<16xf32>
        %add3A_1353 = arith.addf %add3A_1348, %get3A_1352 : vector<16xf32>
        %swap3A_1354 = arith.index_cast %add3A_1310 : i32 to index
        %swap3A_1355 = arith.constant 16 : index
        %swap3A_1356 = tpu.vector_load %arg24[%swap3A_1354, %swap3A_1355] {strides = array<i32>} : memref<200x64xf32, #tpu.memory_space<vmem>>, vector<1x16xf32>,
        %swap3A_1357 = vector.shape_cast %swap3A_1356 : vector<1x16xf32> to vector<16xf32>
        %swap3A_1358 = vector.shape_cast %add3A_1353 : vector<16xf32> to vector<1x16xf32>
        tpu.vector_store %arg24[%swap3A_1354, %swap3A_1355], %swap3A_1358 {strides = array<i32>} : memref<200x64xf32, #tpu.memory_space<vmem>>, vector<1x16xf32>,
        %get3A_1359 = arith.index_cast %add3A_1310 : i32 to index
        %get3A_1360 = arith.constant 32 : index
        %get3A_1361 = tpu.vector_load %arg24[%get3A_1359, %get3A_1360] {strides = array<i32>} : memref<200x64xf32, #tpu.memory_space<vmem>>, vector<1x16xf32>,
        %get3A_1362 = vector.shape_cast %get3A_1361 : vector<1x16xf32> to vector<16xf32>
        %get3A_1363 = arith.index_cast %add3A_1310 : i32 to index
        %get3A_1364 = arith.constant 32 : index
        %get3A_1365 = tpu.vector_load %arg20[%get3A_1363, %get3A_1364] {strides = array<i32>} : memref<200x64xf32, #tpu.memory_space<vmem>>, vector<1x16xf32>,
        %get3A_1366 = vector.shape_cast %get3A_1365 : vector<1x16xf32> to vector<16xf32>
        %add3A_1367 = arith.addf %get3A_1362, %get3A_1366 : vector<16xf32>
        %get3A_1368 = arith.index_cast %add3A_1310 : i32 to index
        %get3A_1369 = arith.constant 32 : index
        %get3A_1370 = tpu.vector_load %arg21[%get3A_1368, %get3A_1369] {strides = array<i32>} : memref<200x64xf32, #tpu.memory_space<vmem>>, vector<1x16xf32>,
        %get3A_1371 = vector.shape_cast %get3A_1370 : vector<1x16xf32> to vector<16xf32>
        %add3A_1372 = arith.addf %add3A_1367, %get3A_1371 : vector<16xf32>
        %get3A_1373 = arith.index_cast %add3A_1310 : i32 to index
        %get3A_1374 = arith.constant 32 : index
        %get3A_1375 = tpu.vector_load %arg22[%get3A_1373, %get3A_1374] {strides = array<i32>} : memref<200x64xf32, #tpu.memory_space<vmem>>, vector<1x16xf32>,
        %get3A_1376 = vector.shape_cast %get3A_1375 : vector<1x16xf32> to vector<16xf32>
        %add3A_1377 = arith.addf %add3A_1372, %get3A_1376 : vector<16xf32>
        %swap3A_1378 = arith.index_cast %add3A_1310 : i32 to index
        %swap3A_1379 = arith.constant 32 : index
        %swap3A_1380 = tpu.vector_load %arg24[%swap3A_1378, %swap3A_1379] {strides = array<i32>} : memref<200x64xf32, #tpu.memory_space<vmem>>, vector<1x16xf32>,
        %swap3A_1381 = vector.shape_cast %swap3A_1380 : vector<1x16xf32> to vector<16xf32>
        %swap3A_1382 = vector.shape_cast %add3A_1377 : vector<16xf32> to vector<1x16xf32>
        tpu.vector_store %arg24[%swap3A_1378, %swap3A_1379], %swap3A_1382 {strides = array<i32>} : memref<200x64xf32, #tpu.memory_space<vmem>>, vector<1x16xf32>,
        %get3A_1383 = arith.index_cast %add3A_1310 : i32 to index
        %get3A_1384 = arith.constant 48 : index
        %get3A_1385 = tpu.vector_load %arg24[%get3A_1383, %get3A_1384] {strides = array<i32>} : memref<200x64xf32, #tpu.memory_space<vmem>>, vector<1x16xf32>,
        %get3A_1386 = vector.shape_cast %get3A_1385 : vector<1x16xf32> to vector<16xf32>
        %get3A_1387 = arith.index_cast %add3A_1310 : i32 to index
        %get3A_1388 = arith.constant 48 : index
        %get3A_1389 = tpu.vector_load %arg20[%get3A_1387, %get3A_1388] {strides = array<i32>} : memref<200x64xf32, #tpu.memory_space<vmem>>, vector<1x16xf32>,
        %get3A_1390 = vector.shape_cast %get3A_1389 : vector<1x16xf32> to vector<16xf32>
        %add3A_1391 = arith.addf %get3A_1386, %get3A_1390 : vector<16xf32>
        %get3A_1392 = arith.index_cast %add3A_1310 : i32 to index
        %get3A_1393 = arith.constant 48 : index
        %get3A_1394 = tpu.vector_load %arg21[%get3A_1392, %get3A_1393] {strides = array<i32>} : memref<200x64xf32, #tpu.memory_space<vmem>>, vector<1x16xf32>,
        %get3A_1395 = vector.shape_cast %get3A_1394 : vector<1x16xf32> to vector<16xf32>
        %add3A_1396 = arith.addf %add3A_1391, %get3A_1395 : vector<16xf32>
        %get3A_1397 = arith.index_cast %add3A_1310 : i32 to index
        %get3A_1398 = arith.constant 48 : index
        %get3A_1399 = tpu.vector_load %arg22[%get3A_1397, %get3A_1398] {strides = array<i32>} : memref<200x64xf32, #tpu.memory_space<vmem>>, vector<1x16xf32>,
        %get3A_1400 = vector.shape_cast %get3A_1399 : vector<1x16xf32> to vector<16xf32>
        %add3A_1401 = arith.addf %add3A_1396, %get3A_1400 : vector<16xf32>
        %swap3A_1402 = arith.index_cast %add3A_1310 : i32 to index
        %swap3A_1403 = arith.constant 48 : index
        %swap3A_1404 = tpu.vector_load %arg24[%swap3A_1402, %swap3A_1403] {strides = array<i32>} : memref<200x64xf32, #tpu.memory_space<vmem>>, vector<1x16xf32>,
        %swap3A_1405 = vector.shape_cast %swap3A_1404 : vector<1x16xf32> to vector<16xf32>
        %swap3A_1406 = vector.shape_cast %add3A_1401 : vector<16xf32> to vector<1x16xf32>
        tpu.vector_store %arg24[%swap3A_1402, %swap3A_1403], %swap3A_1406 {strides = array<i32>} : memref<200x64xf32, #tpu.memory_space<vmem>>, vector<1x16xf32>,
      }
      %scan3A_1291 = arith.constant 200 : i32
      %add3A_1292 = arith.addi %mul3A_2, %add3A_1246 : i32
      %mul3A_1293 = arith.constant 200 : i32
      %mul3A_1294 = arith.muli %add3A_1292, %mul3A_1293 : i32
      %dma_start3A_1295 = arith.constant 0 : i32
      %dma_start3A_1296 = tpu.memref_slice %arg14[%mul3A_1294, %dma_start3A_1295] : memref<819200x128xf32, #tpu.memory_space<hbm>> -> memref<200x64xf32, #tpu.memory_space<hbm>>
      %dma_start3A_1297 = arith.constant 0 : i32
      %dma_start3A_1298 = tpu.memref_slice %arg14[%mul3A_1294, %dma_start3A_1297] : memref<819200x128xf32, #tpu.memory_space<hbm>> -> memref<200x64xf32, #tpu.memory_space<hbm>>
      tpu.enqueue_dma source(%arg24 : memref<200x64xf32, #tpu.memory_space<vmem>>) target(%dma_start3A_1298 : memref<200x64xf32, #tpu.memory_space<hbm>>) target_semaphore(%arg30 : memref<!tpu.dma_semaphore, #tpu.memory_space<semaphore_mem>>)
      %add3A_1299 = arith.constant 2 : i32
      %add3A_1300 = arith.addi %add3A_1246, %add3A_1299 : i32
      %lt3A_1301 = arith.constant 128 : i32
      %lt3A_1302 = arith.cmpi slt, %add3A_1300, %lt3A_1301 : i32
      %convert_element_type3A_1303 = arith.extui %lt3A_1302 : i1 to i32
      %cond3A_1304 = arith.constant 0 : i32
      %cond3A_1305 = arith.cmpi ne, %convert_element_type3A_1303, %cond3A_1304 : i32
      scf.if %cond3A_1305 {
        %add3A_1306 = arith.constant 2 : i32
        %add3A_1307 = arith.addi %add3A_1246, %add3A_1306 : i32
        %add3A_1308 = arith.addi %mul3A_2, %add3A_1307 : i32
        %mul3A_1309 = arith.constant 200 : i32
        %mul3A_1310 = arith.muli %add3A_1308, %mul3A_1309 : i32
        %dma_start3A_1311 = arith.constant 0 : i32
        %dma_start3A_1312 = arith.constant 0 : i32
        %dma_start3A_1313 = tpu.memref_slice %arg16[%dma_start3A_1311, %dma_start3A_1312] : memref<8x208xi32, #tpu.memory_space<vmem>> -> memref<1x200xi32, #tpu.memory_space<vmem>>
        %dma_start3A_1314 = tpu.memref_squeeze %dma_start3A_1313 : memref<1x200xi32, #tpu.memory_space<vmem>> -> memref<200xi32, #tpu.memory_space<vmem>>
        %dma_start3A_1315 = tpu.memref_slice %arg2[%mul3A_1310] : memref<819200xi32, #tpu.memory_space<hbm>> -> memref<200xi32, #tpu.memory_space<hbm>>
        %dma_start3A_1316 = arith.constant 0 : i32
        %dma_start3A_1317 = tpu.memref_slice %arg16[%dma_start3A_1311, %dma_start3A_1316] : memref<8x208xi32, #tpu.memory_space<vmem>> -> memref<1x200xi32, #tpu.memory_space<vmem>>
        %dma_start3A_1318 = tpu.memref_squeeze %dma_start3A_1317 : memref<1x200xi32, #tpu.memory_space<vmem>> -> memref<200xi32, #tpu.memory_space<vmem>>
        %dma_start3A_1319 = tpu.memref_slice %arg2[%mul3A_1310] : memref<819200xi32, #tpu.memory_space<hbm>> -> memref<200xi32, #tpu.memory_space<hbm>>
        tpu.enqueue_dma source(%dma_start3A_1319 : memref<200xi32, #tpu.memory_space<hbm>>) target(%dma_start3A_1318 : memref<200xi32, #tpu.memory_space<vmem>>) target_semaphore(%arg26 : memref<!tpu.dma_semaphore, #tpu.memory_space<semaphore_mem>>)
        %add3A_1320 = arith.addi %mul3A_2, %add3A_1307 : i32
        %mul3A_1321 = arith.constant 200 : i32
        %mul3A_1322 = arith.muli %add3A_1320, %mul3A_1321 : i32
        %dma_start3A_1323 = arith.constant 1 : i32
        %dma_start3A_1324 = arith.constant 0 : i32
        %dma_start3A_1325 = tpu.memref_slice %arg16[%dma_start3A_1323, %dma_start3A_1324] : memref<8x208xi32, #tpu.memory_space<vmem>> -> memref<1x200xi32, #tpu.memory_space<vmem>>
        %dma_start3A_1326 = tpu.memref_squeeze %dma_start3A_1325 : memref<1x200xi32, #tpu.memory_space<vmem>> -> memref<200xi32, #tpu.memory_space<vmem>>
        %dma_start3A_1327 = tpu.memref_slice %arg3[%mul3A_1322] : memref<819200xi32, #tpu.memory_space<hbm>> -> memref<200xi32, #tpu.memory_space<hbm>>
        %dma_start3A_1328 = arith.constant 0 : i32
        %dma_start3A_1329 = tpu.memref_slice %arg16[%dma_start3A_1323, %dma_start3A_1328] : memref<8x208xi32, #tpu.memory_space<vmem>> -> memref<1x200xi32, #tpu.memory_space<vmem>>
        %dma_start3A_1330 = tpu.memref_squeeze %dma_start3A_1329 : memref<1x200xi32, #tpu.memory_space<vmem>> -> memref<200xi32, #tpu.memory_space<vmem>>
        %dma_start3A_1331 = tpu.memref_slice %arg3[%mul3A_1322] : memref<819200xi32, #tpu.memory_space<hbm>> -> memref<200xi32, #tpu.memory_space<hbm>>
        tpu.enqueue_dma source(%dma_start3A_1331 : memref<200xi32, #tpu.memory_space<hbm>>) target(%dma_start3A_1330 : memref<200xi32, #tpu.memory_space<vmem>>) target_semaphore(%arg26 : memref<!tpu.dma_semaphore, #tpu.memory_space<semaphore_mem>>)
        %add3A_1332 = arith.addi %mul3A_2, %add3A_1307 : i32
        %mul3A_1333 = arith.constant 200 : i32
        %mul3A_1334 = arith.muli %add3A_1332, %mul3A_1333 : i32
        %dma_start3A_1335 = arith.constant 2 : i32
        %dma_start3A_1336 = arith.constant 0 : i32
        %dma_start3A_1337 = tpu.memref_slice %arg16[%dma_start3A_1335, %dma_start3A_1336] : memref<8x208xi32, #tpu.memory_space<vmem>> -> memref<1x200xi32, #tpu.memory_space<vmem>>
        %dma_start3A_1338 = tpu.memref_squeeze %dma_start3A_1337 : memref<1x200xi32, #tpu.memory_space<vmem>> -> memref<200xi32, #tpu.memory_space<vmem>>
        %dma_start3A_1339 = tpu.memref_slice %arg4[%mul3A_1334] : memref<819200xi32, #tpu.memory_space<hbm>> -> memref<200xi32, #tpu.memory_space<hbm>>
        %dma_start3A_1340 = arith.constant 0 : i32
        %dma_start3A_1341 = tpu.memref_slice %arg16[%dma_start3A_1335, %dma_start3A_1340] : memref<8x208xi32, #tpu.memory_space<vmem>> -> memref<1x200xi32, #tpu.memory_space<vmem>>
        %dma_start3A_1342 = tpu.memref_squeeze %dma_start3A_1341 : memref<1x200xi32, #tpu.memory_space<vmem>> -> memref<200xi32, #tpu.memory_space<vmem>>
        %dma_start3A_1343 = tpu.memref_slice %arg4[%mul3A_1334] : memref<819200xi32, #tpu.memory_space<hbm>> -> memref<200xi32, #tpu.memory_space<hbm>>
        tpu.enqueue_dma source(%dma_start3A_1343 : memref<200xi32, #tpu.memory_space<hbm>>) target(%dma_start3A_1342 : memref<200xi32, #tpu.memory_space<vmem>>) target_semaphore(%arg26 : memref<!tpu.dma_semaphore, #tpu.memory_space<semaphore_mem>>)
        %add3A_1344 = arith.addi %mul3A_2, %add3A_1307 : i32
        %mul3A_1345 = arith.constant 200 : i32
        %mul3A_1346 = arith.muli %add3A_1344, %mul3A_1345 : i32
        %dma_start3A_1347 = arith.constant 3 : i32
        %dma_start3A_1348 = arith.constant 0 : i32
        %dma_start3A_1349 = tpu.memref_slice %arg16[%dma_start3A_1347, %dma_start3A_1348] : memref<8x208xi32, #tpu.memory_space<vmem>> -> memref<1x200xi32, #tpu.memory_space<vmem>>
        %dma_start3A_1350 = tpu.memref_squeeze %dma_start3A_1349 : memref<1x200xi32, #tpu.memory_space<vmem>> -> memref<200xi32, #tpu.memory_space<vmem>>
        %dma_start3A_1351 = tpu.memref_slice %arg5[%mul3A_1346] : memref<819200xi32, #tpu.memory_space<hbm>> -> memref<200xi32, #tpu.memory_space<hbm>>
        %dma_start3A_1352 = arith.constant 0 : i32
        %dma_start3A_1353 = tpu.memref_slice %arg16[%dma_start3A_1347, %dma_start3A_1352] : memref<8x208xi32, #tpu.memory_space<vmem>> -> memref<1x200xi32, #tpu.memory_space<vmem>>
        %dma_start3A_1354 = tpu.memref_squeeze %dma_start3A_1353 : memref<1x200xi32, #tpu.memory_space<vmem>> -> memref<200xi32, #tpu.memory_space<vmem>>
        %dma_start3A_1355 = tpu.memref_slice %arg5[%mul3A_1346] : memref<819200xi32, #tpu.memory_space<hbm>> -> memref<200xi32, #tpu.memory_space<hbm>>
        tpu.enqueue_dma source(%dma_start3A_1355 : memref<200xi32, #tpu.memory_space<hbm>>) target(%dma_start3A_1354 : memref<200xi32, #tpu.memory_space<vmem>>) target_semaphore(%arg26 : memref<!tpu.dma_semaphore, #tpu.memory_space<semaphore_mem>>)
        %add3A_1356 = arith.addi %mul3A_2, %add3A_1307 : i32
        %mul3A_1357 = arith.constant 200 : i32
        %mul3A_1358 = arith.muli %add3A_1356, %mul3A_1357 : i32
        %dma_start3A_1359 = arith.constant 4 : i32
        %dma_start3A_1360 = arith.constant 0 : i32
        %dma_start3A_1361 = tpu.memref_slice %arg16[%dma_start3A_1359, %dma_start3A_1360] : memref<8x208xi32, #tpu.memory_space<vmem>> -> memref<1x200xi32, #tpu.memory_space<vmem>>
        %dma_start3A_1362 = tpu.memref_squeeze %dma_start3A_1361 : memref<1x200xi32, #tpu.memory_space<vmem>> -> memref<200xi32, #tpu.memory_space<vmem>>
        %dma_start3A_1363 = tpu.memref_slice %arg6[%mul3A_1358] : memref<819200xi32, #tpu.memory_space<hbm>> -> memref<200xi32, #tpu.memory_space<hbm>>
        %dma_start3A_1364 = arith.constant 0 : i32
        %dma_start3A_1365 = tpu.memref_slice %arg16[%dma_start3A_1359, %dma_start3A_1364] : memref<8x208xi32, #tpu.memory_space<vmem>> -> memref<1x200xi32, #tpu.memory_space<vmem>>
        %dma_start3A_1366 = tpu.memref_squeeze %dma_start3A_1365 : memref<1x200xi32, #tpu.memory_space<vmem>> -> memref<200xi32, #tpu.memory_space<vmem>>
        %dma_start3A_1367 = tpu.memref_slice %arg6[%mul3A_1358] : memref<819200xi32, #tpu.memory_space<hbm>> -> memref<200xi32, #tpu.memory_space<hbm>>
        tpu.enqueue_dma source(%dma_start3A_1367 : memref<200xi32, #tpu.memory_space<hbm>>) target(%dma_start3A_1366 : memref<200xi32, #tpu.memory_space<vmem>>) target_semaphore(%arg26 : memref<!tpu.dma_semaphore, #tpu.memory_space<semaphore_mem>>)
        %add3A_1368 = arith.addi %mul3A_2, %add3A_1307 : i32
        %mul3A_1369 = arith.constant 200 : i32
        %mul3A_1370 = arith.muli %add3A_1368, %mul3A_1369 : i32
        %dma_start3A_1371 = arith.constant 5 : i32
        %dma_start3A_1372 = arith.constant 0 : i32
        %dma_start3A_1373 = tpu.memref_slice %arg16[%dma_start3A_1371, %dma_start3A_1372] : memref<8x208xi32, #tpu.memory_space<vmem>> -> memref<1x200xi32, #tpu.memory_space<vmem>>
        %dma_start3A_1374 = tpu.memref_squeeze %dma_start3A_1373 : memref<1x200xi32, #tpu.memory_space<vmem>> -> memref<200xi32, #tpu.memory_space<vmem>>
        %dma_start3A_1375 = tpu.memref_slice %arg7[%mul3A_1370] : memref<819200xi32, #tpu.memory_space<hbm>> -> memref<200xi32, #tpu.memory_space<hbm>>
        %dma_start3A_1376 = arith.constant 0 : i32
        %dma_start3A_1377 = tpu.memref_slice %arg16[%dma_start3A_1371, %dma_start3A_1376] : memref<8x208xi32, #tpu.memory_space<vmem>> -> memref<1x200xi32, #tpu.memory_space<vmem>>
        %dma_start3A_1378 = tpu.memref_squeeze %dma_start3A_1377 : memref<1x200xi32, #tpu.memory_space<vmem>> -> memref<200xi32, #tpu.memory_space<vmem>>
        %dma_start3A_1379 = tpu.memref_slice %arg7[%mul3A_1370] : memref<819200xi32, #tpu.memory_space<hbm>> -> memref<200xi32, #tpu.memory_space<hbm>>
        tpu.enqueue_dma source(%dma_start3A_1379 : memref<200xi32, #tpu.memory_space<hbm>>) target(%dma_start3A_1378 : memref<200xi32, #tpu.memory_space<vmem>>) target_semaphore(%arg26 : memref<!tpu.dma_semaphore, #tpu.memory_space<semaphore_mem>>)
        %add3A_1380 = arith.addi %mul3A_2, %add3A_1307 : i32
        %mul3A_1381 = arith.constant 200 : i32
        %mul3A_1382 = arith.muli %add3A_1380, %mul3A_1381 : i32
        %dma_start3A_1383 = arith.constant 6 : i32
        %dma_start3A_1384 = arith.constant 0 : i32
        %dma_start3A_1385 = tpu.memref_slice %arg16[%dma_start3A_1383, %dma_start3A_1384] : memref<8x208xi32, #tpu.memory_space<vmem>> -> memref<1x200xi32, #tpu.memory_space<vmem>>
        %dma_start3A_1386 = tpu.memref_squeeze %dma_start3A_1385 : memref<1x200xi32, #tpu.memory_space<vmem>> -> memref<200xi32, #tpu.memory_space<vmem>>
        %dma_start3A_1387 = tpu.memref_slice %arg8[%mul3A_1382] : memref<819200xi32, #tpu.memory_space<hbm>> -> memref<200xi32, #tpu.memory_space<hbm>>
        %dma_start3A_1388 = arith.constant 0 : i32
        %dma_start3A_1389 = tpu.memref_slice %arg16[%dma_start3A_1383, %dma_start3A_1388] : memref<8x208xi32, #tpu.memory_space<vmem>> -> memref<1x200xi32, #tpu.memory_space<vmem>>
        %dma_start3A_1390 = tpu.memref_squeeze %dma_start3A_1389 : memref<1x200xi32, #tpu.memory_space<vmem>> -> memref<200xi32, #tpu.memory_space<vmem>>
        %dma_start3A_1391 = tpu.memref_slice %arg8[%mul3A_1382] : memref<819200xi32, #tpu.memory_space<hbm>> -> memref<200xi32, #tpu.memory_space<hbm>>
        tpu.enqueue_dma source(%dma_start3A_1391 : memref<200xi32, #tpu.memory_space<hbm>>) target(%dma_start3A_1390 : memref<200xi32, #tpu.memory_space<vmem>>) target_semaphore(%arg26 : memref<!tpu.dma_semaphore, #tpu.memory_space<semaphore_mem>>)
        %add3A_1392 = arith.addi %mul3A_2, %add3A_1307 : i32
        %mul3A_1393 = arith.constant 200 : i32
        %mul3A_1394 = arith.muli %add3A_1392, %mul3A_1393 : i32
        %dma_start3A_1395 = arith.constant 7 : i32
        %dma_start3A_1396 = arith.constant 0 : i32
        %dma_start3A_1397 = tpu.memref_slice %arg16[%dma_start3A_1395, %dma_start3A_1396] : memref<8x208xi32, #tpu.memory_space<vmem>> -> memref<1x200xi32, #tpu.memory_space<vmem>>
        %dma_start3A_1398 = tpu.memref_squeeze %dma_start3A_1397 : memref<1x200xi32, #tpu.memory_space<vmem>> -> memref<200xi32, #tpu.memory_space<vmem>>
        %dma_start3A_1399 = tpu.memref_slice %arg9[%mul3A_1394] : memref<819200xi32, #tpu.memory_space<hbm>> -> memref<200xi32, #tpu.memory_space<hbm>>
        %dma_start3A_1400 = arith.constant 0 : i32
        %dma_start3A_1401 = tpu.memref_slice %arg16[%dma_start3A_1395, %dma_start3A_1400] : memref<8x208xi32, #tpu.memory_space<vmem>> -> memref<1x200xi32, #tpu.memory_space<vmem>>
        %dma_start3A_1402 = tpu.memref_squeeze %dma_start3A_1401 : memref<1x200xi32, #tpu.memory_space<vmem>> -> memref<200xi32, #tpu.memory_space<vmem>>
        %dma_start3A_1403 = tpu.memref_slice %arg9[%mul3A_1394] : memref<819200xi32, #tpu.memory_space<hbm>> -> memref<200xi32, #tpu.memory_space<hbm>>
        tpu.enqueue_dma source(%dma_start3A_1403 : memref<200xi32, #tpu.memory_space<hbm>>) target(%dma_start3A_1402 : memref<200xi32, #tpu.memory_space<vmem>>) target_semaphore(%arg26 : memref<!tpu.dma_semaphore, #tpu.memory_space<semaphore_mem>>)
      } else {
      }
    }
    %scan3A_1174 = arith.constant 64 : i32
    %add3A_1175 = arith.constant 127 : i32
    %add3A_1176 = arith.addi %mul3A_2, %add3A_1175 : i32
    %mul3A_1177 = arith.constant 200 : i32
    %mul3A_1178 = arith.muli %add3A_1176, %mul3A_1177 : i32
    %dma_wait3A_1179 = arith.constant 0 : i32
    %dma_wait3A_1180 = tpu.memref_slice %arg14[%mul3A_1178, %dma_wait3A_1179] : memref<819200x128xf32, #tpu.memory_space<hbm>> -> memref<200x64xf32, #tpu.memory_space<hbm>>
    %dma_wait3A_1181 = arith.constant 0 : i32
    %dma_wait3A_1182 = tpu.memref_slice %arg14[%mul3A_1178, %dma_wait3A_1181] : memref<819200x128xf32, #tpu.memory_space<hbm>> -> memref<200x64xf32, #tpu.memory_space<hbm>>
    tpu.wait_dma2 semaphore(%arg30 : memref<!tpu.dma_semaphore, #tpu.memory_space<semaphore_mem>>) src(%arg24 : memref<200x64xf32, #tpu.memory_space<vmem>>) dst(%dma_wait3A_1182 : memref<200x64xf32, #tpu.memory_space<hbm>>)
    return
  }
}

module attributes {stable_mosaic.version = 14 : i64} {
  func.func @_build_tables_body(%arg0: memref<4x64xf32, #tpu.memory_space<vmem>>, %arg1: memref<8x64xf32, #tpu.memory_space<vmem>>, %arg2: memref<32x64xf32, #tpu.memory_space<vmem>>, %arg3: memref<32x64xf32, #tpu.memory_space<vmem>>, %arg4: memref<128x64xf32, #tpu.memory_space<vmem>>, %arg5: memref<128x64xf32, #tpu.memory_space<vmem>>, %arg6: memref<32768x128xf32, #tpu.memory_space<vmem>>, %arg7: memref<16384x128xf32, #tpu.memory_space<vmem>>) attributes {dimension_semantics = [], scalar_prefetch = 0 : i64, scratch_operands = 0 : i64, tpu.core_type = #tpu.core_type<tc>} {
    %get3A = arith.constant 0 : index
    %get3A_0 = arith.constant 0 : index
    %get3A_1 = vector.load %arg0[%get3A, %get3A_0] : memref<4x64xf32, #tpu.memory_space<vmem>>, vector<4x64xf32>
    %reshape3A = vector.shape_cast %get3A_1 : vector<4x64xf32> to vector<4x1x64xf32>
    %get3A_2 = arith.constant 0 : index
    %get3A_3 = arith.constant 0 : index
    %get3A_4 = vector.load %arg1[%get3A_2, %get3A_3] : memref<8x64xf32, #tpu.memory_space<vmem>>, vector<8x64xf32>
    %reshape3A_5 = vector.shape_cast %get3A_4 : vector<8x64xf32> to vector<1x8x64xf32>
    %add3A = vector.broadcast %reshape3A : vector<4x1x64xf32> to vector<4x8x64xf32>
    %add3A_6 = vector.broadcast %reshape3A_5 : vector<1x8x64xf32> to vector<4x8x64xf32>
    %add3A_7 = arith.addf %add3A, %add3A_6 : vector<4x8x64xf32>
    %reshape3A_8 = vector.shape_cast %add3A_7 : vector<4x8x64xf32> to vector<32x64xf32>
    %get3A_9 = arith.constant 0 : index
    %get3A_10 = arith.constant 0 : index
    %get3A_11 = vector.load %arg2[%get3A_9, %get3A_10] : memref<32x64xf32, #tpu.memory_space<vmem>>, vector<32x64xf32>
    %reshape3A_12 = vector.shape_cast %get3A_11 : vector<32x64xf32> to vector<32x1x64xf32>
    %get3A_13 = arith.constant 0 : index
    %get3A_14 = arith.constant 0 : index
    %get3A_15 = vector.load %arg3[%get3A_13, %get3A_14] : memref<32x64xf32, #tpu.memory_space<vmem>>, vector<32x64xf32>
    %reshape3A_16 = vector.shape_cast %get3A_15 : vector<32x64xf32> to vector<1x32x64xf32>
    %add3A_17 = vector.broadcast %reshape3A_12 : vector<32x1x64xf32> to vector<32x32x64xf32>
    %add3A_18 = vector.broadcast %reshape3A_16 : vector<1x32x64xf32> to vector<32x32x64xf32>
    %add3A_19 = arith.addf %add3A_17, %add3A_18 : vector<32x32x64xf32>
    %reshape3A_20 = vector.shape_cast %add3A_19 : vector<32x32x64xf32> to vector<1024x64xf32>
    %reshape3A_21 = vector.shape_cast %reshape3A_8 : vector<32x64xf32> to vector<32x1x64xf32>
    %reshape3A_22 = vector.shape_cast %reshape3A_20 : vector<1024x64xf32> to vector<1x1024x64xf32>
    %add3A_23 = vector.broadcast %reshape3A_21 : vector<32x1x64xf32> to vector<32x1024x64xf32>
    %add3A_24 = vector.broadcast %reshape3A_22 : vector<1x1024x64xf32> to vector<32x1024x64xf32>
    %add3A_25 = arith.addf %add3A_23, %add3A_24 : vector<32x1024x64xf32>
    %reshape3A_26 = vector.shape_cast %add3A_25 : vector<32x1024x64xf32> to vector<32768x64xf32>
    %swap3A = arith.constant 0 : index
    %swap3A_27 = arith.constant 0 : index
    %swap3A_28 = vector.load %arg6[%swap3A, %swap3A_27] : memref<32768x128xf32, #tpu.memory_space<vmem>>, vector<32768x64xf32>
    tpu.vector_store %arg6[%swap3A, %swap3A_27], %reshape3A_26 {strides = array<i32>} : memref<32768x128xf32, #tpu.memory_space<vmem>>, vector<32768x64xf32>,
    %get3A_29 = arith.constant 0 : index
    %get3A_30 = arith.constant 0 : index
    %get3A_31 = vector.load %arg4[%get3A_29, %get3A_30] : memref<128x64xf32, #tpu.memory_space<vmem>>, vector<128x64xf32>
    %reshape3A_32 = vector.shape_cast %get3A_31 : vector<128x64xf32> to vector<128x1x64xf32>
    %get3A_33 = arith.constant 0 : index
    %get3A_34 = arith.constant 0 : index
    %get3A_35 = vector.load %arg5[%get3A_33, %get3A_34] : memref<128x64xf32, #tpu.memory_space<vmem>>, vector<128x64xf32>
    %reshape3A_36 = vector.shape_cast %get3A_35 : vector<128x64xf32> to vector<1x128x64xf32>
    %add3A_37 = vector.broadcast %reshape3A_32 : vector<128x1x64xf32> to vector<128x128x64xf32>
    %add3A_38 = vector.broadcast %reshape3A_36 : vector<1x128x64xf32> to vector<128x128x64xf32>
    %add3A_39 = arith.addf %add3A_37, %add3A_38 : vector<128x128x64xf32>
    %reshape3A_40 = vector.shape_cast %add3A_39 : vector<128x128x64xf32> to vector<16384x64xf32>
    %swap3A_41 = arith.constant 0 : index
    %swap3A_42 = arith.constant 0 : index
    %swap3A_43 = vector.load %arg7[%swap3A_41, %swap3A_42] : memref<16384x128xf32, #tpu.memory_space<vmem>>, vector<16384x64xf32>
    tpu.vector_store %arg7[%swap3A_41, %swap3A_42], %reshape3A_40 {strides = array<i32>} : memref<16384x128xf32, #tpu.memory_space<vmem>>, vector<16384x64xf32>,
    return
  }
}

</mosaic_0001>

<sc_bundles>
// kernel: kernel.4.cloned.1.call-start
scs
__scs_entry_jumppad:
0x0: {  	(pc) =	sbr.rel $0x88, $3  }
0x1: {  	(tag) =	ssettag $0x0;
	lr =	simm.s32 $0x1  }
0x2: {  	[smem:$0x3F91] =	sst lr;
	_ =	strace $0xD0000000  }
0x3: {  	_ = 	snop  }
0x4: {  	_ = 	snop  }
0x5: {  	_ = 	snop  }
0x6: {  	_ = 	snop  }
0x7: {  	_ = 	snop  }
__scs_overlays_trampoline_lowered:
0x8: {  	[smem:$0x3FA0] =	sst s0  }
0x9: {  	[smem:$0x3FA1] =	sst s1  }
0xa: {  	[smem:$0x3FA2] =	sst s2  }
0xb: {  	[smem:$0x3FA3] =	sst s3  }
0xc: {  	[smem:$0x3FA4] =	sst s4  }
0xd: {  	[smem:$0x3FA5] =	sst s5  }
0xe: {  	[smem:$0x3FA6] =	sst s6  }
0xf: {  	[smem:$0x3FA7] =	sst s7  }
0x10: {  	[smem:$0x3FA8] =	sst s8  }
0x11: {  	[smem:$0x3FA9] =	sst s9;
	s0 =	simm.s32 @!p0 $0x0  }
0x12: {  	s1 =	sld [smem:$0x3F8F];
	s0 =	simm.s32 @p0 $0x1  }
0x13: {  	[smem:$0x3FAA] =	sst s0;
	s0 =	simm.s32 @!p1 $0x0  }
0x14: {  	s2 =	sld [smem:$0x3F8E];
	s0 =	simm.s32 @p1 $0x1  }
0x15: {  	[smem:$0x3FAB] =	sst s0;
	s0 =	simm.s32 @!p2 $0x0  }
0x16: {  	s3 =	sld [smem:$0x3FDB];
	s0 =	simm.s32 @p2 $0x1  }
0x17: {  	s4 =	simm.s32 $0x1BF5;
	[smem:$0x3FAD] =	sst s0  }
0x18: {  	s0 =	sld [smem:$0x3F90];
	_ =	swait.ge [sflag:s4], $0x0  }
0x19: {  	s7 =	sld [smem:$0x3F91]  }
0x1a: {  	s8 =	sadd.s32 $0xFFFFE003, lr  }
0x1b: {  	s9 =	sadd.s32 $0xFFFFFEF7, lr;
	s5 =	simm.s32 $0xFFFFFFFF;
	p2 =	slt.u32 s8, $0xFFFFF086  }
0x1c: {  	p1 =	slt.u32 s9, $0xF7A;
	s5 =	simm.s32 @!p2 $0x0  }
0x1d: {  	s5 =	simm.s32 @p1 $0x1;
	p0 =	seq.s32 s7, s2  }
0x1e: {  	s7 =	smul.u32 @!p0 $0xF7A, s2;
	p2 =	seq.s32 @!p0 s5, $0x0  }
0x1f: {  	s9 =	smul.u32 $0xF7A, s1;
	s8 =	simm.s32 @!p0 $0x1BF5;
	p2 =	por !p2, p0  }
0x20: {  	[sflag:s8] =	ssyncset.s32 @!p0 $0xFFFFF086;
	s6 =	sadd.s32 @!p0 s3, s7;
	s7 =	simm.s32 @!p0 $0x108  }
0x21: {  	s3 =	sadd.s32 s3, s9;
	s6 =	sadd.s32 @!p0 $0x88, s6;
	s7 =	simm.s32 @p2 $0x1082  }
0x22: {  	[simem:s7], [sflag:s8] =	dma.local @!p0 [hbm:s6], $0xF7A  }
0x23: {  	s9 =	sor.u32 $0xD0000000, s2;
	s6 =	simm.s32 $0x108;
	_ =	swait.ge @!p0 [sflag:s8], $0x0  }
0x24: {  	s3 =	sadd.s32 $0x88, s3;
	s6 =	simm.s32 @!p1 $0x1082;
	[sflag:s4] =	ssyncset.s32 $0xFFFFF086  }
0x25: {  	[simem:s6], [sflag:s4] =	dma.local [hbm:s3], $0xF7A  }
0x26: {  	[smem:$0x3F91] =	sst s1;
	(tag) =	ssettag s2;
	_ =	strace s9  }
0x27: {  	s1 =	sld [smem:$0x3FA1]  }
0x28: {  	s2 =	sld [smem:$0x3FA2]  }
0x29: {  	s4 =	sld [smem:$0x3FA4]  }
0x2a: {  	p0 =	seq.s32 s5, $0x0;
	s5 =	sld [smem:$0x3FA5]  }
0x2b: {  	s6 =	sld [smem:$0x3FA6]  }
0x2c: {  	s7 =	sld [smem:$0x3FA7]  }
0x2d: {  	s3 =	simm.s32 $0x108;
	s8 =	sld [smem:$0x3FA8]  }
0x2e: {  	s3 =	simm.s32 @!p0 $0x1082;
	s9 =	sld [smem:$0x3FA9]  }
0x2f: {  	lr =	sadd.s32 s0, s3;
	s0 =	sld [smem:$0x3FA0]  }
0x30: {  	s3 =	sld [smem:$0x3FA3]  }
0x31: {  	[smem:$0x3FAC] =	sst s10  }
0x32: {  	s10 =	sld [smem:$0x3FAA];
	_ =	sdelay $0x3  }
0x33: {  	p0 =	seq.s32 s10, $0x1;
	s10 =	sld [smem:$0x3FAC];
	_ =	sdelay $0x3  }
0x34: {  	[smem:$0x3FAC] =	sst s10  }
0x35: {  	s10 =	sld [smem:$0x3FAB];
	_ =	sdelay $0x3  }
0x36: {  	p1 =	seq.s32 s10, $0x1;
	s10 =	sld [smem:$0x3FAC];
	_ =	sdelay $0x3  }
0x37: {  	[smem:$0x3FAC] =	sst s10  }
0x38: {  	s10 =	sld [smem:$0x3FAD]  }
0x39: {  	_ = 	snop;
	(pc) =	sbr.ind lr, $3  }
0x3a: {  	_ = 	snop  }
0x3b: {  	_ = 	snop  }
0x3c: {  	p2 =	seq.s32 s10, $0x1;
	s10 =	sld [smem:$0x3FAC]  }
0x3d: {  	_ =	shalt  }
0x3e: {  	_ =	shalt  }
0x3f: {  	_ =	shalt  }
0x40: {  	_ =	shalt  }
0x41: {  	_ =	shalt  }
0x42: {  	_ =	shalt  }
0x43: {  	_ =	shalt  }
0x44: {  	_ =	shalt  }
0x45: {  	_ =	shalt  }
0x46: {  	_ =	shalt  }
0x47: {  	_ =	shalt  }
0x48: {  	_ =	shalt  }
0x49: {  	_ =	shalt  }
0x4a: {  	_ =	shalt  }
0x4b: {  	_ =	shalt  }
0x4c: {  	_ =	shalt  }
0x4d: {  	_ =	shalt  }
0x4e: {  	_ =	shalt  }
0x4f: {  	_ =	shalt  }
0x50: {  	_ =	shalt  }
0x51: {  	_ =	shalt  }
0x52: {  	_ =	shalt  }
0x53: {  	_ =	shalt  }
0x54: {  	_ =	shalt  }
0x55: {  	_ =	shalt  }
0x56: {  	_ =	shalt  }
0x57: {  	_ =	shalt  }
0x58: {  	_ =	shalt  }
0x59: {  	_ =	shalt  }
0x5a: {  	_ =	shalt  }
0x5b: {  	_ =	shalt  }
0x5c: {  	_ =	shalt  }
0x5d: {  	_ =	shalt  }
0x5e: {  	_ =	shalt  }
0x5f: {  	_ =	shalt  }
0x60: {  	_ =	shalt  }
0x61: {  	_ =	shalt  }
0x62: {  	_ =	shalt  }
0x63: {  	_ =	shalt  }
0x64: {  	_ =	shalt  }
0x65: {  	_ =	shalt  }
0x66: {  	_ =	shalt  }
0x67: {  	_ =	shalt  }
0x68: {  	_ =	shalt  }
0x69: {  	_ =	shalt  }
0x6a: {  	_ =	shalt  }
0x6b: {  	_ =	shalt  }
0x6c: {  	_ =	shalt  }
0x6d: {  	_ =	shalt  }
0x6e: {  	_ =	shalt  }
0x6f: {  	_ =	shalt  }
0x70: {  	_ =	shalt  }
0x71: {  	_ =	shalt  }
0x72: {  	_ =	shalt  }
0x73: {  	_ =	shalt  }
0x74: {  	_ =	shalt  }
0x75: {  	_ =	shalt  }
0x76: {  	_ =	shalt  }
0x77: {  	_ =	shalt  }
0x78: {  	_ =	shalt  }
0x79: {  	_ =	shalt  }
0x7a: {  	_ =	shalt  }
0x7b: {  	_ =	shalt  }
0x7c: {  	_ =	shalt  }
0x7d: {  	_ =	shalt  }
0x7e: {  	_ =	shalt  }
0x7f: {  	_ =	shalt  }
0x80: {  	_ =	shalt  }
0x81: {  	_ =	shalt  }
0x82: {  	_ =	shalt  }
0x83: {  	_ =	shalt  }
0x84: {  	_ =	shalt  }
0x85: {  	_ =	shalt  }
0x86: {  	_ =	shalt  }
0x87: {  	_ =	shalt  }
.Lfunc_end0:
.L_simem_size_0:
called_computation.1_lowered:
.L_overlay_start_0:
0x88: {  	s2 =	sld [smem:$0x3FD9]  }
0x89: {  	s3 =	sld [smem:$0x3FFE];
	_ =	sdelay $0x1  }
0x8a: {  	s1 =	srdreg.scid  }
0x8b: {  	s0 =	sand.u32 $0x1, s1  }
0x8c: {  	s17 =	sshll.u32 s0, $0xA;
	s2 =	sadd.s32 s3, s2  }
0x8d: {  	s2 =	sadd.s32 s2, s17  }
0x8e: {  	[smem:$0x3FB8] =	sst s2  }
0x8f: {  	_ = 	snop  }
0x90: {  	s2 =	sld [smem:$0x3FD0];
	(tm) =	ssettm $0x1  }
0x91: {  	s18 =	sld [smem:$0x3FFB];
	_ =	sdelay $0x3  }
0x92: {  	_ =	strace s18  }
0x93: {  	s3 =	sld [smem:$0x3FFC];
	_ =	sdelay $0x3  }
0x94: {  	_ =	strace s3  }
0x95: {  	s3 =	sld [smem:$0x3FFD];
	_ =	sdelay $0x3  }
0x96: {  	_ =	strace s3  }
0x97: {  	_ =	strace $0x8FFFFFFF  }
0x98: {  	s19 =	sld [smem:$0x3FDB];
	_ =	sdelay $0x1  }
0x99: {  	s4 =	simm.s32 $_scs_section_size  }
0x9a: {  	s5 =	simm.s32 $_size__tile_overlayer_lowered;
	s6 =	simm.s32 $_tile_overlayer_lowered  }
0x9b: {  	s22 =	simm.s32 $0x1BFF;
	s21 =	sshll.u32 s6, $0x1;
	s3 =	sadd.s32 s4, s19  }
0x9c: {  	s7 =	simm.s32 $0x0;
	s20 =	sshll.u32 s5, $0x1;
	s5 =	sadd.s32 s21, s3  }
0x9d: {  	[timem:s7], [sflag:s22] =	dma.local [hbm:s5], s20  }
0x9e: {  	_ =	swait.ge [sflag:s22], s20  }
0x9f: {  	s4 =	ssub.s32 $0x0, s20;
	[sflag:s22] =	ssyncset.done $0x0  }
0xa0: {  	[sflag:s22] =	ssyncadd.s32 s4;
	_ =	sdelay $0x1  }
0xa1: {  	s23 =	simm.s32 $0x1B8B  }
0xa2: {  	_ =	swait.ge [sflag:s23], $0x1  }
0xa3: {  	[sflag:s23] =	ssyncset.done $0x0  }
0xa4: {  	s25 =	simm.s32 $0x1B8E;
	s24 =	sld [smem:$0x3FFE];
	[sflag:s23] =	ssyncadd.s32 $0xFFFFFFFF  }
0xa5: {  	s26 =	simm.s32 $execute0_lowered;
	[smem:$0x3FD2] =	sst s25  }
0xa6: {  	s5 =	sshll.u32 s26, $0x1;
	_ =	strace $0x80000046;
	[dreg:$0x1] =	wrdreg $0xFFFFFFFF  }
0xa7: {  	s28 =	simm.s32 $_size_execute0_lowered;
	s3 =	sadd.s32 s3, s5;
	[dreg:$0x0] =	wrdreg $0x0  }
0xa8: {  	s5 =	sshll.u32 s28, $0x1;
	[dreg:$0x2] =	wrdreg s3  }
0xa9: {  	[dreg:$0x3] =	wrdreg s5  }
0xaa: {  	[dreg:$0x4] =	wrdreg $0xC0  }
0xab: {  	_ =	task [dreg:s7], $0x5FFFF  }
0xac: {  	[dreg:$0x1] =	wrdreg $0xFFFFFFFF  }
0xad: {  	[dreg:$0x0] =	wrdreg $0x60  }
0xae: {  	[dreg:$0x2] =	wrdreg s24  }
0xaf: {  	[dreg:$0x3] =	wrdreg s2  }
0xb0: {  	[dreg:$0x4] =	wrdreg $0x9  }
0xb1: {  	_ =	task.clear_ibuf [dreg:s7], $0x5FFFF;
	_ =	strace $0x90000046  }
0xb2: {  	s29 =	simm.s32 $0x9;
	_ =	strace $0x80000048  }
0xb3: {  	_ =	swait.ge [sflag:s29], $0x1  }
0xb4: {  	[sflag:s29] =	ssyncadd.s32 $0xFFFFFFFF  }
0xb5: {  	_ =	strace $0x90000048  }
0xb6: {  	_ =	sfence  }
0xb7: {  	s30 =	sld [smem:$0x0];
	_ =	sdelay $0x2  }
0xb8: {  	s31 =	sshll.u32 s1, $0xD;
	s1 =	sshrl.u32 s1, $0x2  }
0xb9: {  	s3 =	sand.u32 $0x4000, s31;
	s1 =	sadd.s32 s1, s30  }
0xba: {  	s0 =	sor.u32 s3, s0;
	s1 =	sshll.u32 s1, $0x11  }
0xbb: {  	s0 =	sor.u32 s1, s0  }
0xbc: {  	s0 =	sadd.s32 $0x8F2B, s0  }
0xbd: {  	[sflag:s0] =	ssyncadd.remote.s32 $0x1  }
0xbe: {  	_ =	sfence.sel $0xFFFF  }
0xbf: {  	[dreg:$0x0] =	wrdreg $0xFFFFFFFF;
	(pc) =	sbr.abs _section_cstart, $3  }
0xc0: {  	[dreg:$0x1] =	wrdreg $0xFFFFFFFF  }
0xc1: {  	_ =	task.clear_ibuf [dreg:s7], $0x2FFFF;
	_ =	strace $0x9FFFFFFF  }
0xc2: {  	(tm) =	ssettm $0x7FFFFFFF  }
0xc3: {  	_ =	shalt  }
tec
execute0_lowered:
.L_overlay_start_1:
0x0: {  	(tag) =	ssettag $0x1  }
0x1: {  	s0 =	rddreg [dreg:$0x0]  }
0x2: {  	s2 =	simm.s32 $0x0;
	s1 =	srdreg.scid;
	s7 =	stileid.u32  }
0x3: {  	[smem:$0x7FF] =	sst s2;
	s1 =	sand.u32 $0x1, s1;
	s7 =	sshll.u32 s7, $0x1  }
0x4: {  	s3 =	sadd.s32 $0x35200, s0;
	s16 =	ssub.s32 $0x2, s1;
	s1 =	sor.u32 s1, s7  }
0x5: {  	s4 =	sadd.s32 $0x1C200, s0;
	s5 =	sadd.s32 $0x3200, s0;
	s17 =	smul.u32 $0xC80, s1  }
0x6: {  	s6 =	sadd.s32 $0xB2200, s0;
	s8 =	sadd.s32 $0x99200, s0;
	s9 =	sadd.s32 $0x80200, s0  }
0x7: {  	s10 =	sadd.s32 $0x67200, s0;
	s11 =	sadd.s32 $0x4E200, s0;
	s20 =	sadd.s32 s3, s17  }
0x8: {  	_ =	strace $0x80000047;
	s21 =	sadd.s32 s4, s17;
	[dreg:$0x3] =	wrdreg s20  }
0x9: {  	s12 =	sadd.s32 $0xF45600, s0;
	s22 =	sadd.s32 s5, s17;
	[dreg:$0x4] =	wrdreg s21  }
0xa: {  	s13 =	sadd.s32 $0xCB200, s0;
	s23 =	sadd.s32 s6, s17;
	[dreg:$0x5] =	wrdreg s22  }
0xb: {  	s14 =	sadd.s32 $0xCC200, s0;
	s24 =	sadd.s32 s8, s17;
	[dreg:$0x6] =	wrdreg s23  }
0xc: {  	s15 =	sadd.s32 $0x10C200, s0;
	s25 =	sadd.s32 s9, s17;
	[dreg:$0x7] =	wrdreg s24  }
0xd: {  	s19 =	sshrl.u32 s16, $0x1;
	s26 =	sadd.s32 s10, s17;
	[dreg:$0x8] =	wrdreg s25  }
0xe: {  	s0 =	ssub.s32 s16, s19;
	s18 =	sadd.s32 s11, s17;
	[dreg:$0x9] =	wrdreg s26  }
0xf: {  	s28 =	sor.u32 $0x19, s17;
	s0 =	smax.u32 s0, $0x1;
	[dreg:$0xa] =	wrdreg s18  }
0x10: {  	s19 =	sadd.s32 s3, s28;
	[dreg:$0x13] =	wrdreg s0  }
0x11: {  	s20 =	sadd.s32 s4, s28;
	[dreg:$0xb] =	wrdreg s19  }
0x12: {  	s21 =	sadd.s32 s5, s28;
	[dreg:$0xc] =	wrdreg s20  }
0x13: {  	s30 =	simm.s32 $0x680;
	s22 =	sadd.s32 s6, s28;
	[dreg:$0xd] =	wrdreg s21  }
0x14: {  	s31 =	simm.s32 $0x750;
	s23 =	sadd.s32 s8, s28;
	[dreg:$0xe] =	wrdreg s22  }
0x15: {  	s29 =	simm.s32 $0x820;
	s24 =	sadd.s32 s9, s28;
	[dreg:$0xf] =	wrdreg s23  }
0x16: {  	s7 =	simm.s32 $0x3;
	s25 =	sadd.s32 s10, s28;
	[dreg:$0x10] =	wrdreg s24  }
0x17: {  	s16 =	sshll.u32 s1, $0x7;
	s1 =	sadd.s32 s11, s28;
	[dreg:$0x11] =	wrdreg s25  }
.Ltmp0:
0x18: {  	s26 =	sor.u32 $0x2, s16;
	[dreg:$0x12] =	wrdreg s1;
	(pc) =	sbr.rel .LBB2_1-.Ltmp0, $4  }
0x19: {  	s17 =	simm.s32 $0x16B00;
	s28 =	sor.u32 $0x3, s16;
	[dreg:$0x14] =	wrdreg s26  }
0x1a: {  	s0 =	simm.s32 $0x13900;
	s18 =	simm.s32 $0x2;
	[dreg:$0x15] =	wrdreg s28  }
0x1b: {  	s24 =	simm.s32 $0x1;
	s25 =	simm.s32 $0xC8;
	s23 =	simm.s32 $0x80  }
0x1c: {  	s20 =	simm.s32 $0x5;
	s21 =	simm.s32 $0x4;
	s22 =	simm.s32 $0x0  }
.LBB2_11:
0x1d: {  	s19 =	simm.s32 $0x6  }
0x1e: {  	_ =	swait.ge [sflag:s19], $0x3200  }
0x1f: {  	s22 =	rddreg [dreg:$0x16]  }
0x20: {  	s1 =	rddreg [dreg:$0x13];
	s22 =	sadd.s32 $0x1, s22  }
0x21: {  	p0 =	sne.s32 s22, s1  }
.Ltmp1:
0x22: {  	_ = 	snop;
	(pc) =	sbr.rel @!p0 .LBB2_12-.Ltmp1, $3  }
0x23: {  	_ =	sdelay $0x1  }
0x24: {  	[sflag:s19] =	ssyncset.done $0x0  }
0x25: {  	s29 =	simm.s32 $0x820;
	[sflag:s19] =	ssyncadd.s32 $0xFFFFCE00  }
.LBB2_1:
0x26: {  	[dreg:$0x16] =	wrdreg s22  }
0x27: {  	s1 =	rddreg [dreg:$0x3]  }
0x28: {  	[tilespmem:s2], [sflag:$0x1] =	stream.linear.gather [hbm4b:s1+s2], $0xC8, $0x38;
	[tilespmem:$0x19D00] =	vst v63  }
0x29: {  	s22 =	rddreg [dreg:$0x4];
	s19 =	simm.s32 $0xD0  }
0x2a: {  	[tilespmem:s19], [sflag:$0x1] =	stream.linear.gather [hbm4b:s22+s2], $0xC8, $0x38;
	[tilespmem:$0x19D00] =	vst v63  }
0x2b: {  	s26 =	rddreg [dreg:$0x5];
	s22 =	simm.s32 $0x1A0  }
0x2c: {  	[tilespmem:s22], [sflag:$0x1] =	stream.linear.gather [hbm4b:s26+s2], $0xC8, $0x38;
	[tilespmem:$0x19D00] =	vst v63  }
0x2d: {  	s19 =	rddreg [dreg:$0x6];
	s26 =	simm.s32 $0x270  }
0x2e: {  	[tilespmem:s26], [sflag:$0x1] =	stream.linear.gather [hbm4b:s19+s2], $0xC8, $0x38;
	[tilespmem:$0x19D00] =	vst v63  }
0x2f: {  	s28 =	simm.s32 $0x340;
	s19 =	rddreg [dreg:$0x7]  }
0x30: {  	[tilespmem:s28], [sflag:$0x1] =	stream.linear.gather [hbm4b:s19+s2], $0xC8, $0x38;
	[tilespmem:$0x19D00] =	vst v63  }
0x31: {  	s19 =	rddreg [dreg:$0x8];
	s28 =	simm.s32 $0x410  }
0x32: {  	[tilespmem:s28], [sflag:$0x1] =	stream.linear.gather [hbm4b:s19+s2], $0xC8, $0x38;
	[tilespmem:$0x19D00] =	vst v63  }
0x33: {  	s19 =	rddreg [dreg:$0x9];
	s28 =	simm.s32 $0x4E0  }
0x34: {  	[tilespmem:s28], [sflag:$0x1] =	stream.linear.gather [hbm4b:s19+s2], $0xC8, $0x38;
	[tilespmem:$0x19D00] =	vst v63  }
0x35: {  	s19 =	rddreg [dreg:$0xa];
	s28 =	simm.s32 $0x5B0  }
0x36: {  	[tilespmem:s28], [sflag:$0x1] =	stream.linear.gather [hbm4b:s19+s2], $0xC8, $0x38;
	[tilespmem:$0x19D00] =	vst v63  }
0x37: {  	s19 =	rddreg [dreg:$0xb]  }
0x38: {  	[tilespmem:s30], [sflag:$0x2] =	stream.linear.gather [hbm4b:s19+s2], $0xC8, $0x38;
	[tilespmem:$0x19D00] =	vst v63  }
0x39: {  	s19 =	rddreg [dreg:$0xc]  }
0x3a: {  	[tilespmem:s31], [sflag:$0x2] =	stream.linear.gather [hbm4b:s19+s2], $0xC8, $0x38;
	[tilespmem:$0x19D00] =	vst v63  }
0x3b: {  	s19 =	rddreg [dreg:$0xd]  }
0x3c: {  	[tilespmem:s29], [sflag:$0x2] =	stream.linear.gather [hbm4b:s19+s2], $0xC8, $0x38;
	[tilespmem:$0x19D00] =	vst v63  }
0x3d: {  	s28 =	simm.s32 $0x8F0;
	s19 =	rddreg [dreg:$0xe]  }
0x3e: {  	[tilespmem:s28], [sflag:$0x2] =	stream.linear.gather [hbm4b:s19+s2], $0xC8, $0x38;
	[tilespmem:$0x19D00] =	vst v63  }
0x3f: {  	s1 =	rddreg [dreg:$0xf];
	s19 =	simm.s32 $0x9C0  }
0x40: {  	[tilespmem:s19], [sflag:$0x2] =	stream.linear.gather [hbm4b:s1+s2], $0xC8, $0x38;
	[tilespmem:$0x19D00] =	vst v63  }
0x41: {  	s1 =	rddreg [dreg:$0x10];
	s19 =	simm.s32 $0xA90  }
0x42: {  	[tilespmem:s19], [sflag:$0x2] =	stream.linear.gather [hbm4b:s1+s2], $0xC8, $0x38;
	[tilespmem:$0x19D00] =	vst v63  }
0x43: {  	s1 =	rddreg [dreg:$0x11];
	s19 =	simm.s32 $0xB60  }
0x44: {  	[tilespmem:s19], [sflag:$0x2] =	stream.linear.gather [hbm4b:s1+s2], $0xC8, $0x38;
	[tilespmem:$0x19D00] =	vst v63  }
0x45: {  	s1 =	rddreg [dreg:$0x12];
	s19 =	simm.s32 $0xC30  }
0x46: {  	[tilespmem:s19], [sflag:$0x2] =	stream.linear.gather [hbm4b:s1+s2], $0xC8, $0x38;
	[tilespmem:$0x19D00] =	vst v63  }
0x47: {  	_ =	swait.ge [sflag:s24], $0xC8  }
0x48: {  	[sflag:s24] =	ssyncset.done $0x0  }
0x49: {  	[sflag:s24] =	ssyncadd.s32 $0xFFFFFF38  }
0x4a: {  	_ =	swait.ge [sflag:s24], $0xC8  }
0x4b: {  	[sflag:s24] =	ssyncset.done $0x0  }
0x4c: {  	[sflag:s24] =	ssyncadd.s32 $0xFFFFFF38  }
0x4d: {  	_ =	swait.ge [sflag:s24], $0xC8  }
0x4e: {  	[sflag:s24] =	ssyncset.done $0x0  }
0x4f: {  	[sflag:s24] =	ssyncadd.s32 $0xFFFFFF38  }
0x50: {  	_ =	swait.ge [sflag:s24], $0xC8  }
0x51: {  	[sflag:s24] =	ssyncset.done $0x0  }
0x52: {  	[sflag:s24] =	ssyncadd.s32 $0xFFFFFF38  }
0x53: {  	_ =	swait.ge [sflag:s24], $0xC8  }
0x54: {  	[sflag:s24] =	ssyncset.done $0x0  }
0x55: {  	[sflag:s24] =	ssyncadd.s32 $0xFFFFFF38  }
0x56: {  	_ =	swait.ge [sflag:s24], $0xC8  }
0x57: {  	[sflag:s24] =	ssyncset.done $0x0  }
0x58: {  	[sflag:s24] =	ssyncadd.s32 $0xFFFFFF38  }
0x59: {  	_ =	swait.ge [sflag:s24], $0xC8  }
0x5a: {  	[sflag:s24] =	ssyncset.done $0x0  }
0x5b: {  	[sflag:s24] =	ssyncadd.s32 $0xFFFFFF38  }
0x5c: {  	_ =	swait.ge [sflag:s24], $0xC8  }
0x5d: {  	[sflag:s24] =	ssyncset.done $0x0  }
0x5e: {  	[sflag:s24] =	ssyncadd.s32 $0xFFFFFF38  }
0x5f: {  	v0 =	vld [tilespmem:$0x1A0]  }
0x60: {  	v1 =	vld [tilespmem:$0x270]  }
0x61: {  	v2 =	vld [tilespmem:$0x340]  }
0x62: {  	v3 =	vld [tilespmem:$0x410]  }
0x63: {  	v4 =	vld [tilespmem:$0x4E0]  }
0x64: {  	v5 =	vld [tilespmem:$0x5B0]  }
0x65: {  	v6 =	vld [tilespmem:$0x1B0]  }
0x66: {  	v7 =	vld [tilespmem:$0x280]  }
0x67: {  	v8 =	vld [tilespmem:$0x350]  }
0x68: {  	v9 =	vld [tilespmem:$0x420]  }
0x69: {  	v10 =	vld [tilespmem:$0x4F0]  }
0x6a: {  	v11 =	vld [tilespmem:$0x5C0]  }
0x6b: {  	v12 =	vld [tilespmem:$0x1C0]  }
0x6c: {  	v13 =	vld [tilespmem:$0x290]  }
0x6d: {  	v14 =	vld [tilespmem:$0x360]  }
0x6e: {  	v15 =	vld [tilespmem:$0x430]  }
0x6f: {  	v16 =	vld [tilespmem:$0x500]  }
0x70: {  	v17 =	vld [tilespmem:$0x5D0]  }
0x71: {  	v18 =	vld [tilespmem:$0x1D0]  }
0x72: {  	v19 =	vld [tilespmem:$0x2A0]  }
0x73: {  	v20 =	vld [tilespmem:$0x370]  }
0x74: {  	v21 =	vld [tilespmem:$0x440]  }
0x75: {  	v22 =	vld [tilespmem:$0x510]  }
0x76: {  	v23 =	vld [tilespmem:$0x5E0]  }
0x77: {  	v24 =	vld [tilespmem:$0x1E0]  }
0x78: {  	v25 =	vld [tilespmem:$0x2B0]  }
0x79: {  	v26 =	vld [tilespmem:$0x380]  }
0x7a: {  	v27 =	vld [tilespmem:$0x450]  }
0x7b: {  	v28 =	vld [tilespmem:$0x520]  }
0x7c: {  	v29 =	vld [tilespmem:$0x5F0]  }
0x7d: {  	v30 =	vld [tilespmem:$0x1F0]  }
0x7e: {  	v31 =	vld [tilespmem:$0x2C0]  }
0x7f: {  	v32 =	vld [tilespmem:$0x390]  }
0x80: {  	v33 =	vld [tilespmem:$0x460]  }
0x81: {  	v34 =	vld [tilespmem:$0x530]  }
0x82: {  	v35 =	vld [tilespmem:$0x600]  }
0x83: {  	v36 =	vld [tilespmem:$0x200]  }
0x84: {  	v37 =	vld [tilespmem:$0x2D0]  }
0x85: {  	v38 =	vld [tilespmem:$0x3A0]  }
0x86: {  	v44 =	vld [tilespmem:$0x470]  }
0x87: {  	v45 =	vld [tilespmem:$0x540];
	v3 =	vshll.u32 v3, $0x8;
	v4 =	vshll.u32 v4, $0x5;
	v0 =	vshll.u32 v0, $0x1  }
0x88: {  	v39 =	vld [tilespmem:$0x610];
	v46 =	vshll.u32 v9, $0x8;
	v47 =	vshll.u32 v10, $0x5;
	v1 =	vshll.u32 v1, $0x8  }
0x89: {  	v50 =	vld [tilespmem:$0x480];
	v2 =	vshll.u32 v2, $0x1;
	v48 =	vshll.u32 v15, $0x8;
	v49 =	vshll.u32 v16, $0x5  }
0x8a: {  	v53 =	vld [tilespmem:$0x550];
	v6 =	vshll.u32 v6, $0x1;
	v7 =	vshll.u32 v7, $0x8;
	v8 =	vshll.u32 v8, $0x1  }
0x8b: {  	v41 =	vld [tilespmem:$0x570];
	v12 =	vshll.u32 v12, $0x1;
	v55 =	vshll.u32 v21, $0x8;
	v56 =	vshll.u32 v22, $0x5  }
0x8c: {  	v54 =	vld [tilespmem:$0x620];
	v13 =	vshll.u32 v13, $0x8;
	v14 =	vshll.u32 v14, $0x1;
	v58 =	vshll.u32 v18, $0x1  }
0x8d: {  	v59 =	vld [tilespmem:$0x490];
	v60 =	vshll.u32 v27, $0x8;
	v61 =	vshll.u32 v28, $0x5;
	v19 =	vshll.u32 v19, $0x8  }
0x8e: {  	v62 =	vld [tilespmem:$0x560];
	v20 =	vshll.u32 v20, $0x1;
	v33 =	vshll.u32 v33, $0x8;
	v34 =	vshll.u32 v34, $0x5  }
0x8f: {  	v63 =	vld [tilespmem:$0x630];
	v24 =	vshll.u32 v24, $0x1;
	v25 =	vshll.u32 v25, $0x8;
	v26 =	vshll.u32 v26, $0x1  }
0x90: {  	v40 =	vld [tilespmem:$0x4A0];
	v30 =	vshll.u32 v30, $0x1;
	v21 =	vshll.u32 v41, $0x5;
	v3 =	vadd.s32 v3, v4  }
0x91: {  	v43 =	vld [tilespmem:$0x640];
	v1 =	vadd.s32 v1, v2;
	v7 =	vadd.s32 v7, v8;
	v57 =	vadd.s32 v55, v56  }
0x92: {  	v10 =	vld [tilespmem:$0x210];
	v13 =	vadd.s32 v13, v14;
	v14 =	vadd.s32 v60, v61;
	v27 =	vadd.s32 v33, v34  }
0x93: {  	v9 =	vld [tilespmem:$0x2E0];
	v19 =	vadd.s32 v19, v20;
	v4 =	vshll.u32 v44, $0x8;
	v42 =	vadd.s32 v25, v26  }
0x94: {  	v16 =	vld [tilespmem:$0x3B0];
	v44 =	vshll.u32 v31, $0x8;
	v3 =	vadd.s32 v5, v3;
	v8 =	vadd.s32 v23, v57  }
0x95: {  	v22 =	vld [tilespmem:$0x220];
	v14 =	vadd.s32 v29, v14;
	v35 =	vadd.s32 v35, v27;
	v5 =	vshll.u32 v45, $0x5  }
0x96: {  	v28 =	vld [tilespmem:$0x300];
	v45 =	vshll.u32 v32, $0x1;
	v3 =	vshll.u32 v3, $0x6;
	v8 =	vshll.u32 v8, $0x6  }
0x97: {  	v41 =	vld [tilespmem:$0x5A0];
	v14 =	vshll.u32 v14, $0x6;
	v20 =	vshll.u32 v35, $0x6;
	v4 =	vadd.s32 v4, v5  }
0x98: {  	v26 =	vld [tilespmem:$0x240];
	[tilespmem:$0x270] =	vst v1;
	v1 =	vadd.s32 v44, v45;
	v0 =	vadd.s32 v0, v3;
	v3 =	vadd.s32 v46, v47  }
0x99: {  	v25 =	vld [tilespmem:$0x310];
	v8 =	vadd.s32 v58, v8;
	v14 =	vadd.s32 v24, v14;
	v20 =	vadd.s32 v30, v20  }
0x9a: {  	v61 =	vld [tilespmem:$0x320];
	v4 =	vadd.s32 v39, v4;
	v47 =	vshll.u32 v36, $0x1;
	v3 =	vadd.s32 v11, v3  }
0x9b: {  	v29 =	vld [tilespmem:$0x230];
	[tilespmem:$0x280] =	vst v7;
	v11 =	vadd.s32 v48, v49;
	v46 =	vshll.u32 v4, $0x6;
	v48 =	vshll.u32 v50, $0x8  }
0x9c: {  	v7 =	vld [tilespmem:$0x3E0];
	[tilespmem:$0x290] =	vst v13;
	v49 =	vshll.u32 v37, $0x8;
	v50 =	vshll.u32 v38, $0x1;
	v55 =	vshll.u32 v10, $0x1  }
0x9d: {  	[tilespmem:$0x2A0] =	vst v19;
	v27 =	vld [tilespmem:$0x590];
	v9 =	vshll.u32 v9, $0x8;
	v60 =	vshll.u32 v16, $0x1;
	v39 =	vshll.u32 v28, $0x8  }
0x9e: {  	[tilespmem:$0x2B0] =	vst v42;
	v32 =	vld [tilespmem:$0x3F0];
	v3 =	vshll.u32 v3, $0x6;
	v52 =	vadd.s32 v17, v11;
	v2 =	vadd.s32 v47, v46  }
0x9f: {  	v24 =	vld [tilespmem:$0x3D0];
	[tilespmem:$0x2C0] =	vst v1;
	v9 =	vadd.s32 v9, v60;
	v46 =	vshll.u32 v26, $0x1;
	v51 =	vadd.s32 v6, v3  }
0xa0: {  	[tilespmem:$0x1A0] =	vst v0;
	v38 =	vld [tilespmem:$0x4D0];
	v3 =	vshll.u32 v52, $0x6;
	v6 =	vshll.u32 v53, $0x5;
	v52 =	vshll.u32 v59, $0x8  }
0xa1: {  	[tilespmem:$0x1D0] =	vst v8;
	v17 =	vld [tilespmem:$0x3C0];
	v53 =	vshll.u32 v62, $0x5;
	v62 =	vshll.u32 v22, $0x1;
	v34 =	vshll.u32 v29, $0x1  }
0xa2: {  	[tilespmem:$0x1E0] =	vst v14;
	v59 =	vld [tilespmem:$0x250];
	v7 =	vshll.u32 v7, $0x1;
	v3 =	vadd.s32 v12, v3;
	v4 =	vadd.s32 v48, v6  }
0xa3: {  	v22 =	vld [tilespmem:$0x4C0];
	v56 =	vadd.s32 v52, v53;
	[tilespmem:$0x1C0] =	vst v3;
	v4 =	vadd.s32 v54, v4;
	v3 =	vadd.s32 v49, v50  }
0xa4: {  	[tilespmem:$0x1F0] =	vst v20;
	v12 =	vld [tilespmem:$0x2F0];
	v58 =	vadd.s32 v63, v56;
	v63 =	vshll.u32 v40, $0x8;
	v40 =	vshll.u32 v24, $0x1  }
0xa5: {  	[tilespmem:$0x1B0] =	vst v51;
	v51 =	vld [tilespmem:$0x4B0];
	v4 =	vshll.u32 v4, $0x6;
	v8 =	vshll.u32 v58, $0x6;
	v23 =	vadd.s32 v63, v21  }
0xa6: {  	[tilespmem:$0x200] =	vst v2;
	v54 =	vld [tilespmem:$0x580];
	v48 =	vadd.s32 v39, v40;
	v6 =	vshll.u32 v38, $0x8;
	v58 =	vshll.u32 v32, $0x1  }
0xa7: {  	v57 =	vld [tilespmem:$0x650];
	[tilespmem:$0x2E0] =	vst v9;
	v4 =	vadd.s32 v55, v4;
	v0 =	vadd.s32 v62, v8;
	v5 =	vadd.s32 v43, v23  }
0xa8: {  	v52 =	vld [tilespmem:$0x400];
	[tilespmem:$0x2D0] =	vst v3;
	v31 =	vshll.u32 v17, $0x1;
	v43 =	vshll.u32 v27, $0x5;
	v33 =	vshll.u32 v5, $0x6  }
0xa9: {  	v50 =	vld [tilespmem:$0x330];
	[tilespmem:$0x300] =	vst v48;
	v42 =	vshll.u32 v22, $0x8;
	v53 =	vshll.u32 v59, $0x1;
	v5 =	vshll.u32 v41, $0x5  }
0xaa: {  	v35 =	vld [tilespmem:$0x660];
	[tilespmem:$0x210] =	vst v4;
	v30 =	vshll.u32 v12, $0x8;
	v2 =	vadd.s32 v34, v33;
	v36 =	vshll.u32 v51, $0x8  }
0xab: {  	v47 =	vld [tilespmem:$0x670];
	[tilespmem:$0x220] =	vst v0;
	v9 =	vadd.s32 v42, v43;
	v51 =	vshll.u32 v25, $0x8;
	v37 =	vshll.u32 v54, $0x5  }
0xac: {  	v44 =	vld [tilespmem:$0x260];
	v55 =	vadd.s32 v6, v5;
	v1 =	vadd.s32 v30, v31;
	[tilespmem:$0x230] =	vst v2;
	v3 =	vadd.s32 v36, v37  }
0xad: {  	v54 =	vadd.s32 v51, v7;
	[tilespmem:$0x2F0] =	vst v1;
	v3 =	vadd.s32 v57, v3;
	v57 =	vshll.u32 v61, $0x8  }
0xae: {  	v62 =	vshll.u32 v52, $0x1;
	[tilespmem:$0x310] =	vst v54;
	v61 =	vshll.u32 v50, $0x8;
	v59 =	vadd.s32 v57, v58  }
0xaf: {  	v49 =	vadd.s32 v35, v9;
	v45 =	vshll.u32 v3, $0x6;
	v63 =	vadd.s32 v61, v62;
	[tilespmem:$0x320] =	vst v59  }
0xb0: {  	v56 =	vadd.s32 v47, v55;
	v3 =	vshll.u32 v49, $0x6;
	v0 =	vadd.s32 v46, v45;
	[tilespmem:$0x330] =	vst v63  }
0xb1: {  	v60 =	vshll.u32 v44, $0x1;
	v1 =	vadd.s32 v53, v3;
	[tilespmem:$0x240] =	vst v0;
	v0 =	vshll.u32 v56, $0x6  }
0xb2: {  	[tilespmem:$0x250] =	vst v1;
	v0 =	vadd.s32 v60, v0  }
0xb3: {  	[tilespmem:$0x260] =	vst v0  }
0xb4: {  	[tilespmem:s0], [sflag:$0x3] =	stream.indirect.gather [hbm4b:s12+s25], $0x40, s2, s25, $0xb8;
	[tilespmem:$0x19D00] =	vst v63  }
0xb5: {  	s1 =	simm.s32 $0xD00;
	s19 =	simm.s32 $0xD0  }
0xb6: {  	[tilespmem:s1], [sflag:$0x3] =	stream.indirect.gather [hbm4b:s13+s25], $0x40, s19, s25, $0xb8;
	[tilespmem:$0x19D00] =	vst v63  }
0xb7: {  	s0 =	rddreg [dreg:$0x1];
	s19 =	simm.s32 $0x3F00  }
0xb8: {  	[tilespmem:s19], [sflag:$0x3] =	stream.indirect.gather [hbm4b:s0+s25], $0x40, s22, s25, $0xb8;
	[tilespmem:$0x19D00] =	vst v63  }
0xb9: {  	s22 =	simm.s32 $0x7100  }
0xba: {  	[tilespmem:s22], [sflag:$0x3] =	stream.indirect.gather [hbm4b:s14+s25], $0x40, s26, s25, $0xb8;
	[tilespmem:$0x19D00] =	vst v63  }
0xbb: {  	s22 =	simm.s32 $0x0  }
.LBB2_2:
0xbc: {  	p0 =	seq.s32 s22, $0x0  }
0xbd: {  	s1 =	simm.s32 @!p0 $0x6  }
0xbe: {  	_ =	swait.ge @!p0 [sflag:s1], $0x3200  }
0xbf: {  	[sflag:s1] =	ssyncset.done @!p0 $0x0  }
0xc0: {  	[sflag:s1] =	ssyncadd.s32 @!p0 $0xFFFFCE00  }
0xc1: {  	_ =	swait.ge [sflag:s18], $0xC8  }
0xc2: {  	[sflag:s18] =	ssyncset.done $0x0  }
0xc3: {  	[sflag:s18] =	ssyncadd.s32 $0xFFFFFF38  }
0xc4: {  	_ =	swait.ge [sflag:s18], $0xC8  }
0xc5: {  	[sflag:s18] =	ssyncset.done $0x0  }
0xc6: {  	[sflag:s18] =	ssyncadd.s32 $0xFFFFFF38  }
0xc7: {  	_ =	swait.ge [sflag:s18], $0xC8  }
0xc8: {  	[sflag:s18] =	ssyncset.done $0x0  }
0xc9: {  	[sflag:s18] =	ssyncadd.s32 $0xFFFFFF38  }
0xca: {  	_ =	swait.ge [sflag:s18], $0xC8  }
0xcb: {  	[sflag:s18] =	ssyncset.done $0x0  }
0xcc: {  	[sflag:s18] =	ssyncadd.s32 $0xFFFFFF38  }
0xcd: {  	_ =	swait.ge [sflag:s18], $0xC8  }
0xce: {  	[sflag:s18] =	ssyncset.done $0x0  }
0xcf: {  	[sflag:s18] =	ssyncadd.s32 $0xFFFFFF38  }
0xd0: {  	_ =	swait.ge [sflag:s18], $0xC8  }
0xd1: {  	[sflag:s18] =	ssyncset.done $0x0  }
0xd2: {  	[sflag:s18] =	ssyncadd.s32 $0xFFFFFF38  }
0xd3: {  	_ =	swait.ge [sflag:s18], $0xC8  }
0xd4: {  	[sflag:s18] =	ssyncset.done $0x0  }
0xd5: {  	[sflag:s18] =	ssyncadd.s32 $0xFFFFFF38  }
0xd6: {  	_ =	swait.ge [sflag:s18], $0xC8  }
0xd7: {  	[sflag:s18] =	ssyncset.done $0x0  }
0xd8: {  	[sflag:s18] =	ssyncadd.s32 $0xFFFFFF38  }
0xd9: {  	v0 =	vld [tilespmem:$0x820]  }
0xda: {  	v1 =	vld [tilespmem:$0x8F0]  }
0xdb: {  	v2 =	vld [tilespmem:$0x9C0]  }
0xdc: {  	v3 =	vld [tilespmem:$0xA90]  }
0xdd: {  	v4 =	vld [tilespmem:$0xB60]  }
0xde: {  	v5 =	vld [tilespmem:$0xC30]  }
0xdf: {  	v6 =	vld [tilespmem:$0x830]  }
0xe0: {  	v7 =	vld [tilespmem:$0x900]  }
0xe1: {  	v8 =	vld [tilespmem:$0x9D0]  }
0xe2: {  	v9 =	vld [tilespmem:$0xAA0]  }
0xe3: {  	v10 =	vld [tilespmem:$0xB70]  }
0xe4: {  	v11 =	vld [tilespmem:$0xC40]  }
0xe5: {  	v12 =	vld [tilespmem:$0x840]  }
0xe6: {  	v13 =	vld [tilespmem:$0x910]  }
0xe7: {  	v14 =	vld [tilespmem:$0x9E0]  }
0xe8: {  	v15 =	vld [tilespmem:$0xAB0]  }
0xe9: {  	v16 =	vld [tilespmem:$0xB80]  }
0xea: {  	v17 =	vld [tilespmem:$0xC50]  }
0xeb: {  	v18 =	vld [tilespmem:$0x850]  }
0xec: {  	v19 =	vld [tilespmem:$0x920]  }
0xed: {  	v20 =	vld [tilespmem:$0x9F0]  }
0xee: {  	v21 =	vld [tilespmem:$0xAC0]  }
0xef: {  	v22 =	vld [tilespmem:$0xB90]  }
0xf0: {  	v23 =	vld [tilespmem:$0xC60]  }
0xf1: {  	v24 =	vld [tilespmem:$0x860]  }
0xf2: {  	v25 =	vld [tilespmem:$0x930]  }
0xf3: {  	v26 =	vld [tilespmem:$0xA00]  }
0xf4: {  	v27 =	vld [tilespmem:$0xAD0]  }
0xf5: {  	v28 =	vld [tilespmem:$0xBA0]  }
0xf6: {  	v29 =	vld [tilespmem:$0xC70]  }
0xf7: {  	v30 =	vld [tilespmem:$0x870]  }
0xf8: {  	v31 =	vld [tilespmem:$0x940]  }
0xf9: {  	v32 =	vld [tilespmem:$0xA10]  }
0xfa: {  	v33 =	vld [tilespmem:$0xAE0]  }
0xfb: {  	v34 =	vld [tilespmem:$0xBB0]  }
0xfc: {  	v35 =	vld [tilespmem:$0xC80]  }
0xfd: {  	v36 =	vld [tilespmem:$0x880]  }
0xfe: {  	v37 =	vld [tilespmem:$0x950]  }
0xff: {  	v38 =	vld [tilespmem:$0xA20]  }
0x100: {  	v39 =	vld [tilespmem:$0xC90]  }
0x101: {  	v54 =	vld [tilespmem:$0xB00];
	v3 =	vshll.u32 v3, $0x8;
	v4 =	vshll.u32 v4, $0x5;
	v0 =	vshll.u32 v0, $0x1  }
0x102: {  	v57 =	vld [tilespmem:$0x8A0];
	v1 =	vshll.u32 v1, $0x8;
	v2 =	vshll.u32 v2, $0x1;
	v53 =	vshll.u32 v16, $0x5  }
0x103: {  	v59 =	vld [tilespmem:$0xB10];
	v6 =	vshll.u32 v6, $0x1;
	v7 =	vshll.u32 v7, $0x8;
	v8 =	vshll.u32 v8, $0x1  }
0x104: {  	v62 =	vld [tilespmem:$0xBE0];
	v12 =	vshll.u32 v12, $0x1;
	v55 =	vshll.u32 v21, $0x8;
	v56 =	vshll.u32 v22, $0x5  }
0x105: {  	v45 =	vld [tilespmem:$0xA50];
	v13 =	vshll.u32 v13, $0x8;
	v14 =	vshll.u32 v14, $0x1;
	v58 =	vshll.u32 v18, $0x1  }
0x106: {  	v63 =	vld [tilespmem:$0xCB0];
	v60 =	vshll.u32 v27, $0x8;
	v61 =	vshll.u32 v28, $0x5;
	v19 =	vshll.u32 v19, $0x8  }
0x107: {  	v42 =	vld [tilespmem:$0x8B0];
	v20 =	vshll.u32 v20, $0x1;
	v40 =	vshll.u32 v33, $0x8;
	v41 =	vshll.u32 v34, $0x5  }
0x108: {  	v46 =	vld [tilespmem:$0xB20];
	v24 =	vshll.u32 v24, $0x1;
	v25 =	vshll.u32 v25, $0x8;
	v26 =	vshll.u32 v26, $0x1  }
0x109: {  	v43 =	vld [tilespmem:$0x980];
	v30 =	vshll.u32 v30, $0x1;
	v48 =	vshll.u32 v32, $0x1;
	v51 =	vshll.u32 v38, $0x1  }
0x10a: {  	v47 =	vld [tilespmem:$0xBF0];
	v52 =	vshll.u32 v62, $0x5;
	v62 =	vshll.u32 v45, $0x1;
	v3 =	vadd.s32 v3, v4  }
0x10b: {  	v49 =	vld [tilespmem:$0x8C0];
	v1 =	vadd.s32 v1, v2;
	v7 =	vadd.s32 v7, v8;
	v8 =	vadd.s32 v55, v56  }
0x10c: {  	v50 =	vld [tilespmem:$0x990];
	v13 =	vadd.s32 v13, v14;
	v14 =	vadd.s32 v60, v61;
	v27 =	vadd.s32 v40, v41  }
0x10d: {  	v16 =	vld [tilespmem:$0xA30];
	v19 =	vadd.s32 v19, v20;
	v56 =	vshll.u32 v46, $0x8;
	v3 =	vadd.s32 v5, v3  }
0x10e: {  	v4 =	vld [tilespmem:$0xAF0];
	v8 =	vadd.s32 v23, v8;
	v14 =	vadd.s32 v29, v14;
	v3 =	vshll.u32 v3, $0x6  }
0x10f: {  	v5 =	vld [tilespmem:$0xBC0];
	v0 =	vadd.s32 v0, v3;
	v3 =	vshll.u32 v9, $0x8;
	v9 =	vshll.u32 v10, $0x5  }
0x110: {  	v55 =	vld [tilespmem:$0x9A0];
	v44 =	vadd.s32 v35, v27;
	[tilespmem:$0x8F0] =	vst v1;
	v1 =	vshll.u32 v31, $0x8;
	v3 =	vadd.s32 v3, v9  }
0x111: {  	v61 =	vld [tilespmem:$0xCE0];
	v8 =	vshll.u32 v8, $0x6;
	v14 =	vshll.u32 v14, $0x6;
	v3 =	vadd.s32 v11, v3  }
0x112: {  	[tilespmem:$0x900] =	vst v7;
	v7 =	vld [tilespmem:$0xA60];
	v20 =	vshll.u32 v44, $0x6;
	v1 =	vadd.s32 v1, v48;
	v3 =	vshll.u32 v3, $0x6  }
0x113: {  	v8 =	vadd.s32 v58, v8;
	v11 =	vshll.u32 v15, $0x8;
	v2 =	vadd.s32 v6, v3;
	v6 =	vld [tilespmem:$0xBD0]  }
0x114: {  	v10 =	vld [tilespmem:$0x890];
	v4 =	vshll.u32 v4, $0x8;
	v11 =	vadd.s32 v11, v53;
	v5 =	vshll.u32 v5, $0x5  }
0x115: {  	[tilespmem:$0x820] =	vst v0;
	v0 =	vadd.s32 v25, v26;
	v3 =	vadd.s32 v17, v11;
	v11 =	vld [tilespmem:$0xCA0];
	v4 =	vadd.s32 v4, v5  }
0x116: {  	v14 =	vadd.s32 v24, v14;
	v9 =	vld [tilespmem:$0x960];
	[tilespmem:$0x930] =	vst v0;
	v0 =	vshll.u32 v57, $0x1;
	v4 =	vadd.s32 v39, v4  }
0x117: {  	v58 =	vld [tilespmem:$0xB40];
	v57 =	vshll.u32 v47, $0x5;
	[tilespmem:$0x830] =	vst v2;
	v2 =	vshll.u32 v4, $0x6;
	v4 =	vshll.u32 v36, $0x1  }
0x118: {  	v17 =	vld [tilespmem:$0xA40];
	v2 =	vadd.s32 v4, v2;
	v4 =	vshll.u32 v54, $0x8;
	v6 =	vshll.u32 v6, $0x5  }
0x119: {  	[tilespmem:$0x850] =	vst v8;
	v5 =	vld [tilespmem:$0xCC0];
	v3 =	vshll.u32 v3, $0x6;
	v8 =	vshll.u32 v10, $0x1;
	v4 =	vadd.s32 v4, v6  }
0x11a: {  	[tilespmem:$0x910] =	vst v13;
	v3 =	vadd.s32 v12, v3;
	v12 =	vld [tilespmem:$0x970];
	v4 =	vadd.s32 v11, v4;
	v11 =	vshll.u32 v59, $0x8  }
0x11b: {  	[tilespmem:$0x920] =	vst v19;
	v53 =	vld [tilespmem:$0xC00];
	v9 =	vshll.u32 v9, $0x8;
	v4 =	vshll.u32 v4, $0x6;
	v10 =	vadd.s32 v11, v52  }
0x11c: {  	[tilespmem:$0x840] =	vst v3;
	v3 =	vshll.u32 v37, $0x8;
	v6 =	vld [tilespmem:$0xB30];
	v4 =	vadd.s32 v8, v4;
	v8 =	vadd.s32 v63, v10  }
0x11d: {  	[tilespmem:$0x940] =	vst v1;
	v54 =	vshll.u32 v16, $0x1;
	v3 =	vadd.s32 v3, v51;
	v59 =	vld [tilespmem:$0xC10];
	v8 =	vshll.u32 v8, $0x6  }
0x11e: {  	[tilespmem:$0x860] =	vst v14;
	v9 =	vadd.s32 v9, v54;
	v11 =	vld [tilespmem:$0xCD0];
	v0 =	vadd.s32 v0, v8;
	v8 =	vadd.s32 v56, v57  }
0x11f: {  	[tilespmem:$0x880] =	vst v2;
	v60 =	vshll.u32 v17, $0x1;
	v1 =	vshll.u32 v12, $0x8;
	v10 =	vld [tilespmem:$0x8D0];
	v5 =	vadd.s32 v5, v8  }
0x120: {  	[tilespmem:$0x950] =	vst v3;
	v1 =	vadd.s32 v1, v60;
	v63 =	vld [tilespmem:$0x8E0];
	v2 =	vshll.u32 v5, $0x6;
	v5 =	vshll.u32 v42, $0x1  }
0x121: {  	[tilespmem:$0x960] =	vst v9;
	v3 =	vshll.u32 v6, $0x8;
	v6 =	vld [tilespmem:$0xB50];
	v2 =	vadd.s32 v5, v2;
	v5 =	vshll.u32 v53, $0x5  }
0x122: {  	v20 =	vadd.s32 v30, v20;
	v9 =	vshll.u32 v58, $0x8;
	[tilespmem:$0x970] =	vst v1;
	v3 =	vadd.s32 v3, v5;
	v5 =	vld [tilespmem:$0xC20]  }
0x123: {  	[tilespmem:$0x890] =	vst v4;
	v4 =	vshll.u32 v43, $0x8;
	v8 =	vld [tilespmem:$0xA70];
	v3 =	vadd.s32 v11, v3;
	v11 =	vshll.u32 v59, $0x5  }
0x124: {  	v7 =	vshll.u32 v7, $0x1;
	v1 =	vadd.s32 v4, v62;
	[tilespmem:$0x8A0] =	vst v0;
	v9 =	vadd.s32 v9, v11;
	v11 =	vld [tilespmem:$0xCF0]  }
0x125: {  	v4 =	vld [tilespmem:$0x9B0];
	[tilespmem:$0x980] =	vst v1;
	v1 =	vshll.u32 v10, $0x1;
	v0 =	vshll.u32 v3, $0x6;
	v3 =	vshll.u32 v49, $0x1  }
0x126: {  	[tilespmem:$0x8B0] =	vst v2;
	v2 =	vshll.u32 v50, $0x8;
	v0 =	vadd.s32 v3, v0;
	v3 =	vadd.s32 v61, v9;
	v9 =	vld [tilespmem:$0xA80]  }
0x127: {  	[tilespmem:$0x870] =	vst v20;
	v6 =	vshll.u32 v6, $0x8;
	v3 =	vshll.u32 v3, $0x6;
	v5 =	vshll.u32 v5, $0x5  }
0x128: {  	[tilespmem:$0x8C0] =	vst v0;
	v0 =	vadd.s32 v2, v7;
	v1 =	vadd.s32 v1, v3;
	v2 =	vadd.s32 v6, v5  }
0x129: {  	[tilespmem:$0x990] =	vst v0;
	v0 =	vshll.u32 v55, $0x8;
	v3 =	vshll.u32 v8, $0x1;
	v2 =	vadd.s32 v11, v2  }
0x12a: {  	[tilespmem:$0x8D0] =	vst v1;
	v0 =	vadd.s32 v0, v3;
	v1 =	vshll.u32 v2, $0x6;
	v2 =	vshll.u32 v63, $0x1  }
0x12b: {  	[tilespmem:$0x9A0] =	vst v0;
	v0 =	vadd.s32 v2, v1;
	v1 =	vshll.u32 v4, $0x8;
	v2 =	vshll.u32 v9, $0x1  }
0x12c: {  	[tilespmem:$0x8E0] =	vst v0;
	v0 =	vadd.s32 v1, v2  }
0x12d: {  	[tilespmem:$0x9B0] =	vst v0  }
0x12e: {  	[tilespmem:s17], [sflag:$0x4] =	stream.indirect.gather [hbm4b:s12+s25], $0x40, s30, s25, $0xb8;
	[tilespmem:$0x19D00] =	vst v63  }
0x12f: {  	s0 =	simm.s32 $0xA300  }
0x130: {  	[tilespmem:s0], [sflag:$0x4] =	stream.indirect.gather [hbm4b:s13+s25], $0x40, s31, s25, $0xb8;
	[tilespmem:$0x19D00] =	vst v63  }
0x131: {  	s26 =	simm.s32 $0xD500;
	s19 =	rddreg [dreg:$0x1]  }
0x132: {  	[tilespmem:s26], [sflag:$0x4] =	stream.indirect.gather [hbm4b:s19+s25], $0x40, s29, s25, $0xb8;
	[tilespmem:$0x19D00] =	vst v63  }
0x133: {  	s29 =	simm.s32 $0x10700  }
0x134: {  	[tilespmem:s29], [sflag:$0x4] =	stream.indirect.gather [hbm4b:s14+s25], $0x40, s28, s25, $0xb8;
	[tilespmem:$0x19D00] =	vst v63  }
0x135: {  	_ =	swait.ge [sflag:s7], $0x3200  }
0x136: {  	[sflag:s7] =	ssyncset.done $0x0  }
0x137: {  	[sflag:s7] =	ssyncadd.s32 $0xFFFFCE00  }
0x138: {  	_ =	swait.ge [sflag:s7], $0x3200  }
0x139: {  	[sflag:s7] =	ssyncset.done $0x0  }
0x13a: {  	[sflag:s7] =	ssyncadd.s32 $0xFFFFCE00  }
0x13b: {  	_ =	swait.ge [sflag:s7], $0x3200  }
0x13c: {  	[sflag:s7] =	ssyncset.done $0x0  }
0x13d: {  	[sflag:s7] =	ssyncadd.s32 $0xFFFFCE00  }
0x13e: {  	_ =	swait.ge [sflag:s7], $0x3200  }
0x13f: {  	[sflag:s7] =	ssyncset.done $0x0  }
0x140: {  	s26 =	simm.s32 $0x0;
	[sflag:s7] =	ssyncadd.s32 $0xFFFFCE00  }
0x141: {  	v2 =	vld [tilespmem:s26+$0x7100]  }
0x142: {  	v0 =	vld [tilespmem:s26+$0x7110]  }
0x143: {  	v3 =	vld [tilespmem:s26+$0x3F00]  }
0x144: {  	v1 =	vld [tilespmem:s26+$0x3F10]  }
0x145: {  	v6 =	vld [tilespmem:s26+$0xD00]  }
0x146: {  	v7 =	vld [tilespmem:s26+$0xD10]  }
0x147: {  	v5 =	vld [tilespmem:s26+$0xD20]  }
0x148: {  	v4 =	vld [tilespmem:s26+$0xD30]  }
0x149: {  	v10 =	vld [tilespmem:s26+$0x13900]  }
0x14a: {  	v9 =	vld [tilespmem:s26+$0x13910]  }
0x14b: {  	s1 =	sshll.u32 s22, $0x1;
	s19 =	simm.s32 $0x100;
	v8 =	vld [tilespmem:s26+$0x13920]  }
.LBB2_3:
0x14c: {  	p0 =	sne.s32 s19, $0xC700;
	v11 =	vld [tilespmem:s26+$0x13930]  }
0x14d: {  	v12 =	vld [tilespmem:s26+$0x3F20]  }
0x14e: {  	v6 =	vadd.f32 v6, v10;
	v10 =	vld [tilespmem:s26+$0x3F30]  }
0x14f: {  	v7 =	vadd.f32 v7, v9;
	v9 =	vld [tilespmem:s26+$0x7120]  }
0x150: {  	s28 =	sshra.s32 s19, $0x2;
	v3 =	vadd.f32 v3, v6;
	v5 =	vadd.f32 v5, v8;
	v8 =	vld [tilespmem:s26+$0x7130]  }
0x151: {  	v13 =	vld [tilespmem:s28+$0x7100];
	v1 =	vadd.f32 v1, v7;
	v4 =	vadd.f32 v4, v11  }
0x152: {  	v11 =	vld [tilespmem:s28+$0x7110];
	v2 =	vadd.f32 v2, v3;
	v5 =	vadd.f32 v12, v5  }
0x153: {  	v3 =	vld [tilespmem:s28+$0x3F00];
	v0 =	vadd.f32 v0, v1;
	v4 =	vadd.f32 v10, v4  }
0x154: {  	v1 =	vld [tilespmem:s28+$0x3F10];
	[tilespmem:s26+$0x13900] =	vst v2;
	v5 =	vadd.f32 v9, v5  }
0x155: {  	v6 =	vld [tilespmem:s28+$0xD00];
	[tilespmem:s26+$0x13910] =	vst v0;
	v4 =	vadd.f32 v8, v4  }
0x156: {  	v7 =	vld [tilespmem:s28+$0xD10];
	[tilespmem:s26+$0x13920] =	vst v5;
	v2 =	vmov v13  }
.Ltmp2:
0x157: {  	v5 =	vld [tilespmem:s28+$0xD20];
	[tilespmem:s26+$0x13930] =	vst v4;
	v0 =	vmov v11;
	s26 =	smov.u32 s28;
	(pc) =	sbr.rel @p0 .LBB2_3-.Ltmp2, $4  }
0x158: {  	v4 =	vld [tilespmem:s26+$0xD30]  }
0x159: {  	v10 =	vld [tilespmem:s26+$0x13900]  }
0x15a: {  	v9 =	vld [tilespmem:s26+$0x13910]  }
0x15b: {  	s19 =	sadd.s32 $0x100, s19;
	v8 =	vld [tilespmem:s26+$0x13920]  }
0x15c: {  	v11 =	vld [tilespmem:s26+$0x13930]  }
0x15d: {  	v12 =	vld [tilespmem:s26+$0x3F20]  }
0x15e: {  	v57 =	vld [tilespmem:s26+$0x3F30];
	v6 =	vadd.f32 v6, v10  }
0x15f: {  	v58 =	vld [tilespmem:s26+$0x7120];
	v7 =	vadd.f32 v7, v9  }
0x160: {  	v59 =	vld [tilespmem:s26+$0x7130];
	v3 =	vadd.f32 v3, v6;
	v5 =	vadd.f32 v5, v8  }
0x161: {  	v1 =	vadd.f32 v1, v7;
	v4 =	vadd.f32 v4, v11  }
0x162: {  	v2 =	vadd.f32 v2, v3;
	v60 =	vadd.f32 v12, v5  }
0x163: {  	p0 =	seq.s32 s22, $0x3F;
	v0 =	vadd.f32 v0, v1;
	v61 =	vadd.f32 v57, v4  }
.Ltmp3:
0x164: {  	s19 =	sadd.s32 s16, s1;
	[tilespmem:s26+$0x13900] =	vst v2;
	v62 =	vadd.f32 v58, v60;
	(pc) =	sbr.rel @!p0 .LBB2_5-.Ltmp3, $4  }
0x165: {  	s19 =	smul.u32 $0xC80, s19;
	[tilespmem:s26+$0x13910] =	vst v0;
	v63 =	vadd.f32 v59, v61  }
0x166: {  	[tilespmem:s26+$0x13920] =	vst v62  }
0x167: {  	s0 =	simm.s32 $0x13900;
	s29 =	simm.s32 $0x40;
	s19 =	sadd.s32 s15, s19;
	[tilespmem:s26+$0x13930] =	vst v63  }
0x168: {  	[hbm4b:s19+s29] =	stream.strided.scatter [tilespmem:s0], [sflag:$0x5], $0x3200, s23, s29, $0x38;
	[tilespmem:$0x19D00] =	vst v63  }
.Ltmp4:
0x169: {  	(pc) =	sbr.rel .LBB2_7-.Ltmp4, $4  }
0x16a: {  	_ = 	snop  }
0x16b: {  	_ =	swait.ge [sflag:s20], $0x3200  }
0x16c: {  	[sflag:s20] =	ssyncset.done $0x0  }
0x16d: {  	s0 =	simm.s32 $0x13900;
	[sflag:s20] =	ssyncadd.s32 $0xFFFFCE00  }
.LBB2_5:
0x16e: {  	s19 =	rddreg [dreg:$0x14]  }
0x16f: {  	s19 =	sadd.s32 s1, s19  }
0x170: {  	s19 =	smul.u32 $0x19, s19;
	_ =	sdelay $0x1  }
0x171: {  	s26 =	sadd.s32 s3, s19  }
0x172: {  	[tilespmem:s2], [sflag:$0x1] =	stream.linear.gather [hbm4b:s26+s2], $0xC8, $0x38;
	[tilespmem:$0x19D00] =	vst v63  }
0x173: {  	s28 =	simm.s32 $0xD0;
	s29 =	sadd.s32 s4, s19  }
0x174: {  	[tilespmem:s28], [sflag:$0x1] =	stream.linear.gather [hbm4b:s29+s2], $0xC8, $0x38;
	[tilespmem:$0x19D00] =	vst v63  }
0x175: {  	s0 =	sadd.s32 s5, s19;
	s29 =	simm.s32 $0x1A0  }
0x176: {  	[tilespmem:s29], [sflag:$0x1] =	stream.linear.gather [hbm4b:s0+s2], $0xC8, $0x38;
	[tilespmem:$0x19D00] =	vst v63  }
0x177: {  	s30 =	simm.s32 $0x270;
	s0 =	sadd.s32 s6, s19  }
0x178: {  	[tilespmem:s30], [sflag:$0x1] =	stream.linear.gather [hbm4b:s0+s2], $0xC8, $0x38;
	[tilespmem:$0x19D00] =	vst v63  }
0x179: {  	s31 =	simm.s32 $0x340;
	s0 =	sadd.s32 s8, s19  }
0x17a: {  	[tilespmem:s31], [sflag:$0x1] =	stream.linear.gather [hbm4b:s0+s2], $0xC8, $0x38;
	[tilespmem:$0x19D00] =	vst v63  }
0x17b: {  	s0 =	sadd.s32 s9, s19;
	s31 =	simm.s32 $0x410  }
0x17c: {  	[tilespmem:s31], [sflag:$0x1] =	stream.linear.gather [hbm4b:s0+s2], $0xC8, $0x38;
	[tilespmem:$0x19D00] =	vst v63  }
0x17d: {  	s0 =	sadd.s32 s10, s19;
	s31 =	simm.s32 $0x4E0  }
0x17e: {  	[tilespmem:s31], [sflag:$0x1] =	stream.linear.gather [hbm4b:s0+s2], $0xC8, $0x38;
	[tilespmem:$0x19D00] =	vst v63  }
0x17f: {  	s19 =	sadd.s32 s11, s19;
	s0 =	simm.s32 $0x5B0  }
0x180: {  	[tilespmem:s0], [sflag:$0x1] =	stream.linear.gather [hbm4b:s19+s2], $0xC8, $0x38;
	[tilespmem:$0x19D00] =	vst v63  }
0x181: {  	_ =	swait.ge [sflag:s20], $0x3200  }
0x182: {  	[sflag:s20] =	ssyncset.done $0x0  }
0x183: {  	[sflag:s20] =	ssyncadd.s32 $0xFFFFCE00  }
0x184: {  	_ =	swait.ge [sflag:s24], $0xC8  }
0x185: {  	[sflag:s24] =	ssyncset.done $0x0  }
0x186: {  	[sflag:s24] =	ssyncadd.s32 $0xFFFFFF38  }
0x187: {  	_ =	swait.ge [sflag:s24], $0xC8  }
0x188: {  	[sflag:s24] =	ssyncset.done $0x0  }
0x189: {  	[sflag:s24] =	ssyncadd.s32 $0xFFFFFF38  }
0x18a: {  	_ =	swait.ge [sflag:s24], $0xC8  }
0x18b: {  	[sflag:s24] =	ssyncset.done $0x0  }
0x18c: {  	[sflag:s24] =	ssyncadd.s32 $0xFFFFFF38  }
0x18d: {  	_ =	swait.ge [sflag:s24], $0xC8  }
0x18e: {  	[sflag:s24] =	ssyncset.done $0x0  }
0x18f: {  	[sflag:s24] =	ssyncadd.s32 $0xFFFFFF38  }
0x190: {  	_ =	swait.ge [sflag:s24], $0xC8  }
0x191: {  	[sflag:s24] =	ssyncset.done $0x0  }
0x192: {  	[sflag:s24] =	ssyncadd.s32 $0xFFFFFF38  }
0x193: {  	_ =	swait.ge [sflag:s24], $0xC8  }
0x194: {  	[sflag:s24] =	ssyncset.done $0x0  }
0x195: {  	[sflag:s24] =	ssyncadd.s32 $0xFFFFFF38  }
0x196: {  	_ =	swait.ge [sflag:s24], $0xC8  }
0x197: {  	[sflag:s24] =	ssyncset.done $0x0  }
0x198: {  	[sflag:s24] =	ssyncadd.s32 $0xFFFFFF38  }
0x199: {  	_ =	swait.ge [sflag:s24], $0xC8  }
0x19a: {  	[sflag:s24] =	ssyncset.done $0x0  }
0x19b: {  	[sflag:s24] =	ssyncadd.s32 $0xFFFFFF38  }
0x19c: {  	v0 =	vld [tilespmem:$0x1A0]  }
0x19d: {  	v1 =	vld [tilespmem:$0x270]  }
0x19e: {  	v2 =	vld [tilespmem:$0x340]  }
0x19f: {  	v3 =	vld [tilespmem:$0x410]  }
0x1a0: {  	v4 =	vld [tilespmem:$0x4E0]  }
0x1a1: {  	v5 =	vld [tilespmem:$0x5B0]  }
0x1a2: {  	v6 =	vld [tilespmem:$0x1B0]  }
0x1a3: {  	v7 =	vld [tilespmem:$0x280]  }
0x1a4: {  	v8 =	vld [tilespmem:$0x350]  }
0x1a5: {  	v9 =	vld [tilespmem:$0x420]  }
0x1a6: {  	v10 =	vld [tilespmem:$0x4F0]  }
0x1a7: {  	v11 =	vld [tilespmem:$0x5C0]  }
0x1a8: {  	v12 =	vld [tilespmem:$0x1C0]  }
0x1a9: {  	v13 =	vld [tilespmem:$0x290]  }
0x1aa: {  	v14 =	vld [tilespmem:$0x360]  }
0x1ab: {  	v15 =	vld [tilespmem:$0x430]  }
0x1ac: {  	v16 =	vld [tilespmem:$0x500]  }
0x1ad: {  	v17 =	vld [tilespmem:$0x5D0]  }
0x1ae: {  	v18 =	vld [tilespmem:$0x1D0]  }
0x1af: {  	v19 =	vld [tilespmem:$0x2A0]  }
0x1b0: {  	v20 =	vld [tilespmem:$0x370]  }
0x1b1: {  	v21 =	vld [tilespmem:$0x440]  }
0x1b2: {  	v22 =	vld [tilespmem:$0x510]  }
0x1b3: {  	v23 =	vld [tilespmem:$0x5E0]  }
0x1b4: {  	v24 =	vld [tilespmem:$0x1E0]  }
0x1b5: {  	v25 =	vld [tilespmem:$0x2B0]  }
0x1b6: {  	v26 =	vld [tilespmem:$0x380]  }
0x1b7: {  	v27 =	vld [tilespmem:$0x450]  }
0x1b8: {  	v28 =	vld [tilespmem:$0x520]  }
0x1b9: {  	v29 =	vld [tilespmem:$0x5F0]  }
0x1ba: {  	v30 =	vld [tilespmem:$0x1F0]  }
0x1bb: {  	v31 =	vld [tilespmem:$0x2C0]  }
0x1bc: {  	v32 =	vld [tilespmem:$0x390]  }
0x1bd: {  	v33 =	vld [tilespmem:$0x460]  }
0x1be: {  	v34 =	vld [tilespmem:$0x530]  }
0x1bf: {  	v35 =	vld [tilespmem:$0x600]  }
0x1c0: {  	v36 =	vld [tilespmem:$0x200]  }
0x1c1: {  	v37 =	vld [tilespmem:$0x2D0]  }
0x1c2: {  	v38 =	vld [tilespmem:$0x3A0]  }
0x1c3: {  	v44 =	vld [tilespmem:$0x470]  }
0x1c4: {  	v45 =	vld [tilespmem:$0x540];
	v3 =	vshll.u32 v3, $0x8;
	v4 =	vshll.u32 v4, $0x5;
	v0 =	vshll.u32 v0, $0x1  }
0x1c5: {  	v39 =	vld [tilespmem:$0x610];
	v46 =	vshll.u32 v9, $0x8;
	v47 =	vshll.u32 v10, $0x5;
	v1 =	vshll.u32 v1, $0x8  }
0x1c6: {  	v50 =	vld [tilespmem:$0x480];
	v2 =	vshll.u32 v2, $0x1;
	v48 =	vshll.u32 v15, $0x8;
	v49 =	vshll.u32 v16, $0x5  }
0x1c7: {  	v53 =	vld [tilespmem:$0x550];
	v6 =	vshll.u32 v6, $0x1;
	v7 =	vshll.u32 v7, $0x8;
	v8 =	vshll.u32 v8, $0x1  }
0x1c8: {  	v41 =	vld [tilespmem:$0x570];
	v12 =	vshll.u32 v12, $0x1;
	v55 =	vshll.u32 v21, $0x8;
	v56 =	vshll.u32 v22, $0x5  }
0x1c9: {  	v54 =	vld [tilespmem:$0x620];
	v13 =	vshll.u32 v13, $0x8;
	v14 =	vshll.u32 v14, $0x1;
	v58 =	vshll.u32 v18, $0x1  }
0x1ca: {  	v59 =	vld [tilespmem:$0x490];
	v60 =	vshll.u32 v27, $0x8;
	v61 =	vshll.u32 v28, $0x5;
	v19 =	vshll.u32 v19, $0x8  }
0x1cb: {  	v62 =	vld [tilespmem:$0x560];
	v20 =	vshll.u32 v20, $0x1;
	v33 =	vshll.u32 v33, $0x8;
	v34 =	vshll.u32 v34, $0x5  }
0x1cc: {  	v63 =	vld [tilespmem:$0x630];
	v24 =	vshll.u32 v24, $0x1;
	v25 =	vshll.u32 v25, $0x8;
	v26 =	vshll.u32 v26, $0x1  }
0x1cd: {  	v40 =	vld [tilespmem:$0x4A0];
	v30 =	vshll.u32 v30, $0x1;
	v21 =	vshll.u32 v41, $0x5;
	v3 =	vadd.s32 v3, v4  }
0x1ce: {  	v43 =	vld [tilespmem:$0x640];
	v1 =	vadd.s32 v1, v2;
	v7 =	vadd.s32 v7, v8;
	v57 =	vadd.s32 v55, v56  }
0x1cf: {  	v10 =	vld [tilespmem:$0x210];
	v13 =	vadd.s32 v13, v14;
	v14 =	vadd.s32 v60, v61;
	v27 =	vadd.s32 v33, v34  }
0x1d0: {  	v9 =	vld [tilespmem:$0x2E0];
	v19 =	vadd.s32 v19, v20;
	v4 =	vshll.u32 v44, $0x8;
	v42 =	vadd.s32 v25, v26  }
0x1d1: {  	v16 =	vld [tilespmem:$0x3B0];
	v44 =	vshll.u32 v31, $0x8;
	v3 =	vadd.s32 v5, v3;
	v8 =	vadd.s32 v23, v57  }
0x1d2: {  	v22 =	vld [tilespmem:$0x220];
	v14 =	vadd.s32 v29, v14;
	v35 =	vadd.s32 v35, v27;
	v5 =	vshll.u32 v45, $0x5  }
0x1d3: {  	v28 =	vld [tilespmem:$0x300];
	v45 =	vshll.u32 v32, $0x1;
	v3 =	vshll.u32 v3, $0x6;
	v8 =	vshll.u32 v8, $0x6  }
0x1d4: {  	v41 =	vld [tilespmem:$0x5A0];
	v14 =	vshll.u32 v14, $0x6;
	v20 =	vshll.u32 v35, $0x6;
	v4 =	vadd.s32 v4, v5  }
0x1d5: {  	v26 =	vld [tilespmem:$0x240];
	[tilespmem:$0x270] =	vst v1;
	v1 =	vadd.s32 v44, v45;
	v0 =	vadd.s32 v0, v3;
	v3 =	vadd.s32 v46, v47  }
0x1d6: {  	v25 =	vld [tilespmem:$0x310];
	v8 =	vadd.s32 v58, v8;
	v14 =	vadd.s32 v24, v14;
	v20 =	vadd.s32 v30, v20  }
0x1d7: {  	v61 =	vld [tilespmem:$0x320];
	v4 =	vadd.s32 v39, v4;
	v47 =	vshll.u32 v36, $0x1;
	v3 =	vadd.s32 v11, v3  }
0x1d8: {  	v29 =	vld [tilespmem:$0x230];
	[tilespmem:$0x280] =	vst v7;
	v11 =	vadd.s32 v48, v49;
	v46 =	vshll.u32 v4, $0x6;
	v48 =	vshll.u32 v50, $0x8  }
0x1d9: {  	v7 =	vld [tilespmem:$0x3E0];
	[tilespmem:$0x290] =	vst v13;
	v49 =	vshll.u32 v37, $0x8;
	v50 =	vshll.u32 v38, $0x1;
	v55 =	vshll.u32 v10, $0x1  }
0x1da: {  	[tilespmem:$0x2A0] =	vst v19;
	v27 =	vld [tilespmem:$0x590];
	v9 =	vshll.u32 v9, $0x8;
	v60 =	vshll.u32 v16, $0x1;
	v39 =	vshll.u32 v28, $0x8  }
0x1db: {  	[tilespmem:$0x2B0] =	vst v42;
	v32 =	vld [tilespmem:$0x3F0];
	v3 =	vshll.u32 v3, $0x6;
	v52 =	vadd.s32 v17, v11;
	v2 =	vadd.s32 v47, v46  }
0x1dc: {  	v24 =	vld [tilespmem:$0x3D0];
	[tilespmem:$0x2C0] =	vst v1;
	v9 =	vadd.s32 v9, v60;
	v46 =	vshll.u32 v26, $0x1;
	v51 =	vadd.s32 v6, v3  }
0x1dd: {  	[tilespmem:$0x1A0] =	vst v0;
	v38 =	vld [tilespmem:$0x4D0];
	v3 =	vshll.u32 v52, $0x6;
	v6 =	vshll.u32 v53, $0x5;
	v52 =	vshll.u32 v59, $0x8  }
0x1de: {  	[tilespmem:$0x1D0] =	vst v8;
	v17 =	vld [tilespmem:$0x3C0];
	v53 =	vshll.u32 v62, $0x5;
	v62 =	vshll.u32 v22, $0x1;
	v34 =	vshll.u32 v29, $0x1  }
0x1df: {  	[tilespmem:$0x1E0] =	vst v14;
	v59 =	vld [tilespmem:$0x250];
	v7 =	vshll.u32 v7, $0x1;
	v3 =	vadd.s32 v12, v3;
	v4 =	vadd.s32 v48, v6  }
0x1e0: {  	v22 =	vld [tilespmem:$0x4C0];
	v56 =	vadd.s32 v52, v53;
	[tilespmem:$0x1C0] =	vst v3;
	v4 =	vadd.s32 v54, v4;
	v3 =	vadd.s32 v49, v50  }
0x1e1: {  	[tilespmem:$0x1F0] =	vst v20;
	v12 =	vld [tilespmem:$0x2F0];
	v58 =	vadd.s32 v63, v56;
	v63 =	vshll.u32 v40, $0x8;
	v40 =	vshll.u32 v24, $0x1  }
0x1e2: {  	[tilespmem:$0x1B0] =	vst v51;
	v51 =	vld [tilespmem:$0x4B0];
	v4 =	vshll.u32 v4, $0x6;
	v8 =	vshll.u32 v58, $0x6;
	v23 =	vadd.s32 v63, v21  }
0x1e3: {  	[tilespmem:$0x200] =	vst v2;
	v54 =	vld [tilespmem:$0x580];
	v48 =	vadd.s32 v39, v40;
	v6 =	vshll.u32 v38, $0x8;
	v58 =	vshll.u32 v32, $0x1  }
0x1e4: {  	v57 =	vld [tilespmem:$0x650];
	[tilespmem:$0x2E0] =	vst v9;
	v4 =	vadd.s32 v55, v4;
	v0 =	vadd.s32 v62, v8;
	v5 =	vadd.s32 v43, v23  }
0x1e5: {  	v52 =	vld [tilespmem:$0x400];
	[tilespmem:$0x2D0] =	vst v3;
	v31 =	vshll.u32 v17, $0x1;
	v43 =	vshll.u32 v27, $0x5;
	v33 =	vshll.u32 v5, $0x6  }
0x1e6: {  	v50 =	vld [tilespmem:$0x330];
	[tilespmem:$0x300] =	vst v48;
	v42 =	vshll.u32 v22, $0x8;
	v53 =	vshll.u32 v59, $0x1;
	v5 =	vshll.u32 v41, $0x5  }
0x1e7: {  	v35 =	vld [tilespmem:$0x660];
	[tilespmem:$0x210] =	vst v4;
	v30 =	vshll.u32 v12, $0x8;
	v2 =	vadd.s32 v34, v33;
	v36 =	vshll.u32 v51, $0x8  }
0x1e8: {  	v47 =	vld [tilespmem:$0x670];
	[tilespmem:$0x220] =	vst v0;
	v9 =	vadd.s32 v42, v43;
	v51 =	vshll.u32 v25, $0x8;
	v37 =	vshll.u32 v54, $0x5  }
0x1e9: {  	v44 =	vld [tilespmem:$0x260];
	v55 =	vadd.s32 v6, v5;
	v1 =	vadd.s32 v30, v31;
	[tilespmem:$0x230] =	vst v2;
	v3 =	vadd.s32 v36, v37  }
0x1ea: {  	v54 =	vadd.s32 v51, v7;
	[tilespmem:$0x2F0] =	vst v1;
	v3 =	vadd.s32 v57, v3;
	v57 =	vshll.u32 v61, $0x8  }
0x1eb: {  	v62 =	vshll.u32 v52, $0x1;
	[tilespmem:$0x310] =	vst v54;
	v61 =	vshll.u32 v50, $0x8;
	v59 =	vadd.s32 v57, v58  }
0x1ec: {  	v49 =	vadd.s32 v35, v9;
	v45 =	vshll.u32 v3, $0x6;
	v63 =	vadd.s32 v61, v62;
	[tilespmem:$0x320] =	vst v59  }
0x1ed: {  	v56 =	vadd.s32 v47, v55;
	v3 =	vshll.u32 v49, $0x6;
	v0 =	vadd.s32 v46, v45;
	[tilespmem:$0x330] =	vst v63  }
0x1ee: {  	v60 =	vshll.u32 v44, $0x1;
	v1 =	vadd.s32 v53, v3;
	[tilespmem:$0x240] =	vst v0;
	v0 =	vshll.u32 v56, $0x6  }
0x1ef: {  	[tilespmem:$0x250] =	vst v1;
	v0 =	vadd.s32 v60, v0  }
0x1f0: {  	s17 =	simm.s32 $0x13900;
	[tilespmem:$0x260] =	vst v0  }
0x1f1: {  	[tilespmem:s17], [sflag:$0x3] =	stream.indirect.gather [hbm4b:s12+s25], $0x40, s2, s25, $0xb8;
	[tilespmem:$0x19D00] =	vst v63  }
0x1f2: {  	s19 =	simm.s32 $0xD00  }
0x1f3: {  	[tilespmem:s19], [sflag:$0x3] =	stream.indirect.gather [hbm4b:s13+s25], $0x40, s28, s25, $0xb8;
	[tilespmem:$0x19D00] =	vst v63  }
0x1f4: {  	s26 =	rddreg [dreg:$0x1];
	s28 =	simm.s32 $0x3F00  }
0x1f5: {  	[tilespmem:s28], [sflag:$0x3] =	stream.indirect.gather [hbm4b:s26+s25], $0x40, s29, s25, $0xb8;
	[tilespmem:$0x19D00] =	vst v63  }
0x1f6: {  	s31 =	simm.s32 $0x750;
	s29 =	simm.s32 $0x7100  }
0x1f7: {  	[tilespmem:s29], [sflag:$0x3] =	stream.indirect.gather [hbm4b:s14+s25], $0x40, s30, s25, $0xb8;
	[tilespmem:$0x19D00] =	vst v63  }
0x1f8: {  	s0 =	simm.s32 $0x13900;
	s17 =	simm.s32 $0x16B00;
	s30 =	simm.s32 $0x680  }
.LBB2_7:
0x1f9: {  	_ =	swait.ge [sflag:s21], $0x3200  }
0x1fa: {  	[sflag:s21] =	ssyncset.done $0x0  }
0x1fb: {  	[sflag:s21] =	ssyncadd.s32 $0xFFFFCE00  }
0x1fc: {  	_ =	swait.ge [sflag:s21], $0x3200  }
0x1fd: {  	[sflag:s21] =	ssyncset.done $0x0  }
0x1fe: {  	[sflag:s21] =	ssyncadd.s32 $0xFFFFCE00  }
0x1ff: {  	_ =	swait.ge [sflag:s21], $0x3200  }
0x200: {  	[sflag:s21] =	ssyncset.done $0x0  }
0x201: {  	[sflag:s21] =	ssyncadd.s32 $0xFFFFCE00  }
0x202: {  	_ =	swait.ge [sflag:s21], $0x3200  }
0x203: {  	[sflag:s21] =	ssyncset.done $0x0  }
0x204: {  	s26 =	simm.s32 $0x0;
	[sflag:s21] =	ssyncadd.s32 $0xFFFFCE00  }
0x205: {  	v2 =	vld [tilespmem:s26+$0x10700]  }
0x206: {  	v0 =	vld [tilespmem:s26+$0x10710]  }
0x207: {  	v3 =	vld [tilespmem:s26+$0xD500]  }
0x208: {  	v1 =	vld [tilespmem:s26+$0xD510]  }
0x209: {  	v6 =	vld [tilespmem:s26+$0xA300]  }
0x20a: {  	v7 =	vld [tilespmem:s26+$0xA310]  }
0x20b: {  	v5 =	vld [tilespmem:s26+$0xA320]  }
0x20c: {  	v4 =	vld [tilespmem:s26+$0xA330]  }
0x20d: {  	v10 =	vld [tilespmem:s26+$0x16B00]  }
0x20e: {  	v9 =	vld [tilespmem:s26+$0x16B10]  }
0x20f: {  	s19 =	sor.u32 $0x1, s1;
	s28 =	simm.s32 $0x100;
	v8 =	vld [tilespmem:s26+$0x16B20]  }
.LBB2_8:
0x210: {  	p1 =	sne.s32 s28, $0xC700;
	v11 =	vld [tilespmem:s26+$0x16B30]  }
0x211: {  	v12 =	vld [tilespmem:s26+$0xD520]  }
0x212: {  	v6 =	vadd.f32 v6, v10;
	v10 =	vld [tilespmem:s26+$0xD530]  }
0x213: {  	v7 =	vadd.f32 v7, v9;
	v9 =	vld [tilespmem:s26+$0x10720]  }
0x214: {  	s29 =	sshra.s32 s28, $0x2;
	v3 =	vadd.f32 v3, v6;
	v5 =	vadd.f32 v5, v8;
	v8 =	vld [tilespmem:s26+$0x10730]  }
0x215: {  	v13 =	vld [tilespmem:s29+$0x10700];
	v1 =	vadd.f32 v1, v7;
	v4 =	vadd.f32 v4, v11  }
0x216: {  	v11 =	vld [tilespmem:s29+$0x10710];
	v2 =	vadd.f32 v2, v3;
	v5 =	vadd.f32 v12, v5  }
0x217: {  	v3 =	vld [tilespmem:s29+$0xD500];
	v0 =	vadd.f32 v0, v1;
	v4 =	vadd.f32 v10, v4  }
0x218: {  	v1 =	vld [tilespmem:s29+$0xD510];
	[tilespmem:s26+$0x16B00] =	vst v2;
	v5 =	vadd.f32 v9, v5  }
0x219: {  	v6 =	vld [tilespmem:s29+$0xA300];
	[tilespmem:s26+$0x16B10] =	vst v0;
	v4 =	vadd.f32 v8, v4  }
0x21a: {  	v7 =	vld [tilespmem:s29+$0xA310];
	[tilespmem:s26+$0x16B20] =	vst v5;
	v2 =	vmov v13  }
.Ltmp5:
0x21b: {  	v5 =	vld [tilespmem:s29+$0xA320];
	[tilespmem:s26+$0x16B30] =	vst v4;
	v0 =	vmov v11;
	s26 =	smov.u32 s29;
	(pc) =	sbr.rel @p1 .LBB2_8-.Ltmp5, $4  }
0x21c: {  	v4 =	vld [tilespmem:s26+$0xA330]  }
0x21d: {  	v10 =	vld [tilespmem:s26+$0x16B00]  }
0x21e: {  	v9 =	vld [tilespmem:s26+$0x16B10]  }
0x21f: {  	s28 =	sadd.s32 $0x100, s28;
	v8 =	vld [tilespmem:s26+$0x16B20]  }
0x220: {  	v11 =	vld [tilespmem:s26+$0x16B30]  }
0x221: {  	v12 =	vld [tilespmem:s26+$0xD520]  }
0x222: {  	v57 =	vld [tilespmem:s26+$0xD530];
	v6 =	vadd.f32 v6, v10  }
0x223: {  	v58 =	vld [tilespmem:s26+$0x10720];
	v7 =	vadd.f32 v7, v9  }
0x224: {  	v59 =	vld [tilespmem:s26+$0x10730];
	v3 =	vadd.f32 v3, v6;
	v5 =	vadd.f32 v5, v8  }
0x225: {  	v1 =	vadd.f32 v1, v7;
	v4 =	vadd.f32 v4, v11  }
0x226: {  	v2 =	vadd.f32 v2, v3;
	v60 =	vadd.f32 v12, v5  }
0x227: {  	v0 =	vadd.f32 v0, v1;
	v61 =	vadd.f32 v57, v4  }
.Ltmp6:
0x228: {  	s19 =	sadd.s32 s16, s19;
	[tilespmem:s26+$0x16B00] =	vst v2;
	v62 =	vadd.f32 v58, v60;
	(pc) =	sbr.rel @p0 .LBB2_11-.Ltmp6, $4  }
0x229: {  	s19 =	smul.u32 $0xC80, s19;
	[tilespmem:s26+$0x16B10] =	vst v0;
	v63 =	vadd.f32 v59, v61  }
0x22a: {  	[tilespmem:s26+$0x16B20] =	vst v62  }
0x22b: {  	s29 =	simm.s32 $0x40;
	s19 =	sadd.s32 s15, s19;
	[tilespmem:s26+$0x16B30] =	vst v63  }
0x22c: {  	[hbm4b:s19+s29] =	stream.strided.scatter [tilespmem:s17], [sflag:$0x6], $0x3200, s23, s29, $0x38;
	[tilespmem:$0x19D00] =	vst v63  }
0x22d: {  	s19 =	rddreg [dreg:$0x15]  }
0x22e: {  	s1 =	sadd.s32 s1, s19  }
0x22f: {  	s1 =	smul.u32 $0x19, s1;
	_ =	sdelay $0x1  }
0x230: {  	s0 =	sadd.s32 s3, s1  }
0x231: {  	[tilespmem:s30], [sflag:$0x2] =	stream.linear.gather [hbm4b:s0+s2], $0xC8, $0x38;
	[tilespmem:$0x19D00] =	vst v63  }
0x232: {  	s26 =	sadd.s32 s4, s1  }
0x233: {  	[tilespmem:s31], [sflag:$0x2] =	stream.linear.gather [hbm4b:s26+s2], $0xC8, $0x38;
	[tilespmem:$0x19D00] =	vst v63  }
0x234: {  	s29 =	simm.s32 $0x820;
	s0 =	sadd.s32 s5, s1  }
0x235: {  	[tilespmem:s29], [sflag:$0x2] =	stream.linear.gather [hbm4b:s0+s2], $0xC8, $0x38;
	[tilespmem:$0x19D00] =	vst v63  }
0x236: {  	s28 =	simm.s32 $0x8F0;
	s26 =	sadd.s32 s6, s1  }
0x237: {  	[tilespmem:s28], [sflag:$0x2] =	stream.linear.gather [hbm4b:s26+s2], $0xC8, $0x38;
	[tilespmem:$0x19D00] =	vst v63  }
0x238: {  	s0 =	sadd.s32 s8, s1;
	s26 =	simm.s32 $0x9C0  }
0x239: {  	[tilespmem:s26], [sflag:$0x2] =	stream.linear.gather [hbm4b:s0+s2], $0xC8, $0x38;
	[tilespmem:$0x19D00] =	vst v63  }
0x23a: {  	s26 =	sadd.s32 s9, s1;
	s0 =	simm.s32 $0xA90  }
0x23b: {  	[tilespmem:s0], [sflag:$0x2] =	stream.linear.gather [hbm4b:s26+s2], $0xC8, $0x38;
	[tilespmem:$0x19D00] =	vst v63  }
.Ltmp7:
0x23c: {  	_ = 	snop;
	(pc) =	sbr.rel .LBB2_2-.Ltmp7, $4  }
0x23d: {  	s26 =	sadd.s32 s10, s1;
	s0 =	simm.s32 $0xB60  }
0x23e: {  	[tilespmem:s0], [sflag:$0x2] =	stream.linear.gather [hbm4b:s26+s2], $0xC8, $0x38;
	[tilespmem:$0x19D00] =	vst v63  }
0x23f: {  	s22 =	sadd.s32 $0x1, s22;
	s1 =	sadd.s32 s11, s1;
	s26 =	simm.s32 $0xC30  }
0x240: {  	[tilespmem:s26], [sflag:$0x2] =	stream.linear.gather [hbm4b:s1+s2], $0xC8, $0x38;
	[tilespmem:$0x19D00] =	vst v63  }
.LBB2_12:
0x241: {  	_ =	sfence.sel $0x180000  }
0x242: {  	[bflag:$0x0] =	sbarrier.arrive $0xFFFF  }
0x243: {  	_ =	strace $0x90000047  }
0x244: {  	s0 =	stileid.u32;
	[bflag:$0x2] =	sbarrier.arrive $0xFFFF  }
0x245: {  	p0 =	sne.s32 s0, $0x0;
	s0 =	rddreg [dreg:$0x2]  }
0x246: {  	s0 =	sadd.s32 @!p0 $0x100000, s0  }
0x247: {  	[sflag:s0] =	ssyncadd.tile.s32 @!p0 $0x1;
	_ =	shalt  }
.Lfunc_end2:
_tile_overlayer_lowered:
.L_overlay_start_2:
0x248: {  	(tag) =	ssettag $0x2  }
0x249: {  	s0 =	rddreg [dreg:$0x0];
	s2 =	stileid.u32  }
0x24a: {  	s1 =	rddreg [dreg:$0x1];
	p0 =	sne.s32 s2, $0x0  }
0x24b: {  	s3 =	rddreg [dreg:$0x2];
	[bflag:$0x3] =	sbarrier.arrive $0xFFFF;
	s2 =	simm.s32 @!p0 $0x1C07  }
0x24c: {  	[timem:s3], [sflag:s2] =	dma.local @!p0 [hbm:s0], s1  }
0x24d: {  	s0 =	simm.s32 @!p0 $0x7  }
0x24e: {  	_ =	swait.ge @!p0 [sflag:s0], s1  }
0x24f: {  	s1 =	ssub.s32 @!p0 $0x0, s1;
	[sflag:s0] =	ssyncset.done @!p0 $0x0  }
0x250: {  	[sflag:s0] =	ssyncadd.s32 @!p0 s1  }
0x251: {  	[bflag:$0x3] =	sbarrier.arrive $0xFFFF  }
0x252: {  	_ =	shalt  }

// kernel: sparse-core-data-format-call.cloned.1.call-start
scs
called_computation_lowered:
.L_overlay_start_0:
0x0: {  	s2 =	sld [smem:$0x3FD9]  }
0x1: {  	s3 =	sld [smem:$0x3FFE];
	_ =	sdelay $0x1  }
0x2: {  	s1 =	srdreg.scid  }
0x3: {  	s0 =	sand.u32 $0x1, s1  }
0x4: {  	s18 =	sshll.u32 s0, $0xA;
	s2 =	sadd.s32 s3, s2  }
0x5: {  	s2 =	sadd.s32 s2, s18  }
0x6: {  	[smem:$0x3FB8] =	sst s2  }
0x7: {  	_ = 	snop  }
0x8: {  	s2 =	sld [smem:$0x3FD0];
	(tm) =	ssettm $0x1  }
0x9: {  	s19 =	sld [smem:$0x3FFB];
	_ =	sdelay $0x3  }
0xa: {  	_ =	strace s19  }
0xb: {  	s3 =	sld [smem:$0x3FFC];
	_ =	sdelay $0x3  }
0xc: {  	_ =	strace s3  }
0xd: {  	s3 =	sld [smem:$0x3FFD];
	_ =	sdelay $0x3  }
0xe: {  	_ =	strace s3  }
0xf: {  	_ =	strace $0x8FFFFFFF  }
0x10: {  	s20 =	sld [smem:$0x3FDB];
	_ =	sdelay $0x1  }
0x11: {  	s4 =	simm.s32 $_scs_section_size  }
0x12: {  	s5 =	simm.s32 $_size__tile_overlayer_lowered;
	s6 =	simm.s32 $_tile_overlayer_lowered  }
0x13: {  	s23 =	simm.s32 $0x1BFF;
	s22 =	sshll.u32 s6, $0x1;
	s3 =	sadd.s32 s4, s20  }
0x14: {  	s7 =	simm.s32 $0x0;
	s21 =	sshll.u32 s5, $0x1;
	s5 =	sadd.s32 s22, s3  }
0x15: {  	[timem:s7], [sflag:s23] =	dma.local [hbm:s5], s21  }
0x16: {  	_ =	swait.ge [sflag:s23], s21  }
0x17: {  	s4 =	ssub.s32 $0x0, s21;
	[sflag:s23] =	ssyncset.done $0x0  }
0x18: {  	[sflag:s23] =	ssyncadd.s32 s4;
	_ =	sdelay $0x1  }
0x19: {  	s24 =	simm.s32 $0x1B8B  }
0x1a: {  	_ =	swait.ge [sflag:s24], $0x1  }
0x1b: {  	[sflag:s24] =	ssyncset.done $0x0  }
0x1c: {  	s26 =	simm.s32 $0x1B8E;
	s25 =	sld [smem:$0x3FFE];
	[sflag:s24] =	ssyncadd.s32 $0xFFFFFFFF  }
0x1d: {  	s27 =	simm.s32 $execute0_lowered;
	[smem:$0x3FD2] =	sst s26  }
0x1e: {  	s5 =	sshll.u32 s27, $0x1;
	_ =	strace $0x80000049;
	[dreg:$0x1] =	wrdreg $0xFFFFFFFF  }
0x1f: {  	s28 =	simm.s32 $_size_execute0_lowered;
	s3 =	sadd.s32 s3, s5;
	[dreg:$0x0] =	wrdreg $0x0  }
0x20: {  	s5 =	sshll.u32 s28, $0x1;
	[dreg:$0x2] =	wrdreg s3  }
0x21: {  	[dreg:$0x3] =	wrdreg s5  }
0x22: {  	[dreg:$0x4] =	wrdreg $0xC0  }
0x23: {  	_ =	task [dreg:s7], $0x5FFFF  }
0x24: {  	[dreg:$0x1] =	wrdreg $0xFFFFFFFF  }
0x25: {  	[dreg:$0x0] =	wrdreg $0x60  }
0x26: {  	[dreg:$0x2] =	wrdreg s25  }
0x27: {  	[dreg:$0x3] =	wrdreg s2  }
0x28: {  	[dreg:$0x4] =	wrdreg $0x9  }
0x29: {  	_ =	task.clear_ibuf [dreg:s7], $0x5FFFF;
	_ =	strace $0x90000049  }
0x2a: {  	s29 =	simm.s32 $0x9;
	_ =	strace $0x8000004B  }
0x2b: {  	_ =	swait.ge [sflag:s29], $0x1  }
0x2c: {  	[sflag:s29] =	ssyncadd.s32 $0xFFFFFFFF  }
0x2d: {  	_ =	strace $0x9000004B  }
0x2e: {  	_ =	sfence  }
0x2f: {  	s30 =	sld [smem:$0x0];
	_ =	sdelay $0x2  }
0x30: {  	s31 =	sshll.u32 s1, $0xD;
	s1 =	sshrl.u32 s1, $0x2  }
0x31: {  	s3 =	sand.u32 $0x4000, s31;
	s1 =	sadd.s32 s1, s30  }
0x32: {  	s0 =	sor.u32 s3, s0;
	s1 =	sshll.u32 s1, $0x11  }
0x33: {  	s0 =	sor.u32 s1, s0  }
0x34: {  	s0 =	sadd.s32 $0x8F2B, s0  }
0x35: {  	[sflag:s0] =	ssyncadd.remote.s32 $0x1  }
0x36: {  	_ =	sfence.sel $0xFFFF  }
0x37: {  	[dreg:$0x0] =	wrdreg $0xFFFFFFFF;
	(pc) =	sbr.abs _section_cstart, $3  }
0x38: {  	[dreg:$0x1] =	wrdreg $0xFFFFFFFF  }
0x39: {  	_ =	task.clear_ibuf [dreg:s7], $0x2FFFF;
	_ =	strace $0x9FFFFFFF  }
0x3a: {  	(tm) =	ssettm $0x7FFFFFFF  }
0x3b: {  	_ =	shalt  }
tec
execute0_lowered:
.L_overlay_start_1:
0x0: {  	(tag) =	ssettag $0x1  }
0x1: {  	s0 =	srdreg.scid  }
0x2: {  	s1 =	sshll.u32 s0, $0x4  }
0x3: {  	s0 =	stileid.u32;
	s1 =	sand.u32 $0x10, s1  }
0x4: {  	s1 =	sor.u32 s0, s1  }
0x5: {  	s6 =	rddreg [dreg:$0x0];
	s4 =	simm.s32 $0x1;
	s2 =	sshll.u32 s1, $0x7  }
0x6: {  	s7 =	simm.s32 $0x2;
	s12 =	simm.s32 $0x0;
	s1 =	ssub.s32 $0x1000, s2  }
0x7: {  	s8 =	simm.s32 $0x8000;
	s13 =	simm.s32 $0x0;
	s3 =	sand.u32 $0xF80, s1  }
0x8: {  	s9 =	simm.s32 $0x0;
	s5 =	sshrl.u32 s1, $0xC;
	p0 =	sne.s32 s3, $0x0  }
.Ltmp0:
0x9: {  	s1 =	rddreg [dreg:$0x2];
	s4 =	simm.s32 @!p0 $0x0;
	(pc) =	sbr.rel .LBB1_1-.Ltmp0, $4  }
0xa: {  	s11 =	simm.s32 $0x0;
	s3 =	rddreg [dreg:$0x1];
	s5 =	sadd.s32 s4, s5  }
0xb: {  	_ =	strace $0x8000004A;
	s4 =	simm.s32 $0x1;
	s5 =	smul.u32 $0xC8, s5  }
0xc: {  	s6 =	sadd.s32 $0x10C200, s6;
	s10 =	smov.u32 s2;
	[sflag:s4] =	ssyncpa.u1 $0x0  }
0xd: {  	p0 =	por $0x0, $0x0;
	[sflag:s7] =	ssyncpa.u1 $0x0;
	s7 =	sor.u32 $0x1, s5  }
.LBB1_4:
0xe: {  	s16 =	sshll.u32 s13, $0x3;
	s17 =	sand.u32 $0x78, s13  }
0xf: {  	s30 =	sand.u32 $0x7E00, s13;
	s12 =	sshll.u32 s12, $0xF;
	s16 =	sand.u32 $0xC00, s16  }
0x10: {  	[tilespmem:s15+$0x810 ss:$0x81] =	vst.msk $0xffff, v2;
	s31 =	sand.u32 $0x7, s13;
	s16 =	sor.u32 s17, s16;
	s17 =	sadd.s32 s3, s30  }
0x11: {  	[tilespmem:s15+$0x1020 ss:$0x81] =	vst.msk $0xffff, v0;
	s13 =	sshll.u32 s31, $0x12;
	s12 =	sadd.s32 s12, s17;
	s16 =	sshrl.u32 s16, $0x3  }
0x12: {  	[tilespmem:s15+$0x0 ss:$0x81] =	vst.msk $0xffff, v1;
	s13 =	sor.u32 $0x400, s13;
	s12 =	sadd.s32 s16, s12  }
0x13: {  	[hbm4b:s12+s13] =	stream.strided.scatter [tilespmem:s14], [sflag:$0x2], $0x2000, s8, s13, $0x20;
	[tilespmem:$0x8080] =	vst v63  }
.LBB1_5:
0x14: {  	s14 =	sadd.s32 $0x1, s9  }
0x15: {  	s12 =	sadd.s32 $0x1000, s10;
	s16 =	smov.u32 s10;
	p2 =	sgt.s32 s14, $0xC7  }
0x16: {  	s16 =	smov.u32 @p2 s12  }
0x17: {  	s14 =	simm.s32 @p2 $0x0;
	p2 =	sgt.s32 s16, $0xFFF  }
0x18: {  	s16 =	smov.u32 @p2 s2;
	p2 =	sne.s32 s11, s7  }
.Ltmp1:
0x19: {  	p1 =	slt.u32 s11, $0x2;
	(pc) =	sbr.rel @!p2 .LBB1_6-.Ltmp1, $4  }
0x1a: {  	s15 =	simm.s32 @!p1 $0x2  }
0x1b: {  	s13 =	smov.u32 s10;
	p0 =	por !p0, !p0;
	_ =	swait.ge @!p1 [sflag:s15], $0x2000  }
0x1c: {  	s12 =	smov.u32 s9;
	[sflag:s15] =	ssyncset.done @!p1 $0x0;
	s9 =	smov.u32 s14  }
0x1d: {  	s11 =	sadd.s32 $0x1, s11;
	[sflag:s15] =	ssyncadd.s32 @!p1 $0xFFFFE000;
	s10 =	smov.u32 s16  }
.LBB1_1:
0x1e: {  	p1 =	sge.u32 s11, s5  }
0x1f: {  	s14 =	sand.u32 @!p1 $0x1FFFFFF, s9  }
0x20: {  	s15 =	smulhi.u32 @!p1 $0x147AE15, s14;
	_ =	sdelay $0x1  }
0x21: {  	s15 =	smul.u32 @!p1 $0xC8, s15  }
0x22: {  	s16 =	sxor.u32 @!p1 $0xFFFFFFFF, s11;
	s17 =	smul.u32 @!p1 $0xC80, s10  }
0x23: {  	s31 =	sadd.s32 $0xFFFFFFFF, s11;
	s16 =	sshll.u32 @!p1 s16, $0xD;
	s14 =	ssub.s32 @!p1 s14, s15  }
0x24: {  	s15 =	sand.u32 @!p1 $0x2000, s16;
	s16 =	sadd.s32 @!p1 s6, s17;
	s14 =	sshll.u32 @!p1 s14, $0x4  }
0x25: {  	s17 =	simm.s32 @!p1 $0x6400;
	s14 =	sadd.s32 @!p1 s14, s16;
	s16 =	simm.s32 @!p1 $0x40  }
0x26: {  	[tilespmem:s15], [sflag:$0x1] =	stream.strided.gather @!p1 [hbm4b:s14+s16], $0x2000, s17, s16, $0x38;
	[tilespmem:$0x8080] =	vst v63  }
0x27: {  	p1 =	sge.u32 s31, s5  }
.Ltmp2:
0x28: {  	_ = 	snop;
	(pc) =	sbr.rel @p1 .LBB1_5-.Ltmp2, $1  }
0x29: {  	_ =	sdelay $0x3  }
0x2a: {  	s14 =	simm.s32 $0x1  }
0x2b: {  	_ =	swait.ge [sflag:s4], $0x2000;
	s14 =	simm.s32 @!p0 $0x0  }
0x2c: {  	[sflag:s4] =	ssyncset.done $0x0;
	s15 =	sshll.u32 s14, $0xD  }
0x2d: {  	[sflag:s4] =	ssyncadd.s32 $0xFFFFE000;
	s18 =	sor.u32 $0x20, s15  }
0x2e: {  	s14 =	smul.u32 $0x8100, s14;
	v3 =	vld [tilespmem:s18+$0x10]  }
0x2f: {  	s30 =	sand.u32 $0x1, s11;
	v2 =	vld [tilespmem:s18+$0xFFFFFFF0]  }
0x30: {  	s15 =	smul.u32 $0x8100, s30;
	s14 =	sshrl.u32 s14, $0x2;
	v0 =	vld [tilespmem:s18+$0x0]  }
0x31: {  	v1 =	vld [tilespmem:s18+$0xFFFFFFE0];
	s16 =	sor.u32 $0x4000, s14  }
0x32: {  	s31 =	sshrl.u32 s15, $0x2;
	s15 =	sadd.s32 $0x0, s16  }
0x33: {  	s17 =	simm.s32 $0x4;
	s18 =	sadd.s32 $0x40, s18;
	s14 =	sor.u32 $0x4000, s31;
	[tilespmem:s15+$0x1830 ss:$0x81] =	vst.msk $0xffff, v3  }
.LBB1_3:
0x34: {  	v3 =	vld [tilespmem:s18+$0x10];
	p1 =	sne.s32 s17, $0x1FC;
	[tilespmem:s15+$0x810 ss:$0x81] =	vst.msk $0xffff, v2;
	s19 =	smov.u32 s17;
	s17 =	sadd.s32 $0x4, s17  }
.Ltmp3:
0x35: {  	v2 =	vld [tilespmem:s18+$0xFFFFFFF0];
	[tilespmem:s15+$0x1020 ss:$0x81] =	vst.msk $0xffff, v0;
	(pc) =	sbr.rel @p1 .LBB1_3-.Ltmp3, $4  }
0x36: {  	v0 =	vld [tilespmem:s18+$0x0];
	[tilespmem:s15+$0x0 ss:$0x81] =	vst.msk $0xffff, v1  }
0x37: {  	s15 =	sshra.s32 s19, $0x2;
	v1 =	vld [tilespmem:s18+$0xFFFFFFE0]  }
0x38: {  	s15 =	sadd.s32 s15, s16  }
0x39: {  	s18 =	sadd.s32 $0x40, s18;
	[tilespmem:s15+$0x1830 ss:$0x81] =	vst.msk $0xffff, v3  }
.Ltmp4:
0x3a: {  	_ = 	snop;
	(pc) =	sbr.rel .LBB1_4-.Ltmp4, $1  }
0x3b: {  	_ =	sdelay $0x3  }
.LBB1_6:
0x3c: {  	_ =	sfence.sel $0x180000  }
0x3d: {  	s2 =	simm.s32 $0x1;
	[bflag:$0x0] =	sbarrier.arrive $0xFFFF  }
0x3e: {  	s31 =	simm.s32 $0x2;
	[sflag:s2] =	ssyncpa.u1 $0x1  }
0x3f: {  	[sflag:s31] =	ssyncpa.u1 $0x1  }
0x40: {  	p0 =	sne.s32 s0, $0x0;
	_ =	strace $0x9000004A  }
0x41: {  	s0 =	sadd.s32 @!p0 $0x100000, s1;
	[bflag:$0x2] =	sbarrier.arrive $0xFFFF  }
0x42: {  	[sflag:s0] =	ssyncadd.tile.s32 @!p0 $0x1;
	_ =	shalt  }
.Lfunc_end1:
_tile_overlayer_lowered:
.L_overlay_start_2:
0x43: {  	(tag) =	ssettag $0x2  }
0x44: {  	s0 =	rddreg [dreg:$0x0];
	s2 =	stileid.u32  }
0x45: {  	s1 =	rddreg [dreg:$0x1];
	p0 =	sne.s32 s2, $0x0  }
0x46: {  	s3 =	rddreg [dreg:$0x2];
	[bflag:$0x3] =	sbarrier.arrive $0xFFFF;
	s2 =	simm.s32 @!p0 $0x1C01  }
0x47: {  	[timem:s3], [sflag:s2] =	dma.local @!p0 [hbm:s0], s1  }
0x48: {  	s0 =	simm.s32 @!p0 $0x1  }
0x49: {  	_ =	swait.ge @!p0 [sflag:s0], s1  }
0x4a: {  	s1 =	ssub.s32 @!p0 $0x0, s1;
	[sflag:s0] =	ssyncset.done @!p0 $0x0  }
0x4b: {  	[sflag:s0] =	ssyncadd.s32 @!p0 s1  }
0x4c: {  	[bflag:$0x3] =	sbarrier.arrive $0xFFFF  }
0x4d: {  	_ =	shalt  }

</sc_bundles>
